<compile_context>
chip_gen: v7x
topology: tpu7x:2x2x1
jax: 0.10.2.dev20260603
libtpu: 0.0.44.dev20260713+nightly
codegen_flags: <defaults>
</compile_context>

<pallas_src>
import jax
import jax.numpy as jnp
from jax import lax
from jax.experimental import pallas as pl
from jax.experimental.pallas import tpu as pltpu
from jax.experimental.pallas import tpu_sc as plsc

HIDDEN = 128
N_NODE_FEAT = 128
N_EDGE_FEAT = 16
N_NODES = 10000
N_EDGES = 320000


_ROWS_BLK = 1000


def _p_table_body(x_ref, wc_ref, bc_ref, t_ref):
    t_ref[...] = (
        jnp.dot(x_ref[...], wc_ref[...], preferred_element_type=jnp.float32,
                precision=lax.Precision.HIGHEST)
        + bc_ref[...]
    )


def _p_table(emb, wc, bc):
    grid = (N_NODES // _ROWS_BLK,)
    return pl.pallas_call(
        _p_table_body,
        grid=grid,
        in_specs=[
            pl.BlockSpec((_ROWS_BLK, HIDDEN), lambda i: (i, 0)),
            pl.BlockSpec((HIDDEN, HIDDEN), lambda i: (0, 0)),
            pl.BlockSpec((1, HIDDEN), lambda i: (0, 0)),
        ],
        out_specs=pl.BlockSpec((_ROWS_BLK, HIDDEN), lambda i: (i, 0)),
        out_shape=jax.ShapeDtypeStruct((N_NODES, HIDDEN), jnp.float32),
    )(emb, wc, bc)



def _node_body(x_ref, w_ref, b_ref, o_ref):
    o_ref[...] = (
        jnp.dot(x_ref[...], w_ref[...], preferred_element_type=jnp.float32,
                precision=lax.Precision.HIGHEST)
        + b_ref[...]
    )


def _node_linear(emb, w, b):
    grid = (N_NODES // _ROWS_BLK,)
    return pl.pallas_call(
        _node_body,
        grid=grid,
        in_specs=[
            pl.BlockSpec((_ROWS_BLK, HIDDEN), lambda i: (i, 0)),
            pl.BlockSpec((HIDDEN, N_NODE_FEAT), lambda i: (0, 0)),
            pl.BlockSpec((1, N_NODE_FEAT), lambda i: (0, 0)),
        ],
        out_specs=pl.BlockSpec((_ROWS_BLK, N_NODE_FEAT), lambda i: (i, 0)),
        out_shape=jax.ShapeDtypeStruct((N_NODES, N_NODE_FEAT), jnp.float32),
    )(emb, w, b)



_NC = 2
_NS = 16
_NW = _NC * _NS
_BLK = 128
_NBLOCKS = N_EDGES // _BLK
_BPW = _NBLOCKS // _NW
_XTRA = _NBLOCKS - _BPW * _NW
_TILE_W = 8 * _BLK
_OUT_WORDS = N_EDGES * N_EDGE_FEAT
_HALF = _NBLOCKS * _TILE_W


def _edge_body(t_hbm, idx_hbm, out_hbm,
               slab_v, xtra_v,
               a0, a1, b0, b1, o0, o1, s0, s1,
               gs0, gs1, os0, os1):
    wid = lax.axis_index("s") * _NC + lax.axis_index("c")
    blk0 = wid * _BPW

    pltpu.sync_copy(idx_hbm.at[pl.ds(blk0, _BPW)], slab_v)

    cvec = lax.iota(jnp.int32, 16)

    @pl.loop(0, _BPW)
    def _(j):
        for r in range(2):
            for v in range(8):
                sl = pl.ds(v * 16, 16)
                slab_v[j, r, sl] = slab_v[j, r, sl] * 8 + r

    abufs = (a0, a1)
    bbufs = (b0, b1)
    obufs = (o0, o1)
    sbufs = (s0, s1)
    gsems = (gs0, gs1)
    osems = (os0, os1)

    def issue_gather(j, k):
        pltpu.async_copy(t_hbm.at[slab_v.at[j, 0]], abufs[k], gsems[k])
        pltpu.async_copy(t_hbm.at[slab_v.at[j, 1]], bbufs[k], gsems[k])

    def wait_gather(k):
        pltpu.make_async_copy(t_hbm.at[pl.ds(0, _BLK)], abufs[k],
                              gsems[k]).wait()
        pltpu.make_async_copy(t_hbm.at[pl.ds(0, _BLK)], bbufs[k],
                              gsems[k]).wait()

    iota17 = cvec * 17

    def compute(k):
        a_ref, b_ref, o_ref, s_ref = abufs[k], bbufs[k], obufs[k], sbufs[k]

        @pl.loop(0, _BLK, unroll=8)
        def _(i):
            s_ref[pl.ds(i * 17, 16)] = a_ref[i] + b_ref[i]

        @pl.loop(0, 8)
        def _(g):
            gidx = iota17 + g * (16 * 17)
            gout = g * 16
            for c in range(16):
                v = plsc.load_gather(s_ref, [gidx + c])
                dst = (c >> 3) * _TILE_W + (c & 7) * _BLK
                o_ref[pl.ds(gout + dst, 16)] = v

    def issue_out(j, k):
        b = blk0 + j
        o_ref = obufs[k]
        pltpu.async_copy(o_ref.at[pl.ds(0, _TILE_W)],
                         out_hbm.at[pl.ds(b * _TILE_W, _TILE_W)], osems[k])
        pltpu.async_copy(o_ref.at[pl.ds(_TILE_W, _TILE_W)],
                         out_hbm.at[pl.ds(_HALF + b * _TILE_W, _TILE_W)],
                         osems[k])

    def wait_out(k):
        pltpu.make_async_copy(obufs[k], out_hbm.at[pl.ds(0, 2 * _TILE_W)],
                              osems[k]).wait()

    issue_gather(0, 0)
    issue_gather(1, 1)

    for j in (0, 1):
        k = j % 2
        wait_gather(k)
        compute(k)
        issue_out(j, k)
        issue_gather(j + 2, k)

    @pl.loop(2, _BPW - 2, step=2)
    def _(c):
        for k in range(2):
            j = c + k
            wait_gather(k)
            wait_out(k)
            compute(k)
            issue_out(j, k)
            issue_gather(j + 2, k)

    for j in (_BPW - 2, _BPW - 1):
        k = j % 2
        wait_gather(k)
        wait_out(k)
        compute(k)
        issue_out(j, k)

    wait_out(0)
    wait_out(1)

    @pl.when(wid < _XTRA)
    def _():
        xb = _NW * _BPW + wid
        pltpu.sync_copy(idx_hbm.at[xb], xtra_v)
        for r in range(2):
            for v in range(8):
                sl = pl.ds(v * 16, 16)
                xtra_v[r, sl] = xtra_v[r, sl] * 8 + r
        pltpu.async_copy(t_hbm.at[xtra_v.at[0]], a0, gs0)
        pltpu.async_copy(t_hbm.at[xtra_v.at[1]], b0, gs0)
        wait_gather(0)
        compute(0)
        pltpu.async_copy(o0.at[pl.ds(0, _TILE_W)],
                         out_hbm.at[pl.ds(xb * _TILE_W, _TILE_W)], os0)
        pltpu.async_copy(o0.at[pl.ds(_TILE_W, _TILE_W)],
                         out_hbm.at[pl.ds(_HALF + xb * _TILE_W, _TILE_W)],
                         os0)
        wait_out(0)


def _edge_decode(t2, idx3):
    mesh = plsc.VectorSubcoreMesh(core_axis_name="c", subcore_axis_name="s")
    f32 = jnp.float32
    run = pl.kernel(
        _edge_body,
        out_type=jax.ShapeDtypeStruct((_OUT_WORDS,), f32),
        mesh=mesh,
        compiler_params=pltpu.CompilerParams(use_tc_tiling_on_sc=False,
                                             needs_layout_passes=False),
        scratch_types=[
            pltpu.VMEM((_BPW, 2, _BLK), jnp.int32),
            pltpu.VMEM((2, _BLK), jnp.int32),
            pltpu.VMEM((_BLK, N_EDGE_FEAT), f32),
            pltpu.VMEM((_BLK, N_EDGE_FEAT), f32),
            pltpu.VMEM((_BLK, N_EDGE_FEAT), f32),
            pltpu.VMEM((_BLK, N_EDGE_FEAT), f32),
            pltpu.VMEM((2 * _TILE_W,), f32),
            pltpu.VMEM((2 * _TILE_W,), f32),
            pltpu.VMEM((_BLK * 17,), f32),
            pltpu.VMEM((_BLK * 17,), f32),
            pltpu.SemaphoreType.DMA,
            pltpu.SemaphoreType.DMA,
            pltpu.SemaphoreType.DMA,
            pltpu.SemaphoreType.DMA,
        ],
    )
    return run(t2, idx3)



def kernel(embeddings, edge_index, node_w, node_b, edge_w, edge_b):
    pad = HIDDEN - 2 * N_EDGE_FEAT
    wc = jnp.concatenate(
        [edge_w[:, :HIDDEN].T, edge_w[:, HIDDEN:].T,
         jnp.zeros((HIDDEN, pad), jnp.float32)], axis=1)
    bc = jnp.pad(edge_b, (0, HIDDEN - N_EDGE_FEAT)).reshape(1, HIDDEN)

    t = _p_table(embeddings, wc, bc)
    t2 = t.reshape(8 * N_NODES, N_EDGE_FEAT)

    idx3 = (edge_index.astype(jnp.int32)
            .reshape(2, _NBLOCKS, _BLK)
            .transpose(1, 0, 2))

    out_flat = _edge_decode(t2, idx3)
    edge_hat = (out_flat
                .reshape(2, _NBLOCKS, 8, _BLK)
                .transpose(1, 3, 0, 2)
                .reshape(N_EDGES, N_EDGE_FEAT))

    node_hat = _node_linear(embeddings, node_w.T,
                            node_b.reshape(1, N_NODE_FEAT))
    return (node_hat, edge_hat)

# --- scband reference (transcript-rebuilt; emitter-appended) ---
"""Pipeline reference for scband-gnndecoder-63960652972725 (READ-ONLY COPY).

The authoritative reference and input builder live on the scoring server;
editing this copy changes nothing except your own understanding.
"""

import jax, jax.numpy as jnp
import numpy as np

HIDDEN = 128
N_NODE_FEAT = 128
N_EDGE_FEAT = 16
N_NODES = 10000
N_EDGES = 320000


def setup_inputs(seed: int = 0) -> dict:
    key = jax.random.key(seed)
    k1, k2, k3, k4, k5, k6 = jax.random.split(key, 6)
    embeddings = jax.random.normal(k1, (N_NODES, HIDDEN), dtype=jnp.float32)
    edge_index = jax.random.randint(k2, (2, N_EDGES), 0, N_NODES, dtype=jnp.int64)
    # nn.Linear(hidden_size, num_node_features): weight [out, in], bias [out]
    bound_n = 1.0 / np.sqrt(HIDDEN)
    node_w = jax.random.uniform(k3, (N_NODE_FEAT, HIDDEN), minval=-bound_n, maxval=bound_n, dtype=jnp.float32)
    node_b = jax.random.uniform(k4, (N_NODE_FEAT,), minval=-bound_n, maxval=bound_n, dtype=jnp.float32)
    # nn.Linear(hidden_size * 2, num_edge_features)
    bound_e = 1.0 / np.sqrt(2 * HIDDEN)
    edge_w = jax.random.uniform(k5, (N_EDGE_FEAT, 2 * HIDDEN), minval=-bound_e, maxval=bound_e, dtype=jnp.float32)
    edge_b = jax.random.uniform(k6, (N_EDGE_FEAT,), minval=-bound_e, maxval=bound_e, dtype=jnp.float32)
    return {
        "embeddings": embeddings,
        "edge_index": edge_index,
        "node_w": node_w,
        "node_b": node_b,
        "edge_w": edge_w,
        "edge_b": edge_b,
    }


def reference(embeddings, edge_index, node_w, node_b, edge_w, edge_b):
    src = edge_index[0]
    dst = edge_index[1]
    # gather node embeddings for each edge endpoint (SparseCore gather)
    edge_input = jnp.concatenate([jnp.take(embeddings, src, axis=0), jnp.take(embeddings, dst, axis=0)], axis=1)
    edge_hat = edge_input @ edge_w.T + edge_b
    node_hat = embeddings @ node_w.T + node_b
    return (node_hat, edge_hat)

if __name__ == "__main__":
    import jax
    _d = setup_inputs()
    print(jax.jit(kernel)(*tuple(_d.values())))

</pallas_src>

<mosaic_0001>
#map = affine_map<(d0, d1) -> (0, 0)>
#map1 = affine_map<(d0, d1) -> (0, 0, 0)>
#map2 = affine_map<(d0, d1) -> (0)>
module attributes {stable_mosaic.version = 14 : i64} {
  func.func @_edge_body(%arg0: i32, %arg1: i32, %arg2: memref<80000x16xf32, #tpu.memory_space<hbm>>, %arg3: memref<2500x2x128xi32, #tpu.memory_space<hbm>>, %arg4: memref<5120000xf32, #tpu.memory_space<hbm>>, %arg5: memref<78x2x128xi32, #tpu.memory_space<vmem>>, %arg6: memref<2x128xi32, #tpu.memory_space<vmem>>, %arg7: memref<128x16xf32, #tpu.memory_space<vmem>>, %arg8: memref<128x16xf32, #tpu.memory_space<vmem>>, %arg9: memref<128x16xf32, #tpu.memory_space<vmem>>, %arg10: memref<128x16xf32, #tpu.memory_space<vmem>>, %arg11: memref<2048xf32, #tpu.memory_space<vmem>>, %arg12: memref<2048xf32, #tpu.memory_space<vmem>>, %arg13: memref<2176xf32, #tpu.memory_space<vmem>>, %arg14: memref<2176xf32, #tpu.memory_space<vmem>>, %arg15: memref<!tpu.dma_semaphore, #tpu.memory_space<semaphore_mem>>, %arg16: memref<!tpu.dma_semaphore, #tpu.memory_space<semaphore_mem>>, %arg17: memref<!tpu.dma_semaphore, #tpu.memory_space<semaphore_mem>>, %arg18: memref<!tpu.dma_semaphore, #tpu.memory_space<semaphore_mem>>) attributes {dimension_semantics = [#tpu.dimension_semantics<core_parallel>, #tpu.dimension_semantics<subcore_parallel>], iteration_bounds = array<i64: 2, 16>, scalar_prefetch = 0 : i64, scratch_operands = 14 : i64, tpu.core_type = #tpu.core_type<sc_vector_subcore>, window_params = [{transform_indices = #map}, {transform_indices = #map1}, {transform_indices = #map2}]} {
    %mul3A = arith.constant 2 : i32
    %mul3A_0 = arith.muli %arg1, %mul3A : i32
    %add3A = arith.addi %mul3A_0, %arg0 : i32
    %mul3A_1 = arith.constant 78 : i32
    %mul3A_2 = arith.muli %add3A, %mul3A_1 : i32
    "tpu.region"() ({
      %run_scoped3A = tpu.sem_alloc : memref<!tpu.dma_semaphore, #tpu.memory_space<semaphore_mem>>
      %dma_start3A_263 = arith.constant 0 : i32
      %dma_start3A_264 = arith.constant 0 : i32
      %dma_start3A_265 = tpu.memref_slice %arg3[%mul3A_2, %dma_start3A_263, %dma_start3A_264] : memref<2500x2x128xi32, #tpu.memory_space<hbm>> -> memref<78x2x128xi32, #tpu.memory_space<hbm>>
      %dma_start3A_266 = arith.constant 0 : i32
      %dma_start3A_267 = arith.constant 0 : i32
      %dma_start3A_268 = tpu.memref_slice %arg3[%mul3A_2, %dma_start3A_266, %dma_start3A_267] : memref<2500x2x128xi32, #tpu.memory_space<hbm>> -> memref<78x2x128xi32, #tpu.memory_space<hbm>>
      tpu.enqueue_dma source(%dma_start3A_268 : memref<78x2x128xi32, #tpu.memory_space<hbm>>) target(%arg5 : memref<78x2x128xi32, #tpu.memory_space<vmem>>) target_semaphore(%run_scoped3A : memref<!tpu.dma_semaphore, #tpu.memory_space<semaphore_mem>>)
      %dma_wait3A_269 = arith.constant 0 : i32
      %dma_wait3A_270 = arith.constant 0 : i32
      %dma_wait3A_271 = tpu.memref_slice %arg3[%mul3A_2, %dma_wait3A_269, %dma_wait3A_270] : memref<2500x2x128xi32, #tpu.memory_space<hbm>> -> memref<78x2x128xi32, #tpu.memory_space<hbm>>
      %dma_wait3A_272 = arith.constant 0 : i32
      %dma_wait3A_273 = arith.constant 0 : i32
      %dma_wait3A_274 = tpu.memref_slice %arg3[%mul3A_2, %dma_wait3A_272, %dma_wait3A_273] : memref<2500x2x128xi32, #tpu.memory_space<hbm>> -> memref<78x2x128xi32, #tpu.memory_space<hbm>>
      tpu.wait_dma2 semaphore(%run_scoped3A : memref<!tpu.dma_semaphore, #tpu.memory_space<semaphore_mem>>) src(%dma_wait3A_274 : memref<78x2x128xi32, #tpu.memory_space<hbm>>) dst(%arg5 : memref<78x2x128xi32, #tpu.memory_space<vmem>>)
      tpu.yield
    }) : () -> ()
    %iota3A = tpu.iota {dimensions = array<i32: 0>} : vector<16xi32>
    %scan3A = arith.constant 0 : i32
    %scan3A_3 = arith.constant 78 : i32
    %scan3A_4 = arith.addi %scan3A, %scan3A_3 : i32
    %scan3A_5 = arith.constant 1 : i32
    scf.for %scan3A_263 = %scan3A to %scan3A_4 step %scan3A_5  : i32 {
      %mul3A_264 = arith.constant 1 : i32
      %mul3A_265 = arith.muli %scan3A_263, %mul3A_264 : i32
      %add3A_266 = arith.constant 0 : i32
      %add3A_267 = arith.addi %add3A_266, %mul3A_265 : i32
      %get3A = arith.constant 0 : i32
      %get3A_268 = arith.index_cast %add3A_267 : i32 to index
      %get3A_269 = arith.index_cast %get3A : i32 to index
      %get3A_270 = arith.constant 0 : index
      %get3A_271 = tpu.vector_load %arg5[%get3A_268, %get3A_269, %get3A_270] {strides = array<i32>} : memref<78x2x128xi32, #tpu.memory_space<vmem>>, vector<16xi32>,
      %mul3A_272 = arith.constant 8 : i32
      %mul3A_273 = vector.broadcast %mul3A_272 : i32 to vector<16xi32>
      %mul3A_274 = arith.muli %get3A_271, %mul3A_273 : vector<16xi32>
      %add3A_275 = arith.constant 0 : i32
      %add3A_276 = vector.broadcast %add3A_275 : i32 to vector<16xi32>
      %add3A_277 = arith.addi %mul3A_274, %add3A_276 : vector<16xi32>
      %swap3A = arith.constant 0 : i32
      %swap3A_278 = arith.index_cast %add3A_267 : i32 to index
      %swap3A_279 = arith.index_cast %swap3A : i32 to index
      %swap3A_280 = arith.constant 0 : index
      %swap3A_281 = tpu.vector_load %arg5[%swap3A_278, %swap3A_279, %swap3A_280] {strides = array<i32>} : memref<78x2x128xi32, #tpu.memory_space<vmem>>, vector<16xi32>,
      tpu.vector_store %arg5[%swap3A_278, %swap3A_279, %swap3A_280], %add3A_277 {strides = array<i32>} : memref<78x2x128xi32, #tpu.memory_space<vmem>>, vector<16xi32>,
      %get3A_282 = arith.constant 0 : i32
      %get3A_283 = arith.index_cast %add3A_267 : i32 to index
      %get3A_284 = arith.index_cast %get3A_282 : i32 to index
      %get3A_285 = arith.constant 16 : index
      %get3A_286 = tpu.vector_load %arg5[%get3A_283, %get3A_284, %get3A_285] {strides = array<i32>} : memref<78x2x128xi32, #tpu.memory_space<vmem>>, vector<16xi32>,
      %mul3A_287 = arith.constant 8 : i32
      %mul3A_288 = vector.broadcast %mul3A_287 : i32 to vector<16xi32>
      %mul3A_289 = arith.muli %get3A_286, %mul3A_288 : vector<16xi32>
      %add3A_290 = arith.constant 0 : i32
      %add3A_291 = vector.broadcast %add3A_290 : i32 to vector<16xi32>
      %add3A_292 = arith.addi %mul3A_289, %add3A_291 : vector<16xi32>
      %swap3A_293 = arith.constant 0 : i32
      %swap3A_294 = arith.index_cast %add3A_267 : i32 to index
      %swap3A_295 = arith.index_cast %swap3A_293 : i32 to index
      %swap3A_296 = arith.constant 16 : index
      %swap3A_297 = tpu.vector_load %arg5[%swap3A_294, %swap3A_295, %swap3A_296] {strides = array<i32>} : memref<78x2x128xi32, #tpu.memory_space<vmem>>, vector<16xi32>,
      tpu.vector_store %arg5[%swap3A_294, %swap3A_295, %swap3A_296], %add3A_292 {strides = array<i32>} : memref<78x2x128xi32, #tpu.memory_space<vmem>>, vector<16xi32>,
      %get3A_298 = arith.constant 0 : i32
      %get3A_299 = arith.index_cast %add3A_267 : i32 to index
      %get3A_300 = arith.index_cast %get3A_298 : i32 to index
      %get3A_301 = arith.constant 32 : index
      %get3A_302 = tpu.vector_load %arg5[%get3A_299, %get3A_300, %get3A_301] {strides = array<i32>} : memref<78x2x128xi32, #tpu.memory_space<vmem>>, vector<16xi32>,
      %mul3A_303 = arith.constant 8 : i32
      %mul3A_304 = vector.broadcast %mul3A_303 : i32 to vector<16xi32>
      %mul3A_305 = arith.muli %get3A_302, %mul3A_304 : vector<16xi32>
      %add3A_306 = arith.constant 0 : i32
      %add3A_307 = vector.broadcast %add3A_306 : i32 to vector<16xi32>
      %add3A_308 = arith.addi %mul3A_305, %add3A_307 : vector<16xi32>
      %swap3A_309 = arith.constant 0 : i32
      %swap3A_310 = arith.index_cast %add3A_267 : i32 to index
      %swap3A_311 = arith.index_cast %swap3A_309 : i32 to index
      %swap3A_312 = arith.constant 32 : index
      %swap3A_313 = tpu.vector_load %arg5[%swap3A_310, %swap3A_311, %swap3A_312] {strides = array<i32>} : memref<78x2x128xi32, #tpu.memory_space<vmem>>, vector<16xi32>,
      tpu.vector_store %arg5[%swap3A_310, %swap3A_311, %swap3A_312], %add3A_308 {strides = array<i32>} : memref<78x2x128xi32, #tpu.memory_space<vmem>>, vector<16xi32>,
      %get3A_314 = arith.constant 0 : i32
      %get3A_315 = arith.index_cast %add3A_267 : i32 to index
      %get3A_316 = arith.index_cast %get3A_314 : i32 to index
      %get3A_317 = arith.constant 48 : index
      %get3A_318 = tpu.vector_load %arg5[%get3A_315, %get3A_316, %get3A_317] {strides = array<i32>} : memref<78x2x128xi32, #tpu.memory_space<vmem>>, vector<16xi32>,
      %mul3A_319 = arith.constant 8 : i32
      %mul3A_320 = vector.broadcast %mul3A_319 : i32 to vector<16xi32>
      %mul3A_321 = arith.muli %get3A_318, %mul3A_320 : vector<16xi32>
      %add3A_322 = arith.constant 0 : i32
      %add3A_323 = vector.broadcast %add3A_322 : i32 to vector<16xi32>
      %add3A_324 = arith.addi %mul3A_321, %add3A_323 : vector<16xi32>
      %swap3A_325 = arith.constant 0 : i32
      %swap3A_326 = arith.index_cast %add3A_267 : i32 to index
      %swap3A_327 = arith.index_cast %swap3A_325 : i32 to index
      %swap3A_328 = arith.constant 48 : index
      %swap3A_329 = tpu.vector_load %arg5[%swap3A_326, %swap3A_327, %swap3A_328] {strides = array<i32>} : memref<78x2x128xi32, #tpu.memory_space<vmem>>, vector<16xi32>,
      tpu.vector_store %arg5[%swap3A_326, %swap3A_327, %swap3A_328], %add3A_324 {strides = array<i32>} : memref<78x2x128xi32, #tpu.memory_space<vmem>>, vector<16xi32>,
      %get3A_330 = arith.constant 0 : i32
      %get3A_331 = arith.index_cast %add3A_267 : i32 to index
      %get3A_332 = arith.index_cast %get3A_330 : i32 to index
      %get3A_333 = arith.constant 64 : index
      %get3A_334 = tpu.vector_load %arg5[%get3A_331, %get3A_332, %get3A_333] {strides = array<i32>} : memref<78x2x128xi32, #tpu.memory_space<vmem>>, vector<16xi32>,
      %mul3A_335 = arith.constant 8 : i32
      %mul3A_336 = vector.broadcast %mul3A_335 : i32 to vector<16xi32>
      %mul3A_337 = arith.muli %get3A_334, %mul3A_336 : vector<16xi32>
      %add3A_338 = arith.constant 0 : i32
      %add3A_339 = vector.broadcast %add3A_338 : i32 to vector<16xi32>
      %add3A_340 = arith.addi %mul3A_337, %add3A_339 : vector<16xi32>
      %swap3A_341 = arith.constant 0 : i32
      %swap3A_342 = arith.index_cast %add3A_267 : i32 to index
      %swap3A_343 = arith.index_cast %swap3A_341 : i32 to index
      %swap3A_344 = arith.constant 64 : index
      %swap3A_345 = tpu.vector_load %arg5[%swap3A_342, %swap3A_343, %swap3A_344] {strides = array<i32>} : memref<78x2x128xi32, #tpu.memory_space<vmem>>, vector<16xi32>,
      tpu.vector_store %arg5[%swap3A_342, %swap3A_343, %swap3A_344], %add3A_340 {strides = array<i32>} : memref<78x2x128xi32, #tpu.memory_space<vmem>>, vector<16xi32>,
      %get3A_346 = arith.constant 0 : i32
      %get3A_347 = arith.index_cast %add3A_267 : i32 to index
      %get3A_348 = arith.index_cast %get3A_346 : i32 to index
      %get3A_349 = arith.constant 80 : index
      %get3A_350 = tpu.vector_load %arg5[%get3A_347, %get3A_348, %get3A_349] {strides = array<i32>} : memref<78x2x128xi32, #tpu.memory_space<vmem>>, vector<16xi32>,
      %mul3A_351 = arith.constant 8 : i32
      %mul3A_352 = vector.broadcast %mul3A_351 : i32 to vector<16xi32>
      %mul3A_353 = arith.muli %get3A_350, %mul3A_352 : vector<16xi32>
      %add3A_354 = arith.constant 0 : i32
      %add3A_355 = vector.broadcast %add3A_354 : i32 to vector<16xi32>
      %add3A_356 = arith.addi %mul3A_353, %add3A_355 : vector<16xi32>
      %swap3A_357 = arith.constant 0 : i32
      %swap3A_358 = arith.index_cast %add3A_267 : i32 to index
      %swap3A_359 = arith.index_cast %swap3A_357 : i32 to index
      %swap3A_360 = arith.constant 80 : index
      %swap3A_361 = tpu.vector_load %arg5[%swap3A_358, %swap3A_359, %swap3A_360] {strides = array<i32>} : memref<78x2x128xi32, #tpu.memory_space<vmem>>, vector<16xi32>,
      tpu.vector_store %arg5[%swap3A_358, %swap3A_359, %swap3A_360], %add3A_356 {strides = array<i32>} : memref<78x2x128xi32, #tpu.memory_space<vmem>>, vector<16xi32>,
      %get3A_362 = arith.constant 0 : i32
      %get3A_363 = arith.index_cast %add3A_267 : i32 to index
      %get3A_364 = arith.index_cast %get3A_362 : i32 to index
      %get3A_365 = arith.constant 96 : index
      %get3A_366 = tpu.vector_load %arg5[%get3A_363, %get3A_364, %get3A_365] {strides = array<i32>} : memref<78x2x128xi32, #tpu.memory_space<vmem>>, vector<16xi32>,
      %mul3A_367 = arith.constant 8 : i32
      %mul3A_368 = vector.broadcast %mul3A_367 : i32 to vector<16xi32>
      %mul3A_369 = arith.muli %get3A_366, %mul3A_368 : vector<16xi32>
      %add3A_370 = arith.constant 0 : i32
      %add3A_371 = vector.broadcast %add3A_370 : i32 to vector<16xi32>
      %add3A_372 = arith.addi %mul3A_369, %add3A_371 : vector<16xi32>
      %swap3A_373 = arith.constant 0 : i32
      %swap3A_374 = arith.index_cast %add3A_267 : i32 to index
      %swap3A_375 = arith.index_cast %swap3A_373 : i32 to index
      %swap3A_376 = arith.constant 96 : index
      %swap3A_377 = tpu.vector_load %arg5[%swap3A_374, %swap3A_375, %swap3A_376] {strides = array<i32>} : memref<78x2x128xi32, #tpu.memory_space<vmem>>, vector<16xi32>,
      tpu.vector_store %arg5[%swap3A_374, %swap3A_375, %swap3A_376], %add3A_372 {strides = array<i32>} : memref<78x2x128xi32, #tpu.memory_space<vmem>>, vector<16xi32>,
      %get3A_378 = arith.constant 0 : i32
      %get3A_379 = arith.index_cast %add3A_267 : i32 to index
      %get3A_380 = arith.index_cast %get3A_378 : i32 to index
      %get3A_381 = arith.constant 112 : index
      %get3A_382 = tpu.vector_load %arg5[%get3A_379, %get3A_380, %get3A_381] {strides = array<i32>} : memref<78x2x128xi32, #tpu.memory_space<vmem>>, vector<16xi32>,
      %mul3A_383 = arith.constant 8 : i32
      %mul3A_384 = vector.broadcast %mul3A_383 : i32 to vector<16xi32>
      %mul3A_385 = arith.muli %get3A_382, %mul3A_384 : vector<16xi32>
      %add3A_386 = arith.constant 0 : i32
      %add3A_387 = vector.broadcast %add3A_386 : i32 to vector<16xi32>
      %add3A_388 = arith.addi %mul3A_385, %add3A_387 : vector<16xi32>
      %swap3A_389 = arith.constant 0 : i32
      %swap3A_390 = arith.index_cast %add3A_267 : i32 to index
      %swap3A_391 = arith.index_cast %swap3A_389 : i32 to index
      %swap3A_392 = arith.constant 112 : index
      %swap3A_393 = tpu.vector_load %arg5[%swap3A_390, %swap3A_391, %swap3A_392] {strides = array<i32>} : memref<78x2x128xi32, #tpu.memory_space<vmem>>, vector<16xi32>,
      tpu.vector_store %arg5[%swap3A_390, %swap3A_391, %swap3A_392], %add3A_388 {strides = array<i32>} : memref<78x2x128xi32, #tpu.memory_space<vmem>>, vector<16xi32>,
      %get3A_394 = arith.constant 1 : i32
      %get3A_395 = arith.index_cast %add3A_267 : i32 to index
      %get3A_396 = arith.index_cast %get3A_394 : i32 to index
      %get3A_397 = arith.constant 0 : index
      %get3A_398 = tpu.vector_load %arg5[%get3A_395, %get3A_396, %get3A_397] {strides = array<i32>} : memref<78x2x128xi32, #tpu.memory_space<vmem>>, vector<16xi32>,
      %mul3A_399 = arith.constant 8 : i32
      %mul3A_400 = vector.broadcast %mul3A_399 : i32 to vector<16xi32>
      %mul3A_401 = arith.muli %get3A_398, %mul3A_400 : vector<16xi32>
      %add3A_402 = arith.constant 1 : i32
      %add3A_403 = vector.broadcast %add3A_402 : i32 to vector<16xi32>
      %add3A_404 = arith.addi %mul3A_401, %add3A_403 : vector<16xi32>
      %swap3A_405 = arith.constant 1 : i32
      %swap3A_406 = arith.index_cast %add3A_267 : i32 to index
      %swap3A_407 = arith.index_cast %swap3A_405 : i32 to index
      %swap3A_408 = arith.constant 0 : index
      %swap3A_409 = tpu.vector_load %arg5[%swap3A_406, %swap3A_407, %swap3A_408] {strides = array<i32>} : memref<78x2x128xi32, #tpu.memory_space<vmem>>, vector<16xi32>,
      tpu.vector_store %arg5[%swap3A_406, %swap3A_407, %swap3A_408], %add3A_404 {strides = array<i32>} : memref<78x2x128xi32, #tpu.memory_space<vmem>>, vector<16xi32>,
      %get3A_410 = arith.constant 1 : i32
      %get3A_411 = arith.index_cast %add3A_267 : i32 to index
      %get3A_412 = arith.index_cast %get3A_410 : i32 to index
      %get3A_413 = arith.constant 16 : index
      %get3A_414 = tpu.vector_load %arg5[%get3A_411, %get3A_412, %get3A_413] {strides = array<i32>} : memref<78x2x128xi32, #tpu.memory_space<vmem>>, vector<16xi32>,
      %mul3A_415 = arith.constant 8 : i32
      %mul3A_416 = vector.broadcast %mul3A_415 : i32 to vector<16xi32>
      %mul3A_417 = arith.muli %get3A_414, %mul3A_416 : vector<16xi32>
      %add3A_418 = arith.constant 1 : i32
      %add3A_419 = vector.broadcast %add3A_418 : i32 to vector<16xi32>
      %add3A_420 = arith.addi %mul3A_417, %add3A_419 : vector<16xi32>
      %swap3A_421 = arith.constant 1 : i32
      %swap3A_422 = arith.index_cast %add3A_267 : i32 to index
      %swap3A_423 = arith.index_cast %swap3A_421 : i32 to index
      %swap3A_424 = arith.constant 16 : index
      %swap3A_425 = tpu.vector_load %arg5[%swap3A_422, %swap3A_423, %swap3A_424] {strides = array<i32>} : memref<78x2x128xi32, #tpu.memory_space<vmem>>, vector<16xi32>,
      tpu.vector_store %arg5[%swap3A_422, %swap3A_423, %swap3A_424], %add3A_420 {strides = array<i32>} : memref<78x2x128xi32, #tpu.memory_space<vmem>>, vector<16xi32>,
      %get3A_426 = arith.constant 1 : i32
      %get3A_427 = arith.index_cast %add3A_267 : i32 to index
      %get3A_428 = arith.index_cast %get3A_426 : i32 to index
      %get3A_429 = arith.constant 32 : index
      %get3A_430 = tpu.vector_load %arg5[%get3A_427, %get3A_428, %get3A_429] {strides = array<i32>} : memref<78x2x128xi32, #tpu.memory_space<vmem>>, vector<16xi32>,
      %mul3A_431 = arith.constant 8 : i32
      %mul3A_432 = vector.broadcast %mul3A_431 : i32 to vector<16xi32>
      %mul3A_433 = arith.muli %get3A_430, %mul3A_432 : vector<16xi32>
      %add3A_434 = arith.constant 1 : i32
      %add3A_435 = vector.broadcast %add3A_434 : i32 to vector<16xi32>
      %add3A_436 = arith.addi %mul3A_433, %add3A_435 : vector<16xi32>
      %swap3A_437 = arith.constant 1 : i32
      %swap3A_438 = arith.index_cast %add3A_267 : i32 to index
      %swap3A_439 = arith.index_cast %swap3A_437 : i32 to index
      %swap3A_440 = arith.constant 32 : index
      %swap3A_441 = tpu.vector_load %arg5[%swap3A_438, %swap3A_439, %swap3A_440] {strides = array<i32>} : memref<78x2x128xi32, #tpu.memory_space<vmem>>, vector<16xi32>,
      tpu.vector_store %arg5[%swap3A_438, %swap3A_439, %swap3A_440], %add3A_436 {strides = array<i32>} : memref<78x2x128xi32, #tpu.memory_space<vmem>>, vector<16xi32>,
      %get3A_442 = arith.constant 1 : i32
      %get3A_443 = arith.index_cast %add3A_267 : i32 to index
      %get3A_444 = arith.index_cast %get3A_442 : i32 to index
      %get3A_445 = arith.constant 48 : index
      %get3A_446 = tpu.vector_load %arg5[%get3A_443, %get3A_444, %get3A_445] {strides = array<i32>} : memref<78x2x128xi32, #tpu.memory_space<vmem>>, vector<16xi32>,
      %mul3A_447 = arith.constant 8 : i32
      %mul3A_448 = vector.broadcast %mul3A_447 : i32 to vector<16xi32>
      %mul3A_449 = arith.muli %get3A_446, %mul3A_448 : vector<16xi32>
      %add3A_450 = arith.constant 1 : i32
      %add3A_451 = vector.broadcast %add3A_450 : i32 to vector<16xi32>
      %add3A_452 = arith.addi %mul3A_449, %add3A_451 : vector<16xi32>
      %swap3A_453 = arith.constant 1 : i32
      %swap3A_454 = arith.index_cast %add3A_267 : i32 to index
      %swap3A_455 = arith.index_cast %swap3A_453 : i32 to index
      %swap3A_456 = arith.constant 48 : index
      %swap3A_457 = tpu.vector_load %arg5[%swap3A_454, %swap3A_455, %swap3A_456] {strides = array<i32>} : memref<78x2x128xi32, #tpu.memory_space<vmem>>, vector<16xi32>,
      tpu.vector_store %arg5[%swap3A_454, %swap3A_455, %swap3A_456], %add3A_452 {strides = array<i32>} : memref<78x2x128xi32, #tpu.memory_space<vmem>>, vector<16xi32>,
      %get3A_458 = arith.constant 1 : i32
      %get3A_459 = arith.index_cast %add3A_267 : i32 to index
      %get3A_460 = arith.index_cast %get3A_458 : i32 to index
      %get3A_461 = arith.constant 64 : index
      %get3A_462 = tpu.vector_load %arg5[%get3A_459, %get3A_460, %get3A_461] {strides = array<i32>} : memref<78x2x128xi32, #tpu.memory_space<vmem>>, vector<16xi32>,
      %mul3A_463 = arith.constant 8 : i32
      %mul3A_464 = vector.broadcast %mul3A_463 : i32 to vector<16xi32>
      %mul3A_465 = arith.muli %get3A_462, %mul3A_464 : vector<16xi32>
      %add3A_466 = arith.constant 1 : i32
      %add3A_467 = vector.broadcast %add3A_466 : i32 to vector<16xi32>
      %add3A_468 = arith.addi %mul3A_465, %add3A_467 : vector<16xi32>
      %swap3A_469 = arith.constant 1 : i32
      %swap3A_470 = arith.index_cast %add3A_267 : i32 to index
      %swap3A_471 = arith.index_cast %swap3A_469 : i32 to index
      %swap3A_472 = arith.constant 64 : index
      %swap3A_473 = tpu.vector_load %arg5[%swap3A_470, %swap3A_471, %swap3A_472] {strides = array<i32>} : memref<78x2x128xi32, #tpu.memory_space<vmem>>, vector<16xi32>,
      tpu.vector_store %arg5[%swap3A_470, %swap3A_471, %swap3A_472], %add3A_468 {strides = array<i32>} : memref<78x2x128xi32, #tpu.memory_space<vmem>>, vector<16xi32>,
      %get3A_474 = arith.constant 1 : i32
      %get3A_475 = arith.index_cast %add3A_267 : i32 to index
      %get3A_476 = arith.index_cast %get3A_474 : i32 to index
      %get3A_477 = arith.constant 80 : index
      %get3A_478 = tpu.vector_load %arg5[%get3A_475, %get3A_476, %get3A_477] {strides = array<i32>} : memref<78x2x128xi32, #tpu.memory_space<vmem>>, vector<16xi32>,
      %mul3A_479 = arith.constant 8 : i32
      %mul3A_480 = vector.broadcast %mul3A_479 : i32 to vector<16xi32>
      %mul3A_481 = arith.muli %get3A_478, %mul3A_480 : vector<16xi32>
      %add3A_482 = arith.constant 1 : i32
      %add3A_483 = vector.broadcast %add3A_482 : i32 to vector<16xi32>
      %add3A_484 = arith.addi %mul3A_481, %add3A_483 : vector<16xi32>
      %swap3A_485 = arith.constant 1 : i32
      %swap3A_486 = arith.index_cast %add3A_267 : i32 to index
      %swap3A_487 = arith.index_cast %swap3A_485 : i32 to index
      %swap3A_488 = arith.constant 80 : index
      %swap3A_489 = tpu.vector_load %arg5[%swap3A_486, %swap3A_487, %swap3A_488] {strides = array<i32>} : memref<78x2x128xi32, #tpu.memory_space<vmem>>, vector<16xi32>,
      tpu.vector_store %arg5[%swap3A_486, %swap3A_487, %swap3A_488], %add3A_484 {strides = array<i32>} : memref<78x2x128xi32, #tpu.memory_space<vmem>>, vector<16xi32>,
      %get3A_490 = arith.constant 1 : i32
      %get3A_491 = arith.index_cast %add3A_267 : i32 to index
      %get3A_492 = arith.index_cast %get3A_490 : i32 to index
      %get3A_493 = arith.constant 96 : index
      %get3A_494 = tpu.vector_load %arg5[%get3A_491, %get3A_492, %get3A_493] {strides = array<i32>} : memref<78x2x128xi32, #tpu.memory_space<vmem>>, vector<16xi32>,
      %mul3A_495 = arith.constant 8 : i32
      %mul3A_496 = vector.broadcast %mul3A_495 : i32 to vector<16xi32>
      %mul3A_497 = arith.muli %get3A_494, %mul3A_496 : vector<16xi32>
      %add3A_498 = arith.constant 1 : i32
      %add3A_499 = vector.broadcast %add3A_498 : i32 to vector<16xi32>
      %add3A_500 = arith.addi %mul3A_497, %add3A_499 : vector<16xi32>
      %swap3A_501 = arith.constant 1 : i32
      %swap3A_502 = arith.index_cast %add3A_267 : i32 to index
      %swap3A_503 = arith.index_cast %swap3A_501 : i32 to index
      %swap3A_504 = arith.constant 96 : index
      %swap3A_505 = tpu.vector_load %arg5[%swap3A_502, %swap3A_503, %swap3A_504] {strides = array<i32>} : memref<78x2x128xi32, #tpu.memory_space<vmem>>, vector<16xi32>,
      tpu.vector_store %arg5[%swap3A_502, %swap3A_503, %swap3A_504], %add3A_500 {strides = array<i32>} : memref<78x2x128xi32, #tpu.memory_space<vmem>>, vector<16xi32>,
      %get3A_506 = arith.constant 1 : i32
      %get3A_507 = arith.index_cast %add3A_267 : i32 to index
      %get3A_508 = arith.index_cast %get3A_506 : i32 to index
      %get3A_509 = arith.constant 112 : index
      %get3A_510 = tpu.vector_load %arg5[%get3A_507, %get3A_508, %get3A_509] {strides = array<i32>} : memref<78x2x128xi32, #tpu.memory_space<vmem>>, vector<16xi32>,
      %mul3A_511 = arith.constant 8 : i32
      %mul3A_512 = vector.broadcast %mul3A_511 : i32 to vector<16xi32>
      %mul3A_513 = arith.muli %get3A_510, %mul3A_512 : vector<16xi32>
      %add3A_514 = arith.constant 1 : i32
      %add3A_515 = vector.broadcast %add3A_514 : i32 to vector<16xi32>
      %add3A_516 = arith.addi %mul3A_513, %add3A_515 : vector<16xi32>
      %swap3A_517 = arith.constant 1 : i32
      %swap3A_518 = arith.index_cast %add3A_267 : i32 to index
      %swap3A_519 = arith.index_cast %swap3A_517 : i32 to index
      %swap3A_520 = arith.constant 112 : index
      %swap3A_521 = tpu.vector_load %arg5[%swap3A_518, %swap3A_519, %swap3A_520] {strides = array<i32>} : memref<78x2x128xi32, #tpu.memory_space<vmem>>, vector<16xi32>,
      tpu.vector_store %arg5[%swap3A_518, %swap3A_519, %swap3A_520], %add3A_516 {strides = array<i32>} : memref<78x2x128xi32, #tpu.memory_space<vmem>>, vector<16xi32>,
    }
    %scan3A_6 = arith.constant 78 : i32
    %mul3A_7 = arith.constant 17 : i32
    %mul3A_8 = vector.broadcast %mul3A_7 : i32 to vector<16xi32>
    %mul3A_9 = arith.muli %iota3A, %mul3A_8 : vector<16xi32>
    %dma_start3A = arith.constant 0 : i32
    %dma_start3A_10 = arith.constant 0 : i32
    %dma_start3A_11 = arith.constant 0 : i32
    %dma_start3A_12 = tpu.memref_slice %arg5[%dma_start3A, %dma_start3A_10, %dma_start3A_11] : memref<78x2x128xi32, #tpu.memory_space<vmem>> -> memref<1x1x128xi32, #tpu.memory_space<vmem>>
    %dma_start3A_13 = tpu.memref_squeeze %dma_start3A_12 : memref<1x1x128xi32, #tpu.memory_space<vmem>> -> memref<128xi32, #tpu.memory_space<vmem>>
    %dma_start3A_14 = arith.constant 0 : i32
    %dma_start3A_15 = arith.constant 0 : i32
    %dma_start3A_16 = tpu.memref_slice %arg2[%dma_start3A_14, %dma_start3A_15] : memref<80000x16xf32, #tpu.memory_space<hbm>> -> memref<80000x16xf32, #tpu.memory_space<hbm>>
    tpu.enqueue_indirect_dma source(%dma_start3A_16 : memref<80000x16xf32, #tpu.memory_space<hbm>>) target(%arg7 : memref<128x16xf32, #tpu.memory_space<vmem>>) offsets(%dma_start3A_13 : memref<128xi32, #tpu.memory_space<vmem>>) semaphore(%arg15 : memref<!tpu.dma_semaphore, #tpu.memory_space<semaphore_mem>>)
    %dma_start3A_17 = arith.constant 0 : i32
    %dma_start3A_18 = arith.constant 1 : i32
    %dma_start3A_19 = arith.constant 0 : i32
    %dma_start3A_20 = tpu.memref_slice %arg5[%dma_start3A_17, %dma_start3A_18, %dma_start3A_19] : memref<78x2x128xi32, #tpu.memory_space<vmem>> -> memref<1x1x128xi32, #tpu.memory_space<vmem>>
    %dma_start3A_21 = tpu.memref_squeeze %dma_start3A_20 : memref<1x1x128xi32, #tpu.memory_space<vmem>> -> memref<128xi32, #tpu.memory_space<vmem>>
    %dma_start3A_22 = arith.constant 0 : i32
    %dma_start3A_23 = arith.constant 0 : i32
    %dma_start3A_24 = tpu.memref_slice %arg2[%dma_start3A_22, %dma_start3A_23] : memref<80000x16xf32, #tpu.memory_space<hbm>> -> memref<80000x16xf32, #tpu.memory_space<hbm>>
    tpu.enqueue_indirect_dma source(%dma_start3A_24 : memref<80000x16xf32, #tpu.memory_space<hbm>>) target(%arg9 : memref<128x16xf32, #tpu.memory_space<vmem>>) offsets(%dma_start3A_21 : memref<128xi32, #tpu.memory_space<vmem>>) semaphore(%arg15 : memref<!tpu.dma_semaphore, #tpu.memory_space<semaphore_mem>>)
    %dma_start3A_25 = arith.constant 1 : i32
    %dma_start3A_26 = arith.constant 0 : i32
    %dma_start3A_27 = arith.constant 0 : i32
    %dma_start3A_28 = tpu.memref_slice %arg5[%dma_start3A_25, %dma_start3A_26, %dma_start3A_27] : memref<78x2x128xi32, #tpu.memory_space<vmem>> -> memref<1x1x128xi32, #tpu.memory_space<vmem>>
    %dma_start3A_29 = tpu.memref_squeeze %dma_start3A_28 : memref<1x1x128xi32, #tpu.memory_space<vmem>> -> memref<128xi32, #tpu.memory_space<vmem>>
    %dma_start3A_30 = arith.constant 0 : i32
    %dma_start3A_31 = arith.constant 0 : i32
    %dma_start3A_32 = tpu.memref_slice %arg2[%dma_start3A_30, %dma_start3A_31] : memref<80000x16xf32, #tpu.memory_space<hbm>> -> memref<80000x16xf32, #tpu.memory_space<hbm>>
    tpu.enqueue_indirect_dma source(%dma_start3A_32 : memref<80000x16xf32, #tpu.memory_space<hbm>>) target(%arg8 : memref<128x16xf32, #tpu.memory_space<vmem>>) offsets(%dma_start3A_29 : memref<128xi32, #tpu.memory_space<vmem>>) semaphore(%arg16 : memref<!tpu.dma_semaphore, #tpu.memory_space<semaphore_mem>>)
    %dma_start3A_33 = arith.constant 1 : i32
    %dma_start3A_34 = arith.constant 1 : i32
    %dma_start3A_35 = arith.constant 0 : i32
    %dma_start3A_36 = tpu.memref_slice %arg5[%dma_start3A_33, %dma_start3A_34, %dma_start3A_35] : memref<78x2x128xi32, #tpu.memory_space<vmem>> -> memref<1x1x128xi32, #tpu.memory_space<vmem>>
    %dma_start3A_37 = tpu.memref_squeeze %dma_start3A_36 : memref<1x1x128xi32, #tpu.memory_space<vmem>> -> memref<128xi32, #tpu.memory_space<vmem>>
    %dma_start3A_38 = arith.constant 0 : i32
    %dma_start3A_39 = arith.constant 0 : i32
    %dma_start3A_40 = tpu.memref_slice %arg2[%dma_start3A_38, %dma_start3A_39] : memref<80000x16xf32, #tpu.memory_space<hbm>> -> memref<80000x16xf32, #tpu.memory_space<hbm>>
    tpu.enqueue_indirect_dma source(%dma_start3A_40 : memref<80000x16xf32, #tpu.memory_space<hbm>>) target(%arg10 : memref<128x16xf32, #tpu.memory_space<vmem>>) offsets(%dma_start3A_37 : memref<128xi32, #tpu.memory_space<vmem>>) semaphore(%arg16 : memref<!tpu.dma_semaphore, #tpu.memory_space<semaphore_mem>>)
    %dma_wait3A = arith.constant 0 : i32
    %dma_wait3A_41 = arith.constant 0 : i32
    %dma_wait3A_42 = tpu.memref_slice %arg2[%dma_wait3A, %dma_wait3A_41] : memref<80000x16xf32, #tpu.memory_space<hbm>> -> memref<128x16xf32, #tpu.memory_space<hbm>>
    %dma_wait3A_43 = arith.constant 0 : i32
    %dma_wait3A_44 = arith.constant 0 : i32
    %dma_wait3A_45 = tpu.memref_slice %arg2[%dma_wait3A_43, %dma_wait3A_44] : memref<80000x16xf32, #tpu.memory_space<hbm>> -> memref<128x16xf32, #tpu.memory_space<hbm>>
    tpu.wait_dma2 semaphore(%arg15 : memref<!tpu.dma_semaphore, #tpu.memory_space<semaphore_mem>>) src(%dma_wait3A_45 : memref<128x16xf32, #tpu.memory_space<hbm>>) dst(%arg7 : memref<128x16xf32, #tpu.memory_space<vmem>>)
    %dma_wait3A_46 = arith.constant 0 : i32
    %dma_wait3A_47 = arith.constant 0 : i32
    %dma_wait3A_48 = tpu.memref_slice %arg2[%dma_wait3A_46, %dma_wait3A_47] : memref<80000x16xf32, #tpu.memory_space<hbm>> -> memref<128x16xf32, #tpu.memory_space<hbm>>
    %dma_wait3A_49 = arith.constant 0 : i32
    %dma_wait3A_50 = arith.constant 0 : i32
    %dma_wait3A_51 = tpu.memref_slice %arg2[%dma_wait3A_49, %dma_wait3A_50] : memref<80000x16xf32, #tpu.memory_space<hbm>> -> memref<128x16xf32, #tpu.memory_space<hbm>>
    tpu.wait_dma2 semaphore(%arg15 : memref<!tpu.dma_semaphore, #tpu.memory_space<semaphore_mem>>) src(%dma_wait3A_51 : memref<128x16xf32, #tpu.memory_space<hbm>>) dst(%arg9 : memref<128x16xf32, #tpu.memory_space<vmem>>)
    %scan3A_52 = arith.constant 0 : i32
    %scan3A_53 = arith.constant 128 : i32
    %scan3A_54 = arith.addi %scan3A_52, %scan3A_53 : i32
    %scan3A_55 = arith.constant 8 : i32
    scf.for %scan3A_263 = %scan3A_52 to %scan3A_54 step %scan3A_55  : i32 {
      %mul3A_264 = arith.constant 1 : i32
      %mul3A_265 = arith.muli %scan3A_263, %mul3A_264 : i32
      %add3A_266 = arith.constant 0 : i32
      %add3A_267 = arith.addi %add3A_266, %mul3A_265 : i32
      %get3A = arith.index_cast %add3A_267 : i32 to index
      %get3A_268 = arith.constant 0 : index
      %get3A_269 = tpu.vector_load %arg7[%get3A, %get3A_268] {strides = array<i32>} : memref<128x16xf32, #tpu.memory_space<vmem>>, vector<16xf32>,
      %get3A_270 = arith.index_cast %add3A_267 : i32 to index
      %get3A_271 = arith.constant 0 : index
      %get3A_272 = tpu.vector_load %arg9[%get3A_270, %get3A_271] {strides = array<i32>} : memref<128x16xf32, #tpu.memory_space<vmem>>, vector<16xf32>,
      %add3A_273 = arith.addf %get3A_269, %get3A_272 : vector<16xf32>
      %mul3A_274 = arith.constant 17 : i32
      %mul3A_275 = arith.muli %add3A_267, %mul3A_274 : i32
      %swap3A = arith.index_cast %mul3A_275 : i32 to index
      %swap3A_276 = tpu.vector_load %arg13[%swap3A] {strides = array<i32>} : memref<2176xf32, #tpu.memory_space<vmem>>, vector<16xf32>,
      tpu.vector_store %arg13[%swap3A], %add3A_273 {strides = array<i32>} : memref<2176xf32, #tpu.memory_space<vmem>>, vector<16xf32>,
      %scan3A_277 = arith.constant 1 : i32
      %scan3A_278 = arith.addi %scan3A_263, %scan3A_277 : i32
      %mul3A_279 = arith.constant 1 : i32
      %mul3A_280 = arith.muli %scan3A_278, %mul3A_279 : i32
      %add3A_281 = arith.constant 0 : i32
      %add3A_282 = arith.addi %add3A_281, %mul3A_280 : i32
      %get3A_283 = arith.index_cast %add3A_282 : i32 to index
      %get3A_284 = arith.constant 0 : index
      %get3A_285 = tpu.vector_load %arg7[%get3A_283, %get3A_284] {strides = array<i32>} : memref<128x16xf32, #tpu.memory_space<vmem>>, vector<16xf32>,
      %get3A_286 = arith.index_cast %add3A_282 : i32 to index
      %get3A_287 = arith.constant 0 : index
      %get3A_288 = tpu.vector_load %arg9[%get3A_286, %get3A_287] {strides = array<i32>} : memref<128x16xf32, #tpu.memory_space<vmem>>, vector<16xf32>,
      %add3A_289 = arith.addf %get3A_285, %get3A_288 : vector<16xf32>
      %mul3A_290 = arith.constant 17 : i32
      %mul3A_291 = arith.muli %add3A_282, %mul3A_290 : i32
      %swap3A_292 = arith.index_cast %mul3A_291 : i32 to index
      %swap3A_293 = tpu.vector_load %arg13[%swap3A_292] {strides = array<i32>} : memref<2176xf32, #tpu.memory_space<vmem>>, vector<16xf32>,
      tpu.vector_store %arg13[%swap3A_292], %add3A_289 {strides = array<i32>} : memref<2176xf32, #tpu.memory_space<vmem>>, vector<16xf32>,
      %scan3A_294 = arith.constant 2 : i32
      %scan3A_295 = arith.addi %scan3A_263, %scan3A_294 : i32
      %mul3A_296 = arith.constant 1 : i32
      %mul3A_297 = arith.muli %scan3A_295, %mul3A_296 : i32
      %add3A_298 = arith.constant 0 : i32
      %add3A_299 = arith.addi %add3A_298, %mul3A_297 : i32
      %get3A_300 = arith.index_cast %add3A_299 : i32 to index
      %get3A_301 = arith.constant 0 : index
      %get3A_302 = tpu.vector_load %arg7[%get3A_300, %get3A_301] {strides = array<i32>} : memref<128x16xf32, #tpu.memory_space<vmem>>, vector<16xf32>,
      %get3A_303 = arith.index_cast %add3A_299 : i32 to index
      %get3A_304 = arith.constant 0 : index
      %get3A_305 = tpu.vector_load %arg9[%get3A_303, %get3A_304] {strides = array<i32>} : memref<128x16xf32, #tpu.memory_space<vmem>>, vector<16xf32>,
      %add3A_306 = arith.addf %get3A_302, %get3A_305 : vector<16xf32>
      %mul3A_307 = arith.constant 17 : i32
      %mul3A_308 = arith.muli %add3A_299, %mul3A_307 : i32
      %swap3A_309 = arith.index_cast %mul3A_308 : i32 to index
      %swap3A_310 = tpu.vector_load %arg13[%swap3A_309] {strides = array<i32>} : memref<2176xf32, #tpu.memory_space<vmem>>, vector<16xf32>,
      tpu.vector_store %arg13[%swap3A_309], %add3A_306 {strides = array<i32>} : memref<2176xf32, #tpu.memory_space<vmem>>, vector<16xf32>,
      %scan3A_311 = arith.constant 3 : i32
      %scan3A_312 = arith.addi %scan3A_263, %scan3A_311 : i32
      %mul3A_313 = arith.constant 1 : i32
      %mul3A_314 = arith.muli %scan3A_312, %mul3A_313 : i32
      %add3A_315 = arith.constant 0 : i32
      %add3A_316 = arith.addi %add3A_315, %mul3A_314 : i32
      %get3A_317 = arith.index_cast %add3A_316 : i32 to index
      %get3A_318 = arith.constant 0 : index
      %get3A_319 = tpu.vector_load %arg7[%get3A_317, %get3A_318] {strides = array<i32>} : memref<128x16xf32, #tpu.memory_space<vmem>>, vector<16xf32>,
      %get3A_320 = arith.index_cast %add3A_316 : i32 to index
      %get3A_321 = arith.constant 0 : index
      %get3A_322 = tpu.vector_load %arg9[%get3A_320, %get3A_321] {strides = array<i32>} : memref<128x16xf32, #tpu.memory_space<vmem>>, vector<16xf32>,
      %add3A_323 = arith.addf %get3A_319, %get3A_322 : vector<16xf32>
      %mul3A_324 = arith.constant 17 : i32
      %mul3A_325 = arith.muli %add3A_316, %mul3A_324 : i32
      %swap3A_326 = arith.index_cast %mul3A_325 : i32 to index
      %swap3A_327 = tpu.vector_load %arg13[%swap3A_326] {strides = array<i32>} : memref<2176xf32, #tpu.memory_space<vmem>>, vector<16xf32>,
      tpu.vector_store %arg13[%swap3A_326], %add3A_323 {strides = array<i32>} : memref<2176xf32, #tpu.memory_space<vmem>>, vector<16xf32>,
      %scan3A_328 = arith.constant 4 : i32
      %scan3A_329 = arith.addi %scan3A_263, %scan3A_328 : i32
      %mul3A_330 = arith.constant 1 : i32
      %mul3A_331 = arith.muli %scan3A_329, %mul3A_330 : i32
      %add3A_332 = arith.constant 0 : i32
      %add3A_333 = arith.addi %add3A_332, %mul3A_331 : i32
      %get3A_334 = arith.index_cast %add3A_333 : i32 to index
      %get3A_335 = arith.constant 0 : index
      %get3A_336 = tpu.vector_load %arg7[%get3A_334, %get3A_335] {strides = array<i32>} : memref<128x16xf32, #tpu.memory_space<vmem>>, vector<16xf32>,
      %get3A_337 = arith.index_cast %add3A_333 : i32 to index
      %get3A_338 = arith.constant 0 : index
      %get3A_339 = tpu.vector_load %arg9[%get3A_337, %get3A_338] {strides = array<i32>} : memref<128x16xf32, #tpu.memory_space<vmem>>, vector<16xf32>,
      %add3A_340 = arith.addf %get3A_336, %get3A_339 : vector<16xf32>
      %mul3A_341 = arith.constant 17 : i32
      %mul3A_342 = arith.muli %add3A_333, %mul3A_341 : i32
      %swap3A_343 = arith.index_cast %mul3A_342 : i32 to index
      %swap3A_344 = tpu.vector_load %arg13[%swap3A_343] {strides = array<i32>} : memref<2176xf32, #tpu.memory_space<vmem>>, vector<16xf32>,
      tpu.vector_store %arg13[%swap3A_343], %add3A_340 {strides = array<i32>} : memref<2176xf32, #tpu.memory_space<vmem>>, vector<16xf32>,
      %scan3A_345 = arith.constant 5 : i32
      %scan3A_346 = arith.addi %scan3A_263, %scan3A_345 : i32
      %mul3A_347 = arith.constant 1 : i32
      %mul3A_348 = arith.muli %scan3A_346, %mul3A_347 : i32
      %add3A_349 = arith.constant 0 : i32
      %add3A_350 = arith.addi %add3A_349, %mul3A_348 : i32
      %get3A_351 = arith.index_cast %add3A_350 : i32 to index
      %get3A_352 = arith.constant 0 : index
      %get3A_353 = tpu.vector_load %arg7[%get3A_351, %get3A_352] {strides = array<i32>} : memref<128x16xf32, #tpu.memory_space<vmem>>, vector<16xf32>,
      %get3A_354 = arith.index_cast %add3A_350 : i32 to index
      %get3A_355 = arith.constant 0 : index
      %get3A_356 = tpu.vector_load %arg9[%get3A_354, %get3A_355] {strides = array<i32>} : memref<128x16xf32, #tpu.memory_space<vmem>>, vector<16xf32>,
      %add3A_357 = arith.addf %get3A_353, %get3A_356 : vector<16xf32>
      %mul3A_358 = arith.constant 17 : i32
      %mul3A_359 = arith.muli %add3A_350, %mul3A_358 : i32
      %swap3A_360 = arith.index_cast %mul3A_359 : i32 to index
      %swap3A_361 = tpu.vector_load %arg13[%swap3A_360] {strides = array<i32>} : memref<2176xf32, #tpu.memory_space<vmem>>, vector<16xf32>,
      tpu.vector_store %arg13[%swap3A_360], %add3A_357 {strides = array<i32>} : memref<2176xf32, #tpu.memory_space<vmem>>, vector<16xf32>,
      %scan3A_362 = arith.constant 6 : i32
      %scan3A_363 = arith.addi %scan3A_263, %scan3A_362 : i32
      %mul3A_364 = arith.constant 1 : i32
      %mul3A_365 = arith.muli %scan3A_363, %mul3A_364 : i32
      %add3A_366 = arith.constant 0 : i32
      %add3A_367 = arith.addi %add3A_366, %mul3A_365 : i32
      %get3A_368 = arith.index_cast %add3A_367 : i32 to index
      %get3A_369 = arith.constant 0 : index
      %get3A_370 = tpu.vector_load %arg7[%get3A_368, %get3A_369] {strides = array<i32>} : memref<128x16xf32, #tpu.memory_space<vmem>>, vector<16xf32>,
      %get3A_371 = arith.index_cast %add3A_367 : i32 to index
      %get3A_372 = arith.constant 0 : index
      %get3A_373 = tpu.vector_load %arg9[%get3A_371, %get3A_372] {strides = array<i32>} : memref<128x16xf32, #tpu.memory_space<vmem>>, vector<16xf32>,
      %add3A_374 = arith.addf %get3A_370, %get3A_373 : vector<16xf32>
      %mul3A_375 = arith.constant 17 : i32
      %mul3A_376 = arith.muli %add3A_367, %mul3A_375 : i32
      %swap3A_377 = arith.index_cast %mul3A_376 : i32 to index
      %swap3A_378 = tpu.vector_load %arg13[%swap3A_377] {strides = array<i32>} : memref<2176xf32, #tpu.memory_space<vmem>>, vector<16xf32>,
      tpu.vector_store %arg13[%swap3A_377], %add3A_374 {strides = array<i32>} : memref<2176xf32, #tpu.memory_space<vmem>>, vector<16xf32>,
      %scan3A_379 = arith.constant 7 : i32
      %scan3A_380 = arith.addi %scan3A_263, %scan3A_379 : i32
      %mul3A_381 = arith.constant 1 : i32
      %mul3A_382 = arith.muli %scan3A_380, %mul3A_381 : i32
      %add3A_383 = arith.constant 0 : i32
      %add3A_384 = arith.addi %add3A_383, %mul3A_382 : i32
      %get3A_385 = arith.index_cast %add3A_384 : i32 to index
      %get3A_386 = arith.constant 0 : index
      %get3A_387 = tpu.vector_load %arg7[%get3A_385, %get3A_386] {strides = array<i32>} : memref<128x16xf32, #tpu.memory_space<vmem>>, vector<16xf32>,
      %get3A_388 = arith.index_cast %add3A_384 : i32 to index
      %get3A_389 = arith.constant 0 : index
      %get3A_390 = tpu.vector_load %arg9[%get3A_388, %get3A_389] {strides = array<i32>} : memref<128x16xf32, #tpu.memory_space<vmem>>, vector<16xf32>,
      %add3A_391 = arith.addf %get3A_387, %get3A_390 : vector<16xf32>
      %mul3A_392 = arith.constant 17 : i32
      %mul3A_393 = arith.muli %add3A_384, %mul3A_392 : i32
      %swap3A_394 = arith.index_cast %mul3A_393 : i32 to index
      %swap3A_395 = tpu.vector_load %arg13[%swap3A_394] {strides = array<i32>} : memref<2176xf32, #tpu.memory_space<vmem>>, vector<16xf32>,
      tpu.vector_store %arg13[%swap3A_394], %add3A_391 {strides = array<i32>} : memref<2176xf32, #tpu.memory_space<vmem>>, vector<16xf32>,
    }
    %scan3A_56 = arith.constant 128 : i32
    %scan3A_57 = arith.constant 0 : i32
    %scan3A_58 = arith.constant 8 : i32
    %scan3A_59 = arith.addi %scan3A_57, %scan3A_58 : i32
    %scan3A_60 = arith.constant 1 : i32
    scf.for %scan3A_263 = %scan3A_57 to %scan3A_59 step %scan3A_60  : i32 {
      %mul3A_264 = arith.constant 1 : i32
      %mul3A_265 = arith.muli %scan3A_263, %mul3A_264 : i32
      %add3A_266 = arith.constant 0 : i32
      %add3A_267 = arith.addi %add3A_266, %mul3A_265 : i32
      %mul3A_268 = arith.constant 272 : i32
      %mul3A_269 = arith.muli %add3A_267, %mul3A_268 : i32
      %add3A_270 = vector.broadcast %mul3A_269 : i32 to vector<16xi32>
      %add3A_271 = arith.addi %mul3A_9, %add3A_270 : vector<16xi32>
      %mul3A_272 = arith.constant 16 : i32
      %mul3A_273 = arith.muli %add3A_267, %mul3A_272 : i32
      %add3A_274 = arith.constant 0 : i32
      %add3A_275 = vector.broadcast %add3A_274 : i32 to vector<16xi32>
      %add3A_276 = arith.addi %add3A_271, %add3A_275 : vector<16xi32>
      %gather3A = tpu.vector_load_idx %arg13[%add3A_276] : memref<2176xf32, #tpu.memory_space<vmem>>[vector<16xi32>], vector<16xf32>,
      %add3A_277 = arith.constant 0 : i32
      %add3A_278 = arith.addi %mul3A_273, %add3A_277 : i32
      %swap3A = arith.index_cast %add3A_278 : i32 to index
      %swap3A_279 = tpu.vector_load %arg11[%swap3A] {strides = array<i32>} : memref<2048xf32, #tpu.memory_space<vmem>>, vector<16xf32>,
      tpu.vector_store %arg11[%swap3A], %gather3A {strides = array<i32>} : memref<2048xf32, #tpu.memory_space<vmem>>, vector<16xf32>,
      %add3A_280 = arith.constant 1 : i32
      %add3A_281 = vector.broadcast %add3A_280 : i32 to vector<16xi32>
      %add3A_282 = arith.addi %add3A_271, %add3A_281 : vector<16xi32>
      %gather3A_283 = tpu.vector_load_idx %arg13[%add3A_282] : memref<2176xf32, #tpu.memory_space<vmem>>[vector<16xi32>], vector<16xf32>,
      %add3A_284 = arith.constant 128 : i32
      %add3A_285 = arith.addi %mul3A_273, %add3A_284 : i32
      %swap3A_286 = arith.index_cast %add3A_285 : i32 to index
      %swap3A_287 = tpu.vector_load %arg11[%swap3A_286] {strides = array<i32>} : memref<2048xf32, #tpu.memory_space<vmem>>, vector<16xf32>,
      tpu.vector_store %arg11[%swap3A_286], %gather3A_283 {strides = array<i32>} : memref<2048xf32, #tpu.memory_space<vmem>>, vector<16xf32>,
      %add3A_288 = arith.constant 2 : i32
      %add3A_289 = vector.broadcast %add3A_288 : i32 to vector<16xi32>
      %add3A_290 = arith.addi %add3A_271, %add3A_289 : vector<16xi32>
      %gather3A_291 = tpu.vector_load_idx %arg13[%add3A_290] : memref<2176xf32, #tpu.memory_space<vmem>>[vector<16xi32>], vector<16xf32>,
      %add3A_292 = arith.constant 256 : i32
      %add3A_293 = arith.addi %mul3A_273, %add3A_292 : i32
      %swap3A_294 = arith.index_cast %add3A_293 : i32 to index
      %swap3A_295 = tpu.vector_load %arg11[%swap3A_294] {strides = array<i32>} : memref<2048xf32, #tpu.memory_space<vmem>>, vector<16xf32>,
      tpu.vector_store %arg11[%swap3A_294], %gather3A_291 {strides = array<i32>} : memref<2048xf32, #tpu.memory_space<vmem>>, vector<16xf32>,
      %add3A_296 = arith.constant 3 : i32
      %add3A_297 = vector.broadcast %add3A_296 : i32 to vector<16xi32>
      %add3A_298 = arith.addi %add3A_271, %add3A_297 : vector<16xi32>
      %gather3A_299 = tpu.vector_load_idx %arg13[%add3A_298] : memref<2176xf32, #tpu.memory_space<vmem>>[vector<16xi32>], vector<16xf32>,
      %add3A_300 = arith.constant 384 : i32
      %add3A_301 = arith.addi %mul3A_273, %add3A_300 : i32
      %swap3A_302 = arith.index_cast %add3A_301 : i32 to index
      %swap3A_303 = tpu.vector_load %arg11[%swap3A_302] {strides = array<i32>} : memref<2048xf32, #tpu.memory_space<vmem>>, vector<16xf32>,
      tpu.vector_store %arg11[%swap3A_302], %gather3A_299 {strides = array<i32>} : memref<2048xf32, #tpu.memory_space<vmem>>, vector<16xf32>,
      %add3A_304 = arith.constant 4 : i32
      %add3A_305 = vector.broadcast %add3A_304 : i32 to vector<16xi32>
      %add3A_306 = arith.addi %add3A_271, %add3A_305 : vector<16xi32>
      %gather3A_307 = tpu.vector_load_idx %arg13[%add3A_306] : memref<2176xf32, #tpu.memory_space<vmem>>[vector<16xi32>], vector<16xf32>,
      %add3A_308 = arith.constant 512 : i32
      %add3A_309 = arith.addi %mul3A_273, %add3A_308 : i32
      %swap3A_310 = arith.index_cast %add3A_309 : i32 to index
      %swap3A_311 = tpu.vector_load %arg11[%swap3A_310] {strides = array<i32>} : memref<2048xf32, #tpu.memory_space<vmem>>, vector<16xf32>,
      tpu.vector_store %arg11[%swap3A_310], %gather3A_307 {strides = array<i32>} : memref<2048xf32, #tpu.memory_space<vmem>>, vector<16xf32>,
      %add3A_312 = arith.constant 5 : i32
      %add3A_313 = vector.broadcast %add3A_312 : i32 to vector<16xi32>
      %add3A_314 = arith.addi %add3A_271, %add3A_313 : vector<16xi32>
      %gather3A_315 = tpu.vector_load_idx %arg13[%add3A_314] : memref<2176xf32, #tpu.memory_space<vmem>>[vector<16xi32>], vector<16xf32>,
      %add3A_316 = arith.constant 640 : i32
      %add3A_317 = arith.addi %mul3A_273, %add3A_316 : i32
      %swap3A_318 = arith.index_cast %add3A_317 : i32 to index
      %swap3A_319 = tpu.vector_load %arg11[%swap3A_318] {strides = array<i32>} : memref<2048xf32, #tpu.memory_space<vmem>>, vector<16xf32>,
      tpu.vector_store %arg11[%swap3A_318], %gather3A_315 {strides = array<i32>} : memref<2048xf32, #tpu.memory_space<vmem>>, vector<16xf32>,
      %add3A_320 = arith.constant 6 : i32
      %add3A_321 = vector.broadcast %add3A_320 : i32 to vector<16xi32>
      %add3A_322 = arith.addi %add3A_271, %add3A_321 : vector<16xi32>
      %gather3A_323 = tpu.vector_load_idx %arg13[%add3A_322] : memref<2176xf32, #tpu.memory_space<vmem>>[vector<16xi32>], vector<16xf32>,
      %add3A_324 = arith.constant 768 : i32
      %add3A_325 = arith.addi %mul3A_273, %add3A_324 : i32
      %swap3A_326 = arith.index_cast %add3A_325 : i32 to index
      %swap3A_327 = tpu.vector_load %arg11[%swap3A_326] {strides = array<i32>} : memref<2048xf32, #tpu.memory_space<vmem>>, vector<16xf32>,
      tpu.vector_store %arg11[%swap3A_326], %gather3A_323 {strides = array<i32>} : memref<2048xf32, #tpu.memory_space<vmem>>, vector<16xf32>,
      %add3A_328 = arith.constant 7 : i32
      %add3A_329 = vector.broadcast %add3A_328 : i32 to vector<16xi32>
      %add3A_330 = arith.addi %add3A_271, %add3A_329 : vector<16xi32>
      %gather3A_331 = tpu.vector_load_idx %arg13[%add3A_330] : memref<2176xf32, #tpu.memory_space<vmem>>[vector<16xi32>], vector<16xf32>,
      %add3A_332 = arith.constant 896 : i32
      %add3A_333 = arith.addi %mul3A_273, %add3A_332 : i32
      %swap3A_334 = arith.index_cast %add3A_333 : i32 to index
      %swap3A_335 = tpu.vector_load %arg11[%swap3A_334] {strides = array<i32>} : memref<2048xf32, #tpu.memory_space<vmem>>, vector<16xf32>,
      tpu.vector_store %arg11[%swap3A_334], %gather3A_331 {strides = array<i32>} : memref<2048xf32, #tpu.memory_space<vmem>>, vector<16xf32>,
      %add3A_336 = arith.constant 8 : i32
      %add3A_337 = vector.broadcast %add3A_336 : i32 to vector<16xi32>
      %add3A_338 = arith.addi %add3A_271, %add3A_337 : vector<16xi32>
      %gather3A_339 = tpu.vector_load_idx %arg13[%add3A_338] : memref<2176xf32, #tpu.memory_space<vmem>>[vector<16xi32>], vector<16xf32>,
      %add3A_340 = arith.constant 1024 : i32
      %add3A_341 = arith.addi %mul3A_273, %add3A_340 : i32
      %swap3A_342 = arith.index_cast %add3A_341 : i32 to index
      %swap3A_343 = tpu.vector_load %arg11[%swap3A_342] {strides = array<i32>} : memref<2048xf32, #tpu.memory_space<vmem>>, vector<16xf32>,
      tpu.vector_store %arg11[%swap3A_342], %gather3A_339 {strides = array<i32>} : memref<2048xf32, #tpu.memory_space<vmem>>, vector<16xf32>,
      %add3A_344 = arith.constant 9 : i32
      %add3A_345 = vector.broadcast %add3A_344 : i32 to vector<16xi32>
      %add3A_346 = arith.addi %add3A_271, %add3A_345 : vector<16xi32>
      %gather3A_347 = tpu.vector_load_idx %arg13[%add3A_346] : memref<2176xf32, #tpu.memory_space<vmem>>[vector<16xi32>], vector<16xf32>,
      %add3A_348 = arith.constant 1152 : i32
      %add3A_349 = arith.addi %mul3A_273, %add3A_348 : i32
      %swap3A_350 = arith.index_cast %add3A_349 : i32 to index
      %swap3A_351 = tpu.vector_load %arg11[%swap3A_350] {strides = array<i32>} : memref<2048xf32, #tpu.memory_space<vmem>>, vector<16xf32>,
      tpu.vector_store %arg11[%swap3A_350], %gather3A_347 {strides = array<i32>} : memref<2048xf32, #tpu.memory_space<vmem>>, vector<16xf32>,
      %add3A_352 = arith.constant 10 : i32
      %add3A_353 = vector.broadcast %add3A_352 : i32 to vector<16xi32>
      %add3A_354 = arith.addi %add3A_271, %add3A_353 : vector<16xi32>
      %gather3A_355 = tpu.vector_load_idx %arg13[%add3A_354] : memref<2176xf32, #tpu.memory_space<vmem>>[vector<16xi32>], vector<16xf32>,
      %add3A_356 = arith.constant 1280 : i32
      %add3A_357 = arith.addi %mul3A_273, %add3A_356 : i32
      %swap3A_358 = arith.index_cast %add3A_357 : i32 to index
      %swap3A_359 = tpu.vector_load %arg11[%swap3A_358] {strides = array<i32>} : memref<2048xf32, #tpu.memory_space<vmem>>, vector<16xf32>,
      tpu.vector_store %arg11[%swap3A_358], %gather3A_355 {strides = array<i32>} : memref<2048xf32, #tpu.memory_space<vmem>>, vector<16xf32>,
      %add3A_360 = arith.constant 11 : i32
      %add3A_361 = vector.broadcast %add3A_360 : i32 to vector<16xi32>
      %add3A_362 = arith.addi %add3A_271, %add3A_361 : vector<16xi32>
      %gather3A_363 = tpu.vector_load_idx %arg13[%add3A_362] : memref<2176xf32, #tpu.memory_space<vmem>>[vector<16xi32>], vector<16xf32>,
      %add3A_364 = arith.constant 1408 : i32
      %add3A_365 = arith.addi %mul3A_273, %add3A_364 : i32
      %swap3A_366 = arith.index_cast %add3A_365 : i32 to index
      %swap3A_367 = tpu.vector_load %arg11[%swap3A_366] {strides = array<i32>} : memref<2048xf32, #tpu.memory_space<vmem>>, vector<16xf32>,
      tpu.vector_store %arg11[%swap3A_366], %gather3A_363 {strides = array<i32>} : memref<2048xf32, #tpu.memory_space<vmem>>, vector<16xf32>,
      %add3A_368 = arith.constant 12 : i32
      %add3A_369 = vector.broadcast %add3A_368 : i32 to vector<16xi32>
      %add3A_370 = arith.addi %add3A_271, %add3A_369 : vector<16xi32>
      %gather3A_371 = tpu.vector_load_idx %arg13[%add3A_370] : memref<2176xf32, #tpu.memory_space<vmem>>[vector<16xi32>], vector<16xf32>,
      %add3A_372 = arith.constant 1536 : i32
      %add3A_373 = arith.addi %mul3A_273, %add3A_372 : i32
      %swap3A_374 = arith.index_cast %add3A_373 : i32 to index
      %swap3A_375 = tpu.vector_load %arg11[%swap3A_374] {strides = array<i32>} : memref<2048xf32, #tpu.memory_space<vmem>>, vector<16xf32>,
      tpu.vector_store %arg11[%swap3A_374], %gather3A_371 {strides = array<i32>} : memref<2048xf32, #tpu.memory_space<vmem>>, vector<16xf32>,
      %add3A_376 = arith.constant 13 : i32
      %add3A_377 = vector.broadcast %add3A_376 : i32 to vector<16xi32>
      %add3A_378 = arith.addi %add3A_271, %add3A_377 : vector<16xi32>
      %gather3A_379 = tpu.vector_load_idx %arg13[%add3A_378] : memref<2176xf32, #tpu.memory_space<vmem>>[vector<16xi32>], vector<16xf32>,
      %add3A_380 = arith.constant 1664 : i32
      %add3A_381 = arith.addi %mul3A_273, %add3A_380 : i32
      %swap3A_382 = arith.index_cast %add3A_381 : i32 to index
      %swap3A_383 = tpu.vector_load %arg11[%swap3A_382] {strides = array<i32>} : memref<2048xf32, #tpu.memory_space<vmem>>, vector<16xf32>,
      tpu.vector_store %arg11[%swap3A_382], %gather3A_379 {strides = array<i32>} : memref<2048xf32, #tpu.memory_space<vmem>>, vector<16xf32>,
      %add3A_384 = arith.constant 14 : i32
      %add3A_385 = vector.broadcast %add3A_384 : i32 to vector<16xi32>
      %add3A_386 = arith.addi %add3A_271, %add3A_385 : vector<16xi32>
      %gather3A_387 = tpu.vector_load_idx %arg13[%add3A_386] : memref<2176xf32, #tpu.memory_space<vmem>>[vector<16xi32>], vector<16xf32>,
      %add3A_388 = arith.constant 1792 : i32
      %add3A_389 = arith.addi %mul3A_273, %add3A_388 : i32
      %swap3A_390 = arith.index_cast %add3A_389 : i32 to index
      %swap3A_391 = tpu.vector_load %arg11[%swap3A_390] {strides = array<i32>} : memref<2048xf32, #tpu.memory_space<vmem>>, vector<16xf32>,
      tpu.vector_store %arg11[%swap3A_390], %gather3A_387 {strides = array<i32>} : memref<2048xf32, #tpu.memory_space<vmem>>, vector<16xf32>,
      %add3A_392 = arith.constant 15 : i32
      %add3A_393 = vector.broadcast %add3A_392 : i32 to vector<16xi32>
      %add3A_394 = arith.addi %add3A_271, %add3A_393 : vector<16xi32>
      %gather3A_395 = tpu.vector_load_idx %arg13[%add3A_394] : memref<2176xf32, #tpu.memory_space<vmem>>[vector<16xi32>], vector<16xf32>,
      %add3A_396 = arith.constant 1920 : i32
      %add3A_397 = arith.addi %mul3A_273, %add3A_396 : i32
      %swap3A_398 = arith.index_cast %add3A_397 : i32 to index
      %swap3A_399 = tpu.vector_load %arg11[%swap3A_398] {strides = array<i32>} : memref<2048xf32, #tpu.memory_space<vmem>>, vector<16xf32>,
      tpu.vector_store %arg11[%swap3A_398], %gather3A_395 {strides = array<i32>} : memref<2048xf32, #tpu.memory_space<vmem>>, vector<16xf32>,
    }
    %scan3A_61 = arith.constant 8 : i32
    %add3A_62 = arith.constant 0 : i32
    %add3A_63 = arith.addi %mul3A_2, %add3A_62 : i32
    %mul3A_64 = arith.constant 1024 : i32
    %mul3A_65 = arith.muli %add3A_63, %mul3A_64 : i32
    %dma_start3A_66 = arith.constant 0 : i32
    %dma_start3A_67 = tpu.memref_slice %arg11[%dma_start3A_66] : memref<2048xf32, #tpu.memory_space<vmem>> -> memref<1024xf32, #tpu.memory_space<vmem>>
    %dma_start3A_68 = tpu.memref_slice %arg4[%mul3A_65] : memref<5120000xf32, #tpu.memory_space<hbm>> -> memref<1024xf32, #tpu.memory_space<hbm>>
    %dma_start3A_69 = tpu.memref_slice %arg4[%mul3A_65] : memref<5120000xf32, #tpu.memory_space<hbm>> -> memref<1024xf32, #tpu.memory_space<hbm>>
    %dma_start3A_70 = arith.constant 0 : i32
    %dma_start3A_71 = tpu.memref_slice %arg11[%dma_start3A_70] : memref<2048xf32, #tpu.memory_space<vmem>> -> memref<1024xf32, #tpu.memory_space<vmem>>
    tpu.enqueue_dma source(%dma_start3A_71 : memref<1024xf32, #tpu.memory_space<vmem>>) target(%dma_start3A_69 : memref<1024xf32, #tpu.memory_space<hbm>>) target_semaphore(%arg17 : memref<!tpu.dma_semaphore, #tpu.memory_space<semaphore_mem>>)
    %mul3A_72 = arith.constant 1024 : i32
    %mul3A_73 = arith.muli %add3A_63, %mul3A_72 : i32
    %add3A_74 = arith.constant 2560000 : i32
    %add3A_75 = arith.addi %add3A_74, %mul3A_73 : i32
    %dma_start3A_76 = arith.constant 1024 : i32
    %dma_start3A_77 = tpu.memref_slice %arg11[%dma_start3A_76] : memref<2048xf32, #tpu.memory_space<vmem>> -> memref<1024xf32, #tpu.memory_space<vmem>>
    %dma_start3A_78 = tpu.memref_slice %arg4[%add3A_75] : memref<5120000xf32, #tpu.memory_space<hbm>> -> memref<1024xf32, #tpu.memory_space<hbm>>
    %dma_start3A_79 = tpu.memref_slice %arg4[%add3A_75] : memref<5120000xf32, #tpu.memory_space<hbm>> -> memref<1024xf32, #tpu.memory_space<hbm>>
    %dma_start3A_80 = arith.constant 1024 : i32
    %dma_start3A_81 = tpu.memref_slice %arg11[%dma_start3A_80] : memref<2048xf32, #tpu.memory_space<vmem>> -> memref<1024xf32, #tpu.memory_space<vmem>>
    tpu.enqueue_dma source(%dma_start3A_81 : memref<1024xf32, #tpu.memory_space<vmem>>) target(%dma_start3A_79 : memref<1024xf32, #tpu.memory_space<hbm>>) target_semaphore(%arg17 : memref<!tpu.dma_semaphore, #tpu.memory_space<semaphore_mem>>)
    %dma_start3A_82 = arith.constant 2 : i32
    %dma_start3A_83 = arith.constant 0 : i32
    %dma_start3A_84 = arith.constant 0 : i32
    %dma_start3A_85 = tpu.memref_slice %arg5[%dma_start3A_82, %dma_start3A_83, %dma_start3A_84] : memref<78x2x128xi32, #tpu.memory_space<vmem>> -> memref<1x1x128xi32, #tpu.memory_space<vmem>>
    %dma_start3A_86 = tpu.memref_squeeze %dma_start3A_85 : memref<1x1x128xi32, #tpu.memory_space<vmem>> -> memref<128xi32, #tpu.memory_space<vmem>>
    %dma_start3A_87 = arith.constant 0 : i32
    %dma_start3A_88 = arith.constant 0 : i32
    %dma_start3A_89 = tpu.memref_slice %arg2[%dma_start3A_87, %dma_start3A_88] : memref<80000x16xf32, #tpu.memory_space<hbm>> -> memref<80000x16xf32, #tpu.memory_space<hbm>>
    tpu.enqueue_indirect_dma source(%dma_start3A_89 : memref<80000x16xf32, #tpu.memory_space<hbm>>) target(%arg7 : memref<128x16xf32, #tpu.memory_space<vmem>>) offsets(%dma_start3A_86 : memref<128xi32, #tpu.memory_space<vmem>>) semaphore(%arg15 : memref<!tpu.dma_semaphore, #tpu.memory_space<semaphore_mem>>)
    %dma_start3A_90 = arith.constant 2 : i32
    %dma_start3A_91 = arith.constant 1 : i32
    %dma_start3A_92 = arith.constant 0 : i32
    %dma_start3A_93 = tpu.memref_slice %arg5[%dma_start3A_90, %dma_start3A_91, %dma_start3A_92] : memref<78x2x128xi32, #tpu.memory_space<vmem>> -> memref<1x1x128xi32, #tpu.memory_space<vmem>>
    %dma_start3A_94 = tpu.memref_squeeze %dma_start3A_93 : memref<1x1x128xi32, #tpu.memory_space<vmem>> -> memref<128xi32, #tpu.memory_space<vmem>>
    %dma_start3A_95 = arith.constant 0 : i32
    %dma_start3A_96 = arith.constant 0 : i32
    %dma_start3A_97 = tpu.memref_slice %arg2[%dma_start3A_95, %dma_start3A_96] : memref<80000x16xf32, #tpu.memory_space<hbm>> -> memref<80000x16xf32, #tpu.memory_space<hbm>>
    tpu.enqueue_indirect_dma source(%dma_start3A_97 : memref<80000x16xf32, #tpu.memory_space<hbm>>) target(%arg9 : memref<128x16xf32, #tpu.memory_space<vmem>>) offsets(%dma_start3A_94 : memref<128xi32, #tpu.memory_space<vmem>>) semaphore(%arg15 : memref<!tpu.dma_semaphore, #tpu.memory_space<semaphore_mem>>)
    %dma_wait3A_98 = arith.constant 0 : i32
    %dma_wait3A_99 = arith.constant 0 : i32
    %dma_wait3A_100 = tpu.memref_slice %arg2[%dma_wait3A_98, %dma_wait3A_99] : memref<80000x16xf32, #tpu.memory_space<hbm>> -> memref<128x16xf32, #tpu.memory_space<hbm>>
    %dma_wait3A_101 = arith.constant 0 : i32
    %dma_wait3A_102 = arith.constant 0 : i32
    %dma_wait3A_103 = tpu.memref_slice %arg2[%dma_wait3A_101, %dma_wait3A_102] : memref<80000x16xf32, #tpu.memory_space<hbm>> -> memref<128x16xf32, #tpu.memory_space<hbm>>
    tpu.wait_dma2 semaphore(%arg16 : memref<!tpu.dma_semaphore, #tpu.memory_space<semaphore_mem>>) src(%dma_wait3A_103 : memref<128x16xf32, #tpu.memory_space<hbm>>) dst(%arg8 : memref<128x16xf32, #tpu.memory_space<vmem>>)
    %dma_wait3A_104 = arith.constant 0 : i32
    %dma_wait3A_105 = arith.constant 0 : i32
    %dma_wait3A_106 = tpu.memref_slice %arg2[%dma_wait3A_104, %dma_wait3A_105] : memref<80000x16xf32, #tpu.memory_space<hbm>> -> memref<128x16xf32, #tpu.memory_space<hbm>>
    %dma_wait3A_107 = arith.constant 0 : i32
    %dma_wait3A_108 = arith.constant 0 : i32
    %dma_wait3A_109 = tpu.memref_slice %arg2[%dma_wait3A_107, %dma_wait3A_108] : memref<80000x16xf32, #tpu.memory_space<hbm>> -> memref<128x16xf32, #tpu.memory_space<hbm>>
    tpu.wait_dma2 semaphore(%arg16 : memref<!tpu.dma_semaphore, #tpu.memory_space<semaphore_mem>>) src(%dma_wait3A_109 : memref<128x16xf32, #tpu.memory_space<hbm>>) dst(%arg10 : memref<128x16xf32, #tpu.memory_space<vmem>>)
    %scan3A_110 = arith.constant 0 : i32
    %scan3A_111 = arith.constant 128 : i32
    %scan3A_112 = arith.addi %scan3A_110, %scan3A_111 : i32
    %scan3A_113 = arith.constant 8 : i32
    scf.for %scan3A_263 = %scan3A_110 to %scan3A_112 step %scan3A_113  : i32 {
      %mul3A_264 = arith.constant 1 : i32
      %mul3A_265 = arith.muli %scan3A_263, %mul3A_264 : i32
      %add3A_266 = arith.constant 0 : i32
      %add3A_267 = arith.addi %add3A_266, %mul3A_265 : i32
      %get3A = arith.index_cast %add3A_267 : i32 to index
      %get3A_268 = arith.constant 0 : index
      %get3A_269 = tpu.vector_load %arg8[%get3A, %get3A_268] {strides = array<i32>} : memref<128x16xf32, #tpu.memory_space<vmem>>, vector<16xf32>,
      %get3A_270 = arith.index_cast %add3A_267 : i32 to index
      %get3A_271 = arith.constant 0 : index
      %get3A_272 = tpu.vector_load %arg10[%get3A_270, %get3A_271] {strides = array<i32>} : memref<128x16xf32, #tpu.memory_space<vmem>>, vector<16xf32>,
      %add3A_273 = arith.addf %get3A_269, %get3A_272 : vector<16xf32>
      %mul3A_274 = arith.constant 17 : i32
      %mul3A_275 = arith.muli %add3A_267, %mul3A_274 : i32
      %swap3A = arith.index_cast %mul3A_275 : i32 to index
      %swap3A_276 = tpu.vector_load %arg14[%swap3A] {strides = array<i32>} : memref<2176xf32, #tpu.memory_space<vmem>>, vector<16xf32>,
      tpu.vector_store %arg14[%swap3A], %add3A_273 {strides = array<i32>} : memref<2176xf32, #tpu.memory_space<vmem>>, vector<16xf32>,
      %scan3A_277 = arith.constant 1 : i32
      %scan3A_278 = arith.addi %scan3A_263, %scan3A_277 : i32
      %mul3A_279 = arith.constant 1 : i32
      %mul3A_280 = arith.muli %scan3A_278, %mul3A_279 : i32
      %add3A_281 = arith.constant 0 : i32
      %add3A_282 = arith.addi %add3A_281, %mul3A_280 : i32
      %get3A_283 = arith.index_cast %add3A_282 : i32 to index
      %get3A_284 = arith.constant 0 : index
      %get3A_285 = tpu.vector_load %arg8[%get3A_283, %get3A_284] {strides = array<i32>} : memref<128x16xf32, #tpu.memory_space<vmem>>, vector<16xf32>,
      %get3A_286 = arith.index_cast %add3A_282 : i32 to index
      %get3A_287 = arith.constant 0 : index
      %get3A_288 = tpu.vector_load %arg10[%get3A_286, %get3A_287] {strides = array<i32>} : memref<128x16xf32, #tpu.memory_space<vmem>>, vector<16xf32>,
      %add3A_289 = arith.addf %get3A_285, %get3A_288 : vector<16xf32>
      %mul3A_290 = arith.constant 17 : i32
      %mul3A_291 = arith.muli %add3A_282, %mul3A_290 : i32
      %swap3A_292 = arith.index_cast %mul3A_291 : i32 to index
      %swap3A_293 = tpu.vector_load %arg14[%swap3A_292] {strides = array<i32>} : memref<2176xf32, #tpu.memory_space<vmem>>, vector<16xf32>,
      tpu.vector_store %arg14[%swap3A_292], %add3A_289 {strides = array<i32>} : memref<2176xf32, #tpu.memory_space<vmem>>, vector<16xf32>,
      %scan3A_294 = arith.constant 2 : i32
      %scan3A_295 = arith.addi %scan3A_263, %scan3A_294 : i32
      %mul3A_296 = arith.constant 1 : i32
      %mul3A_297 = arith.muli %scan3A_295, %mul3A_296 : i32
      %add3A_298 = arith.constant 0 : i32
      %add3A_299 = arith.addi %add3A_298, %mul3A_297 : i32
      %get3A_300 = arith.index_cast %add3A_299 : i32 to index
      %get3A_301 = arith.constant 0 : index
      %get3A_302 = tpu.vector_load %arg8[%get3A_300, %get3A_301] {strides = array<i32>} : memref<128x16xf32, #tpu.memory_space<vmem>>, vector<16xf32>,
      %get3A_303 = arith.index_cast %add3A_299 : i32 to index
      %get3A_304 = arith.constant 0 : index
      %get3A_305 = tpu.vector_load %arg10[%get3A_303, %get3A_304] {strides = array<i32>} : memref<128x16xf32, #tpu.memory_space<vmem>>, vector<16xf32>,
      %add3A_306 = arith.addf %get3A_302, %get3A_305 : vector<16xf32>
      %mul3A_307 = arith.constant 17 : i32
      %mul3A_308 = arith.muli %add3A_299, %mul3A_307 : i32
      %swap3A_309 = arith.index_cast %mul3A_308 : i32 to index
      %swap3A_310 = tpu.vector_load %arg14[%swap3A_309] {strides = array<i32>} : memref<2176xf32, #tpu.memory_space<vmem>>, vector<16xf32>,
      tpu.vector_store %arg14[%swap3A_309], %add3A_306 {strides = array<i32>} : memref<2176xf32, #tpu.memory_space<vmem>>, vector<16xf32>,
      %scan3A_311 = arith.constant 3 : i32
      %scan3A_312 = arith.addi %scan3A_263, %scan3A_311 : i32
      %mul3A_313 = arith.constant 1 : i32
      %mul3A_314 = arith.muli %scan3A_312, %mul3A_313 : i32
      %add3A_315 = arith.constant 0 : i32
      %add3A_316 = arith.addi %add3A_315, %mul3A_314 : i32
      %get3A_317 = arith.index_cast %add3A_316 : i32 to index
      %get3A_318 = arith.constant 0 : index
      %get3A_319 = tpu.vector_load %arg8[%get3A_317, %get3A_318] {strides = array<i32>} : memref<128x16xf32, #tpu.memory_space<vmem>>, vector<16xf32>,
      %get3A_320 = arith.index_cast %add3A_316 : i32 to index
      %get3A_321 = arith.constant 0 : index
      %get3A_322 = tpu.vector_load %arg10[%get3A_320, %get3A_321] {strides = array<i32>} : memref<128x16xf32, #tpu.memory_space<vmem>>, vector<16xf32>,
      %add3A_323 = arith.addf %get3A_319, %get3A_322 : vector<16xf32>
      %mul3A_324 = arith.constant 17 : i32
      %mul3A_325 = arith.muli %add3A_316, %mul3A_324 : i32
      %swap3A_326 = arith.index_cast %mul3A_325 : i32 to index
      %swap3A_327 = tpu.vector_load %arg14[%swap3A_326] {strides = array<i32>} : memref<2176xf32, #tpu.memory_space<vmem>>, vector<16xf32>,
      tpu.vector_store %arg14[%swap3A_326], %add3A_323 {strides = array<i32>} : memref<2176xf32, #tpu.memory_space<vmem>>, vector<16xf32>,
      %scan3A_328 = arith.constant 4 : i32
      %scan3A_329 = arith.addi %scan3A_263, %scan3A_328 : i32
      %mul3A_330 = arith.constant 1 : i32
      %mul3A_331 = arith.muli %scan3A_329, %mul3A_330 : i32
      %add3A_332 = arith.constant 0 : i32
      %add3A_333 = arith.addi %add3A_332, %mul3A_331 : i32
      %get3A_334 = arith.index_cast %add3A_333 : i32 to index
      %get3A_335 = arith.constant 0 : index
      %get3A_336 = tpu.vector_load %arg8[%get3A_334, %get3A_335] {strides = array<i32>} : memref<128x16xf32, #tpu.memory_space<vmem>>, vector<16xf32>,
      %get3A_337 = arith.index_cast %add3A_333 : i32 to index
      %get3A_338 = arith.constant 0 : index
      %get3A_339 = tpu.vector_load %arg10[%get3A_337, %get3A_338] {strides = array<i32>} : memref<128x16xf32, #tpu.memory_space<vmem>>, vector<16xf32>,
      %add3A_340 = arith.addf %get3A_336, %get3A_339 : vector<16xf32>
      %mul3A_341 = arith.constant 17 : i32
      %mul3A_342 = arith.muli %add3A_333, %mul3A_341 : i32
      %swap3A_343 = arith.index_cast %mul3A_342 : i32 to index
      %swap3A_344 = tpu.vector_load %arg14[%swap3A_343] {strides = array<i32>} : memref<2176xf32, #tpu.memory_space<vmem>>, vector<16xf32>,
      tpu.vector_store %arg14[%swap3A_343], %add3A_340 {strides = array<i32>} : memref<2176xf32, #tpu.memory_space<vmem>>, vector<16xf32>,
      %scan3A_345 = arith.constant 5 : i32
      %scan3A_346 = arith.addi %scan3A_263, %scan3A_345 : i32
      %mul3A_347 = arith.constant 1 : i32
      %mul3A_348 = arith.muli %scan3A_346, %mul3A_347 : i32
      %add3A_349 = arith.constant 0 : i32
      %add3A_350 = arith.addi %add3A_349, %mul3A_348 : i32
      %get3A_351 = arith.index_cast %add3A_350 : i32 to index
      %get3A_352 = arith.constant 0 : index
      %get3A_353 = tpu.vector_load %arg8[%get3A_351, %get3A_352] {strides = array<i32>} : memref<128x16xf32, #tpu.memory_space<vmem>>, vector<16xf32>,
      %get3A_354 = arith.index_cast %add3A_350 : i32 to index
      %get3A_355 = arith.constant 0 : index
      %get3A_356 = tpu.vector_load %arg10[%get3A_354, %get3A_355] {strides = array<i32>} : memref<128x16xf32, #tpu.memory_space<vmem>>, vector<16xf32>,
      %add3A_357 = arith.addf %get3A_353, %get3A_356 : vector<16xf32>
      %mul3A_358 = arith.constant 17 : i32
      %mul3A_359 = arith.muli %add3A_350, %mul3A_358 : i32
      %swap3A_360 = arith.index_cast %mul3A_359 : i32 to index
      %swap3A_361 = tpu.vector_load %arg14[%swap3A_360] {strides = array<i32>} : memref<2176xf32, #tpu.memory_space<vmem>>, vector<16xf32>,
      tpu.vector_store %arg14[%swap3A_360], %add3A_357 {strides = array<i32>} : memref<2176xf32, #tpu.memory_space<vmem>>, vector<16xf32>,
      %scan3A_362 = arith.constant 6 : i32
      %scan3A_363 = arith.addi %scan3A_263, %scan3A_362 : i32
      %mul3A_364 = arith.constant 1 : i32
      %mul3A_365 = arith.muli %scan3A_363, %mul3A_364 : i32
      %add3A_366 = arith.constant 0 : i32
      %add3A_367 = arith.addi %add3A_366, %mul3A_365 : i32
      %get3A_368 = arith.index_cast %add3A_367 : i32 to index
      %get3A_369 = arith.constant 0 : index
      %get3A_370 = tpu.vector_load %arg8[%get3A_368, %get3A_369] {strides = array<i32>} : memref<128x16xf32, #tpu.memory_space<vmem>>, vector<16xf32>,
      %get3A_371 = arith.index_cast %add3A_367 : i32 to index
      %get3A_372 = arith.constant 0 : index
      %get3A_373 = tpu.vector_load %arg10[%get3A_371, %get3A_372] {strides = array<i32>} : memref<128x16xf32, #tpu.memory_space<vmem>>, vector<16xf32>,
      %add3A_374 = arith.addf %get3A_370, %get3A_373 : vector<16xf32>
      %mul3A_375 = arith.constant 17 : i32
      %mul3A_376 = arith.muli %add3A_367, %mul3A_375 : i32
      %swap3A_377 = arith.index_cast %mul3A_376 : i32 to index
      %swap3A_378 = tpu.vector_load %arg14[%swap3A_377] {strides = array<i32>} : memref<2176xf32, #tpu.memory_space<vmem>>, vector<16xf32>,
      tpu.vector_store %arg14[%swap3A_377], %add3A_374 {strides = array<i32>} : memref<2176xf32, #tpu.memory_space<vmem>>, vector<16xf32>,
      %scan3A_379 = arith.constant 7 : i32
      %scan3A_380 = arith.addi %scan3A_263, %scan3A_379 : i32
      %mul3A_381 = arith.constant 1 : i32
      %mul3A_382 = arith.muli %scan3A_380, %mul3A_381 : i32
      %add3A_383 = arith.constant 0 : i32
      %add3A_384 = arith.addi %add3A_383, %mul3A_382 : i32
      %get3A_385 = arith.index_cast %add3A_384 : i32 to index
      %get3A_386 = arith.constant 0 : index
      %get3A_387 = tpu.vector_load %arg8[%get3A_385, %get3A_386] {strides = array<i32>} : memref<128x16xf32, #tpu.memory_space<vmem>>, vector<16xf32>,
      %get3A_388 = arith.index_cast %add3A_384 : i32 to index
      %get3A_389 = arith.constant 0 : index
      %get3A_390 = tpu.vector_load %arg10[%get3A_388, %get3A_389] {strides = array<i32>} : memref<128x16xf32, #tpu.memory_space<vmem>>, vector<16xf32>,
      %add3A_391 = arith.addf %get3A_387, %get3A_390 : vector<16xf32>
      %mul3A_392 = arith.constant 17 : i32
      %mul3A_393 = arith.muli %add3A_384, %mul3A_392 : i32
      %swap3A_394 = arith.index_cast %mul3A_393 : i32 to index
      %swap3A_395 = tpu.vector_load %arg14[%swap3A_394] {strides = array<i32>} : memref<2176xf32, #tpu.memory_space<vmem>>, vector<16xf32>,
      tpu.vector_store %arg14[%swap3A_394], %add3A_391 {strides = array<i32>} : memref<2176xf32, #tpu.memory_space<vmem>>, vector<16xf32>,
    }
    %scan3A_114 = arith.constant 128 : i32
    %scan3A_115 = arith.constant 0 : i32
    %scan3A_116 = arith.constant 8 : i32
    %scan3A_117 = arith.addi %scan3A_115, %scan3A_116 : i32
    %scan3A_118 = arith.constant 1 : i32
    scf.for %scan3A_263 = %scan3A_115 to %scan3A_117 step %scan3A_118  : i32 {
      %mul3A_264 = arith.constant 1 : i32
      %mul3A_265 = arith.muli %scan3A_263, %mul3A_264 : i32
      %add3A_266 = arith.constant 0 : i32
      %add3A_267 = arith.addi %add3A_266, %mul3A_265 : i32
      %mul3A_268 = arith.constant 272 : i32
      %mul3A_269 = arith.muli %add3A_267, %mul3A_268 : i32
      %add3A_270 = vector.broadcast %mul3A_269 : i32 to vector<16xi32>
      %add3A_271 = arith.addi %mul3A_9, %add3A_270 : vector<16xi32>
      %mul3A_272 = arith.constant 16 : i32
      %mul3A_273 = arith.muli %add3A_267, %mul3A_272 : i32
      %add3A_274 = arith.constant 0 : i32
      %add3A_275 = vector.broadcast %add3A_274 : i32 to vector<16xi32>
      %add3A_276 = arith.addi %add3A_271, %add3A_275 : vector<16xi32>
      %gather3A = tpu.vector_load_idx %arg14[%add3A_276] : memref<2176xf32, #tpu.memory_space<vmem>>[vector<16xi32>], vector<16xf32>,
      %add3A_277 = arith.constant 0 : i32
      %add3A_278 = arith.addi %mul3A_273, %add3A_277 : i32
      %swap3A = arith.index_cast %add3A_278 : i32 to index
      %swap3A_279 = tpu.vector_load %arg12[%swap3A] {strides = array<i32>} : memref<2048xf32, #tpu.memory_space<vmem>>, vector<16xf32>,
      tpu.vector_store %arg12[%swap3A], %gather3A {strides = array<i32>} : memref<2048xf32, #tpu.memory_space<vmem>>, vector<16xf32>,
      %add3A_280 = arith.constant 1 : i32
      %add3A_281 = vector.broadcast %add3A_280 : i32 to vector<16xi32>
      %add3A_282 = arith.addi %add3A_271, %add3A_281 : vector<16xi32>
      %gather3A_283 = tpu.vector_load_idx %arg14[%add3A_282] : memref<2176xf32, #tpu.memory_space<vmem>>[vector<16xi32>], vector<16xf32>,
      %add3A_284 = arith.constant 128 : i32
      %add3A_285 = arith.addi %mul3A_273, %add3A_284 : i32
      %swap3A_286 = arith.index_cast %add3A_285 : i32 to index
      %swap3A_287 = tpu.vector_load %arg12[%swap3A_286] {strides = array<i32>} : memref<2048xf32, #tpu.memory_space<vmem>>, vector<16xf32>,
      tpu.vector_store %arg12[%swap3A_286], %gather3A_283 {strides = array<i32>} : memref<2048xf32, #tpu.memory_space<vmem>>, vector<16xf32>,
      %add3A_288 = arith.constant 2 : i32
      %add3A_289 = vector.broadcast %add3A_288 : i32 to vector<16xi32>
      %add3A_290 = arith.addi %add3A_271, %add3A_289 : vector<16xi32>
      %gather3A_291 = tpu.vector_load_idx %arg14[%add3A_290] : memref<2176xf32, #tpu.memory_space<vmem>>[vector<16xi32>], vector<16xf32>,
      %add3A_292 = arith.constant 256 : i32
      %add3A_293 = arith.addi %mul3A_273, %add3A_292 : i32
      %swap3A_294 = arith.index_cast %add3A_293 : i32 to index
      %swap3A_295 = tpu.vector_load %arg12[%swap3A_294] {strides = array<i32>} : memref<2048xf32, #tpu.memory_space<vmem>>, vector<16xf32>,
      tpu.vector_store %arg12[%swap3A_294], %gather3A_291 {strides = array<i32>} : memref<2048xf32, #tpu.memory_space<vmem>>, vector<16xf32>,
      %add3A_296 = arith.constant 3 : i32
      %add3A_297 = vector.broadcast %add3A_296 : i32 to vector<16xi32>
      %add3A_298 = arith.addi %add3A_271, %add3A_297 : vector<16xi32>
      %gather3A_299 = tpu.vector_load_idx %arg14[%add3A_298] : memref<2176xf32, #tpu.memory_space<vmem>>[vector<16xi32>], vector<16xf32>,
      %add3A_300 = arith.constant 384 : i32
      %add3A_301 = arith.addi %mul3A_273, %add3A_300 : i32
      %swap3A_302 = arith.index_cast %add3A_301 : i32 to index
      %swap3A_303 = tpu.vector_load %arg12[%swap3A_302] {strides = array<i32>} : memref<2048xf32, #tpu.memory_space<vmem>>, vector<16xf32>,
      tpu.vector_store %arg12[%swap3A_302], %gather3A_299 {strides = array<i32>} : memref<2048xf32, #tpu.memory_space<vmem>>, vector<16xf32>,
      %add3A_304 = arith.constant 4 : i32
      %add3A_305 = vector.broadcast %add3A_304 : i32 to vector<16xi32>
      %add3A_306 = arith.addi %add3A_271, %add3A_305 : vector<16xi32>
      %gather3A_307 = tpu.vector_load_idx %arg14[%add3A_306] : memref<2176xf32, #tpu.memory_space<vmem>>[vector<16xi32>], vector<16xf32>,
      %add3A_308 = arith.constant 512 : i32
      %add3A_309 = arith.addi %mul3A_273, %add3A_308 : i32
      %swap3A_310 = arith.index_cast %add3A_309 : i32 to index
      %swap3A_311 = tpu.vector_load %arg12[%swap3A_310] {strides = array<i32>} : memref<2048xf32, #tpu.memory_space<vmem>>, vector<16xf32>,
      tpu.vector_store %arg12[%swap3A_310], %gather3A_307 {strides = array<i32>} : memref<2048xf32, #tpu.memory_space<vmem>>, vector<16xf32>,
      %add3A_312 = arith.constant 5 : i32
      %add3A_313 = vector.broadcast %add3A_312 : i32 to vector<16xi32>
      %add3A_314 = arith.addi %add3A_271, %add3A_313 : vector<16xi32>
      %gather3A_315 = tpu.vector_load_idx %arg14[%add3A_314] : memref<2176xf32, #tpu.memory_space<vmem>>[vector<16xi32>], vector<16xf32>,
      %add3A_316 = arith.constant 640 : i32
      %add3A_317 = arith.addi %mul3A_273, %add3A_316 : i32
      %swap3A_318 = arith.index_cast %add3A_317 : i32 to index
      %swap3A_319 = tpu.vector_load %arg12[%swap3A_318] {strides = array<i32>} : memref<2048xf32, #tpu.memory_space<vmem>>, vector<16xf32>,
      tpu.vector_store %arg12[%swap3A_318], %gather3A_315 {strides = array<i32>} : memref<2048xf32, #tpu.memory_space<vmem>>, vector<16xf32>,
      %add3A_320 = arith.constant 6 : i32
      %add3A_321 = vector.broadcast %add3A_320 : i32 to vector<16xi32>
      %add3A_322 = arith.addi %add3A_271, %add3A_321 : vector<16xi32>
      %gather3A_323 = tpu.vector_load_idx %arg14[%add3A_322] : memref<2176xf32, #tpu.memory_space<vmem>>[vector<16xi32>], vector<16xf32>,
      %add3A_324 = arith.constant 768 : i32
      %add3A_325 = arith.addi %mul3A_273, %add3A_324 : i32
      %swap3A_326 = arith.index_cast %add3A_325 : i32 to index
      %swap3A_327 = tpu.vector_load %arg12[%swap3A_326] {strides = array<i32>} : memref<2048xf32, #tpu.memory_space<vmem>>, vector<16xf32>,
      tpu.vector_store %arg12[%swap3A_326], %gather3A_323 {strides = array<i32>} : memref<2048xf32, #tpu.memory_space<vmem>>, vector<16xf32>,
      %add3A_328 = arith.constant 7 : i32
      %add3A_329 = vector.broadcast %add3A_328 : i32 to vector<16xi32>
      %add3A_330 = arith.addi %add3A_271, %add3A_329 : vector<16xi32>
      %gather3A_331 = tpu.vector_load_idx %arg14[%add3A_330] : memref<2176xf32, #tpu.memory_space<vmem>>[vector<16xi32>], vector<16xf32>,
      %add3A_332 = arith.constant 896 : i32
      %add3A_333 = arith.addi %mul3A_273, %add3A_332 : i32
      %swap3A_334 = arith.index_cast %add3A_333 : i32 to index
      %swap3A_335 = tpu.vector_load %arg12[%swap3A_334] {strides = array<i32>} : memref<2048xf32, #tpu.memory_space<vmem>>, vector<16xf32>,
      tpu.vector_store %arg12[%swap3A_334], %gather3A_331 {strides = array<i32>} : memref<2048xf32, #tpu.memory_space<vmem>>, vector<16xf32>,
      %add3A_336 = arith.constant 8 : i32
      %add3A_337 = vector.broadcast %add3A_336 : i32 to vector<16xi32>
      %add3A_338 = arith.addi %add3A_271, %add3A_337 : vector<16xi32>
      %gather3A_339 = tpu.vector_load_idx %arg14[%add3A_338] : memref<2176xf32, #tpu.memory_space<vmem>>[vector<16xi32>], vector<16xf32>,
      %add3A_340 = arith.constant 1024 : i32
      %add3A_341 = arith.addi %mul3A_273, %add3A_340 : i32
      %swap3A_342 = arith.index_cast %add3A_341 : i32 to index
      %swap3A_343 = tpu.vector_load %arg12[%swap3A_342] {strides = array<i32>} : memref<2048xf32, #tpu.memory_space<vmem>>, vector<16xf32>,
      tpu.vector_store %arg12[%swap3A_342], %gather3A_339 {strides = array<i32>} : memref<2048xf32, #tpu.memory_space<vmem>>, vector<16xf32>,
      %add3A_344 = arith.constant 9 : i32
      %add3A_345 = vector.broadcast %add3A_344 : i32 to vector<16xi32>
      %add3A_346 = arith.addi %add3A_271, %add3A_345 : vector<16xi32>
      %gather3A_347 = tpu.vector_load_idx %arg14[%add3A_346] : memref<2176xf32, #tpu.memory_space<vmem>>[vector<16xi32>], vector<16xf32>,
      %add3A_348 = arith.constant 1152 : i32
      %add3A_349 = arith.addi %mul3A_273, %add3A_348 : i32
      %swap3A_350 = arith.index_cast %add3A_349 : i32 to index
      %swap3A_351 = tpu.vector_load %arg12[%swap3A_350] {strides = array<i32>} : memref<2048xf32, #tpu.memory_space<vmem>>, vector<16xf32>,
      tpu.vector_store %arg12[%swap3A_350], %gather3A_347 {strides = array<i32>} : memref<2048xf32, #tpu.memory_space<vmem>>, vector<16xf32>,
      %add3A_352 = arith.constant 10 : i32
      %add3A_353 = vector.broadcast %add3A_352 : i32 to vector<16xi32>
      %add3A_354 = arith.addi %add3A_271, %add3A_353 : vector<16xi32>
      %gather3A_355 = tpu.vector_load_idx %arg14[%add3A_354] : memref<2176xf32, #tpu.memory_space<vmem>>[vector<16xi32>], vector<16xf32>,
      %add3A_356 = arith.constant 1280 : i32
      %add3A_357 = arith.addi %mul3A_273, %add3A_356 : i32
      %swap3A_358 = arith.index_cast %add3A_357 : i32 to index
      %swap3A_359 = tpu.vector_load %arg12[%swap3A_358] {strides = array<i32>} : memref<2048xf32, #tpu.memory_space<vmem>>, vector<16xf32>,
      tpu.vector_store %arg12[%swap3A_358], %gather3A_355 {strides = array<i32>} : memref<2048xf32, #tpu.memory_space<vmem>>, vector<16xf32>,
      %add3A_360 = arith.constant 11 : i32
      %add3A_361 = vector.broadcast %add3A_360 : i32 to vector<16xi32>
      %add3A_362 = arith.addi %add3A_271, %add3A_361 : vector<16xi32>
      %gather3A_363 = tpu.vector_load_idx %arg14[%add3A_362] : memref<2176xf32, #tpu.memory_space<vmem>>[vector<16xi32>], vector<16xf32>,
      %add3A_364 = arith.constant 1408 : i32
      %add3A_365 = arith.addi %mul3A_273, %add3A_364 : i32
      %swap3A_366 = arith.index_cast %add3A_365 : i32 to index
      %swap3A_367 = tpu.vector_load %arg12[%swap3A_366] {strides = array<i32>} : memref<2048xf32, #tpu.memory_space<vmem>>, vector<16xf32>,
      tpu.vector_store %arg12[%swap3A_366], %gather3A_363 {strides = array<i32>} : memref<2048xf32, #tpu.memory_space<vmem>>, vector<16xf32>,
      %add3A_368 = arith.constant 12 : i32
      %add3A_369 = vector.broadcast %add3A_368 : i32 to vector<16xi32>
      %add3A_370 = arith.addi %add3A_271, %add3A_369 : vector<16xi32>
      %gather3A_371 = tpu.vector_load_idx %arg14[%add3A_370] : memref<2176xf32, #tpu.memory_space<vmem>>[vector<16xi32>], vector<16xf32>,
      %add3A_372 = arith.constant 1536 : i32
      %add3A_373 = arith.addi %mul3A_273, %add3A_372 : i32
      %swap3A_374 = arith.index_cast %add3A_373 : i32 to index
      %swap3A_375 = tpu.vector_load %arg12[%swap3A_374] {strides = array<i32>} : memref<2048xf32, #tpu.memory_space<vmem>>, vector<16xf32>,
      tpu.vector_store %arg12[%swap3A_374], %gather3A_371 {strides = array<i32>} : memref<2048xf32, #tpu.memory_space<vmem>>, vector<16xf32>,
      %add3A_376 = arith.constant 13 : i32
      %add3A_377 = vector.broadcast %add3A_376 : i32 to vector<16xi32>
      %add3A_378 = arith.addi %add3A_271, %add3A_377 : vector<16xi32>
      %gather3A_379 = tpu.vector_load_idx %arg14[%add3A_378] : memref<2176xf32, #tpu.memory_space<vmem>>[vector<16xi32>], vector<16xf32>,
      %add3A_380 = arith.constant 1664 : i32
      %add3A_381 = arith.addi %mul3A_273, %add3A_380 : i32
      %swap3A_382 = arith.index_cast %add3A_381 : i32 to index
      %swap3A_383 = tpu.vector_load %arg12[%swap3A_382] {strides = array<i32>} : memref<2048xf32, #tpu.memory_space<vmem>>, vector<16xf32>,
      tpu.vector_store %arg12[%swap3A_382], %gather3A_379 {strides = array<i32>} : memref<2048xf32, #tpu.memory_space<vmem>>, vector<16xf32>,
      %add3A_384 = arith.constant 14 : i32
      %add3A_385 = vector.broadcast %add3A_384 : i32 to vector<16xi32>
      %add3A_386 = arith.addi %add3A_271, %add3A_385 : vector<16xi32>
      %gather3A_387 = tpu.vector_load_idx %arg14[%add3A_386] : memref<2176xf32, #tpu.memory_space<vmem>>[vector<16xi32>], vector<16xf32>,
      %add3A_388 = arith.constant 1792 : i32
      %add3A_389 = arith.addi %mul3A_273, %add3A_388 : i32
      %swap3A_390 = arith.index_cast %add3A_389 : i32 to index
      %swap3A_391 = tpu.vector_load %arg12[%swap3A_390] {strides = array<i32>} : memref<2048xf32, #tpu.memory_space<vmem>>, vector<16xf32>,
      tpu.vector_store %arg12[%swap3A_390], %gather3A_387 {strides = array<i32>} : memref<2048xf32, #tpu.memory_space<vmem>>, vector<16xf32>,
      %add3A_392 = arith.constant 15 : i32
      %add3A_393 = vector.broadcast %add3A_392 : i32 to vector<16xi32>
      %add3A_394 = arith.addi %add3A_271, %add3A_393 : vector<16xi32>
      %gather3A_395 = tpu.vector_load_idx %arg14[%add3A_394] : memref<2176xf32, #tpu.memory_space<vmem>>[vector<16xi32>], vector<16xf32>,
      %add3A_396 = arith.constant 1920 : i32
      %add3A_397 = arith.addi %mul3A_273, %add3A_396 : i32
      %swap3A_398 = arith.index_cast %add3A_397 : i32 to index
      %swap3A_399 = tpu.vector_load %arg12[%swap3A_398] {strides = array<i32>} : memref<2048xf32, #tpu.memory_space<vmem>>, vector<16xf32>,
      tpu.vector_store %arg12[%swap3A_398], %gather3A_395 {strides = array<i32>} : memref<2048xf32, #tpu.memory_space<vmem>>, vector<16xf32>,
    }
    %scan3A_119 = arith.constant 8 : i32
    %add3A_120 = arith.constant 1 : i32
    %add3A_121 = arith.addi %mul3A_2, %add3A_120 : i32
    %mul3A_122 = arith.constant 1024 : i32
    %mul3A_123 = arith.muli %add3A_121, %mul3A_122 : i32
    %dma_start3A_124 = arith.constant 0 : i32
    %dma_start3A_125 = tpu.memref_slice %arg12[%dma_start3A_124] : memref<2048xf32, #tpu.memory_space<vmem>> -> memref<1024xf32, #tpu.memory_space<vmem>>
    %dma_start3A_126 = tpu.memref_slice %arg4[%mul3A_123] : memref<5120000xf32, #tpu.memory_space<hbm>> -> memref<1024xf32, #tpu.memory_space<hbm>>
    %dma_start3A_127 = tpu.memref_slice %arg4[%mul3A_123] : memref<5120000xf32, #tpu.memory_space<hbm>> -> memref<1024xf32, #tpu.memory_space<hbm>>
    %dma_start3A_128 = arith.constant 0 : i32
    %dma_start3A_129 = tpu.memref_slice %arg12[%dma_start3A_128] : memref<2048xf32, #tpu.memory_space<vmem>> -> memref<1024xf32, #tpu.memory_space<vmem>>
    tpu.enqueue_dma source(%dma_start3A_129 : memref<1024xf32, #tpu.memory_space<vmem>>) target(%dma_start3A_127 : memref<1024xf32, #tpu.memory_space<hbm>>) target_semaphore(%arg18 : memref<!tpu.dma_semaphore, #tpu.memory_space<semaphore_mem>>)
    %mul3A_130 = arith.constant 1024 : i32
    %mul3A_131 = arith.muli %add3A_121, %mul3A_130 : i32
    %add3A_132 = arith.constant 2560000 : i32
    %add3A_133 = arith.addi %add3A_132, %mul3A_131 : i32
    %dma_start3A_134 = arith.constant 1024 : i32
    %dma_start3A_135 = tpu.memref_slice %arg12[%dma_start3A_134] : memref<2048xf32, #tpu.memory_space<vmem>> -> memref<1024xf32, #tpu.memory_space<vmem>>
    %dma_start3A_136 = tpu.memref_slice %arg4[%add3A_133] : memref<5120000xf32, #tpu.memory_space<hbm>> -> memref<1024xf32, #tpu.memory_space<hbm>>
    %dma_start3A_137 = tpu.memref_slice %arg4[%add3A_133] : memref<5120000xf32, #tpu.memory_space<hbm>> -> memref<1024xf32, #tpu.memory_space<hbm>>
    %dma_start3A_138 = arith.constant 1024 : i32
    %dma_start3A_139 = tpu.memref_slice %arg12[%dma_start3A_138] : memref<2048xf32, #tpu.memory_space<vmem>> -> memref<1024xf32, #tpu.memory_space<vmem>>
    tpu.enqueue_dma source(%dma_start3A_139 : memref<1024xf32, #tpu.memory_space<vmem>>) target(%dma_start3A_137 : memref<1024xf32, #tpu.memory_space<hbm>>) target_semaphore(%arg18 : memref<!tpu.dma_semaphore, #tpu.memory_space<semaphore_mem>>)
    %dma_start3A_140 = arith.constant 3 : i32
    %dma_start3A_141 = arith.constant 0 : i32
    %dma_start3A_142 = arith.constant 0 : i32
    %dma_start3A_143 = tpu.memref_slice %arg5[%dma_start3A_140, %dma_start3A_141, %dma_start3A_142] : memref<78x2x128xi32, #tpu.memory_space<vmem>> -> memref<1x1x128xi32, #tpu.memory_space<vmem>>
    %dma_start3A_144 = tpu.memref_squeeze %dma_start3A_143 : memref<1x1x128xi32, #tpu.memory_space<vmem>> -> memref<128xi32, #tpu.memory_space<vmem>>
    %dma_start3A_145 = arith.constant 0 : i32
    %dma_start3A_146 = arith.constant 0 : i32
    %dma_start3A_147 = tpu.memref_slice %arg2[%dma_start3A_145, %dma_start3A_146] : memref<80000x16xf32, #tpu.memory_space<hbm>> -> memref<80000x16xf32, #tpu.memory_space<hbm>>
    tpu.enqueue_indirect_dma source(%dma_start3A_147 : memref<80000x16xf32, #tpu.memory_space<hbm>>) target(%arg8 : memref<128x16xf32, #tpu.memory_space<vmem>>) offsets(%dma_start3A_144 : memref<128xi32, #tpu.memory_space<vmem>>) semaphore(%arg16 : memref<!tpu.dma_semaphore, #tpu.memory_space<semaphore_mem>>)
    %dma_start3A_148 = arith.constant 3 : i32
    %dma_start3A_149 = arith.constant 1 : i32
    %dma_start3A_150 = arith.constant 0 : i32
    %dma_start3A_151 = tpu.memref_slice %arg5[%dma_start3A_148, %dma_start3A_149, %dma_start3A_150] : memref<78x2x128xi32, #tpu.memory_space<vmem>> -> memref<1x1x128xi32, #tpu.memory_space<vmem>>
    %dma_start3A_152 = tpu.memref_squeeze %dma_start3A_151 : memref<1x1x128xi32, #tpu.memory_space<vmem>> -> memref<128xi32, #tpu.memory_space<vmem>>
    %dma_start3A_153 = arith.constant 0 : i32
    %dma_start3A_154 = arith.constant 0 : i32
    %dma_start3A_155 = tpu.memref_slice %arg2[%dma_start3A_153, %dma_start3A_154] : memref<80000x16xf32, #tpu.memory_space<hbm>> -> memref<80000x16xf32, #tpu.memory_space<hbm>>
    tpu.enqueue_indirect_dma source(%dma_start3A_155 : memref<80000x16xf32, #tpu.memory_space<hbm>>) target(%arg10 : memref<128x16xf32, #tpu.memory_space<vmem>>) offsets(%dma_start3A_152 : memref<128xi32, #tpu.memory_space<vmem>>) semaphore(%arg16 : memref<!tpu.dma_semaphore, #tpu.memory_space<semaphore_mem>>)
    %scan3A_156 = arith.constant 0 : i32
    %scan3A_157 = arith.constant 37 : i32
    %scan3A_158 = arith.addi %scan3A_156, %scan3A_157 : i32
    %scan3A_159 = arith.constant 1 : i32
    scf.for %scan3A_263 = %scan3A_156 to %scan3A_158 step %scan3A_159  : i32 {
      %mul3A_264 = arith.constant 2 : i32
      %mul3A_265 = arith.muli %scan3A_263, %mul3A_264 : i32
      %add3A_266 = arith.constant 2 : i32
      %add3A_267 = arith.addi %add3A_266, %mul3A_265 : i32
      %add3A_268 = arith.constant 0 : i32
      %add3A_269 = arith.addi %add3A_267, %add3A_268 : i32
      %dma_wait3A_270 = arith.constant 0 : i32
      %dma_wait3A_271 = arith.constant 0 : i32
      %dma_wait3A_272 = tpu.memref_slice %arg2[%dma_wait3A_270, %dma_wait3A_271] : memref<80000x16xf32, #tpu.memory_space<hbm>> -> memref<128x16xf32, #tpu.memory_space<hbm>>
      %dma_wait3A_273 = arith.constant 0 : i32
      %dma_wait3A_274 = arith.constant 0 : i32
      %dma_wait3A_275 = tpu.memref_slice %arg2[%dma_wait3A_273, %dma_wait3A_274] : memref<80000x16xf32, #tpu.memory_space<hbm>> -> memref<128x16xf32, #tpu.memory_space<hbm>>
      tpu.wait_dma2 semaphore(%arg15 : memref<!tpu.dma_semaphore, #tpu.memory_space<semaphore_mem>>) src(%dma_wait3A_275 : memref<128x16xf32, #tpu.memory_space<hbm>>) dst(%arg7 : memref<128x16xf32, #tpu.memory_space<vmem>>)
      %dma_wait3A_276 = arith.constant 0 : i32
      %dma_wait3A_277 = arith.constant 0 : i32
      %dma_wait3A_278 = tpu.memref_slice %arg2[%dma_wait3A_276, %dma_wait3A_277] : memref<80000x16xf32, #tpu.memory_space<hbm>> -> memref<128x16xf32, #tpu.memory_space<hbm>>
      %dma_wait3A_279 = arith.constant 0 : i32
      %dma_wait3A_280 = arith.constant 0 : i32
      %dma_wait3A_281 = tpu.memref_slice %arg2[%dma_wait3A_279, %dma_wait3A_280] : memref<80000x16xf32, #tpu.memory_space<hbm>> -> memref<128x16xf32, #tpu.memory_space<hbm>>
      tpu.wait_dma2 semaphore(%arg15 : memref<!tpu.dma_semaphore, #tpu.memory_space<semaphore_mem>>) src(%dma_wait3A_281 : memref<128x16xf32, #tpu.memory_space<hbm>>) dst(%arg9 : memref<128x16xf32, #tpu.memory_space<vmem>>)
      %dma_wait3A_282 = arith.constant 0 : i32
      %dma_wait3A_283 = tpu.memref_slice %arg4[%dma_wait3A_282] : memref<5120000xf32, #tpu.memory_space<hbm>> -> memref<2048xf32, #tpu.memory_space<hbm>>
      %dma_wait3A_284 = arith.constant 0 : i32
      %dma_wait3A_285 = tpu.memref_slice %arg4[%dma_wait3A_284] : memref<5120000xf32, #tpu.memory_space<hbm>> -> memref<2048xf32, #tpu.memory_space<hbm>>
      tpu.wait_dma2 semaphore(%arg17 : memref<!tpu.dma_semaphore, #tpu.memory_space<semaphore_mem>>) src(%arg11 : memref<2048xf32, #tpu.memory_space<vmem>>) dst(%dma_wait3A_285 : memref<2048xf32, #tpu.memory_space<hbm>>)
      %scan3A_286 = arith.constant 0 : i32
      %scan3A_287 = arith.constant 128 : i32
      %scan3A_288 = arith.addi %scan3A_286, %scan3A_287 : i32
      %scan3A_289 = arith.constant 8 : i32
      scf.for %scan3A_394 = %scan3A_286 to %scan3A_288 step %scan3A_289  : i32 {
        %mul3A_395 = arith.constant 1 : i32
        %mul3A_396 = arith.muli %scan3A_394, %mul3A_395 : i32
        %add3A_397 = arith.constant 0 : i32
        %add3A_398 = arith.addi %add3A_397, %mul3A_396 : i32
        %get3A = arith.index_cast %add3A_398 : i32 to index
        %get3A_399 = arith.constant 0 : index
        %get3A_400 = tpu.vector_load %arg7[%get3A, %get3A_399] {strides = array<i32>} : memref<128x16xf32, #tpu.memory_space<vmem>>, vector<16xf32>,
        %get3A_401 = arith.index_cast %add3A_398 : i32 to index
        %get3A_402 = arith.constant 0 : index
        %get3A_403 = tpu.vector_load %arg9[%get3A_401, %get3A_402] {strides = array<i32>} : memref<128x16xf32, #tpu.memory_space<vmem>>, vector<16xf32>,
        %add3A_404 = arith.addf %get3A_400, %get3A_403 : vector<16xf32>
        %mul3A_405 = arith.constant 17 : i32
        %mul3A_406 = arith.muli %add3A_398, %mul3A_405 : i32
        %swap3A = arith.index_cast %mul3A_406 : i32 to index
        %swap3A_407 = tpu.vector_load %arg13[%swap3A] {strides = array<i32>} : memref<2176xf32, #tpu.memory_space<vmem>>, vector<16xf32>,
        tpu.vector_store %arg13[%swap3A], %add3A_404 {strides = array<i32>} : memref<2176xf32, #tpu.memory_space<vmem>>, vector<16xf32>,
        %scan3A_408 = arith.constant 1 : i32
        %scan3A_409 = arith.addi %scan3A_394, %scan3A_408 : i32
        %mul3A_410 = arith.constant 1 : i32
        %mul3A_411 = arith.muli %scan3A_409, %mul3A_410 : i32
        %add3A_412 = arith.constant 0 : i32
        %add3A_413 = arith.addi %add3A_412, %mul3A_411 : i32
        %get3A_414 = arith.index_cast %add3A_413 : i32 to index
        %get3A_415 = arith.constant 0 : index
        %get3A_416 = tpu.vector_load %arg7[%get3A_414, %get3A_415] {strides = array<i32>} : memref<128x16xf32, #tpu.memory_space<vmem>>, vector<16xf32>,
        %get3A_417 = arith.index_cast %add3A_413 : i32 to index
        %get3A_418 = arith.constant 0 : index
        %get3A_419 = tpu.vector_load %arg9[%get3A_417, %get3A_418] {strides = array<i32>} : memref<128x16xf32, #tpu.memory_space<vmem>>, vector<16xf32>,
        %add3A_420 = arith.addf %get3A_416, %get3A_419 : vector<16xf32>
        %mul3A_421 = arith.constant 17 : i32
        %mul3A_422 = arith.muli %add3A_413, %mul3A_421 : i32
        %swap3A_423 = arith.index_cast %mul3A_422 : i32 to index
        %swap3A_424 = tpu.vector_load %arg13[%swap3A_423] {strides = array<i32>} : memref<2176xf32, #tpu.memory_space<vmem>>, vector<16xf32>,
        tpu.vector_store %arg13[%swap3A_423], %add3A_420 {strides = array<i32>} : memref<2176xf32, #tpu.memory_space<vmem>>, vector<16xf32>,
        %scan3A_425 = arith.constant 2 : i32
        %scan3A_426 = arith.addi %scan3A_394, %scan3A_425 : i32
        %mul3A_427 = arith.constant 1 : i32
        %mul3A_428 = arith.muli %scan3A_426, %mul3A_427 : i32
        %add3A_429 = arith.constant 0 : i32
        %add3A_430 = arith.addi %add3A_429, %mul3A_428 : i32
        %get3A_431 = arith.index_cast %add3A_430 : i32 to index
        %get3A_432 = arith.constant 0 : index
        %get3A_433 = tpu.vector_load %arg7[%get3A_431, %get3A_432] {strides = array<i32>} : memref<128x16xf32, #tpu.memory_space<vmem>>, vector<16xf32>,
        %get3A_434 = arith.index_cast %add3A_430 : i32 to index
        %get3A_435 = arith.constant 0 : index
        %get3A_436 = tpu.vector_load %arg9[%get3A_434, %get3A_435] {strides = array<i32>} : memref<128x16xf32, #tpu.memory_space<vmem>>, vector<16xf32>,
        %add3A_437 = arith.addf %get3A_433, %get3A_436 : vector<16xf32>
        %mul3A_438 = arith.constant 17 : i32
        %mul3A_439 = arith.muli %add3A_430, %mul3A_438 : i32
        %swap3A_440 = arith.index_cast %mul3A_439 : i32 to index
        %swap3A_441 = tpu.vector_load %arg13[%swap3A_440] {strides = array<i32>} : memref<2176xf32, #tpu.memory_space<vmem>>, vector<16xf32>,
        tpu.vector_store %arg13[%swap3A_440], %add3A_437 {strides = array<i32>} : memref<2176xf32, #tpu.memory_space<vmem>>, vector<16xf32>,
        %scan3A_442 = arith.constant 3 : i32
        %scan3A_443 = arith.addi %scan3A_394, %scan3A_442 : i32
        %mul3A_444 = arith.constant 1 : i32
        %mul3A_445 = arith.muli %scan3A_443, %mul3A_444 : i32
        %add3A_446 = arith.constant 0 : i32
        %add3A_447 = arith.addi %add3A_446, %mul3A_445 : i32
        %get3A_448 = arith.index_cast %add3A_447 : i32 to index
        %get3A_449 = arith.constant 0 : index
        %get3A_450 = tpu.vector_load %arg7[%get3A_448, %get3A_449] {strides = array<i32>} : memref<128x16xf32, #tpu.memory_space<vmem>>, vector<16xf32>,
        %get3A_451 = arith.index_cast %add3A_447 : i32 to index
        %get3A_452 = arith.constant 0 : index
        %get3A_453 = tpu.vector_load %arg9[%get3A_451, %get3A_452] {strides = array<i32>} : memref<128x16xf32, #tpu.memory_space<vmem>>, vector<16xf32>,
        %add3A_454 = arith.addf %get3A_450, %get3A_453 : vector<16xf32>
        %mul3A_455 = arith.constant 17 : i32
        %mul3A_456 = arith.muli %add3A_447, %mul3A_455 : i32
        %swap3A_457 = arith.index_cast %mul3A_456 : i32 to index
        %swap3A_458 = tpu.vector_load %arg13[%swap3A_457] {strides = array<i32>} : memref<2176xf32, #tpu.memory_space<vmem>>, vector<16xf32>,
        tpu.vector_store %arg13[%swap3A_457], %add3A_454 {strides = array<i32>} : memref<2176xf32, #tpu.memory_space<vmem>>, vector<16xf32>,
        %scan3A_459 = arith.constant 4 : i32
        %scan3A_460 = arith.addi %scan3A_394, %scan3A_459 : i32
        %mul3A_461 = arith.constant 1 : i32
        %mul3A_462 = arith.muli %scan3A_460, %mul3A_461 : i32
        %add3A_463 = arith.constant 0 : i32
        %add3A_464 = arith.addi %add3A_463, %mul3A_462 : i32
        %get3A_465 = arith.index_cast %add3A_464 : i32 to index
        %get3A_466 = arith.constant 0 : index
        %get3A_467 = tpu.vector_load %arg7[%get3A_465, %get3A_466] {strides = array<i32>} : memref<128x16xf32, #tpu.memory_space<vmem>>, vector<16xf32>,
        %get3A_468 = arith.index_cast %add3A_464 : i32 to index
        %get3A_469 = arith.constant 0 : index
        %get3A_470 = tpu.vector_load %arg9[%get3A_468, %get3A_469] {strides = array<i32>} : memref<128x16xf32, #tpu.memory_space<vmem>>, vector<16xf32>,
        %add3A_471 = arith.addf %get3A_467, %get3A_470 : vector<16xf32>
        %mul3A_472 = arith.constant 17 : i32
        %mul3A_473 = arith.muli %add3A_464, %mul3A_472 : i32
        %swap3A_474 = arith.index_cast %mul3A_473 : i32 to index
        %swap3A_475 = tpu.vector_load %arg13[%swap3A_474] {strides = array<i32>} : memref<2176xf32, #tpu.memory_space<vmem>>, vector<16xf32>,
        tpu.vector_store %arg13[%swap3A_474], %add3A_471 {strides = array<i32>} : memref<2176xf32, #tpu.memory_space<vmem>>, vector<16xf32>,
        %scan3A_476 = arith.constant 5 : i32
        %scan3A_477 = arith.addi %scan3A_394, %scan3A_476 : i32
        %mul3A_478 = arith.constant 1 : i32
        %mul3A_479 = arith.muli %scan3A_477, %mul3A_478 : i32
        %add3A_480 = arith.constant 0 : i32
        %add3A_481 = arith.addi %add3A_480, %mul3A_479 : i32
        %get3A_482 = arith.index_cast %add3A_481 : i32 to index
        %get3A_483 = arith.constant 0 : index
        %get3A_484 = tpu.vector_load %arg7[%get3A_482, %get3A_483] {strides = array<i32>} : memref<128x16xf32, #tpu.memory_space<vmem>>, vector<16xf32>,
        %get3A_485 = arith.index_cast %add3A_481 : i32 to index
        %get3A_486 = arith.constant 0 : index
        %get3A_487 = tpu.vector_load %arg9[%get3A_485, %get3A_486] {strides = array<i32>} : memref<128x16xf32, #tpu.memory_space<vmem>>, vector<16xf32>,
        %add3A_488 = arith.addf %get3A_484, %get3A_487 : vector<16xf32>
        %mul3A_489 = arith.constant 17 : i32
        %mul3A_490 = arith.muli %add3A_481, %mul3A_489 : i32
        %swap3A_491 = arith.index_cast %mul3A_490 : i32 to index
        %swap3A_492 = tpu.vector_load %arg13[%swap3A_491] {strides = array<i32>} : memref<2176xf32, #tpu.memory_space<vmem>>, vector<16xf32>,
        tpu.vector_store %arg13[%swap3A_491], %add3A_488 {strides = array<i32>} : memref<2176xf32, #tpu.memory_space<vmem>>, vector<16xf32>,
        %scan3A_493 = arith.constant 6 : i32
        %scan3A_494 = arith.addi %scan3A_394, %scan3A_493 : i32
        %mul3A_495 = arith.constant 1 : i32
        %mul3A_496 = arith.muli %scan3A_494, %mul3A_495 : i32
        %add3A_497 = arith.constant 0 : i32
        %add3A_498 = arith.addi %add3A_497, %mul3A_496 : i32
        %get3A_499 = arith.index_cast %add3A_498 : i32 to index
        %get3A_500 = arith.constant 0 : index
        %get3A_501 = tpu.vector_load %arg7[%get3A_499, %get3A_500] {strides = array<i32>} : memref<128x16xf32, #tpu.memory_space<vmem>>, vector<16xf32>,
        %get3A_502 = arith.index_cast %add3A_498 : i32 to index
        %get3A_503 = arith.constant 0 : index
        %get3A_504 = tpu.vector_load %arg9[%get3A_502, %get3A_503] {strides = array<i32>} : memref<128x16xf32, #tpu.memory_space<vmem>>, vector<16xf32>,
        %add3A_505 = arith.addf %get3A_501, %get3A_504 : vector<16xf32>
        %mul3A_506 = arith.constant 17 : i32
        %mul3A_507 = arith.muli %add3A_498, %mul3A_506 : i32
        %swap3A_508 = arith.index_cast %mul3A_507 : i32 to index
        %swap3A_509 = tpu.vector_load %arg13[%swap3A_508] {strides = array<i32>} : memref<2176xf32, #tpu.memory_space<vmem>>, vector<16xf32>,
        tpu.vector_store %arg13[%swap3A_508], %add3A_505 {strides = array<i32>} : memref<2176xf32, #tpu.memory_space<vmem>>, vector<16xf32>,
        %scan3A_510 = arith.constant 7 : i32
        %scan3A_511 = arith.addi %scan3A_394, %scan3A_510 : i32
        %mul3A_512 = arith.constant 1 : i32
        %mul3A_513 = arith.muli %scan3A_511, %mul3A_512 : i32
        %add3A_514 = arith.constant 0 : i32
        %add3A_515 = arith.addi %add3A_514, %mul3A_513 : i32
        %get3A_516 = arith.index_cast %add3A_515 : i32 to index
        %get3A_517 = arith.constant 0 : index
        %get3A_518 = tpu.vector_load %arg7[%get3A_516, %get3A_517] {strides = array<i32>} : memref<128x16xf32, #tpu.memory_space<vmem>>, vector<16xf32>,
        %get3A_519 = arith.index_cast %add3A_515 : i32 to index
        %get3A_520 = arith.constant 0 : index
        %get3A_521 = tpu.vector_load %arg9[%get3A_519, %get3A_520] {strides = array<i32>} : memref<128x16xf32, #tpu.memory_space<vmem>>, vector<16xf32>,
        %add3A_522 = arith.addf %get3A_518, %get3A_521 : vector<16xf32>
        %mul3A_523 = arith.constant 17 : i32
        %mul3A_524 = arith.muli %add3A_515, %mul3A_523 : i32
        %swap3A_525 = arith.index_cast %mul3A_524 : i32 to index
        %swap3A_526 = tpu.vector_load %arg13[%swap3A_525] {strides = array<i32>} : memref<2176xf32, #tpu.memory_space<vmem>>, vector<16xf32>,
        tpu.vector_store %arg13[%swap3A_525], %add3A_522 {strides = array<i32>} : memref<2176xf32, #tpu.memory_space<vmem>>, vector<16xf32>,
      }
      %scan3A_290 = arith.constant 128 : i32
      %scan3A_291 = arith.constant 0 : i32
      %scan3A_292 = arith.constant 8 : i32
      %scan3A_293 = arith.addi %scan3A_291, %scan3A_292 : i32
      %scan3A_294 = arith.constant 1 : i32
      scf.for %scan3A_394 = %scan3A_291 to %scan3A_293 step %scan3A_294  : i32 {
        %mul3A_395 = arith.constant 1 : i32
        %mul3A_396 = arith.muli %scan3A_394, %mul3A_395 : i32
        %add3A_397 = arith.constant 0 : i32
        %add3A_398 = arith.addi %add3A_397, %mul3A_396 : i32
        %mul3A_399 = arith.constant 272 : i32
        %mul3A_400 = arith.muli %add3A_398, %mul3A_399 : i32
        %add3A_401 = vector.broadcast %mul3A_400 : i32 to vector<16xi32>
        %add3A_402 = arith.addi %mul3A_9, %add3A_401 : vector<16xi32>
        %mul3A_403 = arith.constant 16 : i32
        %mul3A_404 = arith.muli %add3A_398, %mul3A_403 : i32
        %add3A_405 = arith.constant 0 : i32
        %add3A_406 = vector.broadcast %add3A_405 : i32 to vector<16xi32>
        %add3A_407 = arith.addi %add3A_402, %add3A_406 : vector<16xi32>
        %gather3A = tpu.vector_load_idx %arg13[%add3A_407] : memref<2176xf32, #tpu.memory_space<vmem>>[vector<16xi32>], vector<16xf32>,
        %add3A_408 = arith.constant 0 : i32
        %add3A_409 = arith.addi %mul3A_404, %add3A_408 : i32
        %swap3A = arith.index_cast %add3A_409 : i32 to index
        %swap3A_410 = tpu.vector_load %arg11[%swap3A] {strides = array<i32>} : memref<2048xf32, #tpu.memory_space<vmem>>, vector<16xf32>,
        tpu.vector_store %arg11[%swap3A], %gather3A {strides = array<i32>} : memref<2048xf32, #tpu.memory_space<vmem>>, vector<16xf32>,
        %add3A_411 = arith.constant 1 : i32
        %add3A_412 = vector.broadcast %add3A_411 : i32 to vector<16xi32>
        %add3A_413 = arith.addi %add3A_402, %add3A_412 : vector<16xi32>
        %gather3A_414 = tpu.vector_load_idx %arg13[%add3A_413] : memref<2176xf32, #tpu.memory_space<vmem>>[vector<16xi32>], vector<16xf32>,
        %add3A_415 = arith.constant 128 : i32
        %add3A_416 = arith.addi %mul3A_404, %add3A_415 : i32
        %swap3A_417 = arith.index_cast %add3A_416 : i32 to index
        %swap3A_418 = tpu.vector_load %arg11[%swap3A_417] {strides = array<i32>} : memref<2048xf32, #tpu.memory_space<vmem>>, vector<16xf32>,
        tpu.vector_store %arg11[%swap3A_417], %gather3A_414 {strides = array<i32>} : memref<2048xf32, #tpu.memory_space<vmem>>, vector<16xf32>,
        %add3A_419 = arith.constant 2 : i32
        %add3A_420 = vector.broadcast %add3A_419 : i32 to vector<16xi32>
        %add3A_421 = arith.addi %add3A_402, %add3A_420 : vector<16xi32>
        %gather3A_422 = tpu.vector_load_idx %arg13[%add3A_421] : memref<2176xf32, #tpu.memory_space<vmem>>[vector<16xi32>], vector<16xf32>,
        %add3A_423 = arith.constant 256 : i32
        %add3A_424 = arith.addi %mul3A_404, %add3A_423 : i32
        %swap3A_425 = arith.index_cast %add3A_424 : i32 to index
        %swap3A_426 = tpu.vector_load %arg11[%swap3A_425] {strides = array<i32>} : memref<2048xf32, #tpu.memory_space<vmem>>, vector<16xf32>,
        tpu.vector_store %arg11[%swap3A_425], %gather3A_422 {strides = array<i32>} : memref<2048xf32, #tpu.memory_space<vmem>>, vector<16xf32>,
        %add3A_427 = arith.constant 3 : i32
        %add3A_428 = vector.broadcast %add3A_427 : i32 to vector<16xi32>
        %add3A_429 = arith.addi %add3A_402, %add3A_428 : vector<16xi32>
        %gather3A_430 = tpu.vector_load_idx %arg13[%add3A_429] : memref<2176xf32, #tpu.memory_space<vmem>>[vector<16xi32>], vector<16xf32>,
        %add3A_431 = arith.constant 384 : i32
        %add3A_432 = arith.addi %mul3A_404, %add3A_431 : i32
        %swap3A_433 = arith.index_cast %add3A_432 : i32 to index
        %swap3A_434 = tpu.vector_load %arg11[%swap3A_433] {strides = array<i32>} : memref<2048xf32, #tpu.memory_space<vmem>>, vector<16xf32>,
        tpu.vector_store %arg11[%swap3A_433], %gather3A_430 {strides = array<i32>} : memref<2048xf32, #tpu.memory_space<vmem>>, vector<16xf32>,
        %add3A_435 = arith.constant 4 : i32
        %add3A_436 = vector.broadcast %add3A_435 : i32 to vector<16xi32>
        %add3A_437 = arith.addi %add3A_402, %add3A_436 : vector<16xi32>
        %gather3A_438 = tpu.vector_load_idx %arg13[%add3A_437] : memref<2176xf32, #tpu.memory_space<vmem>>[vector<16xi32>], vector<16xf32>,
        %add3A_439 = arith.constant 512 : i32
        %add3A_440 = arith.addi %mul3A_404, %add3A_439 : i32
        %swap3A_441 = arith.index_cast %add3A_440 : i32 to index
        %swap3A_442 = tpu.vector_load %arg11[%swap3A_441] {strides = array<i32>} : memref<2048xf32, #tpu.memory_space<vmem>>, vector<16xf32>,
        tpu.vector_store %arg11[%swap3A_441], %gather3A_438 {strides = array<i32>} : memref<2048xf32, #tpu.memory_space<vmem>>, vector<16xf32>,
        %add3A_443 = arith.constant 5 : i32
        %add3A_444 = vector.broadcast %add3A_443 : i32 to vector<16xi32>
        %add3A_445 = arith.addi %add3A_402, %add3A_444 : vector<16xi32>
        %gather3A_446 = tpu.vector_load_idx %arg13[%add3A_445] : memref<2176xf32, #tpu.memory_space<vmem>>[vector<16xi32>], vector<16xf32>,
        %add3A_447 = arith.constant 640 : i32
        %add3A_448 = arith.addi %mul3A_404, %add3A_447 : i32
        %swap3A_449 = arith.index_cast %add3A_448 : i32 to index
        %swap3A_450 = tpu.vector_load %arg11[%swap3A_449] {strides = array<i32>} : memref<2048xf32, #tpu.memory_space<vmem>>, vector<16xf32>,
        tpu.vector_store %arg11[%swap3A_449], %gather3A_446 {strides = array<i32>} : memref<2048xf32, #tpu.memory_space<vmem>>, vector<16xf32>,
        %add3A_451 = arith.constant 6 : i32
        %add3A_452 = vector.broadcast %add3A_451 : i32 to vector<16xi32>
        %add3A_453 = arith.addi %add3A_402, %add3A_452 : vector<16xi32>
        %gather3A_454 = tpu.vector_load_idx %arg13[%add3A_453] : memref<2176xf32, #tpu.memory_space<vmem>>[vector<16xi32>], vector<16xf32>,
        %add3A_455 = arith.constant 768 : i32
        %add3A_456 = arith.addi %mul3A_404, %add3A_455 : i32
        %swap3A_457 = arith.index_cast %add3A_456 : i32 to index
        %swap3A_458 = tpu.vector_load %arg11[%swap3A_457] {strides = array<i32>} : memref<2048xf32, #tpu.memory_space<vmem>>, vector<16xf32>,
        tpu.vector_store %arg11[%swap3A_457], %gather3A_454 {strides = array<i32>} : memref<2048xf32, #tpu.memory_space<vmem>>, vector<16xf32>,
        %add3A_459 = arith.constant 7 : i32
        %add3A_460 = vector.broadcast %add3A_459 : i32 to vector<16xi32>
        %add3A_461 = arith.addi %add3A_402, %add3A_460 : vector<16xi32>
        %gather3A_462 = tpu.vector_load_idx %arg13[%add3A_461] : memref<2176xf32, #tpu.memory_space<vmem>>[vector<16xi32>], vector<16xf32>,
        %add3A_463 = arith.constant 896 : i32
        %add3A_464 = arith.addi %mul3A_404, %add3A_463 : i32
        %swap3A_465 = arith.index_cast %add3A_464 : i32 to index
        %swap3A_466 = tpu.vector_load %arg11[%swap3A_465] {strides = array<i32>} : memref<2048xf32, #tpu.memory_space<vmem>>, vector<16xf32>,
        tpu.vector_store %arg11[%swap3A_465], %gather3A_462 {strides = array<i32>} : memref<2048xf32, #tpu.memory_space<vmem>>, vector<16xf32>,
        %add3A_467 = arith.constant 8 : i32
        %add3A_468 = vector.broadcast %add3A_467 : i32 to vector<16xi32>
        %add3A_469 = arith.addi %add3A_402, %add3A_468 : vector<16xi32>
        %gather3A_470 = tpu.vector_load_idx %arg13[%add3A_469] : memref<2176xf32, #tpu.memory_space<vmem>>[vector<16xi32>], vector<16xf32>,
        %add3A_471 = arith.constant 1024 : i32
        %add3A_472 = arith.addi %mul3A_404, %add3A_471 : i32
        %swap3A_473 = arith.index_cast %add3A_472 : i32 to index
        %swap3A_474 = tpu.vector_load %arg11[%swap3A_473] {strides = array<i32>} : memref<2048xf32, #tpu.memory_space<vmem>>, vector<16xf32>,
        tpu.vector_store %arg11[%swap3A_473], %gather3A_470 {strides = array<i32>} : memref<2048xf32, #tpu.memory_space<vmem>>, vector<16xf32>,
        %add3A_475 = arith.constant 9 : i32
        %add3A_476 = vector.broadcast %add3A_475 : i32 to vector<16xi32>
        %add3A_477 = arith.addi %add3A_402, %add3A_476 : vector<16xi32>
        %gather3A_478 = tpu.vector_load_idx %arg13[%add3A_477] : memref<2176xf32, #tpu.memory_space<vmem>>[vector<16xi32>], vector<16xf32>,
        %add3A_479 = arith.constant 1152 : i32
        %add3A_480 = arith.addi %mul3A_404, %add3A_479 : i32
        %swap3A_481 = arith.index_cast %add3A_480 : i32 to index
        %swap3A_482 = tpu.vector_load %arg11[%swap3A_481] {strides = array<i32>} : memref<2048xf32, #tpu.memory_space<vmem>>, vector<16xf32>,
        tpu.vector_store %arg11[%swap3A_481], %gather3A_478 {strides = array<i32>} : memref<2048xf32, #tpu.memory_space<vmem>>, vector<16xf32>,
        %add3A_483 = arith.constant 10 : i32
        %add3A_484 = vector.broadcast %add3A_483 : i32 to vector<16xi32>
        %add3A_485 = arith.addi %add3A_402, %add3A_484 : vector<16xi32>
        %gather3A_486 = tpu.vector_load_idx %arg13[%add3A_485] : memref<2176xf32, #tpu.memory_space<vmem>>[vector<16xi32>], vector<16xf32>,
        %add3A_487 = arith.constant 1280 : i32
        %add3A_488 = arith.addi %mul3A_404, %add3A_487 : i32
        %swap3A_489 = arith.index_cast %add3A_488 : i32 to index
        %swap3A_490 = tpu.vector_load %arg11[%swap3A_489] {strides = array<i32>} : memref<2048xf32, #tpu.memory_space<vmem>>, vector<16xf32>,
        tpu.vector_store %arg11[%swap3A_489], %gather3A_486 {strides = array<i32>} : memref<2048xf32, #tpu.memory_space<vmem>>, vector<16xf32>,
        %add3A_491 = arith.constant 11 : i32
        %add3A_492 = vector.broadcast %add3A_491 : i32 to vector<16xi32>
        %add3A_493 = arith.addi %add3A_402, %add3A_492 : vector<16xi32>
        %gather3A_494 = tpu.vector_load_idx %arg13[%add3A_493] : memref<2176xf32, #tpu.memory_space<vmem>>[vector<16xi32>], vector<16xf32>,
        %add3A_495 = arith.constant 1408 : i32
        %add3A_496 = arith.addi %mul3A_404, %add3A_495 : i32
        %swap3A_497 = arith.index_cast %add3A_496 : i32 to index
        %swap3A_498 = tpu.vector_load %arg11[%swap3A_497] {strides = array<i32>} : memref<2048xf32, #tpu.memory_space<vmem>>, vector<16xf32>,
        tpu.vector_store %arg11[%swap3A_497], %gather3A_494 {strides = array<i32>} : memref<2048xf32, #tpu.memory_space<vmem>>, vector<16xf32>,
        %add3A_499 = arith.constant 12 : i32
        %add3A_500 = vector.broadcast %add3A_499 : i32 to vector<16xi32>
        %add3A_501 = arith.addi %add3A_402, %add3A_500 : vector<16xi32>
        %gather3A_502 = tpu.vector_load_idx %arg13[%add3A_501] : memref<2176xf32, #tpu.memory_space<vmem>>[vector<16xi32>], vector<16xf32>,
        %add3A_503 = arith.constant 1536 : i32
        %add3A_504 = arith.addi %mul3A_404, %add3A_503 : i32
        %swap3A_505 = arith.index_cast %add3A_504 : i32 to index
        %swap3A_506 = tpu.vector_load %arg11[%swap3A_505] {strides = array<i32>} : memref<2048xf32, #tpu.memory_space<vmem>>, vector<16xf32>,
        tpu.vector_store %arg11[%swap3A_505], %gather3A_502 {strides = array<i32>} : memref<2048xf32, #tpu.memory_space<vmem>>, vector<16xf32>,
        %add3A_507 = arith.constant 13 : i32
        %add3A_508 = vector.broadcast %add3A_507 : i32 to vector<16xi32>
        %add3A_509 = arith.addi %add3A_402, %add3A_508 : vector<16xi32>
        %gather3A_510 = tpu.vector_load_idx %arg13[%add3A_509] : memref<2176xf32, #tpu.memory_space<vmem>>[vector<16xi32>], vector<16xf32>,
        %add3A_511 = arith.constant 1664 : i32
        %add3A_512 = arith.addi %mul3A_404, %add3A_511 : i32
        %swap3A_513 = arith.index_cast %add3A_512 : i32 to index
        %swap3A_514 = tpu.vector_load %arg11[%swap3A_513] {strides = array<i32>} : memref<2048xf32, #tpu.memory_space<vmem>>, vector<16xf32>,
        tpu.vector_store %arg11[%swap3A_513], %gather3A_510 {strides = array<i32>} : memref<2048xf32, #tpu.memory_space<vmem>>, vector<16xf32>,
        %add3A_515 = arith.constant 14 : i32
        %add3A_516 = vector.broadcast %add3A_515 : i32 to vector<16xi32>
        %add3A_517 = arith.addi %add3A_402, %add3A_516 : vector<16xi32>
        %gather3A_518 = tpu.vector_load_idx %arg13[%add3A_517] : memref<2176xf32, #tpu.memory_space<vmem>>[vector<16xi32>], vector<16xf32>,
        %add3A_519 = arith.constant 1792 : i32
        %add3A_520 = arith.addi %mul3A_404, %add3A_519 : i32
        %swap3A_521 = arith.index_cast %add3A_520 : i32 to index
        %swap3A_522 = tpu.vector_load %arg11[%swap3A_521] {strides = array<i32>} : memref<2048xf32, #tpu.memory_space<vmem>>, vector<16xf32>,
        tpu.vector_store %arg11[%swap3A_521], %gather3A_518 {strides = array<i32>} : memref<2048xf32, #tpu.memory_space<vmem>>, vector<16xf32>,
        %add3A_523 = arith.constant 15 : i32
        %add3A_524 = vector.broadcast %add3A_523 : i32 to vector<16xi32>
        %add3A_525 = arith.addi %add3A_402, %add3A_524 : vector<16xi32>
        %gather3A_526 = tpu.vector_load_idx %arg13[%add3A_525] : memref<2176xf32, #tpu.memory_space<vmem>>[vector<16xi32>], vector<16xf32>,
        %add3A_527 = arith.constant 1920 : i32
        %add3A_528 = arith.addi %mul3A_404, %add3A_527 : i32
        %swap3A_529 = arith.index_cast %add3A_528 : i32 to index
        %swap3A_530 = tpu.vector_load %arg11[%swap3A_529] {strides = array<i32>} : memref<2048xf32, #tpu.memory_space<vmem>>, vector<16xf32>,
        tpu.vector_store %arg11[%swap3A_529], %gather3A_526 {strides = array<i32>} : memref<2048xf32, #tpu.memory_space<vmem>>, vector<16xf32>,
      }
      %scan3A_295 = arith.constant 8 : i32
      %add3A_296 = arith.addi %mul3A_2, %add3A_269 : i32
      %mul3A_297 = arith.constant 1024 : i32
      %mul3A_298 = arith.muli %add3A_296, %mul3A_297 : i32
      %dma_start3A_299 = arith.constant 0 : i32
      %dma_start3A_300 = tpu.memref_slice %arg11[%dma_start3A_299] : memref<2048xf32, #tpu.memory_space<vmem>> -> memref<1024xf32, #tpu.memory_space<vmem>>
      %dma_start3A_301 = tpu.memref_slice %arg4[%mul3A_298] : memref<5120000xf32, #tpu.memory_space<hbm>> -> memref<1024xf32, #tpu.memory_space<hbm>>
      %dma_start3A_302 = tpu.memref_slice %arg4[%mul3A_298] : memref<5120000xf32, #tpu.memory_space<hbm>> -> memref<1024xf32, #tpu.memory_space<hbm>>
      %dma_start3A_303 = arith.constant 0 : i32
      %dma_start3A_304 = tpu.memref_slice %arg11[%dma_start3A_303] : memref<2048xf32, #tpu.memory_space<vmem>> -> memref<1024xf32, #tpu.memory_space<vmem>>
      tpu.enqueue_dma source(%dma_start3A_304 : memref<1024xf32, #tpu.memory_space<vmem>>) target(%dma_start3A_302 : memref<1024xf32, #tpu.memory_space<hbm>>) target_semaphore(%arg17 : memref<!tpu.dma_semaphore, #tpu.memory_space<semaphore_mem>>)
      %mul3A_305 = arith.constant 1024 : i32
      %mul3A_306 = arith.muli %add3A_296, %mul3A_305 : i32
      %add3A_307 = arith.constant 2560000 : i32
      %add3A_308 = arith.addi %add3A_307, %mul3A_306 : i32
      %dma_start3A_309 = arith.constant 1024 : i32
      %dma_start3A_310 = tpu.memref_slice %arg11[%dma_start3A_309] : memref<2048xf32, #tpu.memory_space<vmem>> -> memref<1024xf32, #tpu.memory_space<vmem>>
      %dma_start3A_311 = tpu.memref_slice %arg4[%add3A_308] : memref<5120000xf32, #tpu.memory_space<hbm>> -> memref<1024xf32, #tpu.memory_space<hbm>>
      %dma_start3A_312 = tpu.memref_slice %arg4[%add3A_308] : memref<5120000xf32, #tpu.memory_space<hbm>> -> memref<1024xf32, #tpu.memory_space<hbm>>
      %dma_start3A_313 = arith.constant 1024 : i32
      %dma_start3A_314 = tpu.memref_slice %arg11[%dma_start3A_313] : memref<2048xf32, #tpu.memory_space<vmem>> -> memref<1024xf32, #tpu.memory_space<vmem>>
      tpu.enqueue_dma source(%dma_start3A_314 : memref<1024xf32, #tpu.memory_space<vmem>>) target(%dma_start3A_312 : memref<1024xf32, #tpu.memory_space<hbm>>) target_semaphore(%arg17 : memref<!tpu.dma_semaphore, #tpu.memory_space<semaphore_mem>>)
      %add3A_315 = arith.constant 2 : i32
      %add3A_316 = arith.addi %add3A_269, %add3A_315 : i32
      %dma_start3A_317 = arith.constant 0 : i32
      %dma_start3A_318 = arith.constant 0 : i32
      %dma_start3A_319 = tpu.memref_slice %arg5[%add3A_316, %dma_start3A_317, %dma_start3A_318] : memref<78x2x128xi32, #tpu.memory_space<vmem>> -> memref<1x1x128xi32, #tpu.memory_space<vmem>>
      %dma_start3A_320 = tpu.memref_squeeze %dma_start3A_319 : memref<1x1x128xi32, #tpu.memory_space<vmem>> -> memref<128xi32, #tpu.memory_space<vmem>>
      %dma_start3A_321 = arith.constant 0 : i32
      %dma_start3A_322 = arith.constant 0 : i32
      %dma_start3A_323 = tpu.memref_slice %arg2[%dma_start3A_321, %dma_start3A_322] : memref<80000x16xf32, #tpu.memory_space<hbm>> -> memref<80000x16xf32, #tpu.memory_space<hbm>>
      tpu.enqueue_indirect_dma source(%dma_start3A_323 : memref<80000x16xf32, #tpu.memory_space<hbm>>) target(%arg7 : memref<128x16xf32, #tpu.memory_space<vmem>>) offsets(%dma_start3A_320 : memref<128xi32, #tpu.memory_space<vmem>>) semaphore(%arg15 : memref<!tpu.dma_semaphore, #tpu.memory_space<semaphore_mem>>)
      %dma_start3A_324 = arith.constant 1 : i32
      %dma_start3A_325 = arith.constant 0 : i32
      %dma_start3A_326 = tpu.memref_slice %arg5[%add3A_316, %dma_start3A_324, %dma_start3A_325] : memref<78x2x128xi32, #tpu.memory_space<vmem>> -> memref<1x1x128xi32, #tpu.memory_space<vmem>>
      %dma_start3A_327 = tpu.memref_squeeze %dma_start3A_326 : memref<1x1x128xi32, #tpu.memory_space<vmem>> -> memref<128xi32, #tpu.memory_space<vmem>>
      %dma_start3A_328 = arith.constant 0 : i32
      %dma_start3A_329 = arith.constant 0 : i32
      %dma_start3A_330 = tpu.memref_slice %arg2[%dma_start3A_328, %dma_start3A_329] : memref<80000x16xf32, #tpu.memory_space<hbm>> -> memref<80000x16xf32, #tpu.memory_space<hbm>>
      tpu.enqueue_indirect_dma source(%dma_start3A_330 : memref<80000x16xf32, #tpu.memory_space<hbm>>) target(%arg9 : memref<128x16xf32, #tpu.memory_space<vmem>>) offsets(%dma_start3A_327 : memref<128xi32, #tpu.memory_space<vmem>>) semaphore(%arg15 : memref<!tpu.dma_semaphore, #tpu.memory_space<semaphore_mem>>)
      %add3A_331 = arith.constant 1 : i32
      %add3A_332 = arith.addi %add3A_267, %add3A_331 : i32
      %dma_wait3A_333 = arith.constant 0 : i32
      %dma_wait3A_334 = arith.constant 0 : i32
      %dma_wait3A_335 = tpu.memref_slice %arg2[%dma_wait3A_333, %dma_wait3A_334] : memref<80000x16xf32, #tpu.memory_space<hbm>> -> memref<128x16xf32, #tpu.memory_space<hbm>>
      %dma_wait3A_336 = arith.constant 0 : i32
      %dma_wait3A_337 = arith.constant 0 : i32
      %dma_wait3A_338 = tpu.memref_slice %arg2[%dma_wait3A_336, %dma_wait3A_337] : memref<80000x16xf32, #tpu.memory_space<hbm>> -> memref<128x16xf32, #tpu.memory_space<hbm>>
      tpu.wait_dma2 semaphore(%arg16 : memref<!tpu.dma_semaphore, #tpu.memory_space<semaphore_mem>>) src(%dma_wait3A_338 : memref<128x16xf32, #tpu.memory_space<hbm>>) dst(%arg8 : memref<128x16xf32, #tpu.memory_space<vmem>>)
      %dma_wait3A_339 = arith.constant 0 : i32
      %dma_wait3A_340 = arith.constant 0 : i32
      %dma_wait3A_341 = tpu.memref_slice %arg2[%dma_wait3A_339, %dma_wait3A_340] : memref<80000x16xf32, #tpu.memory_space<hbm>> -> memref<128x16xf32, #tpu.memory_space<hbm>>
      %dma_wait3A_342 = arith.constant 0 : i32
      %dma_wait3A_343 = arith.constant 0 : i32
      %dma_wait3A_344 = tpu.memref_slice %arg2[%dma_wait3A_342, %dma_wait3A_343] : memref<80000x16xf32, #tpu.memory_space<hbm>> -> memref<128x16xf32, #tpu.memory_space<hbm>>
      tpu.wait_dma2 semaphore(%arg16 : memref<!tpu.dma_semaphore, #tpu.memory_space<semaphore_mem>>) src(%dma_wait3A_344 : memref<128x16xf32, #tpu.memory_space<hbm>>) dst(%arg10 : memref<128x16xf32, #tpu.memory_space<vmem>>)
      %dma_wait3A_345 = arith.constant 0 : i32
      %dma_wait3A_346 = tpu.memref_slice %arg4[%dma_wait3A_345] : memref<5120000xf32, #tpu.memory_space<hbm>> -> memref<2048xf32, #tpu.memory_space<hbm>>
      %dma_wait3A_347 = arith.constant 0 : i32
      %dma_wait3A_348 = tpu.memref_slice %arg4[%dma_wait3A_347] : memref<5120000xf32, #tpu.memory_space<hbm>> -> memref<2048xf32, #tpu.memory_space<hbm>>
      tpu.wait_dma2 semaphore(%arg18 : memref<!tpu.dma_semaphore, #tpu.memory_space<semaphore_mem>>) src(%arg12 : memref<2048xf32, #tpu.memory_space<vmem>>) dst(%dma_wait3A_348 : memref<2048xf32, #tpu.memory_space<hbm>>)
      %scan3A_349 = arith.constant 0 : i32
      %scan3A_350 = arith.constant 128 : i32
      %scan3A_351 = arith.addi %scan3A_349, %scan3A_350 : i32
      %scan3A_352 = arith.constant 8 : i32
      scf.for %scan3A_394 = %scan3A_349 to %scan3A_351 step %scan3A_352  : i32 {
        %mul3A_395 = arith.constant 1 : i32
        %mul3A_396 = arith.muli %scan3A_394, %mul3A_395 : i32
        %add3A_397 = arith.constant 0 : i32
        %add3A_398 = arith.addi %add3A_397, %mul3A_396 : i32
        %get3A = arith.index_cast %add3A_398 : i32 to index
        %get3A_399 = arith.constant 0 : index
        %get3A_400 = tpu.vector_load %arg8[%get3A, %get3A_399] {strides = array<i32>} : memref<128x16xf32, #tpu.memory_space<vmem>>, vector<16xf32>,
        %get3A_401 = arith.index_cast %add3A_398 : i32 to index
        %get3A_402 = arith.constant 0 : index
        %get3A_403 = tpu.vector_load %arg10[%get3A_401, %get3A_402] {strides = array<i32>} : memref<128x16xf32, #tpu.memory_space<vmem>>, vector<16xf32>,
        %add3A_404 = arith.addf %get3A_400, %get3A_403 : vector<16xf32>
        %mul3A_405 = arith.constant 17 : i32
        %mul3A_406 = arith.muli %add3A_398, %mul3A_405 : i32
        %swap3A = arith.index_cast %mul3A_406 : i32 to index
        %swap3A_407 = tpu.vector_load %arg14[%swap3A] {strides = array<i32>} : memref<2176xf32, #tpu.memory_space<vmem>>, vector<16xf32>,
        tpu.vector_store %arg14[%swap3A], %add3A_404 {strides = array<i32>} : memref<2176xf32, #tpu.memory_space<vmem>>, vector<16xf32>,
        %scan3A_408 = arith.constant 1 : i32
        %scan3A_409 = arith.addi %scan3A_394, %scan3A_408 : i32
        %mul3A_410 = arith.constant 1 : i32
        %mul3A_411 = arith.muli %scan3A_409, %mul3A_410 : i32
        %add3A_412 = arith.constant 0 : i32
        %add3A_413 = arith.addi %add3A_412, %mul3A_411 : i32
        %get3A_414 = arith.index_cast %add3A_413 : i32 to index
        %get3A_415 = arith.constant 0 : index
        %get3A_416 = tpu.vector_load %arg8[%get3A_414, %get3A_415] {strides = array<i32>} : memref<128x16xf32, #tpu.memory_space<vmem>>, vector<16xf32>,
        %get3A_417 = arith.index_cast %add3A_413 : i32 to index
        %get3A_418 = arith.constant 0 : index
        %get3A_419 = tpu.vector_load %arg10[%get3A_417, %get3A_418] {strides = array<i32>} : memref<128x16xf32, #tpu.memory_space<vmem>>, vector<16xf32>,
        %add3A_420 = arith.addf %get3A_416, %get3A_419 : vector<16xf32>
        %mul3A_421 = arith.constant 17 : i32
        %mul3A_422 = arith.muli %add3A_413, %mul3A_421 : i32
        %swap3A_423 = arith.index_cast %mul3A_422 : i32 to index
        %swap3A_424 = tpu.vector_load %arg14[%swap3A_423] {strides = array<i32>} : memref<2176xf32, #tpu.memory_space<vmem>>, vector<16xf32>,
        tpu.vector_store %arg14[%swap3A_423], %add3A_420 {strides = array<i32>} : memref<2176xf32, #tpu.memory_space<vmem>>, vector<16xf32>,
        %scan3A_425 = arith.constant 2 : i32
        %scan3A_426 = arith.addi %scan3A_394, %scan3A_425 : i32
        %mul3A_427 = arith.constant 1 : i32
        %mul3A_428 = arith.muli %scan3A_426, %mul3A_427 : i32
        %add3A_429 = arith.constant 0 : i32
        %add3A_430 = arith.addi %add3A_429, %mul3A_428 : i32
        %get3A_431 = arith.index_cast %add3A_430 : i32 to index
        %get3A_432 = arith.constant 0 : index
        %get3A_433 = tpu.vector_load %arg8[%get3A_431, %get3A_432] {strides = array<i32>} : memref<128x16xf32, #tpu.memory_space<vmem>>, vector<16xf32>,
        %get3A_434 = arith.index_cast %add3A_430 : i32 to index
        %get3A_435 = arith.constant 0 : index
        %get3A_436 = tpu.vector_load %arg10[%get3A_434, %get3A_435] {strides = array<i32>} : memref<128x16xf32, #tpu.memory_space<vmem>>, vector<16xf32>,
        %add3A_437 = arith.addf %get3A_433, %get3A_436 : vector<16xf32>
        %mul3A_438 = arith.constant 17 : i32
        %mul3A_439 = arith.muli %add3A_430, %mul3A_438 : i32
        %swap3A_440 = arith.index_cast %mul3A_439 : i32 to index
        %swap3A_441 = tpu.vector_load %arg14[%swap3A_440] {strides = array<i32>} : memref<2176xf32, #tpu.memory_space<vmem>>, vector<16xf32>,
        tpu.vector_store %arg14[%swap3A_440], %add3A_437 {strides = array<i32>} : memref<2176xf32, #tpu.memory_space<vmem>>, vector<16xf32>,
        %scan3A_442 = arith.constant 3 : i32
        %scan3A_443 = arith.addi %scan3A_394, %scan3A_442 : i32
        %mul3A_444 = arith.constant 1 : i32
        %mul3A_445 = arith.muli %scan3A_443, %mul3A_444 : i32
        %add3A_446 = arith.constant 0 : i32
        %add3A_447 = arith.addi %add3A_446, %mul3A_445 : i32
        %get3A_448 = arith.index_cast %add3A_447 : i32 to index
        %get3A_449 = arith.constant 0 : index
        %get3A_450 = tpu.vector_load %arg8[%get3A_448, %get3A_449] {strides = array<i32>} : memref<128x16xf32, #tpu.memory_space<vmem>>, vector<16xf32>,
        %get3A_451 = arith.index_cast %add3A_447 : i32 to index
        %get3A_452 = arith.constant 0 : index
        %get3A_453 = tpu.vector_load %arg10[%get3A_451, %get3A_452] {strides = array<i32>} : memref<128x16xf32, #tpu.memory_space<vmem>>, vector<16xf32>,
        %add3A_454 = arith.addf %get3A_450, %get3A_453 : vector<16xf32>
        %mul3A_455 = arith.constant 17 : i32
        %mul3A_456 = arith.muli %add3A_447, %mul3A_455 : i32
        %swap3A_457 = arith.index_cast %mul3A_456 : i32 to index
        %swap3A_458 = tpu.vector_load %arg14[%swap3A_457] {strides = array<i32>} : memref<2176xf32, #tpu.memory_space<vmem>>, vector<16xf32>,
        tpu.vector_store %arg14[%swap3A_457], %add3A_454 {strides = array<i32>} : memref<2176xf32, #tpu.memory_space<vmem>>, vector<16xf32>,
        %scan3A_459 = arith.constant 4 : i32
        %scan3A_460 = arith.addi %scan3A_394, %scan3A_459 : i32
        %mul3A_461 = arith.constant 1 : i32
        %mul3A_462 = arith.muli %scan3A_460, %mul3A_461 : i32
        %add3A_463 = arith.constant 0 : i32
        %add3A_464 = arith.addi %add3A_463, %mul3A_462 : i32
        %get3A_465 = arith.index_cast %add3A_464 : i32 to index
        %get3A_466 = arith.constant 0 : index
        %get3A_467 = tpu.vector_load %arg8[%get3A_465, %get3A_466] {strides = array<i32>} : memref<128x16xf32, #tpu.memory_space<vmem>>, vector<16xf32>,
        %get3A_468 = arith.index_cast %add3A_464 : i32 to index
        %get3A_469 = arith.constant 0 : index
        %get3A_470 = tpu.vector_load %arg10[%get3A_468, %get3A_469] {strides = array<i32>} : memref<128x16xf32, #tpu.memory_space<vmem>>, vector<16xf32>,
        %add3A_471 = arith.addf %get3A_467, %get3A_470 : vector<16xf32>
        %mul3A_472 = arith.constant 17 : i32
        %mul3A_473 = arith.muli %add3A_464, %mul3A_472 : i32
        %swap3A_474 = arith.index_cast %mul3A_473 : i32 to index
        %swap3A_475 = tpu.vector_load %arg14[%swap3A_474] {strides = array<i32>} : memref<2176xf32, #tpu.memory_space<vmem>>, vector<16xf32>,
        tpu.vector_store %arg14[%swap3A_474], %add3A_471 {strides = array<i32>} : memref<2176xf32, #tpu.memory_space<vmem>>, vector<16xf32>,
        %scan3A_476 = arith.constant 5 : i32
        %scan3A_477 = arith.addi %scan3A_394, %scan3A_476 : i32
        %mul3A_478 = arith.constant 1 : i32
        %mul3A_479 = arith.muli %scan3A_477, %mul3A_478 : i32
        %add3A_480 = arith.constant 0 : i32
        %add3A_481 = arith.addi %add3A_480, %mul3A_479 : i32
        %get3A_482 = arith.index_cast %add3A_481 : i32 to index
        %get3A_483 = arith.constant 0 : index
        %get3A_484 = tpu.vector_load %arg8[%get3A_482, %get3A_483] {strides = array<i32>} : memref<128x16xf32, #tpu.memory_space<vmem>>, vector<16xf32>,
        %get3A_485 = arith.index_cast %add3A_481 : i32 to index
        %get3A_486 = arith.constant 0 : index
        %get3A_487 = tpu.vector_load %arg10[%get3A_485, %get3A_486] {strides = array<i32>} : memref<128x16xf32, #tpu.memory_space<vmem>>, vector<16xf32>,
        %add3A_488 = arith.addf %get3A_484, %get3A_487 : vector<16xf32>
        %mul3A_489 = arith.constant 17 : i32
        %mul3A_490 = arith.muli %add3A_481, %mul3A_489 : i32
        %swap3A_491 = arith.index_cast %mul3A_490 : i32 to index
        %swap3A_492 = tpu.vector_load %arg14[%swap3A_491] {strides = array<i32>} : memref<2176xf32, #tpu.memory_space<vmem>>, vector<16xf32>,
        tpu.vector_store %arg14[%swap3A_491], %add3A_488 {strides = array<i32>} : memref<2176xf32, #tpu.memory_space<vmem>>, vector<16xf32>,
        %scan3A_493 = arith.constant 6 : i32
        %scan3A_494 = arith.addi %scan3A_394, %scan3A_493 : i32
        %mul3A_495 = arith.constant 1 : i32
        %mul3A_496 = arith.muli %scan3A_494, %mul3A_495 : i32
        %add3A_497 = arith.constant 0 : i32
        %add3A_498 = arith.addi %add3A_497, %mul3A_496 : i32
        %get3A_499 = arith.index_cast %add3A_498 : i32 to index
        %get3A_500 = arith.constant 0 : index
        %get3A_501 = tpu.vector_load %arg8[%get3A_499, %get3A_500] {strides = array<i32>} : memref<128x16xf32, #tpu.memory_space<vmem>>, vector<16xf32>,
        %get3A_502 = arith.index_cast %add3A_498 : i32 to index
        %get3A_503 = arith.constant 0 : index
        %get3A_504 = tpu.vector_load %arg10[%get3A_502, %get3A_503] {strides = array<i32>} : memref<128x16xf32, #tpu.memory_space<vmem>>, vector<16xf32>,
        %add3A_505 = arith.addf %get3A_501, %get3A_504 : vector<16xf32>
        %mul3A_506 = arith.constant 17 : i32
        %mul3A_507 = arith.muli %add3A_498, %mul3A_506 : i32
        %swap3A_508 = arith.index_cast %mul3A_507 : i32 to index
        %swap3A_509 = tpu.vector_load %arg14[%swap3A_508] {strides = array<i32>} : memref<2176xf32, #tpu.memory_space<vmem>>, vector<16xf32>,
        tpu.vector_store %arg14[%swap3A_508], %add3A_505 {strides = array<i32>} : memref<2176xf32, #tpu.memory_space<vmem>>, vector<16xf32>,
        %scan3A_510 = arith.constant 7 : i32
        %scan3A_511 = arith.addi %scan3A_394, %scan3A_510 : i32
        %mul3A_512 = arith.constant 1 : i32
        %mul3A_513 = arith.muli %scan3A_511, %mul3A_512 : i32
        %add3A_514 = arith.constant 0 : i32
        %add3A_515 = arith.addi %add3A_514, %mul3A_513 : i32
        %get3A_516 = arith.index_cast %add3A_515 : i32 to index
        %get3A_517 = arith.constant 0 : index
        %get3A_518 = tpu.vector_load %arg8[%get3A_516, %get3A_517] {strides = array<i32>} : memref<128x16xf32, #tpu.memory_space<vmem>>, vector<16xf32>,
        %get3A_519 = arith.index_cast %add3A_515 : i32 to index
        %get3A_520 = arith.constant 0 : index
        %get3A_521 = tpu.vector_load %arg10[%get3A_519, %get3A_520] {strides = array<i32>} : memref<128x16xf32, #tpu.memory_space<vmem>>, vector<16xf32>,
        %add3A_522 = arith.addf %get3A_518, %get3A_521 : vector<16xf32>
        %mul3A_523 = arith.constant 17 : i32
        %mul3A_524 = arith.muli %add3A_515, %mul3A_523 : i32
        %swap3A_525 = arith.index_cast %mul3A_524 : i32 to index
        %swap3A_526 = tpu.vector_load %arg14[%swap3A_525] {strides = array<i32>} : memref<2176xf32, #tpu.memory_space<vmem>>, vector<16xf32>,
        tpu.vector_store %arg14[%swap3A_525], %add3A_522 {strides = array<i32>} : memref<2176xf32, #tpu.memory_space<vmem>>, vector<16xf32>,
      }
      %scan3A_353 = arith.constant 128 : i32
      %scan3A_354 = arith.constant 0 : i32
      %scan3A_355 = arith.constant 8 : i32
      %scan3A_356 = arith.addi %scan3A_354, %scan3A_355 : i32
      %scan3A_357 = arith.constant 1 : i32
      scf.for %scan3A_394 = %scan3A_354 to %scan3A_356 step %scan3A_357  : i32 {
        %mul3A_395 = arith.constant 1 : i32
        %mul3A_396 = arith.muli %scan3A_394, %mul3A_395 : i32
        %add3A_397 = arith.constant 0 : i32
        %add3A_398 = arith.addi %add3A_397, %mul3A_396 : i32
        %mul3A_399 = arith.constant 272 : i32
        %mul3A_400 = arith.muli %add3A_398, %mul3A_399 : i32
        %add3A_401 = vector.broadcast %mul3A_400 : i32 to vector<16xi32>
        %add3A_402 = arith.addi %mul3A_9, %add3A_401 : vector<16xi32>
        %mul3A_403 = arith.constant 16 : i32
        %mul3A_404 = arith.muli %add3A_398, %mul3A_403 : i32
        %add3A_405 = arith.constant 0 : i32
        %add3A_406 = vector.broadcast %add3A_405 : i32 to vector<16xi32>
        %add3A_407 = arith.addi %add3A_402, %add3A_406 : vector<16xi32>
        %gather3A = tpu.vector_load_idx %arg14[%add3A_407] : memref<2176xf32, #tpu.memory_space<vmem>>[vector<16xi32>], vector<16xf32>,
        %add3A_408 = arith.constant 0 : i32
        %add3A_409 = arith.addi %mul3A_404, %add3A_408 : i32
        %swap3A = arith.index_cast %add3A_409 : i32 to index
        %swap3A_410 = tpu.vector_load %arg12[%swap3A] {strides = array<i32>} : memref<2048xf32, #tpu.memory_space<vmem>>, vector<16xf32>,
        tpu.vector_store %arg12[%swap3A], %gather3A {strides = array<i32>} : memref<2048xf32, #tpu.memory_space<vmem>>, vector<16xf32>,
        %add3A_411 = arith.constant 1 : i32
        %add3A_412 = vector.broadcast %add3A_411 : i32 to vector<16xi32>
        %add3A_413 = arith.addi %add3A_402, %add3A_412 : vector<16xi32>
        %gather3A_414 = tpu.vector_load_idx %arg14[%add3A_413] : memref<2176xf32, #tpu.memory_space<vmem>>[vector<16xi32>], vector<16xf32>,
        %add3A_415 = arith.constant 128 : i32
        %add3A_416 = arith.addi %mul3A_404, %add3A_415 : i32
        %swap3A_417 = arith.index_cast %add3A_416 : i32 to index
        %swap3A_418 = tpu.vector_load %arg12[%swap3A_417] {strides = array<i32>} : memref<2048xf32, #tpu.memory_space<vmem>>, vector<16xf32>,
        tpu.vector_store %arg12[%swap3A_417], %gather3A_414 {strides = array<i32>} : memref<2048xf32, #tpu.memory_space<vmem>>, vector<16xf32>,
        %add3A_419 = arith.constant 2 : i32
        %add3A_420 = vector.broadcast %add3A_419 : i32 to vector<16xi32>
        %add3A_421 = arith.addi %add3A_402, %add3A_420 : vector<16xi32>
        %gather3A_422 = tpu.vector_load_idx %arg14[%add3A_421] : memref<2176xf32, #tpu.memory_space<vmem>>[vector<16xi32>], vector<16xf32>,
        %add3A_423 = arith.constant 256 : i32
        %add3A_424 = arith.addi %mul3A_404, %add3A_423 : i32
        %swap3A_425 = arith.index_cast %add3A_424 : i32 to index
        %swap3A_426 = tpu.vector_load %arg12[%swap3A_425] {strides = array<i32>} : memref<2048xf32, #tpu.memory_space<vmem>>, vector<16xf32>,
        tpu.vector_store %arg12[%swap3A_425], %gather3A_422 {strides = array<i32>} : memref<2048xf32, #tpu.memory_space<vmem>>, vector<16xf32>,
        %add3A_427 = arith.constant 3 : i32
        %add3A_428 = vector.broadcast %add3A_427 : i32 to vector<16xi32>
        %add3A_429 = arith.addi %add3A_402, %add3A_428 : vector<16xi32>
        %gather3A_430 = tpu.vector_load_idx %arg14[%add3A_429] : memref<2176xf32, #tpu.memory_space<vmem>>[vector<16xi32>], vector<16xf32>,
        %add3A_431 = arith.constant 384 : i32
        %add3A_432 = arith.addi %mul3A_404, %add3A_431 : i32
        %swap3A_433 = arith.index_cast %add3A_432 : i32 to index
        %swap3A_434 = tpu.vector_load %arg12[%swap3A_433] {strides = array<i32>} : memref<2048xf32, #tpu.memory_space<vmem>>, vector<16xf32>,
        tpu.vector_store %arg12[%swap3A_433], %gather3A_430 {strides = array<i32>} : memref<2048xf32, #tpu.memory_space<vmem>>, vector<16xf32>,
        %add3A_435 = arith.constant 4 : i32
        %add3A_436 = vector.broadcast %add3A_435 : i32 to vector<16xi32>
        %add3A_437 = arith.addi %add3A_402, %add3A_436 : vector<16xi32>
        %gather3A_438 = tpu.vector_load_idx %arg14[%add3A_437] : memref<2176xf32, #tpu.memory_space<vmem>>[vector<16xi32>], vector<16xf32>,
        %add3A_439 = arith.constant 512 : i32
        %add3A_440 = arith.addi %mul3A_404, %add3A_439 : i32
        %swap3A_441 = arith.index_cast %add3A_440 : i32 to index
        %swap3A_442 = tpu.vector_load %arg12[%swap3A_441] {strides = array<i32>} : memref<2048xf32, #tpu.memory_space<vmem>>, vector<16xf32>,
        tpu.vector_store %arg12[%swap3A_441], %gather3A_438 {strides = array<i32>} : memref<2048xf32, #tpu.memory_space<vmem>>, vector<16xf32>,
        %add3A_443 = arith.constant 5 : i32
        %add3A_444 = vector.broadcast %add3A_443 : i32 to vector<16xi32>
        %add3A_445 = arith.addi %add3A_402, %add3A_444 : vector<16xi32>
        %gather3A_446 = tpu.vector_load_idx %arg14[%add3A_445] : memref<2176xf32, #tpu.memory_space<vmem>>[vector<16xi32>], vector<16xf32>,
        %add3A_447 = arith.constant 640 : i32
        %add3A_448 = arith.addi %mul3A_404, %add3A_447 : i32
        %swap3A_449 = arith.index_cast %add3A_448 : i32 to index
        %swap3A_450 = tpu.vector_load %arg12[%swap3A_449] {strides = array<i32>} : memref<2048xf32, #tpu.memory_space<vmem>>, vector<16xf32>,
        tpu.vector_store %arg12[%swap3A_449], %gather3A_446 {strides = array<i32>} : memref<2048xf32, #tpu.memory_space<vmem>>, vector<16xf32>,
        %add3A_451 = arith.constant 6 : i32
        %add3A_452 = vector.broadcast %add3A_451 : i32 to vector<16xi32>
        %add3A_453 = arith.addi %add3A_402, %add3A_452 : vector<16xi32>
        %gather3A_454 = tpu.vector_load_idx %arg14[%add3A_453] : memref<2176xf32, #tpu.memory_space<vmem>>[vector<16xi32>], vector<16xf32>,
        %add3A_455 = arith.constant 768 : i32
        %add3A_456 = arith.addi %mul3A_404, %add3A_455 : i32
        %swap3A_457 = arith.index_cast %add3A_456 : i32 to index
        %swap3A_458 = tpu.vector_load %arg12[%swap3A_457] {strides = array<i32>} : memref<2048xf32, #tpu.memory_space<vmem>>, vector<16xf32>,
        tpu.vector_store %arg12[%swap3A_457], %gather3A_454 {strides = array<i32>} : memref<2048xf32, #tpu.memory_space<vmem>>, vector<16xf32>,
        %add3A_459 = arith.constant 7 : i32
        %add3A_460 = vector.broadcast %add3A_459 : i32 to vector<16xi32>
        %add3A_461 = arith.addi %add3A_402, %add3A_460 : vector<16xi32>
        %gather3A_462 = tpu.vector_load_idx %arg14[%add3A_461] : memref<2176xf32, #tpu.memory_space<vmem>>[vector<16xi32>], vector<16xf32>,
        %add3A_463 = arith.constant 896 : i32
        %add3A_464 = arith.addi %mul3A_404, %add3A_463 : i32
        %swap3A_465 = arith.index_cast %add3A_464 : i32 to index
        %swap3A_466 = tpu.vector_load %arg12[%swap3A_465] {strides = array<i32>} : memref<2048xf32, #tpu.memory_space<vmem>>, vector<16xf32>,
        tpu.vector_store %arg12[%swap3A_465], %gather3A_462 {strides = array<i32>} : memref<2048xf32, #tpu.memory_space<vmem>>, vector<16xf32>,
        %add3A_467 = arith.constant 8 : i32
        %add3A_468 = vector.broadcast %add3A_467 : i32 to vector<16xi32>
        %add3A_469 = arith.addi %add3A_402, %add3A_468 : vector<16xi32>
        %gather3A_470 = tpu.vector_load_idx %arg14[%add3A_469] : memref<2176xf32, #tpu.memory_space<vmem>>[vector<16xi32>], vector<16xf32>,
        %add3A_471 = arith.constant 1024 : i32
        %add3A_472 = arith.addi %mul3A_404, %add3A_471 : i32
        %swap3A_473 = arith.index_cast %add3A_472 : i32 to index
        %swap3A_474 = tpu.vector_load %arg12[%swap3A_473] {strides = array<i32>} : memref<2048xf32, #tpu.memory_space<vmem>>, vector<16xf32>,
        tpu.vector_store %arg12[%swap3A_473], %gather3A_470 {strides = array<i32>} : memref<2048xf32, #tpu.memory_space<vmem>>, vector<16xf32>,
        %add3A_475 = arith.constant 9 : i32
        %add3A_476 = vector.broadcast %add3A_475 : i32 to vector<16xi32>
        %add3A_477 = arith.addi %add3A_402, %add3A_476 : vector<16xi32>
        %gather3A_478 = tpu.vector_load_idx %arg14[%add3A_477] : memref<2176xf32, #tpu.memory_space<vmem>>[vector<16xi32>], vector<16xf32>,
        %add3A_479 = arith.constant 1152 : i32
        %add3A_480 = arith.addi %mul3A_404, %add3A_479 : i32
        %swap3A_481 = arith.index_cast %add3A_480 : i32 to index
        %swap3A_482 = tpu.vector_load %arg12[%swap3A_481] {strides = array<i32>} : memref<2048xf32, #tpu.memory_space<vmem>>, vector<16xf32>,
        tpu.vector_store %arg12[%swap3A_481], %gather3A_478 {strides = array<i32>} : memref<2048xf32, #tpu.memory_space<vmem>>, vector<16xf32>,
        %add3A_483 = arith.constant 10 : i32
        %add3A_484 = vector.broadcast %add3A_483 : i32 to vector<16xi32>
        %add3A_485 = arith.addi %add3A_402, %add3A_484 : vector<16xi32>
        %gather3A_486 = tpu.vector_load_idx %arg14[%add3A_485] : memref<2176xf32, #tpu.memory_space<vmem>>[vector<16xi32>], vector<16xf32>,
        %add3A_487 = arith.constant 1280 : i32
        %add3A_488 = arith.addi %mul3A_404, %add3A_487 : i32
        %swap3A_489 = arith.index_cast %add3A_488 : i32 to index
        %swap3A_490 = tpu.vector_load %arg12[%swap3A_489] {strides = array<i32>} : memref<2048xf32, #tpu.memory_space<vmem>>, vector<16xf32>,
        tpu.vector_store %arg12[%swap3A_489], %gather3A_486 {strides = array<i32>} : memref<2048xf32, #tpu.memory_space<vmem>>, vector<16xf32>,
        %add3A_491 = arith.constant 11 : i32
        %add3A_492 = vector.broadcast %add3A_491 : i32 to vector<16xi32>
        %add3A_493 = arith.addi %add3A_402, %add3A_492 : vector<16xi32>
        %gather3A_494 = tpu.vector_load_idx %arg14[%add3A_493] : memref<2176xf32, #tpu.memory_space<vmem>>[vector<16xi32>], vector<16xf32>,
        %add3A_495 = arith.constant 1408 : i32
        %add3A_496 = arith.addi %mul3A_404, %add3A_495 : i32
        %swap3A_497 = arith.index_cast %add3A_496 : i32 to index
        %swap3A_498 = tpu.vector_load %arg12[%swap3A_497] {strides = array<i32>} : memref<2048xf32, #tpu.memory_space<vmem>>, vector<16xf32>,
        tpu.vector_store %arg12[%swap3A_497], %gather3A_494 {strides = array<i32>} : memref<2048xf32, #tpu.memory_space<vmem>>, vector<16xf32>,
        %add3A_499 = arith.constant 12 : i32
        %add3A_500 = vector.broadcast %add3A_499 : i32 to vector<16xi32>
        %add3A_501 = arith.addi %add3A_402, %add3A_500 : vector<16xi32>
        %gather3A_502 = tpu.vector_load_idx %arg14[%add3A_501] : memref<2176xf32, #tpu.memory_space<vmem>>[vector<16xi32>], vector<16xf32>,
        %add3A_503 = arith.constant 1536 : i32
        %add3A_504 = arith.addi %mul3A_404, %add3A_503 : i32
        %swap3A_505 = arith.index_cast %add3A_504 : i32 to index
        %swap3A_506 = tpu.vector_load %arg12[%swap3A_505] {strides = array<i32>} : memref<2048xf32, #tpu.memory_space<vmem>>, vector<16xf32>,
        tpu.vector_store %arg12[%swap3A_505], %gather3A_502 {strides = array<i32>} : memref<2048xf32, #tpu.memory_space<vmem>>, vector<16xf32>,
        %add3A_507 = arith.constant 13 : i32
        %add3A_508 = vector.broadcast %add3A_507 : i32 to vector<16xi32>
        %add3A_509 = arith.addi %add3A_402, %add3A_508 : vector<16xi32>
        %gather3A_510 = tpu.vector_load_idx %arg14[%add3A_509] : memref<2176xf32, #tpu.memory_space<vmem>>[vector<16xi32>], vector<16xf32>,
        %add3A_511 = arith.constant 1664 : i32
        %add3A_512 = arith.addi %mul3A_404, %add3A_511 : i32
        %swap3A_513 = arith.index_cast %add3A_512 : i32 to index
        %swap3A_514 = tpu.vector_load %arg12[%swap3A_513] {strides = array<i32>} : memref<2048xf32, #tpu.memory_space<vmem>>, vector<16xf32>,
        tpu.vector_store %arg12[%swap3A_513], %gather3A_510 {strides = array<i32>} : memref<2048xf32, #tpu.memory_space<vmem>>, vector<16xf32>,
        %add3A_515 = arith.constant 14 : i32
        %add3A_516 = vector.broadcast %add3A_515 : i32 to vector<16xi32>
        %add3A_517 = arith.addi %add3A_402, %add3A_516 : vector<16xi32>
        %gather3A_518 = tpu.vector_load_idx %arg14[%add3A_517] : memref<2176xf32, #tpu.memory_space<vmem>>[vector<16xi32>], vector<16xf32>,
        %add3A_519 = arith.constant 1792 : i32
        %add3A_520 = arith.addi %mul3A_404, %add3A_519 : i32
        %swap3A_521 = arith.index_cast %add3A_520 : i32 to index
        %swap3A_522 = tpu.vector_load %arg12[%swap3A_521] {strides = array<i32>} : memref<2048xf32, #tpu.memory_space<vmem>>, vector<16xf32>,
        tpu.vector_store %arg12[%swap3A_521], %gather3A_518 {strides = array<i32>} : memref<2048xf32, #tpu.memory_space<vmem>>, vector<16xf32>,
        %add3A_523 = arith.constant 15 : i32
        %add3A_524 = vector.broadcast %add3A_523 : i32 to vector<16xi32>
        %add3A_525 = arith.addi %add3A_402, %add3A_524 : vector<16xi32>
        %gather3A_526 = tpu.vector_load_idx %arg14[%add3A_525] : memref<2176xf32, #tpu.memory_space<vmem>>[vector<16xi32>], vector<16xf32>,
        %add3A_527 = arith.constant 1920 : i32
        %add3A_528 = arith.addi %mul3A_404, %add3A_527 : i32
        %swap3A_529 = arith.index_cast %add3A_528 : i32 to index
        %swap3A_530 = tpu.vector_load %arg12[%swap3A_529] {strides = array<i32>} : memref<2048xf32, #tpu.memory_space<vmem>>, vector<16xf32>,
        tpu.vector_store %arg12[%swap3A_529], %gather3A_526 {strides = array<i32>} : memref<2048xf32, #tpu.memory_space<vmem>>, vector<16xf32>,
      }
      %scan3A_358 = arith.constant 8 : i32
      %add3A_359 = arith.addi %mul3A_2, %add3A_332 : i32
      %mul3A_360 = arith.constant 1024 : i32
      %mul3A_361 = arith.muli %add3A_359, %mul3A_360 : i32
      %dma_start3A_362 = arith.constant 0 : i32
      %dma_start3A_363 = tpu.memref_slice %arg12[%dma_start3A_362] : memref<2048xf32, #tpu.memory_space<vmem>> -> memref<1024xf32, #tpu.memory_space<vmem>>
      %dma_start3A_364 = tpu.memref_slice %arg4[%mul3A_361] : memref<5120000xf32, #tpu.memory_space<hbm>> -> memref<1024xf32, #tpu.memory_space<hbm>>
      %dma_start3A_365 = tpu.memref_slice %arg4[%mul3A_361] : memref<5120000xf32, #tpu.memory_space<hbm>> -> memref<1024xf32, #tpu.memory_space<hbm>>
      %dma_start3A_366 = arith.constant 0 : i32
      %dma_start3A_367 = tpu.memref_slice %arg12[%dma_start3A_366] : memref<2048xf32, #tpu.memory_space<vmem>> -> memref<1024xf32, #tpu.memory_space<vmem>>
      tpu.enqueue_dma source(%dma_start3A_367 : memref<1024xf32, #tpu.memory_space<vmem>>) target(%dma_start3A_365 : memref<1024xf32, #tpu.memory_space<hbm>>) target_semaphore(%arg18 : memref<!tpu.dma_semaphore, #tpu.memory_space<semaphore_mem>>)
      %mul3A_368 = arith.constant 1024 : i32
      %mul3A_369 = arith.muli %add3A_359, %mul3A_368 : i32
      %add3A_370 = arith.constant 2560000 : i32
      %add3A_371 = arith.addi %add3A_370, %mul3A_369 : i32
      %dma_start3A_372 = arith.constant 1024 : i32
      %dma_start3A_373 = tpu.memref_slice %arg12[%dma_start3A_372] : memref<2048xf32, #tpu.memory_space<vmem>> -> memref<1024xf32, #tpu.memory_space<vmem>>
      %dma_start3A_374 = tpu.memref_slice %arg4[%add3A_371] : memref<5120000xf32, #tpu.memory_space<hbm>> -> memref<1024xf32, #tpu.memory_space<hbm>>
      %dma_start3A_375 = tpu.memref_slice %arg4[%add3A_371] : memref<5120000xf32, #tpu.memory_space<hbm>> -> memref<1024xf32, #tpu.memory_space<hbm>>
      %dma_start3A_376 = arith.constant 1024 : i32
      %dma_start3A_377 = tpu.memref_slice %arg12[%dma_start3A_376] : memref<2048xf32, #tpu.memory_space<vmem>> -> memref<1024xf32, #tpu.memory_space<vmem>>
      tpu.enqueue_dma source(%dma_start3A_377 : memref<1024xf32, #tpu.memory_space<vmem>>) target(%dma_start3A_375 : memref<1024xf32, #tpu.memory_space<hbm>>) target_semaphore(%arg18 : memref<!tpu.dma_semaphore, #tpu.memory_space<semaphore_mem>>)
      %add3A_378 = arith.constant 2 : i32
      %add3A_379 = arith.addi %add3A_332, %add3A_378 : i32
      %dma_start3A_380 = arith.constant 0 : i32
      %dma_start3A_381 = arith.constant 0 : i32
      %dma_start3A_382 = tpu.memref_slice %arg5[%add3A_379, %dma_start3A_380, %dma_start3A_381] : memref<78x2x128xi32, #tpu.memory_space<vmem>> -> memref<1x1x128xi32, #tpu.memory_space<vmem>>
      %dma_start3A_383 = tpu.memref_squeeze %dma_start3A_382 : memref<1x1x128xi32, #tpu.memory_space<vmem>> -> memref<128xi32, #tpu.memory_space<vmem>>
      %dma_start3A_384 = arith.constant 0 : i32
      %dma_start3A_385 = arith.constant 0 : i32
      %dma_start3A_386 = tpu.memref_slice %arg2[%dma_start3A_384, %dma_start3A_385] : memref<80000x16xf32, #tpu.memory_space<hbm>> -> memref<80000x16xf32, #tpu.memory_space<hbm>>
      tpu.enqueue_indirect_dma source(%dma_start3A_386 : memref<80000x16xf32, #tpu.memory_space<hbm>>) target(%arg8 : memref<128x16xf32, #tpu.memory_space<vmem>>) offsets(%dma_start3A_383 : memref<128xi32, #tpu.memory_space<vmem>>) semaphore(%arg16 : memref<!tpu.dma_semaphore, #tpu.memory_space<semaphore_mem>>)
      %dma_start3A_387 = arith.constant 1 : i32
      %dma_start3A_388 = arith.constant 0 : i32
      %dma_start3A_389 = tpu.memref_slice %arg5[%add3A_379, %dma_start3A_387, %dma_start3A_388] : memref<78x2x128xi32, #tpu.memory_space<vmem>> -> memref<1x1x128xi32, #tpu.memory_space<vmem>>
      %dma_start3A_390 = tpu.memref_squeeze %dma_start3A_389 : memref<1x1x128xi32, #tpu.memory_space<vmem>> -> memref<128xi32, #tpu.memory_space<vmem>>
      %dma_start3A_391 = arith.constant 0 : i32
      %dma_start3A_392 = arith.constant 0 : i32
      %dma_start3A_393 = tpu.memref_slice %arg2[%dma_start3A_391, %dma_start3A_392] : memref<80000x16xf32, #tpu.memory_space<hbm>> -> memref<80000x16xf32, #tpu.memory_space<hbm>>
      tpu.enqueue_indirect_dma source(%dma_start3A_393 : memref<80000x16xf32, #tpu.memory_space<hbm>>) target(%arg10 : memref<128x16xf32, #tpu.memory_space<vmem>>) offsets(%dma_start3A_390 : memref<128xi32, #tpu.memory_space<vmem>>) semaphore(%arg16 : memref<!tpu.dma_semaphore, #tpu.memory_space<semaphore_mem>>)
    }
    %scan3A_160 = arith.constant 37 : i32
    %dma_wait3A_161 = arith.constant 0 : i32
    %dma_wait3A_162 = arith.constant 0 : i32
    %dma_wait3A_163 = tpu.memref_slice %arg2[%dma_wait3A_161, %dma_wait3A_162] : memref<80000x16xf32, #tpu.memory_space<hbm>> -> memref<128x16xf32, #tpu.memory_space<hbm>>
    %dma_wait3A_164 = arith.constant 0 : i32
    %dma_wait3A_165 = arith.constant 0 : i32
    %dma_wait3A_166 = tpu.memref_slice %arg2[%dma_wait3A_164, %dma_wait3A_165] : memref<80000x16xf32, #tpu.memory_space<hbm>> -> memref<128x16xf32, #tpu.memory_space<hbm>>
    tpu.wait_dma2 semaphore(%arg15 : memref<!tpu.dma_semaphore, #tpu.memory_space<semaphore_mem>>) src(%dma_wait3A_166 : memref<128x16xf32, #tpu.memory_space<hbm>>) dst(%arg7 : memref<128x16xf32, #tpu.memory_space<vmem>>)
    %dma_wait3A_167 = arith.constant 0 : i32
    %dma_wait3A_168 = arith.constant 0 : i32
    %dma_wait3A_169 = tpu.memref_slice %arg2[%dma_wait3A_167, %dma_wait3A_168] : memref<80000x16xf32, #tpu.memory_space<hbm>> -> memref<128x16xf32, #tpu.memory_space<hbm>>
    %dma_wait3A_170 = arith.constant 0 : i32
    %dma_wait3A_171 = arith.constant 0 : i32
    %dma_wait3A_172 = tpu.memref_slice %arg2[%dma_wait3A_170, %dma_wait3A_171] : memref<80000x16xf32, #tpu.memory_space<hbm>> -> memref<128x16xf32, #tpu.memory_space<hbm>>
    tpu.wait_dma2 semaphore(%arg15 : memref<!tpu.dma_semaphore, #tpu.memory_space<semaphore_mem>>) src(%dma_wait3A_172 : memref<128x16xf32, #tpu.memory_space<hbm>>) dst(%arg9 : memref<128x16xf32, #tpu.memory_space<vmem>>)
    %dma_wait3A_173 = arith.constant 0 : i32
    %dma_wait3A_174 = tpu.memref_slice %arg4[%dma_wait3A_173] : memref<5120000xf32, #tpu.memory_space<hbm>> -> memref<2048xf32, #tpu.memory_space<hbm>>
    %dma_wait3A_175 = arith.constant 0 : i32
    %dma_wait3A_176 = tpu.memref_slice %arg4[%dma_wait3A_175] : memref<5120000xf32, #tpu.memory_space<hbm>> -> memref<2048xf32, #tpu.memory_space<hbm>>
    tpu.wait_dma2 semaphore(%arg17 : memref<!tpu.dma_semaphore, #tpu.memory_space<semaphore_mem>>) src(%arg11 : memref<2048xf32, #tpu.memory_space<vmem>>) dst(%dma_wait3A_176 : memref<2048xf32, #tpu.memory_space<hbm>>)
    %scan3A_177 = arith.constant 0 : i32
    %scan3A_178 = arith.constant 128 : i32
    %scan3A_179 = arith.addi %scan3A_177, %scan3A_178 : i32
    %scan3A_180 = arith.constant 8 : i32
    scf.for %scan3A_263 = %scan3A_177 to %scan3A_179 step %scan3A_180  : i32 {
      %mul3A_264 = arith.constant 1 : i32
      %mul3A_265 = arith.muli %scan3A_263, %mul3A_264 : i32
      %add3A_266 = arith.constant 0 : i32
      %add3A_267 = arith.addi %add3A_266, %mul3A_265 : i32
      %get3A = arith.index_cast %add3A_267 : i32 to index
      %get3A_268 = arith.constant 0 : index
      %get3A_269 = tpu.vector_load %arg7[%get3A, %get3A_268] {strides = array<i32>} : memref<128x16xf32, #tpu.memory_space<vmem>>, vector<16xf32>,
      %get3A_270 = arith.index_cast %add3A_267 : i32 to index
      %get3A_271 = arith.constant 0 : index
      %get3A_272 = tpu.vector_load %arg9[%get3A_270, %get3A_271] {strides = array<i32>} : memref<128x16xf32, #tpu.memory_space<vmem>>, vector<16xf32>,
      %add3A_273 = arith.addf %get3A_269, %get3A_272 : vector<16xf32>
      %mul3A_274 = arith.constant 17 : i32
      %mul3A_275 = arith.muli %add3A_267, %mul3A_274 : i32
      %swap3A = arith.index_cast %mul3A_275 : i32 to index
      %swap3A_276 = tpu.vector_load %arg13[%swap3A] {strides = array<i32>} : memref<2176xf32, #tpu.memory_space<vmem>>, vector<16xf32>,
      tpu.vector_store %arg13[%swap3A], %add3A_273 {strides = array<i32>} : memref<2176xf32, #tpu.memory_space<vmem>>, vector<16xf32>,
      %scan3A_277 = arith.constant 1 : i32
      %scan3A_278 = arith.addi %scan3A_263, %scan3A_277 : i32
      %mul3A_279 = arith.constant 1 : i32
      %mul3A_280 = arith.muli %scan3A_278, %mul3A_279 : i32
      %add3A_281 = arith.constant 0 : i32
      %add3A_282 = arith.addi %add3A_281, %mul3A_280 : i32
      %get3A_283 = arith.index_cast %add3A_282 : i32 to index
      %get3A_284 = arith.constant 0 : index
      %get3A_285 = tpu.vector_load %arg7[%get3A_283, %get3A_284] {strides = array<i32>} : memref<128x16xf32, #tpu.memory_space<vmem>>, vector<16xf32>,
      %get3A_286 = arith.index_cast %add3A_282 : i32 to index
      %get3A_287 = arith.constant 0 : index
      %get3A_288 = tpu.vector_load %arg9[%get3A_286, %get3A_287] {strides = array<i32>} : memref<128x16xf32, #tpu.memory_space<vmem>>, vector<16xf32>,
      %add3A_289 = arith.addf %get3A_285, %get3A_288 : vector<16xf32>
      %mul3A_290 = arith.constant 17 : i32
      %mul3A_291 = arith.muli %add3A_282, %mul3A_290 : i32
      %swap3A_292 = arith.index_cast %mul3A_291 : i32 to index
      %swap3A_293 = tpu.vector_load %arg13[%swap3A_292] {strides = array<i32>} : memref<2176xf32, #tpu.memory_space<vmem>>, vector<16xf32>,
      tpu.vector_store %arg13[%swap3A_292], %add3A_289 {strides = array<i32>} : memref<2176xf32, #tpu.memory_space<vmem>>, vector<16xf32>,
      %scan3A_294 = arith.constant 2 : i32
      %scan3A_295 = arith.addi %scan3A_263, %scan3A_294 : i32
      %mul3A_296 = arith.constant 1 : i32
      %mul3A_297 = arith.muli %scan3A_295, %mul3A_296 : i32
      %add3A_298 = arith.constant 0 : i32
      %add3A_299 = arith.addi %add3A_298, %mul3A_297 : i32
      %get3A_300 = arith.index_cast %add3A_299 : i32 to index
      %get3A_301 = arith.constant 0 : index
      %get3A_302 = tpu.vector_load %arg7[%get3A_300, %get3A_301] {strides = array<i32>} : memref<128x16xf32, #tpu.memory_space<vmem>>, vector<16xf32>,
      %get3A_303 = arith.index_cast %add3A_299 : i32 to index
      %get3A_304 = arith.constant 0 : index
      %get3A_305 = tpu.vector_load %arg9[%get3A_303, %get3A_304] {strides = array<i32>} : memref<128x16xf32, #tpu.memory_space<vmem>>, vector<16xf32>,
      %add3A_306 = arith.addf %get3A_302, %get3A_305 : vector<16xf32>
      %mul3A_307 = arith.constant 17 : i32
      %mul3A_308 = arith.muli %add3A_299, %mul3A_307 : i32
      %swap3A_309 = arith.index_cast %mul3A_308 : i32 to index
      %swap3A_310 = tpu.vector_load %arg13[%swap3A_309] {strides = array<i32>} : memref<2176xf32, #tpu.memory_space<vmem>>, vector<16xf32>,
      tpu.vector_store %arg13[%swap3A_309], %add3A_306 {strides = array<i32>} : memref<2176xf32, #tpu.memory_space<vmem>>, vector<16xf32>,
      %scan3A_311 = arith.constant 3 : i32
      %scan3A_312 = arith.addi %scan3A_263, %scan3A_311 : i32
      %mul3A_313 = arith.constant 1 : i32
      %mul3A_314 = arith.muli %scan3A_312, %mul3A_313 : i32
      %add3A_315 = arith.constant 0 : i32
      %add3A_316 = arith.addi %add3A_315, %mul3A_314 : i32
      %get3A_317 = arith.index_cast %add3A_316 : i32 to index
      %get3A_318 = arith.constant 0 : index
      %get3A_319 = tpu.vector_load %arg7[%get3A_317, %get3A_318] {strides = array<i32>} : memref<128x16xf32, #tpu.memory_space<vmem>>, vector<16xf32>,
      %get3A_320 = arith.index_cast %add3A_316 : i32 to index
      %get3A_321 = arith.constant 0 : index
      %get3A_322 = tpu.vector_load %arg9[%get3A_320, %get3A_321] {strides = array<i32>} : memref<128x16xf32, #tpu.memory_space<vmem>>, vector<16xf32>,
      %add3A_323 = arith.addf %get3A_319, %get3A_322 : vector<16xf32>
      %mul3A_324 = arith.constant 17 : i32
      %mul3A_325 = arith.muli %add3A_316, %mul3A_324 : i32
      %swap3A_326 = arith.index_cast %mul3A_325 : i32 to index
      %swap3A_327 = tpu.vector_load %arg13[%swap3A_326] {strides = array<i32>} : memref<2176xf32, #tpu.memory_space<vmem>>, vector<16xf32>,
      tpu.vector_store %arg13[%swap3A_326], %add3A_323 {strides = array<i32>} : memref<2176xf32, #tpu.memory_space<vmem>>, vector<16xf32>,
      %scan3A_328 = arith.constant 4 : i32
      %scan3A_329 = arith.addi %scan3A_263, %scan3A_328 : i32
      %mul3A_330 = arith.constant 1 : i32
      %mul3A_331 = arith.muli %scan3A_329, %mul3A_330 : i32
      %add3A_332 = arith.constant 0 : i32
      %add3A_333 = arith.addi %add3A_332, %mul3A_331 : i32
      %get3A_334 = arith.index_cast %add3A_333 : i32 to index
      %get3A_335 = arith.constant 0 : index
      %get3A_336 = tpu.vector_load %arg7[%get3A_334, %get3A_335] {strides = array<i32>} : memref<128x16xf32, #tpu.memory_space<vmem>>, vector<16xf32>,
      %get3A_337 = arith.index_cast %add3A_333 : i32 to index
      %get3A_338 = arith.constant 0 : index
      %get3A_339 = tpu.vector_load %arg9[%get3A_337, %get3A_338] {strides = array<i32>} : memref<128x16xf32, #tpu.memory_space<vmem>>, vector<16xf32>,
      %add3A_340 = arith.addf %get3A_336, %get3A_339 : vector<16xf32>
      %mul3A_341 = arith.constant 17 : i32
      %mul3A_342 = arith.muli %add3A_333, %mul3A_341 : i32
      %swap3A_343 = arith.index_cast %mul3A_342 : i32 to index
      %swap3A_344 = tpu.vector_load %arg13[%swap3A_343] {strides = array<i32>} : memref<2176xf32, #tpu.memory_space<vmem>>, vector<16xf32>,
      tpu.vector_store %arg13[%swap3A_343], %add3A_340 {strides = array<i32>} : memref<2176xf32, #tpu.memory_space<vmem>>, vector<16xf32>,
      %scan3A_345 = arith.constant 5 : i32
      %scan3A_346 = arith.addi %scan3A_263, %scan3A_345 : i32
      %mul3A_347 = arith.constant 1 : i32
      %mul3A_348 = arith.muli %scan3A_346, %mul3A_347 : i32
      %add3A_349 = arith.constant 0 : i32
      %add3A_350 = arith.addi %add3A_349, %mul3A_348 : i32
      %get3A_351 = arith.index_cast %add3A_350 : i32 to index
      %get3A_352 = arith.constant 0 : index
      %get3A_353 = tpu.vector_load %arg7[%get3A_351, %get3A_352] {strides = array<i32>} : memref<128x16xf32, #tpu.memory_space<vmem>>, vector<16xf32>,
      %get3A_354 = arith.index_cast %add3A_350 : i32 to index
      %get3A_355 = arith.constant 0 : index
      %get3A_356 = tpu.vector_load %arg9[%get3A_354, %get3A_355] {strides = array<i32>} : memref<128x16xf32, #tpu.memory_space<vmem>>, vector<16xf32>,
      %add3A_357 = arith.addf %get3A_353, %get3A_356 : vector<16xf32>
      %mul3A_358 = arith.constant 17 : i32
      %mul3A_359 = arith.muli %add3A_350, %mul3A_358 : i32
      %swap3A_360 = arith.index_cast %mul3A_359 : i32 to index
      %swap3A_361 = tpu.vector_load %arg13[%swap3A_360] {strides = array<i32>} : memref<2176xf32, #tpu.memory_space<vmem>>, vector<16xf32>,
      tpu.vector_store %arg13[%swap3A_360], %add3A_357 {strides = array<i32>} : memref<2176xf32, #tpu.memory_space<vmem>>, vector<16xf32>,
      %scan3A_362 = arith.constant 6 : i32
      %scan3A_363 = arith.addi %scan3A_263, %scan3A_362 : i32
      %mul3A_364 = arith.constant 1 : i32
      %mul3A_365 = arith.muli %scan3A_363, %mul3A_364 : i32
      %add3A_366 = arith.constant 0 : i32
      %add3A_367 = arith.addi %add3A_366, %mul3A_365 : i32
      %get3A_368 = arith.index_cast %add3A_367 : i32 to index
      %get3A_369 = arith.constant 0 : index
      %get3A_370 = tpu.vector_load %arg7[%get3A_368, %get3A_369] {strides = array<i32>} : memref<128x16xf32, #tpu.memory_space<vmem>>, vector<16xf32>,
      %get3A_371 = arith.index_cast %add3A_367 : i32 to index
      %get3A_372 = arith.constant 0 : index
      %get3A_373 = tpu.vector_load %arg9[%get3A_371, %get3A_372] {strides = array<i32>} : memref<128x16xf32, #tpu.memory_space<vmem>>, vector<16xf32>,
      %add3A_374 = arith.addf %get3A_370, %get3A_373 : vector<16xf32>
      %mul3A_375 = arith.constant 17 : i32
      %mul3A_376 = arith.muli %add3A_367, %mul3A_375 : i32
      %swap3A_377 = arith.index_cast %mul3A_376 : i32 to index
      %swap3A_378 = tpu.vector_load %arg13[%swap3A_377] {strides = array<i32>} : memref<2176xf32, #tpu.memory_space<vmem>>, vector<16xf32>,
      tpu.vector_store %arg13[%swap3A_377], %add3A_374 {strides = array<i32>} : memref<2176xf32, #tpu.memory_space<vmem>>, vector<16xf32>,
      %scan3A_379 = arith.constant 7 : i32
      %scan3A_380 = arith.addi %scan3A_263, %scan3A_379 : i32
      %mul3A_381 = arith.constant 1 : i32
      %mul3A_382 = arith.muli %scan3A_380, %mul3A_381 : i32
      %add3A_383 = arith.constant 0 : i32
      %add3A_384 = arith.addi %add3A_383, %mul3A_382 : i32
      %get3A_385 = arith.index_cast %add3A_384 : i32 to index
      %get3A_386 = arith.constant 0 : index
      %get3A_387 = tpu.vector_load %arg7[%get3A_385, %get3A_386] {strides = array<i32>} : memref<128x16xf32, #tpu.memory_space<vmem>>, vector<16xf32>,
      %get3A_388 = arith.index_cast %add3A_384 : i32 to index
      %get3A_389 = arith.constant 0 : index
      %get3A_390 = tpu.vector_load %arg9[%get3A_388, %get3A_389] {strides = array<i32>} : memref<128x16xf32, #tpu.memory_space<vmem>>, vector<16xf32>,
      %add3A_391 = arith.addf %get3A_387, %get3A_390 : vector<16xf32>
      %mul3A_392 = arith.constant 17 : i32
      %mul3A_393 = arith.muli %add3A_384, %mul3A_392 : i32
      %swap3A_394 = arith.index_cast %mul3A_393 : i32 to index
      %swap3A_395 = tpu.vector_load %arg13[%swap3A_394] {strides = array<i32>} : memref<2176xf32, #tpu.memory_space<vmem>>, vector<16xf32>,
      tpu.vector_store %arg13[%swap3A_394], %add3A_391 {strides = array<i32>} : memref<2176xf32, #tpu.memory_space<vmem>>, vector<16xf32>,
    }
    %scan3A_181 = arith.constant 128 : i32
    %scan3A_182 = arith.constant 0 : i32
    %scan3A_183 = arith.constant 8 : i32
    %scan3A_184 = arith.addi %scan3A_182, %scan3A_183 : i32
    %scan3A_185 = arith.constant 1 : i32
    scf.for %scan3A_263 = %scan3A_182 to %scan3A_184 step %scan3A_185  : i32 {
      %mul3A_264 = arith.constant 1 : i32
      %mul3A_265 = arith.muli %scan3A_263, %mul3A_264 : i32
      %add3A_266 = arith.constant 0 : i32
      %add3A_267 = arith.addi %add3A_266, %mul3A_265 : i32
      %mul3A_268 = arith.constant 272 : i32
      %mul3A_269 = arith.muli %add3A_267, %mul3A_268 : i32
      %add3A_270 = vector.broadcast %mul3A_269 : i32 to vector<16xi32>
      %add3A_271 = arith.addi %mul3A_9, %add3A_270 : vector<16xi32>
      %mul3A_272 = arith.constant 16 : i32
      %mul3A_273 = arith.muli %add3A_267, %mul3A_272 : i32
      %add3A_274 = arith.constant 0 : i32
      %add3A_275 = vector.broadcast %add3A_274 : i32 to vector<16xi32>
      %add3A_276 = arith.addi %add3A_271, %add3A_275 : vector<16xi32>
      %gather3A = tpu.vector_load_idx %arg13[%add3A_276] : memref<2176xf32, #tpu.memory_space<vmem>>[vector<16xi32>], vector<16xf32>,
      %add3A_277 = arith.constant 0 : i32
      %add3A_278 = arith.addi %mul3A_273, %add3A_277 : i32
      %swap3A = arith.index_cast %add3A_278 : i32 to index
      %swap3A_279 = tpu.vector_load %arg11[%swap3A] {strides = array<i32>} : memref<2048xf32, #tpu.memory_space<vmem>>, vector<16xf32>,
      tpu.vector_store %arg11[%swap3A], %gather3A {strides = array<i32>} : memref<2048xf32, #tpu.memory_space<vmem>>, vector<16xf32>,
      %add3A_280 = arith.constant 1 : i32
      %add3A_281 = vector.broadcast %add3A_280 : i32 to vector<16xi32>
      %add3A_282 = arith.addi %add3A_271, %add3A_281 : vector<16xi32>
      %gather3A_283 = tpu.vector_load_idx %arg13[%add3A_282] : memref<2176xf32, #tpu.memory_space<vmem>>[vector<16xi32>], vector<16xf32>,
      %add3A_284 = arith.constant 128 : i32
      %add3A_285 = arith.addi %mul3A_273, %add3A_284 : i32
      %swap3A_286 = arith.index_cast %add3A_285 : i32 to index
      %swap3A_287 = tpu.vector_load %arg11[%swap3A_286] {strides = array<i32>} : memref<2048xf32, #tpu.memory_space<vmem>>, vector<16xf32>,
      tpu.vector_store %arg11[%swap3A_286], %gather3A_283 {strides = array<i32>} : memref<2048xf32, #tpu.memory_space<vmem>>, vector<16xf32>,
      %add3A_288 = arith.constant 2 : i32
      %add3A_289 = vector.broadcast %add3A_288 : i32 to vector<16xi32>
      %add3A_290 = arith.addi %add3A_271, %add3A_289 : vector<16xi32>
      %gather3A_291 = tpu.vector_load_idx %arg13[%add3A_290] : memref<2176xf32, #tpu.memory_space<vmem>>[vector<16xi32>], vector<16xf32>,
      %add3A_292 = arith.constant 256 : i32
      %add3A_293 = arith.addi %mul3A_273, %add3A_292 : i32
      %swap3A_294 = arith.index_cast %add3A_293 : i32 to index
      %swap3A_295 = tpu.vector_load %arg11[%swap3A_294] {strides = array<i32>} : memref<2048xf32, #tpu.memory_space<vmem>>, vector<16xf32>,
      tpu.vector_store %arg11[%swap3A_294], %gather3A_291 {strides = array<i32>} : memref<2048xf32, #tpu.memory_space<vmem>>, vector<16xf32>,
      %add3A_296 = arith.constant 3 : i32
      %add3A_297 = vector.broadcast %add3A_296 : i32 to vector<16xi32>
      %add3A_298 = arith.addi %add3A_271, %add3A_297 : vector<16xi32>
      %gather3A_299 = tpu.vector_load_idx %arg13[%add3A_298] : memref<2176xf32, #tpu.memory_space<vmem>>[vector<16xi32>], vector<16xf32>,
      %add3A_300 = arith.constant 384 : i32
      %add3A_301 = arith.addi %mul3A_273, %add3A_300 : i32
      %swap3A_302 = arith.index_cast %add3A_301 : i32 to index
      %swap3A_303 = tpu.vector_load %arg11[%swap3A_302] {strides = array<i32>} : memref<2048xf32, #tpu.memory_space<vmem>>, vector<16xf32>,
      tpu.vector_store %arg11[%swap3A_302], %gather3A_299 {strides = array<i32>} : memref<2048xf32, #tpu.memory_space<vmem>>, vector<16xf32>,
      %add3A_304 = arith.constant 4 : i32
      %add3A_305 = vector.broadcast %add3A_304 : i32 to vector<16xi32>
      %add3A_306 = arith.addi %add3A_271, %add3A_305 : vector<16xi32>
      %gather3A_307 = tpu.vector_load_idx %arg13[%add3A_306] : memref<2176xf32, #tpu.memory_space<vmem>>[vector<16xi32>], vector<16xf32>,
      %add3A_308 = arith.constant 512 : i32
      %add3A_309 = arith.addi %mul3A_273, %add3A_308 : i32
      %swap3A_310 = arith.index_cast %add3A_309 : i32 to index
      %swap3A_311 = tpu.vector_load %arg11[%swap3A_310] {strides = array<i32>} : memref<2048xf32, #tpu.memory_space<vmem>>, vector<16xf32>,
      tpu.vector_store %arg11[%swap3A_310], %gather3A_307 {strides = array<i32>} : memref<2048xf32, #tpu.memory_space<vmem>>, vector<16xf32>,
      %add3A_312 = arith.constant 5 : i32
      %add3A_313 = vector.broadcast %add3A_312 : i32 to vector<16xi32>
      %add3A_314 = arith.addi %add3A_271, %add3A_313 : vector<16xi32>
      %gather3A_315 = tpu.vector_load_idx %arg13[%add3A_314] : memref<2176xf32, #tpu.memory_space<vmem>>[vector<16xi32>], vector<16xf32>,
      %add3A_316 = arith.constant 640 : i32
      %add3A_317 = arith.addi %mul3A_273, %add3A_316 : i32
      %swap3A_318 = arith.index_cast %add3A_317 : i32 to index
      %swap3A_319 = tpu.vector_load %arg11[%swap3A_318] {strides = array<i32>} : memref<2048xf32, #tpu.memory_space<vmem>>, vector<16xf32>,
      tpu.vector_store %arg11[%swap3A_318], %gather3A_315 {strides = array<i32>} : memref<2048xf32, #tpu.memory_space<vmem>>, vector<16xf32>,
      %add3A_320 = arith.constant 6 : i32
      %add3A_321 = vector.broadcast %add3A_320 : i32 to vector<16xi32>
      %add3A_322 = arith.addi %add3A_271, %add3A_321 : vector<16xi32>
      %gather3A_323 = tpu.vector_load_idx %arg13[%add3A_322] : memref<2176xf32, #tpu.memory_space<vmem>>[vector<16xi32>], vector<16xf32>,
      %add3A_324 = arith.constant 768 : i32
      %add3A_325 = arith.addi %mul3A_273, %add3A_324 : i32
      %swap3A_326 = arith.index_cast %add3A_325 : i32 to index
      %swap3A_327 = tpu.vector_load %arg11[%swap3A_326] {strides = array<i32>} : memref<2048xf32, #tpu.memory_space<vmem>>, vector<16xf32>,
      tpu.vector_store %arg11[%swap3A_326], %gather3A_323 {strides = array<i32>} : memref<2048xf32, #tpu.memory_space<vmem>>, vector<16xf32>,
      %add3A_328 = arith.constant 7 : i32
      %add3A_329 = vector.broadcast %add3A_328 : i32 to vector<16xi32>
      %add3A_330 = arith.addi %add3A_271, %add3A_329 : vector<16xi32>
      %gather3A_331 = tpu.vector_load_idx %arg13[%add3A_330] : memref<2176xf32, #tpu.memory_space<vmem>>[vector<16xi32>], vector<16xf32>,
      %add3A_332 = arith.constant 896 : i32
      %add3A_333 = arith.addi %mul3A_273, %add3A_332 : i32
      %swap3A_334 = arith.index_cast %add3A_333 : i32 to index
      %swap3A_335 = tpu.vector_load %arg11[%swap3A_334] {strides = array<i32>} : memref<2048xf32, #tpu.memory_space<vmem>>, vector<16xf32>,
      tpu.vector_store %arg11[%swap3A_334], %gather3A_331 {strides = array<i32>} : memref<2048xf32, #tpu.memory_space<vmem>>, vector<16xf32>,
      %add3A_336 = arith.constant 8 : i32
      %add3A_337 = vector.broadcast %add3A_336 : i32 to vector<16xi32>
      %add3A_338 = arith.addi %add3A_271, %add3A_337 : vector<16xi32>
      %gather3A_339 = tpu.vector_load_idx %arg13[%add3A_338] : memref<2176xf32, #tpu.memory_space<vmem>>[vector<16xi32>], vector<16xf32>,
      %add3A_340 = arith.constant 1024 : i32
      %add3A_341 = arith.addi %mul3A_273, %add3A_340 : i32
      %swap3A_342 = arith.index_cast %add3A_341 : i32 to index
      %swap3A_343 = tpu.vector_load %arg11[%swap3A_342] {strides = array<i32>} : memref<2048xf32, #tpu.memory_space<vmem>>, vector<16xf32>,
      tpu.vector_store %arg11[%swap3A_342], %gather3A_339 {strides = array<i32>} : memref<2048xf32, #tpu.memory_space<vmem>>, vector<16xf32>,
      %add3A_344 = arith.constant 9 : i32
      %add3A_345 = vector.broadcast %add3A_344 : i32 to vector<16xi32>
      %add3A_346 = arith.addi %add3A_271, %add3A_345 : vector<16xi32>
      %gather3A_347 = tpu.vector_load_idx %arg13[%add3A_346] : memref<2176xf32, #tpu.memory_space<vmem>>[vector<16xi32>], vector<16xf32>,
      %add3A_348 = arith.constant 1152 : i32
      %add3A_349 = arith.addi %mul3A_273, %add3A_348 : i32
      %swap3A_350 = arith.index_cast %add3A_349 : i32 to index
      %swap3A_351 = tpu.vector_load %arg11[%swap3A_350] {strides = array<i32>} : memref<2048xf32, #tpu.memory_space<vmem>>, vector<16xf32>,
      tpu.vector_store %arg11[%swap3A_350], %gather3A_347 {strides = array<i32>} : memref<2048xf32, #tpu.memory_space<vmem>>, vector<16xf32>,
      %add3A_352 = arith.constant 10 : i32
      %add3A_353 = vector.broadcast %add3A_352 : i32 to vector<16xi32>
      %add3A_354 = arith.addi %add3A_271, %add3A_353 : vector<16xi32>
      %gather3A_355 = tpu.vector_load_idx %arg13[%add3A_354] : memref<2176xf32, #tpu.memory_space<vmem>>[vector<16xi32>], vector<16xf32>,
      %add3A_356 = arith.constant 1280 : i32
      %add3A_357 = arith.addi %mul3A_273, %add3A_356 : i32
      %swap3A_358 = arith.index_cast %add3A_357 : i32 to index
      %swap3A_359 = tpu.vector_load %arg11[%swap3A_358] {strides = array<i32>} : memref<2048xf32, #tpu.memory_space<vmem>>, vector<16xf32>,
      tpu.vector_store %arg11[%swap3A_358], %gather3A_355 {strides = array<i32>} : memref<2048xf32, #tpu.memory_space<vmem>>, vector<16xf32>,
      %add3A_360 = arith.constant 11 : i32
      %add3A_361 = vector.broadcast %add3A_360 : i32 to vector<16xi32>
      %add3A_362 = arith.addi %add3A_271, %add3A_361 : vector<16xi32>
      %gather3A_363 = tpu.vector_load_idx %arg13[%add3A_362] : memref<2176xf32, #tpu.memory_space<vmem>>[vector<16xi32>], vector<16xf32>,
      %add3A_364 = arith.constant 1408 : i32
      %add3A_365 = arith.addi %mul3A_273, %add3A_364 : i32
      %swap3A_366 = arith.index_cast %add3A_365 : i32 to index
      %swap3A_367 = tpu.vector_load %arg11[%swap3A_366] {strides = array<i32>} : memref<2048xf32, #tpu.memory_space<vmem>>, vector<16xf32>,
      tpu.vector_store %arg11[%swap3A_366], %gather3A_363 {strides = array<i32>} : memref<2048xf32, #tpu.memory_space<vmem>>, vector<16xf32>,
      %add3A_368 = arith.constant 12 : i32
      %add3A_369 = vector.broadcast %add3A_368 : i32 to vector<16xi32>
      %add3A_370 = arith.addi %add3A_271, %add3A_369 : vector<16xi32>
      %gather3A_371 = tpu.vector_load_idx %arg13[%add3A_370] : memref<2176xf32, #tpu.memory_space<vmem>>[vector<16xi32>], vector<16xf32>,
      %add3A_372 = arith.constant 1536 : i32
      %add3A_373 = arith.addi %mul3A_273, %add3A_372 : i32
      %swap3A_374 = arith.index_cast %add3A_373 : i32 to index
      %swap3A_375 = tpu.vector_load %arg11[%swap3A_374] {strides = array<i32>} : memref<2048xf32, #tpu.memory_space<vmem>>, vector<16xf32>,
      tpu.vector_store %arg11[%swap3A_374], %gather3A_371 {strides = array<i32>} : memref<2048xf32, #tpu.memory_space<vmem>>, vector<16xf32>,
      %add3A_376 = arith.constant 13 : i32
      %add3A_377 = vector.broadcast %add3A_376 : i32 to vector<16xi32>
      %add3A_378 = arith.addi %add3A_271, %add3A_377 : vector<16xi32>
      %gather3A_379 = tpu.vector_load_idx %arg13[%add3A_378] : memref<2176xf32, #tpu.memory_space<vmem>>[vector<16xi32>], vector<16xf32>,
      %add3A_380 = arith.constant 1664 : i32
      %add3A_381 = arith.addi %mul3A_273, %add3A_380 : i32
      %swap3A_382 = arith.index_cast %add3A_381 : i32 to index
      %swap3A_383 = tpu.vector_load %arg11[%swap3A_382] {strides = array<i32>} : memref<2048xf32, #tpu.memory_space<vmem>>, vector<16xf32>,
      tpu.vector_store %arg11[%swap3A_382], %gather3A_379 {strides = array<i32>} : memref<2048xf32, #tpu.memory_space<vmem>>, vector<16xf32>,
      %add3A_384 = arith.constant 14 : i32
      %add3A_385 = vector.broadcast %add3A_384 : i32 to vector<16xi32>
      %add3A_386 = arith.addi %add3A_271, %add3A_385 : vector<16xi32>
      %gather3A_387 = tpu.vector_load_idx %arg13[%add3A_386] : memref<2176xf32, #tpu.memory_space<vmem>>[vector<16xi32>], vector<16xf32>,
      %add3A_388 = arith.constant 1792 : i32
      %add3A_389 = arith.addi %mul3A_273, %add3A_388 : i32
      %swap3A_390 = arith.index_cast %add3A_389 : i32 to index
      %swap3A_391 = tpu.vector_load %arg11[%swap3A_390] {strides = array<i32>} : memref<2048xf32, #tpu.memory_space<vmem>>, vector<16xf32>,
      tpu.vector_store %arg11[%swap3A_390], %gather3A_387 {strides = array<i32>} : memref<2048xf32, #tpu.memory_space<vmem>>, vector<16xf32>,
      %add3A_392 = arith.constant 15 : i32
      %add3A_393 = vector.broadcast %add3A_392 : i32 to vector<16xi32>
      %add3A_394 = arith.addi %add3A_271, %add3A_393 : vector<16xi32>
      %gather3A_395 = tpu.vector_load_idx %arg13[%add3A_394] : memref<2176xf32, #tpu.memory_space<vmem>>[vector<16xi32>], vector<16xf32>,
      %add3A_396 = arith.constant 1920 : i32
      %add3A_397 = arith.addi %mul3A_273, %add3A_396 : i32
      %swap3A_398 = arith.index_cast %add3A_397 : i32 to index
      %swap3A_399 = tpu.vector_load %arg11[%swap3A_398] {strides = array<i32>} : memref<2048xf32, #tpu.memory_space<vmem>>, vector<16xf32>,
      tpu.vector_store %arg11[%swap3A_398], %gather3A_395 {strides = array<i32>} : memref<2048xf32, #tpu.memory_space<vmem>>, vector<16xf32>,
    }
    %scan3A_186 = arith.constant 8 : i32
    %add3A_187 = arith.constant 76 : i32
    %add3A_188 = arith.addi %mul3A_2, %add3A_187 : i32
    %mul3A_189 = arith.constant 1024 : i32
    %mul3A_190 = arith.muli %add3A_188, %mul3A_189 : i32
    %dma_start3A_191 = arith.constant 0 : i32
    %dma_start3A_192 = tpu.memref_slice %arg11[%dma_start3A_191] : memref<2048xf32, #tpu.memory_space<vmem>> -> memref<1024xf32, #tpu.memory_space<vmem>>
    %dma_start3A_193 = tpu.memref_slice %arg4[%mul3A_190] : memref<5120000xf32, #tpu.memory_space<hbm>> -> memref<1024xf32, #tpu.memory_space<hbm>>
    %dma_start3A_194 = tpu.memref_slice %arg4[%mul3A_190] : memref<5120000xf32, #tpu.memory_space<hbm>> -> memref<1024xf32, #tpu.memory_space<hbm>>
    %dma_start3A_195 = arith.constant 0 : i32
    %dma_start3A_196 = tpu.memref_slice %arg11[%dma_start3A_195] : memref<2048xf32, #tpu.memory_space<vmem>> -> memref<1024xf32, #tpu.memory_space<vmem>>
    tpu.enqueue_dma source(%dma_start3A_196 : memref<1024xf32, #tpu.memory_space<vmem>>) target(%dma_start3A_194 : memref<1024xf32, #tpu.memory_space<hbm>>) target_semaphore(%arg17 : memref<!tpu.dma_semaphore, #tpu.memory_space<semaphore_mem>>)
    %mul3A_197 = arith.constant 1024 : i32
    %mul3A_198 = arith.muli %add3A_188, %mul3A_197 : i32
    %add3A_199 = arith.constant 2560000 : i32
    %add3A_200 = arith.addi %add3A_199, %mul3A_198 : i32
    %dma_start3A_201 = arith.constant 1024 : i32
    %dma_start3A_202 = tpu.memref_slice %arg11[%dma_start3A_201] : memref<2048xf32, #tpu.memory_space<vmem>> -> memref<1024xf32, #tpu.memory_space<vmem>>
    %dma_start3A_203 = tpu.memref_slice %arg4[%add3A_200] : memref<5120000xf32, #tpu.memory_space<hbm>> -> memref<1024xf32, #tpu.memory_space<hbm>>
    %dma_start3A_204 = tpu.memref_slice %arg4[%add3A_200] : memref<5120000xf32, #tpu.memory_space<hbm>> -> memref<1024xf32, #tpu.memory_space<hbm>>
    %dma_start3A_205 = arith.constant 1024 : i32
    %dma_start3A_206 = tpu.memref_slice %arg11[%dma_start3A_205] : memref<2048xf32, #tpu.memory_space<vmem>> -> memref<1024xf32, #tpu.memory_space<vmem>>
    tpu.enqueue_dma source(%dma_start3A_206 : memref<1024xf32, #tpu.memory_space<vmem>>) target(%dma_start3A_204 : memref<1024xf32, #tpu.memory_space<hbm>>) target_semaphore(%arg17 : memref<!tpu.dma_semaphore, #tpu.memory_space<semaphore_mem>>)
    %dma_wait3A_207 = arith.constant 0 : i32
    %dma_wait3A_208 = arith.constant 0 : i32
    %dma_wait3A_209 = tpu.memref_slice %arg2[%dma_wait3A_207, %dma_wait3A_208] : memref<80000x16xf32, #tpu.memory_space<hbm>> -> memref<128x16xf32, #tpu.memory_space<hbm>>
    %dma_wait3A_210 = arith.constant 0 : i32
    %dma_wait3A_211 = arith.constant 0 : i32
    %dma_wait3A_212 = tpu.memref_slice %arg2[%dma_wait3A_210, %dma_wait3A_211] : memref<80000x16xf32, #tpu.memory_space<hbm>> -> memref<128x16xf32, #tpu.memory_space<hbm>>
    tpu.wait_dma2 semaphore(%arg16 : memref<!tpu.dma_semaphore, #tpu.memory_space<semaphore_mem>>) src(%dma_wait3A_212 : memref<128x16xf32, #tpu.memory_space<hbm>>) dst(%arg8 : memref<128x16xf32, #tpu.memory_space<vmem>>)
    %dma_wait3A_213 = arith.constant 0 : i32
    %dma_wait3A_214 = arith.constant 0 : i32
    %dma_wait3A_215 = tpu.memref_slice %arg2[%dma_wait3A_213, %dma_wait3A_214] : memref<80000x16xf32, #tpu.memory_space<hbm>> -> memref<128x16xf32, #tpu.memory_space<hbm>>
    %dma_wait3A_216 = arith.constant 0 : i32
    %dma_wait3A_217 = arith.constant 0 : i32
    %dma_wait3A_218 = tpu.memref_slice %arg2[%dma_wait3A_216, %dma_wait3A_217] : memref<80000x16xf32, #tpu.memory_space<hbm>> -> memref<128x16xf32, #tpu.memory_space<hbm>>
    tpu.wait_dma2 semaphore(%arg16 : memref<!tpu.dma_semaphore, #tpu.memory_space<semaphore_mem>>) src(%dma_wait3A_218 : memref<128x16xf32, #tpu.memory_space<hbm>>) dst(%arg10 : memref<128x16xf32, #tpu.memory_space<vmem>>)
    %dma_wait3A_219 = arith.constant 0 : i32
    %dma_wait3A_220 = tpu.memref_slice %arg4[%dma_wait3A_219] : memref<5120000xf32, #tpu.memory_space<hbm>> -> memref<2048xf32, #tpu.memory_space<hbm>>
    %dma_wait3A_221 = arith.constant 0 : i32
    %dma_wait3A_222 = tpu.memref_slice %arg4[%dma_wait3A_221] : memref<5120000xf32, #tpu.memory_space<hbm>> -> memref<2048xf32, #tpu.memory_space<hbm>>
    tpu.wait_dma2 semaphore(%arg18 : memref<!tpu.dma_semaphore, #tpu.memory_space<semaphore_mem>>) src(%arg12 : memref<2048xf32, #tpu.memory_space<vmem>>) dst(%dma_wait3A_222 : memref<2048xf32, #tpu.memory_space<hbm>>)
    %scan3A_223 = arith.constant 0 : i32
    %scan3A_224 = arith.constant 128 : i32
    %scan3A_225 = arith.addi %scan3A_223, %scan3A_224 : i32
    %scan3A_226 = arith.constant 8 : i32
    scf.for %scan3A_263 = %scan3A_223 to %scan3A_225 step %scan3A_226  : i32 {
      %mul3A_264 = arith.constant 1 : i32
      %mul3A_265 = arith.muli %scan3A_263, %mul3A_264 : i32
      %add3A_266 = arith.constant 0 : i32
      %add3A_267 = arith.addi %add3A_266, %mul3A_265 : i32
      %get3A = arith.index_cast %add3A_267 : i32 to index
      %get3A_268 = arith.constant 0 : index
      %get3A_269 = tpu.vector_load %arg8[%get3A, %get3A_268] {strides = array<i32>} : memref<128x16xf32, #tpu.memory_space<vmem>>, vector<16xf32>,
      %get3A_270 = arith.index_cast %add3A_267 : i32 to index
      %get3A_271 = arith.constant 0 : index
      %get3A_272 = tpu.vector_load %arg10[%get3A_270, %get3A_271] {strides = array<i32>} : memref<128x16xf32, #tpu.memory_space<vmem>>, vector<16xf32>,
      %add3A_273 = arith.addf %get3A_269, %get3A_272 : vector<16xf32>
      %mul3A_274 = arith.constant 17 : i32
      %mul3A_275 = arith.muli %add3A_267, %mul3A_274 : i32
      %swap3A = arith.index_cast %mul3A_275 : i32 to index
      %swap3A_276 = tpu.vector_load %arg14[%swap3A] {strides = array<i32>} : memref<2176xf32, #tpu.memory_space<vmem>>, vector<16xf32>,
      tpu.vector_store %arg14[%swap3A], %add3A_273 {strides = array<i32>} : memref<2176xf32, #tpu.memory_space<vmem>>, vector<16xf32>,
      %scan3A_277 = arith.constant 1 : i32
      %scan3A_278 = arith.addi %scan3A_263, %scan3A_277 : i32
      %mul3A_279 = arith.constant 1 : i32
      %mul3A_280 = arith.muli %scan3A_278, %mul3A_279 : i32
      %add3A_281 = arith.constant 0 : i32
      %add3A_282 = arith.addi %add3A_281, %mul3A_280 : i32
      %get3A_283 = arith.index_cast %add3A_282 : i32 to index
      %get3A_284 = arith.constant 0 : index
      %get3A_285 = tpu.vector_load %arg8[%get3A_283, %get3A_284] {strides = array<i32>} : memref<128x16xf32, #tpu.memory_space<vmem>>, vector<16xf32>,
      %get3A_286 = arith.index_cast %add3A_282 : i32 to index
      %get3A_287 = arith.constant 0 : index
      %get3A_288 = tpu.vector_load %arg10[%get3A_286, %get3A_287] {strides = array<i32>} : memref<128x16xf32, #tpu.memory_space<vmem>>, vector<16xf32>,
      %add3A_289 = arith.addf %get3A_285, %get3A_288 : vector<16xf32>
      %mul3A_290 = arith.constant 17 : i32
      %mul3A_291 = arith.muli %add3A_282, %mul3A_290 : i32
      %swap3A_292 = arith.index_cast %mul3A_291 : i32 to index
      %swap3A_293 = tpu.vector_load %arg14[%swap3A_292] {strides = array<i32>} : memref<2176xf32, #tpu.memory_space<vmem>>, vector<16xf32>,
      tpu.vector_store %arg14[%swap3A_292], %add3A_289 {strides = array<i32>} : memref<2176xf32, #tpu.memory_space<vmem>>, vector<16xf32>,
      %scan3A_294 = arith.constant 2 : i32
      %scan3A_295 = arith.addi %scan3A_263, %scan3A_294 : i32
      %mul3A_296 = arith.constant 1 : i32
      %mul3A_297 = arith.muli %scan3A_295, %mul3A_296 : i32
      %add3A_298 = arith.constant 0 : i32
      %add3A_299 = arith.addi %add3A_298, %mul3A_297 : i32
      %get3A_300 = arith.index_cast %add3A_299 : i32 to index
      %get3A_301 = arith.constant 0 : index
      %get3A_302 = tpu.vector_load %arg8[%get3A_300, %get3A_301] {strides = array<i32>} : memref<128x16xf32, #tpu.memory_space<vmem>>, vector<16xf32>,
      %get3A_303 = arith.index_cast %add3A_299 : i32 to index
      %get3A_304 = arith.constant 0 : index
      %get3A_305 = tpu.vector_load %arg10[%get3A_303, %get3A_304] {strides = array<i32>} : memref<128x16xf32, #tpu.memory_space<vmem>>, vector<16xf32>,
      %add3A_306 = arith.addf %get3A_302, %get3A_305 : vector<16xf32>
      %mul3A_307 = arith.constant 17 : i32
      %mul3A_308 = arith.muli %add3A_299, %mul3A_307 : i32
      %swap3A_309 = arith.index_cast %mul3A_308 : i32 to index
      %swap3A_310 = tpu.vector_load %arg14[%swap3A_309] {strides = array<i32>} : memref<2176xf32, #tpu.memory_space<vmem>>, vector<16xf32>,
      tpu.vector_store %arg14[%swap3A_309], %add3A_306 {strides = array<i32>} : memref<2176xf32, #tpu.memory_space<vmem>>, vector<16xf32>,
      %scan3A_311 = arith.constant 3 : i32
      %scan3A_312 = arith.addi %scan3A_263, %scan3A_311 : i32
      %mul3A_313 = arith.constant 1 : i32
      %mul3A_314 = arith.muli %scan3A_312, %mul3A_313 : i32
      %add3A_315 = arith.constant 0 : i32
      %add3A_316 = arith.addi %add3A_315, %mul3A_314 : i32
      %get3A_317 = arith.index_cast %add3A_316 : i32 to index
      %get3A_318 = arith.constant 0 : index
      %get3A_319 = tpu.vector_load %arg8[%get3A_317, %get3A_318] {strides = array<i32>} : memref<128x16xf32, #tpu.memory_space<vmem>>, vector<16xf32>,
      %get3A_320 = arith.index_cast %add3A_316 : i32 to index
      %get3A_321 = arith.constant 0 : index
      %get3A_322 = tpu.vector_load %arg10[%get3A_320, %get3A_321] {strides = array<i32>} : memref<128x16xf32, #tpu.memory_space<vmem>>, vector<16xf32>,
      %add3A_323 = arith.addf %get3A_319, %get3A_322 : vector<16xf32>
      %mul3A_324 = arith.constant 17 : i32
      %mul3A_325 = arith.muli %add3A_316, %mul3A_324 : i32
      %swap3A_326 = arith.index_cast %mul3A_325 : i32 to index
      %swap3A_327 = tpu.vector_load %arg14[%swap3A_326] {strides = array<i32>} : memref<2176xf32, #tpu.memory_space<vmem>>, vector<16xf32>,
      tpu.vector_store %arg14[%swap3A_326], %add3A_323 {strides = array<i32>} : memref<2176xf32, #tpu.memory_space<vmem>>, vector<16xf32>,
      %scan3A_328 = arith.constant 4 : i32
      %scan3A_329 = arith.addi %scan3A_263, %scan3A_328 : i32
      %mul3A_330 = arith.constant 1 : i32
      %mul3A_331 = arith.muli %scan3A_329, %mul3A_330 : i32
      %add3A_332 = arith.constant 0 : i32
      %add3A_333 = arith.addi %add3A_332, %mul3A_331 : i32
      %get3A_334 = arith.index_cast %add3A_333 : i32 to index
      %get3A_335 = arith.constant 0 : index
      %get3A_336 = tpu.vector_load %arg8[%get3A_334, %get3A_335] {strides = array<i32>} : memref<128x16xf32, #tpu.memory_space<vmem>>, vector<16xf32>,
      %get3A_337 = arith.index_cast %add3A_333 : i32 to index
      %get3A_338 = arith.constant 0 : index
      %get3A_339 = tpu.vector_load %arg10[%get3A_337, %get3A_338] {strides = array<i32>} : memref<128x16xf32, #tpu.memory_space<vmem>>, vector<16xf32>,
      %add3A_340 = arith.addf %get3A_336, %get3A_339 : vector<16xf32>
      %mul3A_341 = arith.constant 17 : i32
      %mul3A_342 = arith.muli %add3A_333, %mul3A_341 : i32
      %swap3A_343 = arith.index_cast %mul3A_342 : i32 to index
      %swap3A_344 = tpu.vector_load %arg14[%swap3A_343] {strides = array<i32>} : memref<2176xf32, #tpu.memory_space<vmem>>, vector<16xf32>,
      tpu.vector_store %arg14[%swap3A_343], %add3A_340 {strides = array<i32>} : memref<2176xf32, #tpu.memory_space<vmem>>, vector<16xf32>,
      %scan3A_345 = arith.constant 5 : i32
      %scan3A_346 = arith.addi %scan3A_263, %scan3A_345 : i32
      %mul3A_347 = arith.constant 1 : i32
      %mul3A_348 = arith.muli %scan3A_346, %mul3A_347 : i32
      %add3A_349 = arith.constant 0 : i32
      %add3A_350 = arith.addi %add3A_349, %mul3A_348 : i32
      %get3A_351 = arith.index_cast %add3A_350 : i32 to index
      %get3A_352 = arith.constant 0 : index
      %get3A_353 = tpu.vector_load %arg8[%get3A_351, %get3A_352] {strides = array<i32>} : memref<128x16xf32, #tpu.memory_space<vmem>>, vector<16xf32>,
      %get3A_354 = arith.index_cast %add3A_350 : i32 to index
      %get3A_355 = arith.constant 0 : index
      %get3A_356 = tpu.vector_load %arg10[%get3A_354, %get3A_355] {strides = array<i32>} : memref<128x16xf32, #tpu.memory_space<vmem>>, vector<16xf32>,
      %add3A_357 = arith.addf %get3A_353, %get3A_356 : vector<16xf32>
      %mul3A_358 = arith.constant 17 : i32
      %mul3A_359 = arith.muli %add3A_350, %mul3A_358 : i32
      %swap3A_360 = arith.index_cast %mul3A_359 : i32 to index
      %swap3A_361 = tpu.vector_load %arg14[%swap3A_360] {strides = array<i32>} : memref<2176xf32, #tpu.memory_space<vmem>>, vector<16xf32>,
      tpu.vector_store %arg14[%swap3A_360], %add3A_357 {strides = array<i32>} : memref<2176xf32, #tpu.memory_space<vmem>>, vector<16xf32>,
      %scan3A_362 = arith.constant 6 : i32
      %scan3A_363 = arith.addi %scan3A_263, %scan3A_362 : i32
      %mul3A_364 = arith.constant 1 : i32
      %mul3A_365 = arith.muli %scan3A_363, %mul3A_364 : i32
      %add3A_366 = arith.constant 0 : i32
      %add3A_367 = arith.addi %add3A_366, %mul3A_365 : i32
      %get3A_368 = arith.index_cast %add3A_367 : i32 to index
      %get3A_369 = arith.constant 0 : index
      %get3A_370 = tpu.vector_load %arg8[%get3A_368, %get3A_369] {strides = array<i32>} : memref<128x16xf32, #tpu.memory_space<vmem>>, vector<16xf32>,
      %get3A_371 = arith.index_cast %add3A_367 : i32 to index
      %get3A_372 = arith.constant 0 : index
      %get3A_373 = tpu.vector_load %arg10[%get3A_371, %get3A_372] {strides = array<i32>} : memref<128x16xf32, #tpu.memory_space<vmem>>, vector<16xf32>,
      %add3A_374 = arith.addf %get3A_370, %get3A_373 : vector<16xf32>
      %mul3A_375 = arith.constant 17 : i32
      %mul3A_376 = arith.muli %add3A_367, %mul3A_375 : i32
      %swap3A_377 = arith.index_cast %mul3A_376 : i32 to index
      %swap3A_378 = tpu.vector_load %arg14[%swap3A_377] {strides = array<i32>} : memref<2176xf32, #tpu.memory_space<vmem>>, vector<16xf32>,
      tpu.vector_store %arg14[%swap3A_377], %add3A_374 {strides = array<i32>} : memref<2176xf32, #tpu.memory_space<vmem>>, vector<16xf32>,
      %scan3A_379 = arith.constant 7 : i32
      %scan3A_380 = arith.addi %scan3A_263, %scan3A_379 : i32
      %mul3A_381 = arith.constant 1 : i32
      %mul3A_382 = arith.muli %scan3A_380, %mul3A_381 : i32
      %add3A_383 = arith.constant 0 : i32
      %add3A_384 = arith.addi %add3A_383, %mul3A_382 : i32
      %get3A_385 = arith.index_cast %add3A_384 : i32 to index
      %get3A_386 = arith.constant 0 : index
      %get3A_387 = tpu.vector_load %arg8[%get3A_385, %get3A_386] {strides = array<i32>} : memref<128x16xf32, #tpu.memory_space<vmem>>, vector<16xf32>,
      %get3A_388 = arith.index_cast %add3A_384 : i32 to index
      %get3A_389 = arith.constant 0 : index
      %get3A_390 = tpu.vector_load %arg10[%get3A_388, %get3A_389] {strides = array<i32>} : memref<128x16xf32, #tpu.memory_space<vmem>>, vector<16xf32>,
      %add3A_391 = arith.addf %get3A_387, %get3A_390 : vector<16xf32>
      %mul3A_392 = arith.constant 17 : i32
      %mul3A_393 = arith.muli %add3A_384, %mul3A_392 : i32
      %swap3A_394 = arith.index_cast %mul3A_393 : i32 to index
      %swap3A_395 = tpu.vector_load %arg14[%swap3A_394] {strides = array<i32>} : memref<2176xf32, #tpu.memory_space<vmem>>, vector<16xf32>,
      tpu.vector_store %arg14[%swap3A_394], %add3A_391 {strides = array<i32>} : memref<2176xf32, #tpu.memory_space<vmem>>, vector<16xf32>,
    }
    %scan3A_227 = arith.constant 128 : i32
    %scan3A_228 = arith.constant 0 : i32
    %scan3A_229 = arith.constant 8 : i32
    %scan3A_230 = arith.addi %scan3A_228, %scan3A_229 : i32
    %scan3A_231 = arith.constant 1 : i32
    scf.for %scan3A_263 = %scan3A_228 to %scan3A_230 step %scan3A_231  : i32 {
      %mul3A_264 = arith.constant 1 : i32
      %mul3A_265 = arith.muli %scan3A_263, %mul3A_264 : i32
      %add3A_266 = arith.constant 0 : i32
      %add3A_267 = arith.addi %add3A_266, %mul3A_265 : i32
      %mul3A_268 = arith.constant 272 : i32
      %mul3A_269 = arith.muli %add3A_267, %mul3A_268 : i32
      %add3A_270 = vector.broadcast %mul3A_269 : i32 to vector<16xi32>
      %add3A_271 = arith.addi %mul3A_9, %add3A_270 : vector<16xi32>
      %mul3A_272 = arith.constant 16 : i32
      %mul3A_273 = arith.muli %add3A_267, %mul3A_272 : i32
      %add3A_274 = arith.constant 0 : i32
      %add3A_275 = vector.broadcast %add3A_274 : i32 to vector<16xi32>
      %add3A_276 = arith.addi %add3A_271, %add3A_275 : vector<16xi32>
      %gather3A = tpu.vector_load_idx %arg14[%add3A_276] : memref<2176xf32, #tpu.memory_space<vmem>>[vector<16xi32>], vector<16xf32>,
      %add3A_277 = arith.constant 0 : i32
      %add3A_278 = arith.addi %mul3A_273, %add3A_277 : i32
      %swap3A = arith.index_cast %add3A_278 : i32 to index
      %swap3A_279 = tpu.vector_load %arg12[%swap3A] {strides = array<i32>} : memref<2048xf32, #tpu.memory_space<vmem>>, vector<16xf32>,
      tpu.vector_store %arg12[%swap3A], %gather3A {strides = array<i32>} : memref<2048xf32, #tpu.memory_space<vmem>>, vector<16xf32>,
      %add3A_280 = arith.constant 1 : i32
      %add3A_281 = vector.broadcast %add3A_280 : i32 to vector<16xi32>
      %add3A_282 = arith.addi %add3A_271, %add3A_281 : vector<16xi32>
      %gather3A_283 = tpu.vector_load_idx %arg14[%add3A_282] : memref<2176xf32, #tpu.memory_space<vmem>>[vector<16xi32>], vector<16xf32>,
      %add3A_284 = arith.constant 128 : i32
      %add3A_285 = arith.addi %mul3A_273, %add3A_284 : i32
      %swap3A_286 = arith.index_cast %add3A_285 : i32 to index
      %swap3A_287 = tpu.vector_load %arg12[%swap3A_286] {strides = array<i32>} : memref<2048xf32, #tpu.memory_space<vmem>>, vector<16xf32>,
      tpu.vector_store %arg12[%swap3A_286], %gather3A_283 {strides = array<i32>} : memref<2048xf32, #tpu.memory_space<vmem>>, vector<16xf32>,
      %add3A_288 = arith.constant 2 : i32
      %add3A_289 = vector.broadcast %add3A_288 : i32 to vector<16xi32>
      %add3A_290 = arith.addi %add3A_271, %add3A_289 : vector<16xi32>
      %gather3A_291 = tpu.vector_load_idx %arg14[%add3A_290] : memref<2176xf32, #tpu.memory_space<vmem>>[vector<16xi32>], vector<16xf32>,
      %add3A_292 = arith.constant 256 : i32
      %add3A_293 = arith.addi %mul3A_273, %add3A_292 : i32
      %swap3A_294 = arith.index_cast %add3A_293 : i32 to index
      %swap3A_295 = tpu.vector_load %arg12[%swap3A_294] {strides = array<i32>} : memref<2048xf32, #tpu.memory_space<vmem>>, vector<16xf32>,
      tpu.vector_store %arg12[%swap3A_294], %gather3A_291 {strides = array<i32>} : memref<2048xf32, #tpu.memory_space<vmem>>, vector<16xf32>,
      %add3A_296 = arith.constant 3 : i32
      %add3A_297 = vector.broadcast %add3A_296 : i32 to vector<16xi32>
      %add3A_298 = arith.addi %add3A_271, %add3A_297 : vector<16xi32>
      %gather3A_299 = tpu.vector_load_idx %arg14[%add3A_298] : memref<2176xf32, #tpu.memory_space<vmem>>[vector<16xi32>], vector<16xf32>,
      %add3A_300 = arith.constant 384 : i32
      %add3A_301 = arith.addi %mul3A_273, %add3A_300 : i32
      %swap3A_302 = arith.index_cast %add3A_301 : i32 to index
      %swap3A_303 = tpu.vector_load %arg12[%swap3A_302] {strides = array<i32>} : memref<2048xf32, #tpu.memory_space<vmem>>, vector<16xf32>,
      tpu.vector_store %arg12[%swap3A_302], %gather3A_299 {strides = array<i32>} : memref<2048xf32, #tpu.memory_space<vmem>>, vector<16xf32>,
      %add3A_304 = arith.constant 4 : i32
      %add3A_305 = vector.broadcast %add3A_304 : i32 to vector<16xi32>
      %add3A_306 = arith.addi %add3A_271, %add3A_305 : vector<16xi32>
      %gather3A_307 = tpu.vector_load_idx %arg14[%add3A_306] : memref<2176xf32, #tpu.memory_space<vmem>>[vector<16xi32>], vector<16xf32>,
      %add3A_308 = arith.constant 512 : i32
      %add3A_309 = arith.addi %mul3A_273, %add3A_308 : i32
      %swap3A_310 = arith.index_cast %add3A_309 : i32 to index
      %swap3A_311 = tpu.vector_load %arg12[%swap3A_310] {strides = array<i32>} : memref<2048xf32, #tpu.memory_space<vmem>>, vector<16xf32>,
      tpu.vector_store %arg12[%swap3A_310], %gather3A_307 {strides = array<i32>} : memref<2048xf32, #tpu.memory_space<vmem>>, vector<16xf32>,
      %add3A_312 = arith.constant 5 : i32
      %add3A_313 = vector.broadcast %add3A_312 : i32 to vector<16xi32>
      %add3A_314 = arith.addi %add3A_271, %add3A_313 : vector<16xi32>
      %gather3A_315 = tpu.vector_load_idx %arg14[%add3A_314] : memref<2176xf32, #tpu.memory_space<vmem>>[vector<16xi32>], vector<16xf32>,
      %add3A_316 = arith.constant 640 : i32
      %add3A_317 = arith.addi %mul3A_273, %add3A_316 : i32
      %swap3A_318 = arith.index_cast %add3A_317 : i32 to index
      %swap3A_319 = tpu.vector_load %arg12[%swap3A_318] {strides = array<i32>} : memref<2048xf32, #tpu.memory_space<vmem>>, vector<16xf32>,
      tpu.vector_store %arg12[%swap3A_318], %gather3A_315 {strides = array<i32>} : memref<2048xf32, #tpu.memory_space<vmem>>, vector<16xf32>,
      %add3A_320 = arith.constant 6 : i32
      %add3A_321 = vector.broadcast %add3A_320 : i32 to vector<16xi32>
      %add3A_322 = arith.addi %add3A_271, %add3A_321 : vector<16xi32>
      %gather3A_323 = tpu.vector_load_idx %arg14[%add3A_322] : memref<2176xf32, #tpu.memory_space<vmem>>[vector<16xi32>], vector<16xf32>,
      %add3A_324 = arith.constant 768 : i32
      %add3A_325 = arith.addi %mul3A_273, %add3A_324 : i32
      %swap3A_326 = arith.index_cast %add3A_325 : i32 to index
      %swap3A_327 = tpu.vector_load %arg12[%swap3A_326] {strides = array<i32>} : memref<2048xf32, #tpu.memory_space<vmem>>, vector<16xf32>,
      tpu.vector_store %arg12[%swap3A_326], %gather3A_323 {strides = array<i32>} : memref<2048xf32, #tpu.memory_space<vmem>>, vector<16xf32>,
      %add3A_328 = arith.constant 7 : i32
      %add3A_329 = vector.broadcast %add3A_328 : i32 to vector<16xi32>
      %add3A_330 = arith.addi %add3A_271, %add3A_329 : vector<16xi32>
      %gather3A_331 = tpu.vector_load_idx %arg14[%add3A_330] : memref<2176xf32, #tpu.memory_space<vmem>>[vector<16xi32>], vector<16xf32>,
      %add3A_332 = arith.constant 896 : i32
      %add3A_333 = arith.addi %mul3A_273, %add3A_332 : i32
      %swap3A_334 = arith.index_cast %add3A_333 : i32 to index
      %swap3A_335 = tpu.vector_load %arg12[%swap3A_334] {strides = array<i32>} : memref<2048xf32, #tpu.memory_space<vmem>>, vector<16xf32>,
      tpu.vector_store %arg12[%swap3A_334], %gather3A_331 {strides = array<i32>} : memref<2048xf32, #tpu.memory_space<vmem>>, vector<16xf32>,
      %add3A_336 = arith.constant 8 : i32
      %add3A_337 = vector.broadcast %add3A_336 : i32 to vector<16xi32>
      %add3A_338 = arith.addi %add3A_271, %add3A_337 : vector<16xi32>
      %gather3A_339 = tpu.vector_load_idx %arg14[%add3A_338] : memref<2176xf32, #tpu.memory_space<vmem>>[vector<16xi32>], vector<16xf32>,
      %add3A_340 = arith.constant 1024 : i32
      %add3A_341 = arith.addi %mul3A_273, %add3A_340 : i32
      %swap3A_342 = arith.index_cast %add3A_341 : i32 to index
      %swap3A_343 = tpu.vector_load %arg12[%swap3A_342] {strides = array<i32>} : memref<2048xf32, #tpu.memory_space<vmem>>, vector<16xf32>,
      tpu.vector_store %arg12[%swap3A_342], %gather3A_339 {strides = array<i32>} : memref<2048xf32, #tpu.memory_space<vmem>>, vector<16xf32>,
      %add3A_344 = arith.constant 9 : i32
      %add3A_345 = vector.broadcast %add3A_344 : i32 to vector<16xi32>
      %add3A_346 = arith.addi %add3A_271, %add3A_345 : vector<16xi32>
      %gather3A_347 = tpu.vector_load_idx %arg14[%add3A_346] : memref<2176xf32, #tpu.memory_space<vmem>>[vector<16xi32>], vector<16xf32>,
      %add3A_348 = arith.constant 1152 : i32
      %add3A_349 = arith.addi %mul3A_273, %add3A_348 : i32
      %swap3A_350 = arith.index_cast %add3A_349 : i32 to index
      %swap3A_351 = tpu.vector_load %arg12[%swap3A_350] {strides = array<i32>} : memref<2048xf32, #tpu.memory_space<vmem>>, vector<16xf32>,
      tpu.vector_store %arg12[%swap3A_350], %gather3A_347 {strides = array<i32>} : memref<2048xf32, #tpu.memory_space<vmem>>, vector<16xf32>,
      %add3A_352 = arith.constant 10 : i32
      %add3A_353 = vector.broadcast %add3A_352 : i32 to vector<16xi32>
      %add3A_354 = arith.addi %add3A_271, %add3A_353 : vector<16xi32>
      %gather3A_355 = tpu.vector_load_idx %arg14[%add3A_354] : memref<2176xf32, #tpu.memory_space<vmem>>[vector<16xi32>], vector<16xf32>,
      %add3A_356 = arith.constant 1280 : i32
      %add3A_357 = arith.addi %mul3A_273, %add3A_356 : i32
      %swap3A_358 = arith.index_cast %add3A_357 : i32 to index
      %swap3A_359 = tpu.vector_load %arg12[%swap3A_358] {strides = array<i32>} : memref<2048xf32, #tpu.memory_space<vmem>>, vector<16xf32>,
      tpu.vector_store %arg12[%swap3A_358], %gather3A_355 {strides = array<i32>} : memref<2048xf32, #tpu.memory_space<vmem>>, vector<16xf32>,
      %add3A_360 = arith.constant 11 : i32
      %add3A_361 = vector.broadcast %add3A_360 : i32 to vector<16xi32>
      %add3A_362 = arith.addi %add3A_271, %add3A_361 : vector<16xi32>
      %gather3A_363 = tpu.vector_load_idx %arg14[%add3A_362] : memref<2176xf32, #tpu.memory_space<vmem>>[vector<16xi32>], vector<16xf32>,
      %add3A_364 = arith.constant 1408 : i32
      %add3A_365 = arith.addi %mul3A_273, %add3A_364 : i32
      %swap3A_366 = arith.index_cast %add3A_365 : i32 to index
      %swap3A_367 = tpu.vector_load %arg12[%swap3A_366] {strides = array<i32>} : memref<2048xf32, #tpu.memory_space<vmem>>, vector<16xf32>,
      tpu.vector_store %arg12[%swap3A_366], %gather3A_363 {strides = array<i32>} : memref<2048xf32, #tpu.memory_space<vmem>>, vector<16xf32>,
      %add3A_368 = arith.constant 12 : i32
      %add3A_369 = vector.broadcast %add3A_368 : i32 to vector<16xi32>
      %add3A_370 = arith.addi %add3A_271, %add3A_369 : vector<16xi32>
      %gather3A_371 = tpu.vector_load_idx %arg14[%add3A_370] : memref<2176xf32, #tpu.memory_space<vmem>>[vector<16xi32>], vector<16xf32>,
      %add3A_372 = arith.constant 1536 : i32
      %add3A_373 = arith.addi %mul3A_273, %add3A_372 : i32
      %swap3A_374 = arith.index_cast %add3A_373 : i32 to index
      %swap3A_375 = tpu.vector_load %arg12[%swap3A_374] {strides = array<i32>} : memref<2048xf32, #tpu.memory_space<vmem>>, vector<16xf32>,
      tpu.vector_store %arg12[%swap3A_374], %gather3A_371 {strides = array<i32>} : memref<2048xf32, #tpu.memory_space<vmem>>, vector<16xf32>,
      %add3A_376 = arith.constant 13 : i32
      %add3A_377 = vector.broadcast %add3A_376 : i32 to vector<16xi32>
      %add3A_378 = arith.addi %add3A_271, %add3A_377 : vector<16xi32>
      %gather3A_379 = tpu.vector_load_idx %arg14[%add3A_378] : memref<2176xf32, #tpu.memory_space<vmem>>[vector<16xi32>], vector<16xf32>,
      %add3A_380 = arith.constant 1664 : i32
      %add3A_381 = arith.addi %mul3A_273, %add3A_380 : i32
      %swap3A_382 = arith.index_cast %add3A_381 : i32 to index
      %swap3A_383 = tpu.vector_load %arg12[%swap3A_382] {strides = array<i32>} : memref<2048xf32, #tpu.memory_space<vmem>>, vector<16xf32>,
      tpu.vector_store %arg12[%swap3A_382], %gather3A_379 {strides = array<i32>} : memref<2048xf32, #tpu.memory_space<vmem>>, vector<16xf32>,
      %add3A_384 = arith.constant 14 : i32
      %add3A_385 = vector.broadcast %add3A_384 : i32 to vector<16xi32>
      %add3A_386 = arith.addi %add3A_271, %add3A_385 : vector<16xi32>
      %gather3A_387 = tpu.vector_load_idx %arg14[%add3A_386] : memref<2176xf32, #tpu.memory_space<vmem>>[vector<16xi32>], vector<16xf32>,
      %add3A_388 = arith.constant 1792 : i32
      %add3A_389 = arith.addi %mul3A_273, %add3A_388 : i32
      %swap3A_390 = arith.index_cast %add3A_389 : i32 to index
      %swap3A_391 = tpu.vector_load %arg12[%swap3A_390] {strides = array<i32>} : memref<2048xf32, #tpu.memory_space<vmem>>, vector<16xf32>,
      tpu.vector_store %arg12[%swap3A_390], %gather3A_387 {strides = array<i32>} : memref<2048xf32, #tpu.memory_space<vmem>>, vector<16xf32>,
      %add3A_392 = arith.constant 15 : i32
      %add3A_393 = vector.broadcast %add3A_392 : i32 to vector<16xi32>
      %add3A_394 = arith.addi %add3A_271, %add3A_393 : vector<16xi32>
      %gather3A_395 = tpu.vector_load_idx %arg14[%add3A_394] : memref<2176xf32, #tpu.memory_space<vmem>>[vector<16xi32>], vector<16xf32>,
      %add3A_396 = arith.constant 1920 : i32
      %add3A_397 = arith.addi %mul3A_273, %add3A_396 : i32
      %swap3A_398 = arith.index_cast %add3A_397 : i32 to index
      %swap3A_399 = tpu.vector_load %arg12[%swap3A_398] {strides = array<i32>} : memref<2048xf32, #tpu.memory_space<vmem>>, vector<16xf32>,
      tpu.vector_store %arg12[%swap3A_398], %gather3A_395 {strides = array<i32>} : memref<2048xf32, #tpu.memory_space<vmem>>, vector<16xf32>,
    }
    %scan3A_232 = arith.constant 8 : i32
    %add3A_233 = arith.constant 77 : i32
    %add3A_234 = arith.addi %mul3A_2, %add3A_233 : i32
    %mul3A_235 = arith.constant 1024 : i32
    %mul3A_236 = arith.muli %add3A_234, %mul3A_235 : i32
    %dma_start3A_237 = arith.constant 0 : i32
    %dma_start3A_238 = tpu.memref_slice %arg12[%dma_start3A_237] : memref<2048xf32, #tpu.memory_space<vmem>> -> memref<1024xf32, #tpu.memory_space<vmem>>
    %dma_start3A_239 = tpu.memref_slice %arg4[%mul3A_236] : memref<5120000xf32, #tpu.memory_space<hbm>> -> memref<1024xf32, #tpu.memory_space<hbm>>
    %dma_start3A_240 = tpu.memref_slice %arg4[%mul3A_236] : memref<5120000xf32, #tpu.memory_space<hbm>> -> memref<1024xf32, #tpu.memory_space<hbm>>
    %dma_start3A_241 = arith.constant 0 : i32
    %dma_start3A_242 = tpu.memref_slice %arg12[%dma_start3A_241] : memref<2048xf32, #tpu.memory_space<vmem>> -> memref<1024xf32, #tpu.memory_space<vmem>>
    tpu.enqueue_dma source(%dma_start3A_242 : memref<1024xf32, #tpu.memory_space<vmem>>) target(%dma_start3A_240 : memref<1024xf32, #tpu.memory_space<hbm>>) target_semaphore(%arg18 : memref<!tpu.dma_semaphore, #tpu.memory_space<semaphore_mem>>)
    %mul3A_243 = arith.constant 1024 : i32
    %mul3A_244 = arith.muli %add3A_234, %mul3A_243 : i32
    %add3A_245 = arith.constant 2560000 : i32
    %add3A_246 = arith.addi %add3A_245, %mul3A_244 : i32
    %dma_start3A_247 = arith.constant 1024 : i32
    %dma_start3A_248 = tpu.memref_slice %arg12[%dma_start3A_247] : memref<2048xf32, #tpu.memory_space<vmem>> -> memref<1024xf32, #tpu.memory_space<vmem>>
    %dma_start3A_249 = tpu.memref_slice %arg4[%add3A_246] : memref<5120000xf32, #tpu.memory_space<hbm>> -> memref<1024xf32, #tpu.memory_space<hbm>>
    %dma_start3A_250 = tpu.memref_slice %arg4[%add3A_246] : memref<5120000xf32, #tpu.memory_space<hbm>> -> memref<1024xf32, #tpu.memory_space<hbm>>
    %dma_start3A_251 = arith.constant 1024 : i32
    %dma_start3A_252 = tpu.memref_slice %arg12[%dma_start3A_251] : memref<2048xf32, #tpu.memory_space<vmem>> -> memref<1024xf32, #tpu.memory_space<vmem>>
    tpu.enqueue_dma source(%dma_start3A_252 : memref<1024xf32, #tpu.memory_space<vmem>>) target(%dma_start3A_250 : memref<1024xf32, #tpu.memory_space<hbm>>) target_semaphore(%arg18 : memref<!tpu.dma_semaphore, #tpu.memory_space<semaphore_mem>>)
    %dma_wait3A_253 = arith.constant 0 : i32
    %dma_wait3A_254 = tpu.memref_slice %arg4[%dma_wait3A_253] : memref<5120000xf32, #tpu.memory_space<hbm>> -> memref<2048xf32, #tpu.memory_space<hbm>>
    %dma_wait3A_255 = arith.constant 0 : i32
    %dma_wait3A_256 = tpu.memref_slice %arg4[%dma_wait3A_255] : memref<5120000xf32, #tpu.memory_space<hbm>> -> memref<2048xf32, #tpu.memory_space<hbm>>
    tpu.wait_dma2 semaphore(%arg17 : memref<!tpu.dma_semaphore, #tpu.memory_space<semaphore_mem>>) src(%arg11 : memref<2048xf32, #tpu.memory_space<vmem>>) dst(%dma_wait3A_256 : memref<2048xf32, #tpu.memory_space<hbm>>)
    %dma_wait3A_257 = arith.constant 0 : i32
    %dma_wait3A_258 = tpu.memref_slice %arg4[%dma_wait3A_257] : memref<5120000xf32, #tpu.memory_space<hbm>> -> memref<2048xf32, #tpu.memory_space<hbm>>
    %dma_wait3A_259 = arith.constant 0 : i32
    %dma_wait3A_260 = tpu.memref_slice %arg4[%dma_wait3A_259] : memref<5120000xf32, #tpu.memory_space<hbm>> -> memref<2048xf32, #tpu.memory_space<hbm>>
    tpu.wait_dma2 semaphore(%arg18 : memref<!tpu.dma_semaphore, #tpu.memory_space<semaphore_mem>>) src(%arg12 : memref<2048xf32, #tpu.memory_space<vmem>>) dst(%dma_wait3A_260 : memref<2048xf32, #tpu.memory_space<hbm>>)
    %lt3A = arith.constant 4 : i32
    %lt3A_261 = arith.cmpi slt, %add3A, %lt3A : i32
    %convert_element_type3A = arith.extui %lt3A_261 : i1 to i32
    %cond3A = arith.constant 0 : i32
    %cond3A_262 = arith.cmpi ne, %convert_element_type3A, %cond3A : i32
    scf.if %cond3A_262 {
      %add3A_263 = arith.constant 2496 : i32
      %add3A_264 = arith.addi %add3A_263, %add3A : i32
      "tpu.region"() ({
        %run_scoped3A = tpu.sem_alloc : memref<!tpu.dma_semaphore, #tpu.memory_space<semaphore_mem>>
        %dma_start3A_545 = arith.constant 0 : i32
        %dma_start3A_546 = arith.constant 0 : i32
        %dma_start3A_547 = tpu.memref_slice %arg3[%add3A_264, %dma_start3A_545, %dma_start3A_546] : memref<2500x2x128xi32, #tpu.memory_space<hbm>> -> memref<1x2x128xi32, #tpu.memory_space<hbm>>
        %dma_start3A_548 = tpu.memref_squeeze %dma_start3A_547 : memref<1x2x128xi32, #tpu.memory_space<hbm>> -> memref<2x128xi32, #tpu.memory_space<hbm>>
        %dma_start3A_549 = arith.constant 0 : i32
        %dma_start3A_550 = arith.constant 0 : i32
        %dma_start3A_551 = tpu.memref_slice %arg3[%add3A_264, %dma_start3A_549, %dma_start3A_550] : memref<2500x2x128xi32, #tpu.memory_space<hbm>> -> memref<1x2x128xi32, #tpu.memory_space<hbm>>
        %dma_start3A_552 = tpu.memref_squeeze %dma_start3A_551 : memref<1x2x128xi32, #tpu.memory_space<hbm>> -> memref<2x128xi32, #tpu.memory_space<hbm>>
        tpu.enqueue_dma source(%dma_start3A_552 : memref<2x128xi32, #tpu.memory_space<hbm>>) target(%arg6 : memref<2x128xi32, #tpu.memory_space<vmem>>) target_semaphore(%run_scoped3A : memref<!tpu.dma_semaphore, #tpu.memory_space<semaphore_mem>>)
        %dma_wait3A_553 = arith.constant 0 : i32
        %dma_wait3A_554 = arith.constant 0 : i32
        %dma_wait3A_555 = tpu.memref_slice %arg3[%add3A_264, %dma_wait3A_553, %dma_wait3A_554] : memref<2500x2x128xi32, #tpu.memory_space<hbm>> -> memref<1x2x128xi32, #tpu.memory_space<hbm>>
        %dma_wait3A_556 = tpu.memref_squeeze %dma_wait3A_555 : memref<1x2x128xi32, #tpu.memory_space<hbm>> -> memref<2x128xi32, #tpu.memory_space<hbm>>
        %dma_wait3A_557 = arith.constant 0 : i32
        %dma_wait3A_558 = arith.constant 0 : i32
        %dma_wait3A_559 = tpu.memref_slice %arg3[%add3A_264, %dma_wait3A_557, %dma_wait3A_558] : memref<2500x2x128xi32, #tpu.memory_space<hbm>> -> memref<1x2x128xi32, #tpu.memory_space<hbm>>
        %dma_wait3A_560 = tpu.memref_squeeze %dma_wait3A_559 : memref<1x2x128xi32, #tpu.memory_space<hbm>> -> memref<2x128xi32, #tpu.memory_space<hbm>>
        tpu.wait_dma2 semaphore(%run_scoped3A : memref<!tpu.dma_semaphore, #tpu.memory_space<semaphore_mem>>) src(%dma_wait3A_560 : memref<2x128xi32, #tpu.memory_space<hbm>>) dst(%arg6 : memref<2x128xi32, #tpu.memory_space<vmem>>)
        tpu.yield
      }) : () -> ()
      %get3A = arith.constant 0 : i32
      %get3A_265 = arith.index_cast %get3A : i32 to index
      %get3A_266 = arith.constant 0 : index
      %get3A_267 = tpu.vector_load %arg6[%get3A_265, %get3A_266] {strides = array<i32>} : memref<2x128xi32, #tpu.memory_space<vmem>>, vector<16xi32>,
      %mul3A_268 = arith.constant 8 : i32
      %mul3A_269 = vector.broadcast %mul3A_268 : i32 to vector<16xi32>
      %mul3A_270 = arith.muli %get3A_267, %mul3A_269 : vector<16xi32>
      %add3A_271 = arith.constant 0 : i32
      %add3A_272 = vector.broadcast %add3A_271 : i32 to vector<16xi32>
      %add3A_273 = arith.addi %mul3A_270, %add3A_272 : vector<16xi32>
      %swap3A = arith.constant 0 : i32
      %swap3A_274 = arith.index_cast %swap3A : i32 to index
      %swap3A_275 = arith.constant 0 : index
      %swap3A_276 = tpu.vector_load %arg6[%swap3A_274, %swap3A_275] {strides = array<i32>} : memref<2x128xi32, #tpu.memory_space<vmem>>, vector<16xi32>,
      tpu.vector_store %arg6[%swap3A_274, %swap3A_275], %add3A_273 {strides = array<i32>} : memref<2x128xi32, #tpu.memory_space<vmem>>, vector<16xi32>,
      %get3A_277 = arith.constant 0 : i32
      %get3A_278 = arith.index_cast %get3A_277 : i32 to index
      %get3A_279 = arith.constant 16 : index
      %get3A_280 = tpu.vector_load %arg6[%get3A_278, %get3A_279] {strides = array<i32>} : memref<2x128xi32, #tpu.memory_space<vmem>>, vector<16xi32>,
      %mul3A_281 = arith.constant 8 : i32
      %mul3A_282 = vector.broadcast %mul3A_281 : i32 to vector<16xi32>
      %mul3A_283 = arith.muli %get3A_280, %mul3A_282 : vector<16xi32>
      %add3A_284 = arith.constant 0 : i32
      %add3A_285 = vector.broadcast %add3A_284 : i32 to vector<16xi32>
      %add3A_286 = arith.addi %mul3A_283, %add3A_285 : vector<16xi32>
      %swap3A_287 = arith.constant 0 : i32
      %swap3A_288 = arith.index_cast %swap3A_287 : i32 to index
      %swap3A_289 = arith.constant 16 : index
      %swap3A_290 = tpu.vector_load %arg6[%swap3A_288, %swap3A_289] {strides = array<i32>} : memref<2x128xi32, #tpu.memory_space<vmem>>, vector<16xi32>,
      tpu.vector_store %arg6[%swap3A_288, %swap3A_289], %add3A_286 {strides = array<i32>} : memref<2x128xi32, #tpu.memory_space<vmem>>, vector<16xi32>,
      %get3A_291 = arith.constant 0 : i32
      %get3A_292 = arith.index_cast %get3A_291 : i32 to index
      %get3A_293 = arith.constant 32 : index
      %get3A_294 = tpu.vector_load %arg6[%get3A_292, %get3A_293] {strides = array<i32>} : memref<2x128xi32, #tpu.memory_space<vmem>>, vector<16xi32>,
      %mul3A_295 = arith.constant 8 : i32
      %mul3A_296 = vector.broadcast %mul3A_295 : i32 to vector<16xi32>
      %mul3A_297 = arith.muli %get3A_294, %mul3A_296 : vector<16xi32>
      %add3A_298 = arith.constant 0 : i32
      %add3A_299 = vector.broadcast %add3A_298 : i32 to vector<16xi32>
      %add3A_300 = arith.addi %mul3A_297, %add3A_299 : vector<16xi32>
      %swap3A_301 = arith.constant 0 : i32
      %swap3A_302 = arith.index_cast %swap3A_301 : i32 to index
      %swap3A_303 = arith.constant 32 : index
      %swap3A_304 = tpu.vector_load %arg6[%swap3A_302, %swap3A_303] {strides = array<i32>} : memref<2x128xi32, #tpu.memory_space<vmem>>, vector<16xi32>,
      tpu.vector_store %arg6[%swap3A_302, %swap3A_303], %add3A_300 {strides = array<i32>} : memref<2x128xi32, #tpu.memory_space<vmem>>, vector<16xi32>,
      %get3A_305 = arith.constant 0 : i32
      %get3A_306 = arith.index_cast %get3A_305 : i32 to index
      %get3A_307 = arith.constant 48 : index
      %get3A_308 = tpu.vector_load %arg6[%get3A_306, %get3A_307] {strides = array<i32>} : memref<2x128xi32, #tpu.memory_space<vmem>>, vector<16xi32>,
      %mul3A_309 = arith.constant 8 : i32
      %mul3A_310 = vector.broadcast %mul3A_309 : i32 to vector<16xi32>
      %mul3A_311 = arith.muli %get3A_308, %mul3A_310 : vector<16xi32>
      %add3A_312 = arith.constant 0 : i32
      %add3A_313 = vector.broadcast %add3A_312 : i32 to vector<16xi32>
      %add3A_314 = arith.addi %mul3A_311, %add3A_313 : vector<16xi32>
      %swap3A_315 = arith.constant 0 : i32
      %swap3A_316 = arith.index_cast %swap3A_315 : i32 to index
      %swap3A_317 = arith.constant 48 : index
      %swap3A_318 = tpu.vector_load %arg6[%swap3A_316, %swap3A_317] {strides = array<i32>} : memref<2x128xi32, #tpu.memory_space<vmem>>, vector<16xi32>,
      tpu.vector_store %arg6[%swap3A_316, %swap3A_317], %add3A_314 {strides = array<i32>} : memref<2x128xi32, #tpu.memory_space<vmem>>, vector<16xi32>,
      %get3A_319 = arith.constant 0 : i32
      %get3A_320 = arith.index_cast %get3A_319 : i32 to index
      %get3A_321 = arith.constant 64 : index
      %get3A_322 = tpu.vector_load %arg6[%get3A_320, %get3A_321] {strides = array<i32>} : memref<2x128xi32, #tpu.memory_space<vmem>>, vector<16xi32>,
      %mul3A_323 = arith.constant 8 : i32
      %mul3A_324 = vector.broadcast %mul3A_323 : i32 to vector<16xi32>
      %mul3A_325 = arith.muli %get3A_322, %mul3A_324 : vector<16xi32>
      %add3A_326 = arith.constant 0 : i32
      %add3A_327 = vector.broadcast %add3A_326 : i32 to vector<16xi32>
      %add3A_328 = arith.addi %mul3A_325, %add3A_327 : vector<16xi32>
      %swap3A_329 = arith.constant 0 : i32
      %swap3A_330 = arith.index_cast %swap3A_329 : i32 to index
      %swap3A_331 = arith.constant 64 : index
      %swap3A_332 = tpu.vector_load %arg6[%swap3A_330, %swap3A_331] {strides = array<i32>} : memref<2x128xi32, #tpu.memory_space<vmem>>, vector<16xi32>,
      tpu.vector_store %arg6[%swap3A_330, %swap3A_331], %add3A_328 {strides = array<i32>} : memref<2x128xi32, #tpu.memory_space<vmem>>, vector<16xi32>,
      %get3A_333 = arith.constant 0 : i32
      %get3A_334 = arith.index_cast %get3A_333 : i32 to index
      %get3A_335 = arith.constant 80 : index
      %get3A_336 = tpu.vector_load %arg6[%get3A_334, %get3A_335] {strides = array<i32>} : memref<2x128xi32, #tpu.memory_space<vmem>>, vector<16xi32>,
      %mul3A_337 = arith.constant 8 : i32
      %mul3A_338 = vector.broadcast %mul3A_337 : i32 to vector<16xi32>
      %mul3A_339 = arith.muli %get3A_336, %mul3A_338 : vector<16xi32>
      %add3A_340 = arith.constant 0 : i32
      %add3A_341 = vector.broadcast %add3A_340 : i32 to vector<16xi32>
      %add3A_342 = arith.addi %mul3A_339, %add3A_341 : vector<16xi32>
      %swap3A_343 = arith.constant 0 : i32
      %swap3A_344 = arith.index_cast %swap3A_343 : i32 to index
      %swap3A_345 = arith.constant 80 : index
      %swap3A_346 = tpu.vector_load %arg6[%swap3A_344, %swap3A_345] {strides = array<i32>} : memref<2x128xi32, #tpu.memory_space<vmem>>, vector<16xi32>,
      tpu.vector_store %arg6[%swap3A_344, %swap3A_345], %add3A_342 {strides = array<i32>} : memref<2x128xi32, #tpu.memory_space<vmem>>, vector<16xi32>,
      %get3A_347 = arith.constant 0 : i32
      %get3A_348 = arith.index_cast %get3A_347 : i32 to index
      %get3A_349 = arith.constant 96 : index
      %get3A_350 = tpu.vector_load %arg6[%get3A_348, %get3A_349] {strides = array<i32>} : memref<2x128xi32, #tpu.memory_space<vmem>>, vector<16xi32>,
      %mul3A_351 = arith.constant 8 : i32
      %mul3A_352 = vector.broadcast %mul3A_351 : i32 to vector<16xi32>
      %mul3A_353 = arith.muli %get3A_350, %mul3A_352 : vector<16xi32>
      %add3A_354 = arith.constant 0 : i32
      %add3A_355 = vector.broadcast %add3A_354 : i32 to vector<16xi32>
      %add3A_356 = arith.addi %mul3A_353, %add3A_355 : vector<16xi32>
      %swap3A_357 = arith.constant 0 : i32
      %swap3A_358 = arith.index_cast %swap3A_357 : i32 to index
      %swap3A_359 = arith.constant 96 : index
      %swap3A_360 = tpu.vector_load %arg6[%swap3A_358, %swap3A_359] {strides = array<i32>} : memref<2x128xi32, #tpu.memory_space<vmem>>, vector<16xi32>,
      tpu.vector_store %arg6[%swap3A_358, %swap3A_359], %add3A_356 {strides = array<i32>} : memref<2x128xi32, #tpu.memory_space<vmem>>, vector<16xi32>,
      %get3A_361 = arith.constant 0 : i32
      %get3A_362 = arith.index_cast %get3A_361 : i32 to index
      %get3A_363 = arith.constant 112 : index
      %get3A_364 = tpu.vector_load %arg6[%get3A_362, %get3A_363] {strides = array<i32>} : memref<2x128xi32, #tpu.memory_space<vmem>>, vector<16xi32>,
      %mul3A_365 = arith.constant 8 : i32
      %mul3A_366 = vector.broadcast %mul3A_365 : i32 to vector<16xi32>
      %mul3A_367 = arith.muli %get3A_364, %mul3A_366 : vector<16xi32>
      %add3A_368 = arith.constant 0 : i32
      %add3A_369 = vector.broadcast %add3A_368 : i32 to vector<16xi32>
      %add3A_370 = arith.addi %mul3A_367, %add3A_369 : vector<16xi32>
      %swap3A_371 = arith.constant 0 : i32
      %swap3A_372 = arith.index_cast %swap3A_371 : i32 to index
      %swap3A_373 = arith.constant 112 : index
      %swap3A_374 = tpu.vector_load %arg6[%swap3A_372, %swap3A_373] {strides = array<i32>} : memref<2x128xi32, #tpu.memory_space<vmem>>, vector<16xi32>,
      tpu.vector_store %arg6[%swap3A_372, %swap3A_373], %add3A_370 {strides = array<i32>} : memref<2x128xi32, #tpu.memory_space<vmem>>, vector<16xi32>,
      %get3A_375 = arith.constant 1 : i32
      %get3A_376 = arith.index_cast %get3A_375 : i32 to index
      %get3A_377 = arith.constant 0 : index
      %get3A_378 = tpu.vector_load %arg6[%get3A_376, %get3A_377] {strides = array<i32>} : memref<2x128xi32, #tpu.memory_space<vmem>>, vector<16xi32>,
      %mul3A_379 = arith.constant 8 : i32
      %mul3A_380 = vector.broadcast %mul3A_379 : i32 to vector<16xi32>
      %mul3A_381 = arith.muli %get3A_378, %mul3A_380 : vector<16xi32>
      %add3A_382 = arith.constant 1 : i32
      %add3A_383 = vector.broadcast %add3A_382 : i32 to vector<16xi32>
      %add3A_384 = arith.addi %mul3A_381, %add3A_383 : vector<16xi32>
      %swap3A_385 = arith.constant 1 : i32
      %swap3A_386 = arith.index_cast %swap3A_385 : i32 to index
      %swap3A_387 = arith.constant 0 : index
      %swap3A_388 = tpu.vector_load %arg6[%swap3A_386, %swap3A_387] {strides = array<i32>} : memref<2x128xi32, #tpu.memory_space<vmem>>, vector<16xi32>,
      tpu.vector_store %arg6[%swap3A_386, %swap3A_387], %add3A_384 {strides = array<i32>} : memref<2x128xi32, #tpu.memory_space<vmem>>, vector<16xi32>,
      %get3A_389 = arith.constant 1 : i32
      %get3A_390 = arith.index_cast %get3A_389 : i32 to index
      %get3A_391 = arith.constant 16 : index
      %get3A_392 = tpu.vector_load %arg6[%get3A_390, %get3A_391] {strides = array<i32>} : memref<2x128xi32, #tpu.memory_space<vmem>>, vector<16xi32>,
      %mul3A_393 = arith.constant 8 : i32
      %mul3A_394 = vector.broadcast %mul3A_393 : i32 to vector<16xi32>
      %mul3A_395 = arith.muli %get3A_392, %mul3A_394 : vector<16xi32>
      %add3A_396 = arith.constant 1 : i32
      %add3A_397 = vector.broadcast %add3A_396 : i32 to vector<16xi32>
      %add3A_398 = arith.addi %mul3A_395, %add3A_397 : vector<16xi32>
      %swap3A_399 = arith.constant 1 : i32
      %swap3A_400 = arith.index_cast %swap3A_399 : i32 to index
      %swap3A_401 = arith.constant 16 : index
      %swap3A_402 = tpu.vector_load %arg6[%swap3A_400, %swap3A_401] {strides = array<i32>} : memref<2x128xi32, #tpu.memory_space<vmem>>, vector<16xi32>,
      tpu.vector_store %arg6[%swap3A_400, %swap3A_401], %add3A_398 {strides = array<i32>} : memref<2x128xi32, #tpu.memory_space<vmem>>, vector<16xi32>,
      %get3A_403 = arith.constant 1 : i32
      %get3A_404 = arith.index_cast %get3A_403 : i32 to index
      %get3A_405 = arith.constant 32 : index
      %get3A_406 = tpu.vector_load %arg6[%get3A_404, %get3A_405] {strides = array<i32>} : memref<2x128xi32, #tpu.memory_space<vmem>>, vector<16xi32>,
      %mul3A_407 = arith.constant 8 : i32
      %mul3A_408 = vector.broadcast %mul3A_407 : i32 to vector<16xi32>
      %mul3A_409 = arith.muli %get3A_406, %mul3A_408 : vector<16xi32>
      %add3A_410 = arith.constant 1 : i32
      %add3A_411 = vector.broadcast %add3A_410 : i32 to vector<16xi32>
      %add3A_412 = arith.addi %mul3A_409, %add3A_411 : vector<16xi32>
      %swap3A_413 = arith.constant 1 : i32
      %swap3A_414 = arith.index_cast %swap3A_413 : i32 to index
      %swap3A_415 = arith.constant 32 : index
      %swap3A_416 = tpu.vector_load %arg6[%swap3A_414, %swap3A_415] {strides = array<i32>} : memref<2x128xi32, #tpu.memory_space<vmem>>, vector<16xi32>,
      tpu.vector_store %arg6[%swap3A_414, %swap3A_415], %add3A_412 {strides = array<i32>} : memref<2x128xi32, #tpu.memory_space<vmem>>, vector<16xi32>,
      %get3A_417 = arith.constant 1 : i32
      %get3A_418 = arith.index_cast %get3A_417 : i32 to index
      %get3A_419 = arith.constant 48 : index
      %get3A_420 = tpu.vector_load %arg6[%get3A_418, %get3A_419] {strides = array<i32>} : memref<2x128xi32, #tpu.memory_space<vmem>>, vector<16xi32>,
      %mul3A_421 = arith.constant 8 : i32
      %mul3A_422 = vector.broadcast %mul3A_421 : i32 to vector<16xi32>
      %mul3A_423 = arith.muli %get3A_420, %mul3A_422 : vector<16xi32>
      %add3A_424 = arith.constant 1 : i32
      %add3A_425 = vector.broadcast %add3A_424 : i32 to vector<16xi32>
      %add3A_426 = arith.addi %mul3A_423, %add3A_425 : vector<16xi32>
      %swap3A_427 = arith.constant 1 : i32
      %swap3A_428 = arith.index_cast %swap3A_427 : i32 to index
      %swap3A_429 = arith.constant 48 : index
      %swap3A_430 = tpu.vector_load %arg6[%swap3A_428, %swap3A_429] {strides = array<i32>} : memref<2x128xi32, #tpu.memory_space<vmem>>, vector<16xi32>,
      tpu.vector_store %arg6[%swap3A_428, %swap3A_429], %add3A_426 {strides = array<i32>} : memref<2x128xi32, #tpu.memory_space<vmem>>, vector<16xi32>,
      %get3A_431 = arith.constant 1 : i32
      %get3A_432 = arith.index_cast %get3A_431 : i32 to index
      %get3A_433 = arith.constant 64 : index
      %get3A_434 = tpu.vector_load %arg6[%get3A_432, %get3A_433] {strides = array<i32>} : memref<2x128xi32, #tpu.memory_space<vmem>>, vector<16xi32>,
      %mul3A_435 = arith.constant 8 : i32
      %mul3A_436 = vector.broadcast %mul3A_435 : i32 to vector<16xi32>
      %mul3A_437 = arith.muli %get3A_434, %mul3A_436 : vector<16xi32>
      %add3A_438 = arith.constant 1 : i32
      %add3A_439 = vector.broadcast %add3A_438 : i32 to vector<16xi32>
      %add3A_440 = arith.addi %mul3A_437, %add3A_439 : vector<16xi32>
      %swap3A_441 = arith.constant 1 : i32
      %swap3A_442 = arith.index_cast %swap3A_441 : i32 to index
      %swap3A_443 = arith.constant 64 : index
      %swap3A_444 = tpu.vector_load %arg6[%swap3A_442, %swap3A_443] {strides = array<i32>} : memref<2x128xi32, #tpu.memory_space<vmem>>, vector<16xi32>,
      tpu.vector_store %arg6[%swap3A_442, %swap3A_443], %add3A_440 {strides = array<i32>} : memref<2x128xi32, #tpu.memory_space<vmem>>, vector<16xi32>,
      %get3A_445 = arith.constant 1 : i32
      %get3A_446 = arith.index_cast %get3A_445 : i32 to index
      %get3A_447 = arith.constant 80 : index
      %get3A_448 = tpu.vector_load %arg6[%get3A_446, %get3A_447] {strides = array<i32>} : memref<2x128xi32, #tpu.memory_space<vmem>>, vector<16xi32>,
      %mul3A_449 = arith.constant 8 : i32
      %mul3A_450 = vector.broadcast %mul3A_449 : i32 to vector<16xi32>
      %mul3A_451 = arith.muli %get3A_448, %mul3A_450 : vector<16xi32>
      %add3A_452 = arith.constant 1 : i32
      %add3A_453 = vector.broadcast %add3A_452 : i32 to vector<16xi32>
      %add3A_454 = arith.addi %mul3A_451, %add3A_453 : vector<16xi32>
      %swap3A_455 = arith.constant 1 : i32
      %swap3A_456 = arith.index_cast %swap3A_455 : i32 to index
      %swap3A_457 = arith.constant 80 : index
      %swap3A_458 = tpu.vector_load %arg6[%swap3A_456, %swap3A_457] {strides = array<i32>} : memref<2x128xi32, #tpu.memory_space<vmem>>, vector<16xi32>,
      tpu.vector_store %arg6[%swap3A_456, %swap3A_457], %add3A_454 {strides = array<i32>} : memref<2x128xi32, #tpu.memory_space<vmem>>, vector<16xi32>,
      %get3A_459 = arith.constant 1 : i32
      %get3A_460 = arith.index_cast %get3A_459 : i32 to index
      %get3A_461 = arith.constant 96 : index
      %get3A_462 = tpu.vector_load %arg6[%get3A_460, %get3A_461] {strides = array<i32>} : memref<2x128xi32, #tpu.memory_space<vmem>>, vector<16xi32>,
      %mul3A_463 = arith.constant 8 : i32
      %mul3A_464 = vector.broadcast %mul3A_463 : i32 to vector<16xi32>
      %mul3A_465 = arith.muli %get3A_462, %mul3A_464 : vector<16xi32>
      %add3A_466 = arith.constant 1 : i32
      %add3A_467 = vector.broadcast %add3A_466 : i32 to vector<16xi32>
      %add3A_468 = arith.addi %mul3A_465, %add3A_467 : vector<16xi32>
      %swap3A_469 = arith.constant 1 : i32
      %swap3A_470 = arith.index_cast %swap3A_469 : i32 to index
      %swap3A_471 = arith.constant 96 : index
      %swap3A_472 = tpu.vector_load %arg6[%swap3A_470, %swap3A_471] {strides = array<i32>} : memref<2x128xi32, #tpu.memory_space<vmem>>, vector<16xi32>,
      tpu.vector_store %arg6[%swap3A_470, %swap3A_471], %add3A_468 {strides = array<i32>} : memref<2x128xi32, #tpu.memory_space<vmem>>, vector<16xi32>,
      %get3A_473 = arith.constant 1 : i32
      %get3A_474 = arith.index_cast %get3A_473 : i32 to index
      %get3A_475 = arith.constant 112 : index
      %get3A_476 = tpu.vector_load %arg6[%get3A_474, %get3A_475] {strides = array<i32>} : memref<2x128xi32, #tpu.memory_space<vmem>>, vector<16xi32>,
      %mul3A_477 = arith.constant 8 : i32
      %mul3A_478 = vector.broadcast %mul3A_477 : i32 to vector<16xi32>
      %mul3A_479 = arith.muli %get3A_476, %mul3A_478 : vector<16xi32>
      %add3A_480 = arith.constant 1 : i32
      %add3A_481 = vector.broadcast %add3A_480 : i32 to vector<16xi32>
      %add3A_482 = arith.addi %mul3A_479, %add3A_481 : vector<16xi32>
      %swap3A_483 = arith.constant 1 : i32
      %swap3A_484 = arith.index_cast %swap3A_483 : i32 to index
      %swap3A_485 = arith.constant 112 : index
      %swap3A_486 = tpu.vector_load %arg6[%swap3A_484, %swap3A_485] {strides = array<i32>} : memref<2x128xi32, #tpu.memory_space<vmem>>, vector<16xi32>,
      tpu.vector_store %arg6[%swap3A_484, %swap3A_485], %add3A_482 {strides = array<i32>} : memref<2x128xi32, #tpu.memory_space<vmem>>, vector<16xi32>,
      %dma_start3A_487 = arith.constant 0 : i32
      %dma_start3A_488 = arith.constant 0 : i32
      %dma_start3A_489 = tpu.memref_slice %arg6[%dma_start3A_487, %dma_start3A_488] : memref<2x128xi32, #tpu.memory_space<vmem>> -> memref<1x128xi32, #tpu.memory_space<vmem>>
      %dma_start3A_490 = tpu.memref_squeeze %dma_start3A_489 : memref<1x128xi32, #tpu.memory_space<vmem>> -> memref<128xi32, #tpu.memory_space<vmem>>
      %dma_start3A_491 = arith.constant 0 : i32
      %dma_start3A_492 = arith.constant 0 : i32
      %dma_start3A_493 = tpu.memref_slice %arg2[%dma_start3A_491, %dma_start3A_492] : memref<80000x16xf32, #tpu.memory_space<hbm>> -> memref<80000x16xf32, #tpu.memory_space<hbm>>
      tpu.enqueue_indirect_dma source(%dma_start3A_493 : memref<80000x16xf32, #tpu.memory_space<hbm>>) target(%arg7 : memref<128x16xf32, #tpu.memory_space<vmem>>) offsets(%dma_start3A_490 : memref<128xi32, #tpu.memory_space<vmem>>) semaphore(%arg15 : memref<!tpu.dma_semaphore, #tpu.memory_space<semaphore_mem>>)
      %dma_start3A_494 = arith.constant 1 : i32
      %dma_start3A_495 = arith.constant 0 : i32
      %dma_start3A_496 = tpu.memref_slice %arg6[%dma_start3A_494, %dma_start3A_495] : memref<2x128xi32, #tpu.memory_space<vmem>> -> memref<1x128xi32, #tpu.memory_space<vmem>>
      %dma_start3A_497 = tpu.memref_squeeze %dma_start3A_496 : memref<1x128xi32, #tpu.memory_space<vmem>> -> memref<128xi32, #tpu.memory_space<vmem>>
      %dma_start3A_498 = arith.constant 0 : i32
      %dma_start3A_499 = arith.constant 0 : i32
      %dma_start3A_500 = tpu.memref_slice %arg2[%dma_start3A_498, %dma_start3A_499] : memref<80000x16xf32, #tpu.memory_space<hbm>> -> memref<80000x16xf32, #tpu.memory_space<hbm>>
      tpu.enqueue_indirect_dma source(%dma_start3A_500 : memref<80000x16xf32, #tpu.memory_space<hbm>>) target(%arg9 : memref<128x16xf32, #tpu.memory_space<vmem>>) offsets(%dma_start3A_497 : memref<128xi32, #tpu.memory_space<vmem>>) semaphore(%arg15 : memref<!tpu.dma_semaphore, #tpu.memory_space<semaphore_mem>>)
      %dma_wait3A_501 = arith.constant 0 : i32
      %dma_wait3A_502 = arith.constant 0 : i32
      %dma_wait3A_503 = tpu.memref_slice %arg2[%dma_wait3A_501, %dma_wait3A_502] : memref<80000x16xf32, #tpu.memory_space<hbm>> -> memref<128x16xf32, #tpu.memory_space<hbm>>
      %dma_wait3A_504 = arith.constant 0 : i32
      %dma_wait3A_505 = arith.constant 0 : i32
      %dma_wait3A_506 = tpu.memref_slice %arg2[%dma_wait3A_504, %dma_wait3A_505] : memref<80000x16xf32, #tpu.memory_space<hbm>> -> memref<128x16xf32, #tpu.memory_space<hbm>>
      tpu.wait_dma2 semaphore(%arg15 : memref<!tpu.dma_semaphore, #tpu.memory_space<semaphore_mem>>) src(%dma_wait3A_506 : memref<128x16xf32, #tpu.memory_space<hbm>>) dst(%arg7 : memref<128x16xf32, #tpu.memory_space<vmem>>)
      %dma_wait3A_507 = arith.constant 0 : i32
      %dma_wait3A_508 = arith.constant 0 : i32
      %dma_wait3A_509 = tpu.memref_slice %arg2[%dma_wait3A_507, %dma_wait3A_508] : memref<80000x16xf32, #tpu.memory_space<hbm>> -> memref<128x16xf32, #tpu.memory_space<hbm>>
      %dma_wait3A_510 = arith.constant 0 : i32
      %dma_wait3A_511 = arith.constant 0 : i32
      %dma_wait3A_512 = tpu.memref_slice %arg2[%dma_wait3A_510, %dma_wait3A_511] : memref<80000x16xf32, #tpu.memory_space<hbm>> -> memref<128x16xf32, #tpu.memory_space<hbm>>
      tpu.wait_dma2 semaphore(%arg15 : memref<!tpu.dma_semaphore, #tpu.memory_space<semaphore_mem>>) src(%dma_wait3A_512 : memref<128x16xf32, #tpu.memory_space<hbm>>) dst(%arg9 : memref<128x16xf32, #tpu.memory_space<vmem>>)
      %scan3A_513 = arith.constant 0 : i32
      %scan3A_514 = arith.constant 128 : i32
      %scan3A_515 = arith.addi %scan3A_513, %scan3A_514 : i32
      %scan3A_516 = arith.constant 8 : i32
      scf.for %scan3A_545 = %scan3A_513 to %scan3A_515 step %scan3A_516  : i32 {
        %mul3A_546 = arith.constant 1 : i32
        %mul3A_547 = arith.muli %scan3A_545, %mul3A_546 : i32
        %add3A_548 = arith.constant 0 : i32
        %add3A_549 = arith.addi %add3A_548, %mul3A_547 : i32
        %get3A_550 = arith.index_cast %add3A_549 : i32 to index
        %get3A_551 = arith.constant 0 : index
        %get3A_552 = tpu.vector_load %arg7[%get3A_550, %get3A_551] {strides = array<i32>} : memref<128x16xf32, #tpu.memory_space<vmem>>, vector<16xf32>,
        %get3A_553 = arith.index_cast %add3A_549 : i32 to index
        %get3A_554 = arith.constant 0 : index
        %get3A_555 = tpu.vector_load %arg9[%get3A_553, %get3A_554] {strides = array<i32>} : memref<128x16xf32, #tpu.memory_space<vmem>>, vector<16xf32>,
        %add3A_556 = arith.addf %get3A_552, %get3A_555 : vector<16xf32>
        %mul3A_557 = arith.constant 17 : i32
        %mul3A_558 = arith.muli %add3A_549, %mul3A_557 : i32
        %swap3A_559 = arith.index_cast %mul3A_558 : i32 to index
        %swap3A_560 = tpu.vector_load %arg13[%swap3A_559] {strides = array<i32>} : memref<2176xf32, #tpu.memory_space<vmem>>, vector<16xf32>,
        tpu.vector_store %arg13[%swap3A_559], %add3A_556 {strides = array<i32>} : memref<2176xf32, #tpu.memory_space<vmem>>, vector<16xf32>,
        %scan3A_561 = arith.constant 1 : i32
        %scan3A_562 = arith.addi %scan3A_545, %scan3A_561 : i32
        %mul3A_563 = arith.constant 1 : i32
        %mul3A_564 = arith.muli %scan3A_562, %mul3A_563 : i32
        %add3A_565 = arith.constant 0 : i32
        %add3A_566 = arith.addi %add3A_565, %mul3A_564 : i32
        %get3A_567 = arith.index_cast %add3A_566 : i32 to index
        %get3A_568 = arith.constant 0 : index
        %get3A_569 = tpu.vector_load %arg7[%get3A_567, %get3A_568] {strides = array<i32>} : memref<128x16xf32, #tpu.memory_space<vmem>>, vector<16xf32>,
        %get3A_570 = arith.index_cast %add3A_566 : i32 to index
        %get3A_571 = arith.constant 0 : index
        %get3A_572 = tpu.vector_load %arg9[%get3A_570, %get3A_571] {strides = array<i32>} : memref<128x16xf32, #tpu.memory_space<vmem>>, vector<16xf32>,
        %add3A_573 = arith.addf %get3A_569, %get3A_572 : vector<16xf32>
        %mul3A_574 = arith.constant 17 : i32
        %mul3A_575 = arith.muli %add3A_566, %mul3A_574 : i32
        %swap3A_576 = arith.index_cast %mul3A_575 : i32 to index
        %swap3A_577 = tpu.vector_load %arg13[%swap3A_576] {strides = array<i32>} : memref<2176xf32, #tpu.memory_space<vmem>>, vector<16xf32>,
        tpu.vector_store %arg13[%swap3A_576], %add3A_573 {strides = array<i32>} : memref<2176xf32, #tpu.memory_space<vmem>>, vector<16xf32>,
        %scan3A_578 = arith.constant 2 : i32
        %scan3A_579 = arith.addi %scan3A_545, %scan3A_578 : i32
        %mul3A_580 = arith.constant 1 : i32
        %mul3A_581 = arith.muli %scan3A_579, %mul3A_580 : i32
        %add3A_582 = arith.constant 0 : i32
        %add3A_583 = arith.addi %add3A_582, %mul3A_581 : i32
        %get3A_584 = arith.index_cast %add3A_583 : i32 to index
        %get3A_585 = arith.constant 0 : index
        %get3A_586 = tpu.vector_load %arg7[%get3A_584, %get3A_585] {strides = array<i32>} : memref<128x16xf32, #tpu.memory_space<vmem>>, vector<16xf32>,
        %get3A_587 = arith.index_cast %add3A_583 : i32 to index
        %get3A_588 = arith.constant 0 : index
        %get3A_589 = tpu.vector_load %arg9[%get3A_587, %get3A_588] {strides = array<i32>} : memref<128x16xf32, #tpu.memory_space<vmem>>, vector<16xf32>,
        %add3A_590 = arith.addf %get3A_586, %get3A_589 : vector<16xf32>
        %mul3A_591 = arith.constant 17 : i32
        %mul3A_592 = arith.muli %add3A_583, %mul3A_591 : i32
        %swap3A_593 = arith.index_cast %mul3A_592 : i32 to index
        %swap3A_594 = tpu.vector_load %arg13[%swap3A_593] {strides = array<i32>} : memref<2176xf32, #tpu.memory_space<vmem>>, vector<16xf32>,
        tpu.vector_store %arg13[%swap3A_593], %add3A_590 {strides = array<i32>} : memref<2176xf32, #tpu.memory_space<vmem>>, vector<16xf32>,
        %scan3A_595 = arith.constant 3 : i32
        %scan3A_596 = arith.addi %scan3A_545, %scan3A_595 : i32
        %mul3A_597 = arith.constant 1 : i32
        %mul3A_598 = arith.muli %scan3A_596, %mul3A_597 : i32
        %add3A_599 = arith.constant 0 : i32
        %add3A_600 = arith.addi %add3A_599, %mul3A_598 : i32
        %get3A_601 = arith.index_cast %add3A_600 : i32 to index
        %get3A_602 = arith.constant 0 : index
        %get3A_603 = tpu.vector_load %arg7[%get3A_601, %get3A_602] {strides = array<i32>} : memref<128x16xf32, #tpu.memory_space<vmem>>, vector<16xf32>,
        %get3A_604 = arith.index_cast %add3A_600 : i32 to index
        %get3A_605 = arith.constant 0 : index
        %get3A_606 = tpu.vector_load %arg9[%get3A_604, %get3A_605] {strides = array<i32>} : memref<128x16xf32, #tpu.memory_space<vmem>>, vector<16xf32>,
        %add3A_607 = arith.addf %get3A_603, %get3A_606 : vector<16xf32>
        %mul3A_608 = arith.constant 17 : i32
        %mul3A_609 = arith.muli %add3A_600, %mul3A_608 : i32
        %swap3A_610 = arith.index_cast %mul3A_609 : i32 to index
        %swap3A_611 = tpu.vector_load %arg13[%swap3A_610] {strides = array<i32>} : memref<2176xf32, #tpu.memory_space<vmem>>, vector<16xf32>,
        tpu.vector_store %arg13[%swap3A_610], %add3A_607 {strides = array<i32>} : memref<2176xf32, #tpu.memory_space<vmem>>, vector<16xf32>,
        %scan3A_612 = arith.constant 4 : i32
        %scan3A_613 = arith.addi %scan3A_545, %scan3A_612 : i32
        %mul3A_614 = arith.constant 1 : i32
        %mul3A_615 = arith.muli %scan3A_613, %mul3A_614 : i32
        %add3A_616 = arith.constant 0 : i32
        %add3A_617 = arith.addi %add3A_616, %mul3A_615 : i32
        %get3A_618 = arith.index_cast %add3A_617 : i32 to index
        %get3A_619 = arith.constant 0 : index
        %get3A_620 = tpu.vector_load %arg7[%get3A_618, %get3A_619] {strides = array<i32>} : memref<128x16xf32, #tpu.memory_space<vmem>>, vector<16xf32>,
        %get3A_621 = arith.index_cast %add3A_617 : i32 to index
        %get3A_622 = arith.constant 0 : index
        %get3A_623 = tpu.vector_load %arg9[%get3A_621, %get3A_622] {strides = array<i32>} : memref<128x16xf32, #tpu.memory_space<vmem>>, vector<16xf32>,
        %add3A_624 = arith.addf %get3A_620, %get3A_623 : vector<16xf32>
        %mul3A_625 = arith.constant 17 : i32
        %mul3A_626 = arith.muli %add3A_617, %mul3A_625 : i32
        %swap3A_627 = arith.index_cast %mul3A_626 : i32 to index
        %swap3A_628 = tpu.vector_load %arg13[%swap3A_627] {strides = array<i32>} : memref<2176xf32, #tpu.memory_space<vmem>>, vector<16xf32>,
        tpu.vector_store %arg13[%swap3A_627], %add3A_624 {strides = array<i32>} : memref<2176xf32, #tpu.memory_space<vmem>>, vector<16xf32>,
        %scan3A_629 = arith.constant 5 : i32
        %scan3A_630 = arith.addi %scan3A_545, %scan3A_629 : i32
        %mul3A_631 = arith.constant 1 : i32
        %mul3A_632 = arith.muli %scan3A_630, %mul3A_631 : i32
        %add3A_633 = arith.constant 0 : i32
        %add3A_634 = arith.addi %add3A_633, %mul3A_632 : i32
        %get3A_635 = arith.index_cast %add3A_634 : i32 to index
        %get3A_636 = arith.constant 0 : index
        %get3A_637 = tpu.vector_load %arg7[%get3A_635, %get3A_636] {strides = array<i32>} : memref<128x16xf32, #tpu.memory_space<vmem>>, vector<16xf32>,
        %get3A_638 = arith.index_cast %add3A_634 : i32 to index
        %get3A_639 = arith.constant 0 : index
        %get3A_640 = tpu.vector_load %arg9[%get3A_638, %get3A_639] {strides = array<i32>} : memref<128x16xf32, #tpu.memory_space<vmem>>, vector<16xf32>,
        %add3A_641 = arith.addf %get3A_637, %get3A_640 : vector<16xf32>
        %mul3A_642 = arith.constant 17 : i32
        %mul3A_643 = arith.muli %add3A_634, %mul3A_642 : i32
        %swap3A_644 = arith.index_cast %mul3A_643 : i32 to index
        %swap3A_645 = tpu.vector_load %arg13[%swap3A_644] {strides = array<i32>} : memref<2176xf32, #tpu.memory_space<vmem>>, vector<16xf32>,
        tpu.vector_store %arg13[%swap3A_644], %add3A_641 {strides = array<i32>} : memref<2176xf32, #tpu.memory_space<vmem>>, vector<16xf32>,
        %scan3A_646 = arith.constant 6 : i32
        %scan3A_647 = arith.addi %scan3A_545, %scan3A_646 : i32
        %mul3A_648 = arith.constant 1 : i32
        %mul3A_649 = arith.muli %scan3A_647, %mul3A_648 : i32
        %add3A_650 = arith.constant 0 : i32
        %add3A_651 = arith.addi %add3A_650, %mul3A_649 : i32
        %get3A_652 = arith.index_cast %add3A_651 : i32 to index
        %get3A_653 = arith.constant 0 : index
        %get3A_654 = tpu.vector_load %arg7[%get3A_652, %get3A_653] {strides = array<i32>} : memref<128x16xf32, #tpu.memory_space<vmem>>, vector<16xf32>,
        %get3A_655 = arith.index_cast %add3A_651 : i32 to index
        %get3A_656 = arith.constant 0 : index
        %get3A_657 = tpu.vector_load %arg9[%get3A_655, %get3A_656] {strides = array<i32>} : memref<128x16xf32, #tpu.memory_space<vmem>>, vector<16xf32>,
        %add3A_658 = arith.addf %get3A_654, %get3A_657 : vector<16xf32>
        %mul3A_659 = arith.constant 17 : i32
        %mul3A_660 = arith.muli %add3A_651, %mul3A_659 : i32
        %swap3A_661 = arith.index_cast %mul3A_660 : i32 to index
        %swap3A_662 = tpu.vector_load %arg13[%swap3A_661] {strides = array<i32>} : memref<2176xf32, #tpu.memory_space<vmem>>, vector<16xf32>,
        tpu.vector_store %arg13[%swap3A_661], %add3A_658 {strides = array<i32>} : memref<2176xf32, #tpu.memory_space<vmem>>, vector<16xf32>,
        %scan3A_663 = arith.constant 7 : i32
        %scan3A_664 = arith.addi %scan3A_545, %scan3A_663 : i32
        %mul3A_665 = arith.constant 1 : i32
        %mul3A_666 = arith.muli %scan3A_664, %mul3A_665 : i32
        %add3A_667 = arith.constant 0 : i32
        %add3A_668 = arith.addi %add3A_667, %mul3A_666 : i32
        %get3A_669 = arith.index_cast %add3A_668 : i32 to index
        %get3A_670 = arith.constant 0 : index
        %get3A_671 = tpu.vector_load %arg7[%get3A_669, %get3A_670] {strides = array<i32>} : memref<128x16xf32, #tpu.memory_space<vmem>>, vector<16xf32>,
        %get3A_672 = arith.index_cast %add3A_668 : i32 to index
        %get3A_673 = arith.constant 0 : index
        %get3A_674 = tpu.vector_load %arg9[%get3A_672, %get3A_673] {strides = array<i32>} : memref<128x16xf32, #tpu.memory_space<vmem>>, vector<16xf32>,
        %add3A_675 = arith.addf %get3A_671, %get3A_674 : vector<16xf32>
        %mul3A_676 = arith.constant 17 : i32
        %mul3A_677 = arith.muli %add3A_668, %mul3A_676 : i32
        %swap3A_678 = arith.index_cast %mul3A_677 : i32 to index
        %swap3A_679 = tpu.vector_load %arg13[%swap3A_678] {strides = array<i32>} : memref<2176xf32, #tpu.memory_space<vmem>>, vector<16xf32>,
        tpu.vector_store %arg13[%swap3A_678], %add3A_675 {strides = array<i32>} : memref<2176xf32, #tpu.memory_space<vmem>>, vector<16xf32>,
      }
      %scan3A_517 = arith.constant 128 : i32
      %scan3A_518 = arith.constant 0 : i32
      %scan3A_519 = arith.constant 8 : i32
      %scan3A_520 = arith.addi %scan3A_518, %scan3A_519 : i32
      %scan3A_521 = arith.constant 1 : i32
      scf.for %scan3A_545 = %scan3A_518 to %scan3A_520 step %scan3A_521  : i32 {
        %mul3A_546 = arith.constant 1 : i32
        %mul3A_547 = arith.muli %scan3A_545, %mul3A_546 : i32
        %add3A_548 = arith.constant 0 : i32
        %add3A_549 = arith.addi %add3A_548, %mul3A_547 : i32
        %mul3A_550 = arith.constant 272 : i32
        %mul3A_551 = arith.muli %add3A_549, %mul3A_550 : i32
        %add3A_552 = vector.broadcast %mul3A_551 : i32 to vector<16xi32>
        %add3A_553 = arith.addi %mul3A_9, %add3A_552 : vector<16xi32>
        %mul3A_554 = arith.constant 16 : i32
        %mul3A_555 = arith.muli %add3A_549, %mul3A_554 : i32
        %add3A_556 = arith.constant 0 : i32
        %add3A_557 = vector.broadcast %add3A_556 : i32 to vector<16xi32>
        %add3A_558 = arith.addi %add3A_553, %add3A_557 : vector<16xi32>
        %gather3A = tpu.vector_load_idx %arg13[%add3A_558] : memref<2176xf32, #tpu.memory_space<vmem>>[vector<16xi32>], vector<16xf32>,
        %add3A_559 = arith.constant 0 : i32
        %add3A_560 = arith.addi %mul3A_555, %add3A_559 : i32
        %swap3A_561 = arith.index_cast %add3A_560 : i32 to index
        %swap3A_562 = tpu.vector_load %arg11[%swap3A_561] {strides = array<i32>} : memref<2048xf32, #tpu.memory_space<vmem>>, vector<16xf32>,
        tpu.vector_store %arg11[%swap3A_561], %gather3A {strides = array<i32>} : memref<2048xf32, #tpu.memory_space<vmem>>, vector<16xf32>,
        %add3A_563 = arith.constant 1 : i32
        %add3A_564 = vector.broadcast %add3A_563 : i32 to vector<16xi32>
        %add3A_565 = arith.addi %add3A_553, %add3A_564 : vector<16xi32>
        %gather3A_566 = tpu.vector_load_idx %arg13[%add3A_565] : memref<2176xf32, #tpu.memory_space<vmem>>[vector<16xi32>], vector<16xf32>,
        %add3A_567 = arith.constant 128 : i32
        %add3A_568 = arith.addi %mul3A_555, %add3A_567 : i32
        %swap3A_569 = arith.index_cast %add3A_568 : i32 to index
        %swap3A_570 = tpu.vector_load %arg11[%swap3A_569] {strides = array<i32>} : memref<2048xf32, #tpu.memory_space<vmem>>, vector<16xf32>,
        tpu.vector_store %arg11[%swap3A_569], %gather3A_566 {strides = array<i32>} : memref<2048xf32, #tpu.memory_space<vmem>>, vector<16xf32>,
        %add3A_571 = arith.constant 2 : i32
        %add3A_572 = vector.broadcast %add3A_571 : i32 to vector<16xi32>
        %add3A_573 = arith.addi %add3A_553, %add3A_572 : vector<16xi32>
        %gather3A_574 = tpu.vector_load_idx %arg13[%add3A_573] : memref<2176xf32, #tpu.memory_space<vmem>>[vector<16xi32>], vector<16xf32>,
        %add3A_575 = arith.constant 256 : i32
        %add3A_576 = arith.addi %mul3A_555, %add3A_575 : i32
        %swap3A_577 = arith.index_cast %add3A_576 : i32 to index
        %swap3A_578 = tpu.vector_load %arg11[%swap3A_577] {strides = array<i32>} : memref<2048xf32, #tpu.memory_space<vmem>>, vector<16xf32>,
        tpu.vector_store %arg11[%swap3A_577], %gather3A_574 {strides = array<i32>} : memref<2048xf32, #tpu.memory_space<vmem>>, vector<16xf32>,
        %add3A_579 = arith.constant 3 : i32
        %add3A_580 = vector.broadcast %add3A_579 : i32 to vector<16xi32>
        %add3A_581 = arith.addi %add3A_553, %add3A_580 : vector<16xi32>
        %gather3A_582 = tpu.vector_load_idx %arg13[%add3A_581] : memref<2176xf32, #tpu.memory_space<vmem>>[vector<16xi32>], vector<16xf32>,
        %add3A_583 = arith.constant 384 : i32
        %add3A_584 = arith.addi %mul3A_555, %add3A_583 : i32
        %swap3A_585 = arith.index_cast %add3A_584 : i32 to index
        %swap3A_586 = tpu.vector_load %arg11[%swap3A_585] {strides = array<i32>} : memref<2048xf32, #tpu.memory_space<vmem>>, vector<16xf32>,
        tpu.vector_store %arg11[%swap3A_585], %gather3A_582 {strides = array<i32>} : memref<2048xf32, #tpu.memory_space<vmem>>, vector<16xf32>,
        %add3A_587 = arith.constant 4 : i32
        %add3A_588 = vector.broadcast %add3A_587 : i32 to vector<16xi32>
        %add3A_589 = arith.addi %add3A_553, %add3A_588 : vector<16xi32>
        %gather3A_590 = tpu.vector_load_idx %arg13[%add3A_589] : memref<2176xf32, #tpu.memory_space<vmem>>[vector<16xi32>], vector<16xf32>,
        %add3A_591 = arith.constant 512 : i32
        %add3A_592 = arith.addi %mul3A_555, %add3A_591 : i32
        %swap3A_593 = arith.index_cast %add3A_592 : i32 to index
        %swap3A_594 = tpu.vector_load %arg11[%swap3A_593] {strides = array<i32>} : memref<2048xf32, #tpu.memory_space<vmem>>, vector<16xf32>,
        tpu.vector_store %arg11[%swap3A_593], %gather3A_590 {strides = array<i32>} : memref<2048xf32, #tpu.memory_space<vmem>>, vector<16xf32>,
        %add3A_595 = arith.constant 5 : i32
        %add3A_596 = vector.broadcast %add3A_595 : i32 to vector<16xi32>
        %add3A_597 = arith.addi %add3A_553, %add3A_596 : vector<16xi32>
        %gather3A_598 = tpu.vector_load_idx %arg13[%add3A_597] : memref<2176xf32, #tpu.memory_space<vmem>>[vector<16xi32>], vector<16xf32>,
        %add3A_599 = arith.constant 640 : i32
        %add3A_600 = arith.addi %mul3A_555, %add3A_599 : i32
        %swap3A_601 = arith.index_cast %add3A_600 : i32 to index
        %swap3A_602 = tpu.vector_load %arg11[%swap3A_601] {strides = array<i32>} : memref<2048xf32, #tpu.memory_space<vmem>>, vector<16xf32>,
        tpu.vector_store %arg11[%swap3A_601], %gather3A_598 {strides = array<i32>} : memref<2048xf32, #tpu.memory_space<vmem>>, vector<16xf32>,
        %add3A_603 = arith.constant 6 : i32
        %add3A_604 = vector.broadcast %add3A_603 : i32 to vector<16xi32>
        %add3A_605 = arith.addi %add3A_553, %add3A_604 : vector<16xi32>
        %gather3A_606 = tpu.vector_load_idx %arg13[%add3A_605] : memref<2176xf32, #tpu.memory_space<vmem>>[vector<16xi32>], vector<16xf32>,
        %add3A_607 = arith.constant 768 : i32
        %add3A_608 = arith.addi %mul3A_555, %add3A_607 : i32
        %swap3A_609 = arith.index_cast %add3A_608 : i32 to index
        %swap3A_610 = tpu.vector_load %arg11[%swap3A_609] {strides = array<i32>} : memref<2048xf32, #tpu.memory_space<vmem>>, vector<16xf32>,
        tpu.vector_store %arg11[%swap3A_609], %gather3A_606 {strides = array<i32>} : memref<2048xf32, #tpu.memory_space<vmem>>, vector<16xf32>,
        %add3A_611 = arith.constant 7 : i32
        %add3A_612 = vector.broadcast %add3A_611 : i32 to vector<16xi32>
        %add3A_613 = arith.addi %add3A_553, %add3A_612 : vector<16xi32>
        %gather3A_614 = tpu.vector_load_idx %arg13[%add3A_613] : memref<2176xf32, #tpu.memory_space<vmem>>[vector<16xi32>], vector<16xf32>,
        %add3A_615 = arith.constant 896 : i32
        %add3A_616 = arith.addi %mul3A_555, %add3A_615 : i32
        %swap3A_617 = arith.index_cast %add3A_616 : i32 to index
        %swap3A_618 = tpu.vector_load %arg11[%swap3A_617] {strides = array<i32>} : memref<2048xf32, #tpu.memory_space<vmem>>, vector<16xf32>,
        tpu.vector_store %arg11[%swap3A_617], %gather3A_614 {strides = array<i32>} : memref<2048xf32, #tpu.memory_space<vmem>>, vector<16xf32>,
        %add3A_619 = arith.constant 8 : i32
        %add3A_620 = vector.broadcast %add3A_619 : i32 to vector<16xi32>
        %add3A_621 = arith.addi %add3A_553, %add3A_620 : vector<16xi32>
        %gather3A_622 = tpu.vector_load_idx %arg13[%add3A_621] : memref<2176xf32, #tpu.memory_space<vmem>>[vector<16xi32>], vector<16xf32>,
        %add3A_623 = arith.constant 1024 : i32
        %add3A_624 = arith.addi %mul3A_555, %add3A_623 : i32
        %swap3A_625 = arith.index_cast %add3A_624 : i32 to index
        %swap3A_626 = tpu.vector_load %arg11[%swap3A_625] {strides = array<i32>} : memref<2048xf32, #tpu.memory_space<vmem>>, vector<16xf32>,
        tpu.vector_store %arg11[%swap3A_625], %gather3A_622 {strides = array<i32>} : memref<2048xf32, #tpu.memory_space<vmem>>, vector<16xf32>,
        %add3A_627 = arith.constant 9 : i32
        %add3A_628 = vector.broadcast %add3A_627 : i32 to vector<16xi32>
        %add3A_629 = arith.addi %add3A_553, %add3A_628 : vector<16xi32>
        %gather3A_630 = tpu.vector_load_idx %arg13[%add3A_629] : memref<2176xf32, #tpu.memory_space<vmem>>[vector<16xi32>], vector<16xf32>,
        %add3A_631 = arith.constant 1152 : i32
        %add3A_632 = arith.addi %mul3A_555, %add3A_631 : i32
        %swap3A_633 = arith.index_cast %add3A_632 : i32 to index
        %swap3A_634 = tpu.vector_load %arg11[%swap3A_633] {strides = array<i32>} : memref<2048xf32, #tpu.memory_space<vmem>>, vector<16xf32>,
        tpu.vector_store %arg11[%swap3A_633], %gather3A_630 {strides = array<i32>} : memref<2048xf32, #tpu.memory_space<vmem>>, vector<16xf32>,
        %add3A_635 = arith.constant 10 : i32
        %add3A_636 = vector.broadcast %add3A_635 : i32 to vector<16xi32>
        %add3A_637 = arith.addi %add3A_553, %add3A_636 : vector<16xi32>
        %gather3A_638 = tpu.vector_load_idx %arg13[%add3A_637] : memref<2176xf32, #tpu.memory_space<vmem>>[vector<16xi32>], vector<16xf32>,
        %add3A_639 = arith.constant 1280 : i32
        %add3A_640 = arith.addi %mul3A_555, %add3A_639 : i32
        %swap3A_641 = arith.index_cast %add3A_640 : i32 to index
        %swap3A_642 = tpu.vector_load %arg11[%swap3A_641] {strides = array<i32>} : memref<2048xf32, #tpu.memory_space<vmem>>, vector<16xf32>,
        tpu.vector_store %arg11[%swap3A_641], %gather3A_638 {strides = array<i32>} : memref<2048xf32, #tpu.memory_space<vmem>>, vector<16xf32>,
        %add3A_643 = arith.constant 11 : i32
        %add3A_644 = vector.broadcast %add3A_643 : i32 to vector<16xi32>
        %add3A_645 = arith.addi %add3A_553, %add3A_644 : vector<16xi32>
        %gather3A_646 = tpu.vector_load_idx %arg13[%add3A_645] : memref<2176xf32, #tpu.memory_space<vmem>>[vector<16xi32>], vector<16xf32>,
        %add3A_647 = arith.constant 1408 : i32
        %add3A_648 = arith.addi %mul3A_555, %add3A_647 : i32
        %swap3A_649 = arith.index_cast %add3A_648 : i32 to index
        %swap3A_650 = tpu.vector_load %arg11[%swap3A_649] {strides = array<i32>} : memref<2048xf32, #tpu.memory_space<vmem>>, vector<16xf32>,
        tpu.vector_store %arg11[%swap3A_649], %gather3A_646 {strides = array<i32>} : memref<2048xf32, #tpu.memory_space<vmem>>, vector<16xf32>,
        %add3A_651 = arith.constant 12 : i32
        %add3A_652 = vector.broadcast %add3A_651 : i32 to vector<16xi32>
        %add3A_653 = arith.addi %add3A_553, %add3A_652 : vector<16xi32>
        %gather3A_654 = tpu.vector_load_idx %arg13[%add3A_653] : memref<2176xf32, #tpu.memory_space<vmem>>[vector<16xi32>], vector<16xf32>,
        %add3A_655 = arith.constant 1536 : i32
        %add3A_656 = arith.addi %mul3A_555, %add3A_655 : i32
        %swap3A_657 = arith.index_cast %add3A_656 : i32 to index
        %swap3A_658 = tpu.vector_load %arg11[%swap3A_657] {strides = array<i32>} : memref<2048xf32, #tpu.memory_space<vmem>>, vector<16xf32>,
        tpu.vector_store %arg11[%swap3A_657], %gather3A_654 {strides = array<i32>} : memref<2048xf32, #tpu.memory_space<vmem>>, vector<16xf32>,
        %add3A_659 = arith.constant 13 : i32
        %add3A_660 = vector.broadcast %add3A_659 : i32 to vector<16xi32>
        %add3A_661 = arith.addi %add3A_553, %add3A_660 : vector<16xi32>
        %gather3A_662 = tpu.vector_load_idx %arg13[%add3A_661] : memref<2176xf32, #tpu.memory_space<vmem>>[vector<16xi32>], vector<16xf32>,
        %add3A_663 = arith.constant 1664 : i32
        %add3A_664 = arith.addi %mul3A_555, %add3A_663 : i32
        %swap3A_665 = arith.index_cast %add3A_664 : i32 to index
        %swap3A_666 = tpu.vector_load %arg11[%swap3A_665] {strides = array<i32>} : memref<2048xf32, #tpu.memory_space<vmem>>, vector<16xf32>,
        tpu.vector_store %arg11[%swap3A_665], %gather3A_662 {strides = array<i32>} : memref<2048xf32, #tpu.memory_space<vmem>>, vector<16xf32>,
        %add3A_667 = arith.constant 14 : i32
        %add3A_668 = vector.broadcast %add3A_667 : i32 to vector<16xi32>
        %add3A_669 = arith.addi %add3A_553, %add3A_668 : vector<16xi32>
        %gather3A_670 = tpu.vector_load_idx %arg13[%add3A_669] : memref<2176xf32, #tpu.memory_space<vmem>>[vector<16xi32>], vector<16xf32>,
        %add3A_671 = arith.constant 1792 : i32
        %add3A_672 = arith.addi %mul3A_555, %add3A_671 : i32
        %swap3A_673 = arith.index_cast %add3A_672 : i32 to index
        %swap3A_674 = tpu.vector_load %arg11[%swap3A_673] {strides = array<i32>} : memref<2048xf32, #tpu.memory_space<vmem>>, vector<16xf32>,
        tpu.vector_store %arg11[%swap3A_673], %gather3A_670 {strides = array<i32>} : memref<2048xf32, #tpu.memory_space<vmem>>, vector<16xf32>,
        %add3A_675 = arith.constant 15 : i32
        %add3A_676 = vector.broadcast %add3A_675 : i32 to vector<16xi32>
        %add3A_677 = arith.addi %add3A_553, %add3A_676 : vector<16xi32>
        %gather3A_678 = tpu.vector_load_idx %arg13[%add3A_677] : memref<2176xf32, #tpu.memory_space<vmem>>[vector<16xi32>], vector<16xf32>,
        %add3A_679 = arith.constant 1920 : i32
        %add3A_680 = arith.addi %mul3A_555, %add3A_679 : i32
        %swap3A_681 = arith.index_cast %add3A_680 : i32 to index
        %swap3A_682 = tpu.vector_load %arg11[%swap3A_681] {strides = array<i32>} : memref<2048xf32, #tpu.memory_space<vmem>>, vector<16xf32>,
        tpu.vector_store %arg11[%swap3A_681], %gather3A_678 {strides = array<i32>} : memref<2048xf32, #tpu.memory_space<vmem>>, vector<16xf32>,
      }
      %scan3A_522 = arith.constant 8 : i32
      %mul3A_523 = arith.constant 1024 : i32
      %mul3A_524 = arith.muli %add3A_264, %mul3A_523 : i32
      %dma_start3A_525 = arith.constant 0 : i32
      %dma_start3A_526 = tpu.memref_slice %arg11[%dma_start3A_525] : memref<2048xf32, #tpu.memory_space<vmem>> -> memref<1024xf32, #tpu.memory_space<vmem>>
      %dma_start3A_527 = tpu.memref_slice %arg4[%mul3A_524] : memref<5120000xf32, #tpu.memory_space<hbm>> -> memref<1024xf32, #tpu.memory_space<hbm>>
      %dma_start3A_528 = tpu.memref_slice %arg4[%mul3A_524] : memref<5120000xf32, #tpu.memory_space<hbm>> -> memref<1024xf32, #tpu.memory_space<hbm>>
      %dma_start3A_529 = arith.constant 0 : i32
      %dma_start3A_530 = tpu.memref_slice %arg11[%dma_start3A_529] : memref<2048xf32, #tpu.memory_space<vmem>> -> memref<1024xf32, #tpu.memory_space<vmem>>
      tpu.enqueue_dma source(%dma_start3A_530 : memref<1024xf32, #tpu.memory_space<vmem>>) target(%dma_start3A_528 : memref<1024xf32, #tpu.memory_space<hbm>>) target_semaphore(%arg17 : memref<!tpu.dma_semaphore, #tpu.memory_space<semaphore_mem>>)
      %mul3A_531 = arith.constant 1024 : i32
      %mul3A_532 = arith.muli %add3A_264, %mul3A_531 : i32
      %add3A_533 = arith.constant 2560000 : i32
      %add3A_534 = arith.addi %add3A_533, %mul3A_532 : i32
      %dma_start3A_535 = arith.constant 1024 : i32
      %dma_start3A_536 = tpu.memref_slice %arg11[%dma_start3A_535] : memref<2048xf32, #tpu.memory_space<vmem>> -> memref<1024xf32, #tpu.memory_space<vmem>>
      %dma_start3A_537 = tpu.memref_slice %arg4[%add3A_534] : memref<5120000xf32, #tpu.memory_space<hbm>> -> memref<1024xf32, #tpu.memory_space<hbm>>
      %dma_start3A_538 = tpu.memref_slice %arg4[%add3A_534] : memref<5120000xf32, #tpu.memory_space<hbm>> -> memref<1024xf32, #tpu.memory_space<hbm>>
      %dma_start3A_539 = arith.constant 1024 : i32
      %dma_start3A_540 = tpu.memref_slice %arg11[%dma_start3A_539] : memref<2048xf32, #tpu.memory_space<vmem>> -> memref<1024xf32, #tpu.memory_space<vmem>>
      tpu.enqueue_dma source(%dma_start3A_540 : memref<1024xf32, #tpu.memory_space<vmem>>) target(%dma_start3A_538 : memref<1024xf32, #tpu.memory_space<hbm>>) target_semaphore(%arg17 : memref<!tpu.dma_semaphore, #tpu.memory_space<semaphore_mem>>)
      %dma_wait3A_541 = arith.constant 0 : i32
      %dma_wait3A_542 = tpu.memref_slice %arg4[%dma_wait3A_541] : memref<5120000xf32, #tpu.memory_space<hbm>> -> memref<2048xf32, #tpu.memory_space<hbm>>
      %dma_wait3A_543 = arith.constant 0 : i32
      %dma_wait3A_544 = tpu.memref_slice %arg4[%dma_wait3A_543] : memref<5120000xf32, #tpu.memory_space<hbm>> -> memref<2048xf32, #tpu.memory_space<hbm>>
      tpu.wait_dma2 semaphore(%arg17 : memref<!tpu.dma_semaphore, #tpu.memory_space<semaphore_mem>>) src(%arg11 : memref<2048xf32, #tpu.memory_space<vmem>>) dst(%dma_wait3A_544 : memref<2048xf32, #tpu.memory_space<hbm>>)
    } else {
    }
    return
  }
}

module attributes {stable_mosaic.version = 14 : i64} {
  func.func @_node_body(%arg0: i32, %arg1: memref<1000x128xf32, #tpu.memory_space<vmem>>, %arg2: memref<128x128xf32, #tpu.memory_space<vmem>>, %arg3: memref<1x128xf32, #tpu.memory_space<vmem>>, %arg4: memref<1000x128xf32, #tpu.memory_space<vmem>>) attributes {dimension_semantics = [#tpu.dimension_semantics<arbitrary>], iteration_bounds = array<i64: 10>, scalar_prefetch = 0 : i64, scratch_operands = 0 : i64, tpu.core_type = #tpu.core_type<tc>, window_params = [{transform_indices = @transform_0, window_bounds = array<i64: 1000, 128>}, {pipeline_mode = #tpu.pipeline_mode<synchronous>, transform_indices = @transform_1, window_bounds = array<i64: 128, 128>}, {pipeline_mode = #tpu.pipeline_mode<synchronous>, transform_indices = @transform_2, window_bounds = array<i64: 1, 128>}, {transform_indices = @transform_3, window_bounds = array<i64: 1000, 128>}]} {
    %get3A = arith.constant 0 : index
    %get3A_0 = arith.constant 0 : index
    %get3A_1 = vector.load %arg1[%get3A, %get3A_0] : memref<1000x128xf32, #tpu.memory_space<vmem>>, vector<1000x128xf32>
    %get3A_2 = arith.constant 0 : index
    %get3A_3 = arith.constant 0 : index
    %get3A_4 = vector.load %arg2[%get3A_2, %get3A_3] : memref<128x128xf32, #tpu.memory_space<vmem>>, vector<128x128xf32>
    %dot_general3A = arith.constant dense<0.000000e+00> : vector<1000x128xf32>
    %dot_general3A_5 = tpu.matmul %get3A_1, %get3A_4, %dot_general3A {dimension_numbers = #tpu.dot_dimension_numbers<[1], [0], [0], [1], [0, 0, 1, 1], [], []>, precision = #tpu.contract_precision<fp32>, transpose_lhs_hint = false} : vector<1000x128xf32>, vector<128x128xf32>, vector<1000x128xf32> -> vector<1000x128xf32>
    %get3A_6 = arith.constant 0 : index
    %get3A_7 = arith.constant 0 : index
    %get3A_8 = vector.load %arg3[%get3A_6, %get3A_7] : memref<1x128xf32, #tpu.memory_space<vmem>>, vector<1x128xf32>
    %add3A = vector.broadcast %get3A_8 : vector<1x128xf32> to vector<1000x128xf32>
    %add3A_9 = arith.addf %dot_general3A_5, %add3A : vector<1000x128xf32>
    %swap3A = arith.constant 0 : index
    %swap3A_10 = arith.constant 0 : index
    %swap3A_11 = vector.load %arg4[%swap3A, %swap3A_10] : memref<1000x128xf32, #tpu.memory_space<vmem>>, vector<1000x128xf32>
    tpu.vector_store %arg4[%swap3A, %swap3A_10], %add3A_9 {strides = array<i32>} : memref<1000x128xf32, #tpu.memory_space<vmem>>, vector<1000x128xf32>,
    return
  }
  func.func @transform_0(%arg0: i32) -> (i32, i32) {
    %c0_i32 = arith.constant 0 : i32
    %c0_i32_0 = arith.constant 0 : i32
    return %arg0, %c0_i32 : i32, i32
  }
  func.func @transform_1(%arg0: i32) -> (i32, i32) {
    %c0_i32 = arith.constant 0 : i32
    %c0_i32_0 = arith.constant 0 : i32
    %c0_i32_1 = arith.constant 0 : i32
    return %c0_i32, %c0_i32_0 : i32, i32
  }
  func.func @transform_2(%arg0: i32) -> (i32, i32) {
    %c0_i32 = arith.constant 0 : i32
    %c0_i32_0 = arith.constant 0 : i32
    %c0_i32_1 = arith.constant 0 : i32
    return %c0_i32, %c0_i32_0 : i32, i32
  }
  func.func @transform_3(%arg0: i32) -> (i32, i32) {
    %c0_i32 = arith.constant 0 : i32
    %c0_i32_0 = arith.constant 0 : i32
    return %arg0, %c0_i32 : i32, i32
  }
}

module attributes {stable_mosaic.version = 14 : i64} {
  func.func @_p_table_body(%arg0: i32, %arg1: memref<1000x128xf32, #tpu.memory_space<vmem>>, %arg2: memref<128x128xf32, #tpu.memory_space<vmem>>, %arg3: memref<1x128xf32, #tpu.memory_space<vmem>>, %arg4: memref<1000x128xf32, #tpu.memory_space<vmem>>) attributes {dimension_semantics = [#tpu.dimension_semantics<arbitrary>], iteration_bounds = array<i64: 10>, scalar_prefetch = 0 : i64, scratch_operands = 0 : i64, tpu.core_type = #tpu.core_type<tc>, window_params = [{transform_indices = @transform_0, window_bounds = array<i64: 1000, 128>}, {pipeline_mode = #tpu.pipeline_mode<synchronous>, transform_indices = @transform_1, window_bounds = array<i64: 128, 128>}, {pipeline_mode = #tpu.pipeline_mode<synchronous>, transform_indices = @transform_2, window_bounds = array<i64: 1, 128>}, {transform_indices = @transform_3, window_bounds = array<i64: 1000, 128>}]} {
    %get3A = arith.constant 0 : index
    %get3A_0 = arith.constant 0 : index
    %get3A_1 = vector.load %arg1[%get3A, %get3A_0] : memref<1000x128xf32, #tpu.memory_space<vmem>>, vector<1000x128xf32>
    %get3A_2 = arith.constant 0 : index
    %get3A_3 = arith.constant 0 : index
    %get3A_4 = vector.load %arg2[%get3A_2, %get3A_3] : memref<128x128xf32, #tpu.memory_space<vmem>>, vector<128x128xf32>
    %dot_general3A = arith.constant dense<0.000000e+00> : vector<1000x128xf32>
    %dot_general3A_5 = tpu.matmul %get3A_1, %get3A_4, %dot_general3A {dimension_numbers = #tpu.dot_dimension_numbers<[1], [0], [0], [1], [0, 0, 1, 1], [], []>, precision = #tpu.contract_precision<fp32>, transpose_lhs_hint = false} : vector<1000x128xf32>, vector<128x128xf32>, vector<1000x128xf32> -> vector<1000x128xf32>
    %get3A_6 = arith.constant 0 : index
    %get3A_7 = arith.constant 0 : index
    %get3A_8 = vector.load %arg3[%get3A_6, %get3A_7] : memref<1x128xf32, #tpu.memory_space<vmem>>, vector<1x128xf32>
    %add3A = vector.broadcast %get3A_8 : vector<1x128xf32> to vector<1000x128xf32>
    %add3A_9 = arith.addf %dot_general3A_5, %add3A : vector<1000x128xf32>
    %swap3A = arith.constant 0 : index
    %swap3A_10 = arith.constant 0 : index
    %swap3A_11 = vector.load %arg4[%swap3A, %swap3A_10] : memref<1000x128xf32, #tpu.memory_space<vmem>>, vector<1000x128xf32>
    tpu.vector_store %arg4[%swap3A, %swap3A_10], %add3A_9 {strides = array<i32>} : memref<1000x128xf32, #tpu.memory_space<vmem>>, vector<1000x128xf32>,
    return
  }
  func.func @transform_0(%arg0: i32) -> (i32, i32) {
    %c0_i32 = arith.constant 0 : i32
    %c0_i32_0 = arith.constant 0 : i32
    return %arg0, %c0_i32 : i32, i32
  }
  func.func @transform_1(%arg0: i32) -> (i32, i32) {
    %c0_i32 = arith.constant 0 : i32
    %c0_i32_0 = arith.constant 0 : i32
    %c0_i32_1 = arith.constant 0 : i32
    return %c0_i32, %c0_i32_0 : i32, i32
  }
  func.func @transform_2(%arg0: i32) -> (i32, i32) {
    %c0_i32 = arith.constant 0 : i32
    %c0_i32_0 = arith.constant 0 : i32
    %c0_i32_1 = arith.constant 0 : i32
    return %c0_i32, %c0_i32_0 : i32, i32
  }
  func.func @transform_3(%arg0: i32) -> (i32, i32) {
    %c0_i32 = arith.constant 0 : i32
    %c0_i32_0 = arith.constant 0 : i32
    return %arg0, %c0_i32 : i32, i32
  }
}

</mosaic_0001>

<sc_bundles>
// kernel: kernel.5.cloned.1.call-start
scs
__scs_entry_jumppad:
0x0: {  	(pc) =	sbr.rel $0x88, $3  }
0x1: {  	(tag) =	ssettag $0x0;
	lr =	simm.s32 $0x1  }
0x2: {  	[smem:$0x3F9B] =	sst lr;
	_ =	strace $0xD0000000  }
0x3: {  	_ = 	snop  }
0x4: {  	_ = 	snop  }
0x5: {  	_ = 	snop  }
0x6: {  	_ = 	snop  }
0x7: {  	_ = 	snop  }
__scs_overlays_trampoline_lowered:
0x8: {  	[smem:$0x3FAA] =	sst s0  }
0x9: {  	[smem:$0x3FAB] =	sst s1  }
0xa: {  	[smem:$0x3FAC] =	sst s2  }
0xb: {  	[smem:$0x3FAD] =	sst s3  }
0xc: {  	[smem:$0x3FAE] =	sst s4  }
0xd: {  	[smem:$0x3FAF] =	sst s5  }
0xe: {  	[smem:$0x3FB0] =	sst s6  }
0xf: {  	[smem:$0x3FB1] =	sst s7  }
0x10: {  	[smem:$0x3FB2] =	sst s8  }
0x11: {  	[smem:$0x3FB3] =	sst s9;
	s0 =	simm.s32 @!p0 $0x0  }
0x12: {  	s1 =	sld [smem:$0x3F99];
	s0 =	simm.s32 @p0 $0x1  }
0x13: {  	[smem:$0x3FB4] =	sst s0;
	s0 =	simm.s32 @!p1 $0x0  }
0x14: {  	s2 =	sld [smem:$0x3F98];
	s0 =	simm.s32 @p1 $0x1  }
0x15: {  	[smem:$0x3FB5] =	sst s0;
	s0 =	simm.s32 @!p2 $0x0  }
0x16: {  	s3 =	sld [smem:$0x3FDB];
	s0 =	simm.s32 @p2 $0x1  }
0x17: {  	s4 =	simm.s32 $0x1BF5;
	[smem:$0x3FB7] =	sst s0  }
0x18: {  	s0 =	sld [smem:$0x3F9A];
	_ =	swait.ge [sflag:s4], $0x0  }
0x19: {  	s7 =	sld [smem:$0x3F9B]  }
0x1a: {  	s8 =	sadd.s32 $0xFFFFE003, lr  }
0x1b: {  	s9 =	sadd.s32 $0xFFFFFEF7, lr;
	s5 =	simm.s32 $0xFFFFFFFF;
	p2 =	slt.u32 s8, $0xFFFFF086  }
0x1c: {  	p1 =	slt.u32 s9, $0xF7A;
	s5 =	simm.s32 @!p2 $0x0  }
0x1d: {  	s5 =	simm.s32 @p1 $0x1;
	p0 =	seq.s32 s7, s2  }
0x1e: {  	s7 =	smul.u32 @!p0 $0xF7A, s2;
	p2 =	seq.s32 @!p0 s5, $0x0  }
0x1f: {  	s9 =	smul.u32 $0xF7A, s1;
	s8 =	simm.s32 @!p0 $0x1BF5;
	p2 =	por !p2, p0  }
0x20: {  	[sflag:s8] =	ssyncset.s32 @!p0 $0xFFFFF086;
	s6 =	sadd.s32 @!p0 s3, s7;
	s7 =	simm.s32 @!p0 $0x108  }
0x21: {  	s3 =	sadd.s32 s3, s9;
	s6 =	sadd.s32 @!p0 $0x88, s6;
	s7 =	simm.s32 @p2 $0x1082  }
0x22: {  	[simem:s7], [sflag:s8] =	dma.local @!p0 [hbm:s6], $0xF7A  }
0x23: {  	s9 =	sor.u32 $0xD0000000, s2;
	s6 =	simm.s32 $0x108;
	_ =	swait.ge @!p0 [sflag:s8], $0x0  }
0x24: {  	s3 =	sadd.s32 $0x88, s3;
	s6 =	simm.s32 @!p1 $0x1082;
	[sflag:s4] =	ssyncset.s32 $0xFFFFF086  }
0x25: {  	[simem:s6], [sflag:s4] =	dma.local [hbm:s3], $0xF7A  }
0x26: {  	[smem:$0x3F9B] =	sst s1;
	(tag) =	ssettag s2;
	_ =	strace s9  }
0x27: {  	s1 =	sld [smem:$0x3FAB]  }
0x28: {  	s2 =	sld [smem:$0x3FAC]  }
0x29: {  	s4 =	sld [smem:$0x3FAE]  }
0x2a: {  	p0 =	seq.s32 s5, $0x0;
	s5 =	sld [smem:$0x3FAF]  }
0x2b: {  	s6 =	sld [smem:$0x3FB0]  }
0x2c: {  	s7 =	sld [smem:$0x3FB1]  }
0x2d: {  	s3 =	simm.s32 $0x108;
	s8 =	sld [smem:$0x3FB2]  }
0x2e: {  	s3 =	simm.s32 @!p0 $0x1082;
	s9 =	sld [smem:$0x3FB3]  }
0x2f: {  	lr =	sadd.s32 s0, s3;
	s0 =	sld [smem:$0x3FAA]  }
0x30: {  	s3 =	sld [smem:$0x3FAD]  }
0x31: {  	[smem:$0x3FB6] =	sst s10  }
0x32: {  	s10 =	sld [smem:$0x3FB4];
	_ =	sdelay $0x3  }
0x33: {  	p0 =	seq.s32 s10, $0x1;
	s10 =	sld [smem:$0x3FB6];
	_ =	sdelay $0x3  }
0x34: {  	[smem:$0x3FB6] =	sst s10  }
0x35: {  	s10 =	sld [smem:$0x3FB5];
	_ =	sdelay $0x3  }
0x36: {  	p1 =	seq.s32 s10, $0x1;
	s10 =	sld [smem:$0x3FB6];
	_ =	sdelay $0x3  }
0x37: {  	[smem:$0x3FB6] =	sst s10  }
0x38: {  	s10 =	sld [smem:$0x3FB7]  }
0x39: {  	_ = 	snop;
	(pc) =	sbr.ind lr, $3  }
0x3a: {  	_ = 	snop  }
0x3b: {  	_ = 	snop  }
0x3c: {  	p2 =	seq.s32 s10, $0x1;
	s10 =	sld [smem:$0x3FB6]  }
0x3d: {  	_ =	shalt  }
0x3e: {  	_ =	shalt  }
0x3f: {  	_ =	shalt  }
0x40: {  	_ =	shalt  }
0x41: {  	_ =	shalt  }
0x42: {  	_ =	shalt  }
0x43: {  	_ =	shalt  }
0x44: {  	_ =	shalt  }
0x45: {  	_ =	shalt  }
0x46: {  	_ =	shalt  }
0x47: {  	_ =	shalt  }
0x48: {  	_ =	shalt  }
0x49: {  	_ =	shalt  }
0x4a: {  	_ =	shalt  }
0x4b: {  	_ =	shalt  }
0x4c: {  	_ =	shalt  }
0x4d: {  	_ =	shalt  }
0x4e: {  	_ =	shalt  }
0x4f: {  	_ =	shalt  }
0x50: {  	_ =	shalt  }
0x51: {  	_ =	shalt  }
0x52: {  	_ =	shalt  }
0x53: {  	_ =	shalt  }
0x54: {  	_ =	shalt  }
0x55: {  	_ =	shalt  }
0x56: {  	_ =	shalt  }
0x57: {  	_ =	shalt  }
0x58: {  	_ =	shalt  }
0x59: {  	_ =	shalt  }
0x5a: {  	_ =	shalt  }
0x5b: {  	_ =	shalt  }
0x5c: {  	_ =	shalt  }
0x5d: {  	_ =	shalt  }
0x5e: {  	_ =	shalt  }
0x5f: {  	_ =	shalt  }
0x60: {  	_ =	shalt  }
0x61: {  	_ =	shalt  }
0x62: {  	_ =	shalt  }
0x63: {  	_ =	shalt  }
0x64: {  	_ =	shalt  }
0x65: {  	_ =	shalt  }
0x66: {  	_ =	shalt  }
0x67: {  	_ =	shalt  }
0x68: {  	_ =	shalt  }
0x69: {  	_ =	shalt  }
0x6a: {  	_ =	shalt  }
0x6b: {  	_ =	shalt  }
0x6c: {  	_ =	shalt  }
0x6d: {  	_ =	shalt  }
0x6e: {  	_ =	shalt  }
0x6f: {  	_ =	shalt  }
0x70: {  	_ =	shalt  }
0x71: {  	_ =	shalt  }
0x72: {  	_ =	shalt  }
0x73: {  	_ =	shalt  }
0x74: {  	_ =	shalt  }
0x75: {  	_ =	shalt  }
0x76: {  	_ =	shalt  }
0x77: {  	_ =	shalt  }
0x78: {  	_ =	shalt  }
0x79: {  	_ =	shalt  }
0x7a: {  	_ =	shalt  }
0x7b: {  	_ =	shalt  }
0x7c: {  	_ =	shalt  }
0x7d: {  	_ =	shalt  }
0x7e: {  	_ =	shalt  }
0x7f: {  	_ =	shalt  }
0x80: {  	_ =	shalt  }
0x81: {  	_ =	shalt  }
0x82: {  	_ =	shalt  }
0x83: {  	_ =	shalt  }
0x84: {  	_ =	shalt  }
0x85: {  	_ =	shalt  }
0x86: {  	_ =	shalt  }
0x87: {  	_ =	shalt  }
.Lfunc_end0:
.L_simem_size_0:
called_computation_lowered:
.L_overlay_start_0:
0x88: {  	s2 =	sld [smem:$0x3FD9]  }
0x89: {  	s3 =	sld [smem:$0x3FFE];
	_ =	sdelay $0x1  }
0x8a: {  	s1 =	srdreg.scid  }
0x8b: {  	s0 =	sand.u32 $0x1, s1  }
0x8c: {  	s14 =	sshll.u32 s0, $0xA;
	s2 =	sadd.s32 s3, s2  }
0x8d: {  	s2 =	sadd.s32 s2, s14  }
0x8e: {  	[smem:$0x3FC2] =	sst s2  }
0x8f: {  	_ = 	snop  }
0x90: {  	s2 =	sld [smem:$0x3FD0];
	_ =	sdelay $0x2  }
0x91: {  	s4 =	simm.s32 $0xA;
	s5 =	simm.s32 $0x10;
	s15 =	sld [smem:$0x3FC8]  }
0x92: {  	[smem:s5], [sflag:s4] =	dma.local [hbm:s2], $0x1  }
0x93: {  	_ =	swait.eq [sflag:s4], $0x1  }
0x94: {  	[sflag:s4] =	ssyncset.done $0x0  }
0x95: {  	[sflag:s4] =	ssyncadd.s32 $0xFFFFFFFF  }
0x96: {  	s16 =	sld [smem:$0x11];
	(tm) =	ssettm $0x1  }
0x97: {  	s17 =	sld [smem:$0x3FFB];
	_ =	sdelay $0x3  }
0x98: {  	_ =	strace s17  }
0x99: {  	s4 =	sld [smem:$0x3FFC];
	_ =	sdelay $0x3  }
0x9a: {  	_ =	strace s4  }
0x9b: {  	s4 =	sld [smem:$0x3FFD];
	_ =	sdelay $0x3  }
0x9c: {  	_ =	strace s4  }
0x9d: {  	_ =	strace $0x8FFFFFFF  }
0x9e: {  	s18 =	sld [smem:$0x3FDB];
	_ =	sdelay $0x1  }
0x9f: {  	s19 =	simm.s32 $_scs_section_size  }
0xa0: {  	s6 =	simm.s32 $_size__tile_overlayer_lowered;
	s7 =	simm.s32 $_tile_overlayer_lowered  }
0xa1: {  	s22 =	simm.s32 $0x1BFF;
	s21 =	sshll.u32 s7, $0x1;
	s4 =	sadd.s32 s19, s18  }
0xa2: {  	s8 =	simm.s32 $0x0;
	s20 =	sshll.u32 s6, $0x1;
	s6 =	sadd.s32 s21, s4  }
0xa3: {  	[timem:s8], [sflag:s22] =	dma.local [hbm:s6], s20  }
0xa4: {  	_ =	swait.ge [sflag:s22], s20  }
0xa5: {  	s5 =	ssub.s32 $0x0, s20;
	[sflag:s22] =	ssyncset.done $0x0  }
0xa6: {  	[sflag:s22] =	ssyncadd.s32 s5;
	_ =	sdelay $0x1  }
0xa7: {  	s23 =	simm.s32 $0x1B8B  }
0xa8: {  	_ =	swait.ge [sflag:s23], $0x1  }
0xa9: {  	[sflag:s23] =	ssyncset.done $0x0  }
0xaa: {  	s25 =	simm.s32 $0x1B8E;
	s24 =	sld [smem:$0x3FFE];
	[sflag:s23] =	ssyncadd.s32 $0xFFFFFFFF  }
0xab: {  	s26 =	simm.s32 $execute0_lowered;
	[smem:$0x3FD2] =	sst s25  }
0xac: {  	s6 =	sshll.u32 s26, $0x1;
	_ =	strace $0x80000046;
	[dreg:$0x1] =	wrdreg $0xFFFFFFFF  }
0xad: {  	s28 =	simm.s32 $_size_execute0_lowered;
	s4 =	sadd.s32 s4, s6;
	[dreg:$0x0] =	wrdreg $0x0  }
0xae: {  	s6 =	sshll.u32 s28, $0x1;
	[dreg:$0x2] =	wrdreg s4  }
0xaf: {  	[dreg:$0x3] =	wrdreg s6  }
0xb0: {  	[dreg:$0x4] =	wrdreg $0xC0  }
0xb1: {  	_ =	task [dreg:s8], $0x5FFFF  }
0xb2: {  	[dreg:$0x1] =	wrdreg $0xFFFFFFFF  }
0xb3: {  	[dreg:$0x0] =	wrdreg $0x60  }
0xb4: {  	[dreg:$0x2] =	wrdreg s24  }
0xb5: {  	[dreg:$0x3] =	wrdreg s15  }
0xb6: {  	[dreg:$0x4] =	wrdreg s16  }
0xb7: {  	[dreg:$0x5] =	wrdreg $0x9  }
0xb8: {  	_ =	task.clear_ibuf [dreg:s8], $0x6FFFF;
	_ =	strace $0x90000046  }
0xb9: {  	s29 =	simm.s32 $0x9;
	_ =	strace $0x80000048  }
0xba: {  	_ =	swait.ge [sflag:s29], $0x1  }
0xbb: {  	[sflag:s29] =	ssyncadd.s32 $0xFFFFFFFF  }
0xbc: {  	_ =	strace $0x90000048  }
0xbd: {  	_ =	sfence  }
0xbe: {  	s30 =	sld [smem:$0x0];
	_ =	sdelay $0x2  }
0xbf: {  	s31 =	sshll.u32 s1, $0xD;
	s1 =	sshrl.u32 s1, $0x2  }
0xc0: {  	s3 =	sand.u32 $0x4000, s31;
	s1 =	sadd.s32 s1, s30  }
0xc1: {  	s0 =	sor.u32 s3, s0;
	s1 =	sshll.u32 s1, $0x11  }
0xc2: {  	s0 =	sor.u32 s1, s0  }
0xc3: {  	s0 =	sadd.s32 $0x8F2B, s0  }
0xc4: {  	[sflag:s0] =	ssyncadd.remote.s32 $0x1  }
0xc5: {  	_ =	sfence.sel $0xFFFF  }
0xc6: {  	[dreg:$0x0] =	wrdreg $0xFFFFFFFF;
	(pc) =	sbr.abs _section_cstart, $3  }
0xc7: {  	[dreg:$0x1] =	wrdreg $0xFFFFFFFF  }
0xc8: {  	_ =	task.clear_ibuf [dreg:s8], $0x2FFFF;
	_ =	strace $0x9FFFFFFF  }
0xc9: {  	(tm) =	ssettm $0x7FFFFFFF  }
tec
execute0_lowered:
.L_overlay_start_1:
0x0: {  	(tag) =	ssettag $0x1  }
0x1: {  	s0 =	rddreg [dreg:$0x0]  }
0x2: {  	s1 =	rddreg [dreg:$0x1];
	s3 =	srdreg.scid  }
0x3: {  	s13 =	stileid.u32;
	s2 =	rddreg [dreg:$0x2];
	s29 =	simm.s32 $0x6700  }
0x4: {  	s30 =	simm.s32 $0x1;
	s31 =	simm.s32 $0x7F00;
	s28 =	simm.s32 $0x8780  }
0x5: {  	s5 =	sand.u32 $0x1, s3;
	s4 =	sshll.u32 s13, $0x1;
	s3 =	simm.s32 $0x0  }
0x6: {  	s11 =	sadd.s32 $0x4E200, s2;
	s6 =	sor.u32 s5, s4;
	[smem:$0x7FF] =	sst s3  }
0x7: {  	s4 =	sadd.s32 $0x1600, s0;
	s14 =	ssub.s32 $0x2, s5;
	s15 =	smul.u32 $0x9C0, s6  }
0x8: {  	s7 =	smul.u32 $0x13800, s6;
	_ =	strace $0x80000047;
	s22 =	sor.u32 $0x9C0, s6  }
0x9: {  	s8 =	sshrl.u32 s14, $0x1;
	s24 =	sshll.u32 s22, $0x5;
	s5 =	sadd.s32 s1, s15  }
0xa: {  	s0 =	ssub.s32 s14, s8;
	s1 =	sadd.s32 s1, s24;
	[dreg:$0x5] =	wrdreg s5  }
0xb: {  	s7 =	sshrl.u32 s7, $0x3;
	s0 =	smax.u32 s0, $0x1;
	[dreg:$0xd] =	wrdreg s1  }
0xc: {  	v2 =	vimm.s32 $0x7654321;
	v4 =	vimm.s32 $0x10765432;
	v6 =	vimm.s32 $0x21076543;
	p0 =	sgt.u32 s13, $0x1;
	s7 =	sadd.s32 s2, s7;
	[dreg:$0x10] =	wrdreg s0  }
0xd: {  	v1 =	vlaneseq.u32;
	v8 =	vimm.s32 $0x32107654;
	v10 =	vimm.s32 $0x43210765;
	s9 =	smul.u32 $0x4E, s6;
	s16 =	sadd.s32 $0x4E200, s7;
	[dreg:$0x4] =	wrdreg s7  }
0xe: {  	v12 =	vimm.s32 $0x65432107;
	v0 =	vmul.u32 $0x11, v1;
	v1 =	vand.u32 $0x7, v1;
	s6 =	simm.s32 $0x4;
	s17 =	sadd.s32 $0x80, s7;
	[dreg:$0x6] =	wrdreg s16  }
0xf: {  	v3 =	vunpack.c.l.s4.s8 v2;
	v5 =	vunpack.c.l.s4.s8 v4;
	v7 =	vunpack.c.l.s4.s8 v6;
	s10 =	sadd.s32 $0x2, s9;
	s18 =	sadd.s32 $0x4E280, s7;
	[dreg:$0x7] =	wrdreg s17  }
0x10: {  	v9 =	vunpack.c.l.s4.s8 v8;
	v11 =	vunpack.c.l.s4.s8 v10;
	v10 =	vimm.s32 $0x54321076;
	s12 =	sadd.s32 $0x3, s9;
	s19 =	sadd.s32 $0x2600, s7;
	[dreg:$0x8] =	wrdreg s18  }
0x11: {  	v15 =	vunpack.c.l.s4.s8 v12;
	v13 =	vunpack.c.l.s4.s8 v10;
	v2 =	vadd.s32 $0x1, v0;
	s24 =	simm.s32 $0x5F00;
	s20 =	sadd.s32 $0x50800, s7;
	[dreg:$0x9] =	wrdreg s19  }
0x12: {  	v3 =	vunpack.c.0.s8.s32 v3;
	v4 =	vadd.s32 $0x2, v0;
	v5 =	vunpack.c.0.s8.s32 v5;
	s5 =	sshll.u32 s22, $0x7;
	s21 =	sadd.s32 $0x2680, s7;
	[dreg:$0xa] =	wrdreg s20  }
0x13: {  	v6 =	vadd.s32 $0x3, v0;
	v7 =	vunpack.c.0.s8.s32 v7;
	v8 =	vadd.s32 $0x4, v0;
	s22 =	simm.s32 $0x80;
	s23 =	sadd.s32 $0x50880, s7;
	[dreg:$0xb] =	wrdreg s21  }
.Ltmp0:
0x14: {  	v9 =	vunpack.c.0.s8.s32 v9;
	v10 =	vadd.s32 $0x5, v0;
	v11 =	vunpack.c.0.s8.s32 v11;
	s25 =	sadd.s32 s2, s5;
	[dreg:$0xc] =	wrdreg s23;
	(pc) =	sbr.rel .LBB2_1-.Ltmp0, $4  }
0x15: {  	v12 =	vadd.s32 $0x6, v0;
	v14 =	vadd.s32 $0x7, v0;
	v15 =	vunpack.c.0.s8.s32 v15;
	s1 =	simm.s32 $0x6F00;
	s26 =	sadd.s32 s5, s11;
	[dreg:$0xe] =	wrdreg s25  }
0x16: {  	v16 =	vadd.s32 $0x8, v0;
	v17 =	vadd.s32 $0x9, v0;
	v18 =	vadd.s32 $0xA, v0;
	s0 =	simm.s32 $0x7300;
	s7 =	simm.s32 $0x0;
	[dreg:$0xf] =	wrdreg s26  }
0x17: {  	v19 =	vadd.s32 $0xB, v0;
	v20 =	vadd.s32 $0xC, v0;
	v21 =	vadd.s32 $0xD, v0;
	s23 =	simm.s32 $0x4F00;
	s25 =	simm.s32 $0x2;
	s17 =	simm.s32 $0x7700  }
0x18: {  	v22 =	vadd.s32 $0xE, v0;
	v23 =	vadd.s32 $0xF, v0;
	v13 =	vunpack.c.0.s8.s32 v13;
	s18 =	simm.s32 $0x7B00;
	s19 =	simm.s32 $0x3;
	s26 =	simm.s32 $0x0  }
.LBB2_35:
0x19: {  	s7 =	sadd.s32 $0x1, s7;
	s5 =	rddreg [dreg:$0x10]  }
0x1a: {  	p1 =	sne.s32 s7, s5  }
.Ltmp1:
0x1b: {  	_ = 	snop;
	(pc) =	sbr.rel @!p1 .LBB2_36-.Ltmp1, $1  }
0x1c: {  	_ =	sdelay $0x3  }
.LBB2_1:
0x1d: {  	[dreg:$0x11] =	wrdreg s7  }
0x1e: {  	s5 =	rddreg [dreg:$0x5];
	s21 =	simm.s32 $0x5  }
0x1f: {  	[tilespmem:s3], [sflag:$0x5] =	stream.linear.gather [hbm4b:s5+s3], $0x4E00, $0x38;
	[tilespmem:$0x9000] =	vst v63  }
0x20: {  	_ =	swait.ge [sflag:s21], $0x4E00  }
0x21: {  	[sflag:s21] =	ssyncset.done $0x0  }
0x22: {  	s8 =	simm.s32 $0x0;
	[sflag:s21] =	ssyncadd.s32 $0xFFFFB200  }
0x23: {  	v24 =	vld [tilespmem:s8+$0x0]  }
0x24: {  	v25 =	vld [tilespmem:s8+$0x10]  }
0x25: {  	v26 =	vld [tilespmem:s8+$0x20]  }
0x26: {  	v27 =	vld [tilespmem:s8+$0x30]  }
0x27: {  	v28 =	vld [tilespmem:s8+$0x40]  }
0x28: {  	v29 =	vld [tilespmem:s8+$0x50]  }
0x29: {  	v30 =	vld [tilespmem:s8+$0x60];
	v24 =	vshll.u32 v24, $0x3  }
0x2a: {  	v31 =	vld [tilespmem:s8+$0x80];
	[tilespmem:s8+$0x0] =	vst v24;
	v24 =	vshll.u32 v25, $0x3  }
0x2b: {  	v25 =	vld [tilespmem:s8+$0x70];
	[tilespmem:s8+$0x10] =	vst v24;
	v24 =	vshll.u32 v26, $0x3  }
0x2c: {  	[tilespmem:s8+$0x20] =	vst v24;
	v24 =	vshll.u32 v27, $0x3;
	v27 =	vld [tilespmem:s8+$0x90]  }
0x2d: {  	[tilespmem:s8+$0x30] =	vst v24;
	v24 =	vshll.u32 v28, $0x3;
	v28 =	vld [tilespmem:s8+$0xA0]  }
0x2e: {  	v26 =	vld [tilespmem:s8+$0xB0];
	[tilespmem:s8+$0x40] =	vst v24;
	v24 =	vshll.u32 v29, $0x3  }
0x2f: {  	v29 =	vshll.u32 v30, $0x3;
	[tilespmem:s8+$0x50] =	vst v24;
	v24 =	vld [tilespmem:s8+$0xC0]  }
0x30: {  	v30 =	vshll.u32 v31, $0x3;
	[tilespmem:s8+$0x60] =	vst v29;
	v29 =	vshll.u32 v25, $0x3;
	v25 =	vld [tilespmem:s8+$0xD0]  }
0x31: {  	s5 =	simm.s32 $0x400;
	[tilespmem:s8+$0x70] =	vst v29;
	v29 =	vor.u32 $0x1, v30;
	v30 =	vshll.u32 v27, $0x3;
	v27 =	vld [tilespmem:s8+$0xE0]  }
.LBB2_2:
0x32: {  	s7 =	sshra.s32 s5, $0x2;
	p1 =	sne.s32 s5, $0x13400;
	[tilespmem:s8+$0x80] =	vst v29;
	v29 =	vor.u32 $0x1, v30;
	v28 =	vshll.u32 v28, $0x3;
	v30 =	vld [tilespmem:s8+$0xF0]  }
0x33: {  	v31 =	vld [tilespmem:s7+$0x0];
	[tilespmem:s8+$0x90] =	vst v29;
	v28 =	vor.u32 $0x1, v28;
	v26 =	vshll.u32 v26, $0x3  }
0x34: {  	v29 =	vld [tilespmem:s7+$0x10];
	[tilespmem:s8+$0xA0] =	vst v28;
	v26 =	vor.u32 $0x1, v26;
	v24 =	vshll.u32 v24, $0x3  }
0x35: {  	v28 =	vld [tilespmem:s7+$0x20];
	[tilespmem:s8+$0xB0] =	vst v26;
	v24 =	vor.u32 $0x1, v24;
	v25 =	vshll.u32 v25, $0x3  }
0x36: {  	v26 =	vld [tilespmem:s7+$0x30];
	[tilespmem:s8+$0xC0] =	vst v24;
	v24 =	vor.u32 $0x1, v25;
	v25 =	vshll.u32 v27, $0x3  }
0x37: {  	v27 =	vld [tilespmem:s7+$0x40];
	[tilespmem:s8+$0xD0] =	vst v24;
	v24 =	vor.u32 $0x1, v25;
	v25 =	vshll.u32 v30, $0x3  }
0x38: {  	v30 =	vld [tilespmem:s7+$0x50];
	[tilespmem:s8+$0xE0] =	vst v24;
	v24 =	vor.u32 $0x1, v25  }
0x39: {  	v25 =	vshll.u32 v31, $0x3;
	v31 =	vld [tilespmem:s7+$0x60];
	[tilespmem:s8+$0xF0] =	vst v24;
	s8 =	smov.u32 s7  }
0x3a: {  	v24 =	vshll.u32 v29, $0x3;
	[tilespmem:s8+$0x0] =	vst v25;
	v25 =	vld [tilespmem:s8+$0x70]  }
0x3b: {  	[tilespmem:s8+$0x10] =	vst v24;
	v24 =	vshll.u32 v28, $0x3;
	v29 =	vld [tilespmem:s8+$0x80]  }
0x3c: {  	[tilespmem:s8+$0x20] =	vst v24;
	v24 =	vshll.u32 v26, $0x3;
	v32 =	vld [tilespmem:s8+$0x90]  }
.Ltmp2:
0x3d: {  	[tilespmem:s8+$0x30] =	vst v24;
	v24 =	vshll.u32 v27, $0x3;
	v28 =	vld [tilespmem:s8+$0xA0];
	(pc) =	sbr.rel @p1 .LBB2_2-.Ltmp2, $4  }
0x3e: {  	[tilespmem:s8+$0x40] =	vst v24;
	v24 =	vshll.u32 v30, $0x3;
	v26 =	vld [tilespmem:s8+$0xB0]  }
0x3f: {  	v27 =	vshll.u32 v31, $0x3;
	[tilespmem:s8+$0x50] =	vst v24;
	v24 =	vld [tilespmem:s8+$0xC0]  }
0x40: {  	[tilespmem:s8+$0x60] =	vst v27;
	v27 =	vshll.u32 v25, $0x3;
	v29 =	vshll.u32 v29, $0x3;
	v25 =	vld [tilespmem:s8+$0xD0]  }
0x41: {  	s5 =	sadd.s32 $0x400, s5;
	[tilespmem:s8+$0x70] =	vst v27;
	v29 =	vor.u32 $0x1, v29;
	v30 =	vshll.u32 v32, $0x3;
	v27 =	vld [tilespmem:s8+$0xE0]  }
0x42: {  	[tilespmem:s8+$0x80] =	vst v29;
	v62 =	vor.u32 $0x1, v30;
	v28 =	vshll.u32 v28, $0x3;
	v63 =	vld [tilespmem:s8+$0xF0]  }
0x43: {  	[tilespmem:s8+$0x90] =	vst v62;
	v28 =	vor.u32 $0x1, v28;
	v26 =	vshll.u32 v26, $0x3  }
0x44: {  	[tilespmem:s8+$0xA0] =	vst v28;
	v26 =	vor.u32 $0x1, v26;
	v24 =	vshll.u32 v24, $0x3  }
0x45: {  	[tilespmem:s8+$0xB0] =	vst v26;
	v24 =	vor.u32 $0x1, v24;
	v25 =	vshll.u32 v25, $0x3  }
0x46: {  	[tilespmem:s8+$0xC0] =	vst v24;
	v24 =	vor.u32 $0x1, v25;
	v25 =	vshll.u32 v27, $0x3  }
0x47: {  	[tilespmem:s8+$0xD0] =	vst v24;
	v24 =	vor.u32 $0x1, v25;
	v25 =	vshll.u32 v63, $0x3  }
0x48: {  	[tilespmem:s8+$0xE0] =	vst v24;
	v24 =	vor.u32 $0x1, v25  }
0x49: {  	[tilespmem:s8+$0xF0] =	vst v24  }
0x4a: {  	[tilespmem:s23], [sflag:$0x1] =	stream.indirect.gather [hbm4b:s4+s22], $0x10, s3, s22, $0xb8;
	[tilespmem:$0x9000] =	vst v63  }
0x4b: {  	_ = 	snop  }
0x4c: {  	[tilespmem:s24], [sflag:$0x1] =	stream.indirect.gather [hbm4b:s4+s22], $0x10, s22, s22, $0xb8;
	[tilespmem:$0x9000] =	vst v63  }
0x4d: {  	s5 =	simm.s32 $0x100;
	s7 =	simm.s32 $0x5700  }
0x4e: {  	[tilespmem:s7], [sflag:$0x2] =	stream.indirect.gather [hbm4b:s4+s22], $0x10, s5, s22, $0xb8;
	[tilespmem:$0x9000] =	vst v63  }
0x4f: {  	s21 =	simm.s32 $0x180  }
0x50: {  	[tilespmem:s29], [sflag:$0x2] =	stream.indirect.gather [hbm4b:s4+s22], $0x10, s21, s22, $0xb8;
	[tilespmem:$0x9000] =	vst v63  }
0x51: {  	_ =	swait.ge [sflag:s30], $0x800  }
0x52: {  	[sflag:s30] =	ssyncset.done $0x0  }
0x53: {  	[sflag:s30] =	ssyncadd.s32 $0xFFFFF800  }
0x54: {  	_ =	swait.ge [sflag:s30], $0x800  }
0x55: {  	[sflag:s30] =	ssyncset.done $0x0  }
0x56: {  	s9 =	simm.s32 $0x4F40;
	[sflag:s30] =	ssyncadd.s32 $0xFFFFF800  }
0x57: {  	s13 =	simm.s32 $0x5F40;
	v24 =	vld [tilespmem:s9+$0xFFFFFFC0]  }
0x58: {  	v25 =	vld [tilespmem:s13+$0xFFFFFFC0];
	_ =	sdelay $0x4  }
0x59: {  	v24 =	vadd.f32 v25, v24  }
0x5a: {  	s14 =	simm.s32 $0x7F44  }
0x5b: {  	[tilespmem:s14+$0xFFFFFFBC] =	vst v24  }
0x5c: {  	v24 =	vld [tilespmem:s13+$0xFFFFFFD0]  }
0x5d: {  	v25 =	vld [tilespmem:s9+$0xFFFFFFD0];
	_ =	sdelay $0x4  }
0x5e: {  	v24 =	vadd.f32 v24, v25;
	_ =	sdelay $0x1  }
0x5f: {  	[tilespmem:s14+$0xFFFFFFCD] =	vst v24  }
0x60: {  	v24 =	vld [tilespmem:s9+$0xFFFFFFE0]  }
0x61: {  	v25 =	vld [tilespmem:s13+$0xFFFFFFE0];
	_ =	sdelay $0x4  }
0x62: {  	v24 =	vadd.f32 v25, v24;
	_ =	sdelay $0x1  }
0x63: {  	[tilespmem:s14+$0xFFFFFFDE] =	vst v24  }
0x64: {  	v24 =	vld [tilespmem:s9+$0xFFFFFFF0]  }
0x65: {  	v25 =	vld [tilespmem:s13+$0xFFFFFFF0];
	_ =	sdelay $0x4  }
0x66: {  	v24 =	vadd.f32 v25, v24;
	_ =	sdelay $0x1  }
0x67: {  	[tilespmem:s14+$0xFFFFFFEF] =	vst v24  }
0x68: {  	v24 =	vld [tilespmem:s9+$0x0]  }
0x69: {  	v25 =	vld [tilespmem:s13+$0x0];
	_ =	sdelay $0x4  }
0x6a: {  	v24 =	vadd.f32 v25, v24;
	_ =	sdelay $0x1  }
0x6b: {  	[tilespmem:s14+$0x0] =	vst v24  }
0x6c: {  	v24 =	vld [tilespmem:s9+$0x10]  }
0x6d: {  	v25 =	vld [tilespmem:s13+$0x10];
	_ =	sdelay $0x4  }
0x6e: {  	v24 =	vadd.f32 v25, v24;
	_ =	sdelay $0x1  }
0x6f: {  	[tilespmem:s14+$0x11] =	vst v24  }
0x70: {  	v24 =	vld [tilespmem:s9+$0x20]  }
0x71: {  	v25 =	vld [tilespmem:s13+$0x20];
	_ =	sdelay $0x4  }
0x72: {  	v24 =	vadd.f32 v25, v24;
	_ =	sdelay $0x1  }
0x73: {  	[tilespmem:s14+$0x22] =	vst v24  }
0x74: {  	s16 =	simm.s32 $0x5FC0;
	s15 =	simm.s32 $0x7F44;
	s5 =	simm.s32 $0x0;
	v24 =	vld [tilespmem:s9+$0x30]  }
.LBB2_4:
0x75: {  	s5 =	sadd.s32 $0x8, s5;
	v25 =	vld [tilespmem:s13+$0x30];
	s14 =	sadd.s32 $0x88, s14;
	s9 =	sadd.s32 $0x80, s9  }
0x76: {  	s13 =	smov.u32 s16;
	p1 =	slt.u32 s5, $0x78;
	_ =	sdelay $0x3  }
0x77: {  	v24 =	vadd.f32 v25, v24;
	_ =	sdelay $0x1  }
0x78: {  	[tilespmem:s15+$0x33] =	vst v24;
	s15 =	smov.u32 s14  }
0x79: {  	v24 =	vld [tilespmem:s9+$0xFFFFFFC0]  }
0x7a: {  	v25 =	vld [tilespmem:s16+$0xFFFFFFC0];
	_ =	sdelay $0x4  }
0x7b: {  	v24 =	vadd.f32 v25, v24;
	_ =	sdelay $0x1  }
0x7c: {  	[tilespmem:s14+$0xFFFFFFBC] =	vst v24  }
0x7d: {  	v24 =	vld [tilespmem:s16+$0xFFFFFFD0]  }
0x7e: {  	v25 =	vld [tilespmem:s9+$0xFFFFFFD0];
	_ =	sdelay $0x4  }
0x7f: {  	v24 =	vadd.f32 v24, v25;
	_ =	sdelay $0x1  }
0x80: {  	[tilespmem:s14+$0xFFFFFFCD] =	vst v24  }
0x81: {  	v24 =	vld [tilespmem:s9+$0xFFFFFFE0]  }
0x82: {  	v25 =	vld [tilespmem:s16+$0xFFFFFFE0];
	_ =	sdelay $0x4  }
0x83: {  	v24 =	vadd.f32 v25, v24;
	_ =	sdelay $0x1  }
0x84: {  	[tilespmem:s14+$0xFFFFFFDE] =	vst v24  }
0x85: {  	v24 =	vld [tilespmem:s9+$0xFFFFFFF0]  }
0x86: {  	v25 =	vld [tilespmem:s16+$0xFFFFFFF0];
	_ =	sdelay $0x4  }
0x87: {  	v24 =	vadd.f32 v25, v24;
	_ =	sdelay $0x1  }
0x88: {  	[tilespmem:s14+$0xFFFFFFEF] =	vst v24  }
0x89: {  	v24 =	vld [tilespmem:s9+$0x0]  }
0x8a: {  	v25 =	vld [tilespmem:s16+$0x0];
	_ =	sdelay $0x4  }
0x8b: {  	v24 =	vadd.f32 v25, v24;
	_ =	sdelay $0x1  }
0x8c: {  	[tilespmem:s14+$0x0] =	vst v24  }
0x8d: {  	v24 =	vld [tilespmem:s9+$0x10]  }
0x8e: {  	v25 =	vld [tilespmem:s16+$0x10];
	_ =	sdelay $0x4  }
0x8f: {  	v24 =	vadd.f32 v25, v24;
	_ =	sdelay $0x1  }
0x90: {  	[tilespmem:s14+$0x11] =	vst v24  }
0x91: {  	v24 =	vld [tilespmem:s9+$0x20]  }
0x92: {  	v25 =	vld [tilespmem:s16+$0x20];
	_ =	sdelay $0x3  }
.Ltmp3:
0x93: {  	(pc) =	sbr.rel @p1 .LBB2_4-.Ltmp3, $3  }
0x94: {  	v24 =	vadd.f32 v25, v24;
	_ =	sdelay $0x1  }
0x95: {  	[tilespmem:s14+$0x22] =	vst v24  }
0x96: {  	s7 =	simm.s32 $0x0;
	s8 =	simm.s32 $0x7300;
	s16 =	sadd.s32 $0x80, s16;
	v24 =	vld [tilespmem:s9+$0x30]  }
0x97: {  	v25 =	vld [tilespmem:s13+$0x30]  }
0x98: {  	v26 =	vadd.s32 s7, v0  }
0x99: {  	v26 =	vand.u32 $0xFF8, v26  }
0x9a: {  	v26 =	vor.u32 v1, v26;
	_ =	sdelay $0x1  }
0x9b: {  	v24 =	vadd.f32 v25, v24;
	_ =	sdelay $0x1  }
0x9c: {  	[tilespmem:s15+$0x33] =	vst v24;
	v24 =	vadd.s32 s7, v2  }
0x9d: {  	v25 =	vld.idx.msk [tilespmem:v26+s31+$0x0], $0xffff;
	v24 =	vand.u32 $0xFF8, v24  }
0x9e: {  	v24 =	vor.u32 v3, v24;
	_ =	sdelay $0x3  }
0x9f: {  	[tilespmem:s8+$0xFFFFFC00] =	vst v25;
	v25 =	vadd.s32 s7, v4  }
0xa0: {  	v24 =	vld.idx.msk [tilespmem:v24+s31+$0x0], $0xffff;
	v25 =	vand.u32 $0xFF8, v25  }
0xa1: {  	v25 =	vor.u32 v5, v25;
	_ =	sdelay $0x3  }
0xa2: {  	[tilespmem:s8+$0xFFFFFC80] =	vst v24;
	v24 =	vadd.s32 s7, v6  }
0xa3: {  	v25 =	vld.idx.msk [tilespmem:v25+s31+$0x0], $0xffff;
	v24 =	vand.u32 $0xFF8, v24  }
0xa4: {  	v24 =	vor.u32 v7, v24;
	_ =	sdelay $0x3  }
0xa5: {  	[tilespmem:s8+$0xFFFFFD00] =	vst v25;
	v25 =	vadd.s32 s7, v8  }
0xa6: {  	v24 =	vld.idx.msk [tilespmem:v24+s31+$0x0], $0xffff;
	v25 =	vand.u32 $0xFF8, v25  }
0xa7: {  	v25 =	vor.u32 v9, v25;
	_ =	sdelay $0x3  }
0xa8: {  	[tilespmem:s8+$0xFFFFFD80] =	vst v24;
	v24 =	vadd.s32 s7, v10  }
0xa9: {  	v25 =	vld.idx.msk [tilespmem:v25+s31+$0x0], $0xffff;
	v24 =	vand.u32 $0xFF8, v24  }
0xaa: {  	v24 =	vor.u32 v11, v24;
	_ =	sdelay $0x3  }
0xab: {  	[tilespmem:s8+$0xFFFFFE00] =	vst v25;
	v25 =	vadd.s32 s7, v12  }
0xac: {  	v24 =	vld.idx.msk [tilespmem:v24+s31+$0x0], $0xffff;
	v25 =	vand.u32 $0xFF8, v25  }
0xad: {  	v25 =	vor.u32 v13, v25;
	_ =	sdelay $0x3  }
0xae: {  	[tilespmem:s8+$0xFFFFFE80] =	vst v24;
	v24 =	vadd.s32 s7, v14  }
0xaf: {  	v25 =	vld.idx.msk [tilespmem:v25+s31+$0x0], $0xffff;
	v24 =	vand.u32 $0xFF8, v24  }
0xb0: {  	v24 =	vor.u32 v15, v24;
	_ =	sdelay $0x3  }
0xb1: {  	[tilespmem:s8+$0xFFFFFF00] =	vst v25;
	v25 =	vadd.s32 s7, v16  }
0xb2: {  	v24 =	vld.idx.msk [tilespmem:v24+s31+$0x0], $0xffff;
	v25 =	vand.u32 $0xFF8, v25  }
0xb3: {  	v25 =	vor.u32 v1, v25;
	_ =	sdelay $0x3  }
0xb4: {  	[tilespmem:s8+$0xFFFFFF80] =	vst v24;
	v24 =	vadd.s32 s7, v17  }
0xb5: {  	v25 =	vld.idx.msk [tilespmem:v25+s31+$0x0], $0xffff;
	v24 =	vand.u32 $0xFF8, v24  }
0xb6: {  	v24 =	vor.u32 v3, v24;
	_ =	sdelay $0x3  }
0xb7: {  	[tilespmem:s8+$0x0] =	vst v25;
	v25 =	vadd.s32 s7, v18  }
0xb8: {  	v24 =	vld.idx.msk [tilespmem:v24+s31+$0x0], $0xffff;
	v25 =	vand.u32 $0xFF8, v25  }
0xb9: {  	v25 =	vor.u32 v5, v25;
	_ =	sdelay $0x3  }
0xba: {  	[tilespmem:s8+$0x80] =	vst v24;
	v24 =	vadd.s32 s7, v19  }
0xbb: {  	v25 =	vld.idx.msk [tilespmem:v25+s31+$0x0], $0xffff;
	v24 =	vand.u32 $0xFF8, v24  }
0xbc: {  	v24 =	vor.u32 v7, v24;
	_ =	sdelay $0x3  }
0xbd: {  	[tilespmem:s8+$0x100] =	vst v25;
	v25 =	vadd.s32 s7, v20  }
0xbe: {  	v24 =	vld.idx.msk [tilespmem:v24+s31+$0x0], $0xffff;
	v25 =	vand.u32 $0xFF8, v25  }
0xbf: {  	v25 =	vor.u32 v9, v25;
	_ =	sdelay $0x3  }
0xc0: {  	[tilespmem:s8+$0x180] =	vst v24;
	v24 =	vadd.s32 s7, v21  }
0xc1: {  	v25 =	vld.idx.msk [tilespmem:v25+s31+$0x0], $0xffff;
	v24 =	vand.u32 $0xFF8, v24  }
0xc2: {  	v24 =	vor.u32 v11, v24;
	_ =	sdelay $0x3  }
0xc3: {  	[tilespmem:s8+$0x200] =	vst v25;
	v25 =	vadd.s32 s7, v22  }
0xc4: {  	v24 =	vld.idx.msk [tilespmem:v24+s31+$0x0], $0xffff;
	v25 =	vand.u32 $0xFF8, v25  }
0xc5: {  	v25 =	vor.u32 v13, v25;
	_ =	sdelay $0x3  }
0xc6: {  	[tilespmem:s8+$0x280] =	vst v24;
	v24 =	vadd.s32 s7, v23  }
0xc7: {  	v25 =	vld.idx.msk [tilespmem:v25+s31+$0x0], $0xffff;
	v24 =	vand.u32 $0xFF8, v24  }
0xc8: {  	v24 =	vor.u32 v15, v24;
	_ =	sdelay $0x3  }
0xc9: {  	s9 =	simm.s32 $0x110;
	[tilespmem:s8+$0x300] =	vst v25  }
0xca: {  	s13 =	simm.s32 $0x220;
	v25 =	vadd.s32 s9, v0;
	v24 =	vld.idx.msk [tilespmem:v24+s31+$0x0], $0xffff  }
.LBB2_6:
0xcb: {  	p1 =	sne.s32 s13, $0x770;
	v25 =	vand.u32 $0xFF8, v25  }
0xcc: {  	v25 =	vor.u32 v1, v25;
	_ =	sdelay $0x3  }
0xcd: {  	[tilespmem:s8+$0x380] =	vst v24  }
0xce: {  	v24 =	vld.idx.msk [tilespmem:v25+s31+$0x0], $0xffff;
	v25 =	vadd.s32 s9, v2  }
0xcf: {  	v25 =	vand.u32 $0xFF8, v25  }
0xd0: {  	v25 =	vor.u32 v3, v25;
	_ =	sdelay $0x2  }
0xd1: {  	s8 =	sadd.s32 $0x10, s8  }
0xd2: {  	[tilespmem:s8+$0xFFFFFC00] =	vst v24  }
0xd3: {  	v24 =	vld.idx.msk [tilespmem:v25+s31+$0x0], $0xffff;
	v25 =	vadd.s32 s9, v4  }
0xd4: {  	v25 =	vand.u32 $0xFF8, v25  }
0xd5: {  	v25 =	vor.u32 v5, v25;
	_ =	sdelay $0x3  }
0xd6: {  	[tilespmem:s8+$0xFFFFFC80] =	vst v24  }
0xd7: {  	v24 =	vld.idx.msk [tilespmem:v25+s31+$0x0], $0xffff;
	v25 =	vadd.s32 s9, v6  }
0xd8: {  	v25 =	vand.u32 $0xFF8, v25  }
0xd9: {  	v25 =	vor.u32 v7, v25;
	_ =	sdelay $0x3  }
0xda: {  	[tilespmem:s8+$0xFFFFFD00] =	vst v24  }
0xdb: {  	v24 =	vld.idx.msk [tilespmem:v25+s31+$0x0], $0xffff;
	v25 =	vadd.s32 s9, v8  }
0xdc: {  	v25 =	vand.u32 $0xFF8, v25  }
0xdd: {  	v25 =	vor.u32 v9, v25;
	_ =	sdelay $0x3  }
0xde: {  	[tilespmem:s8+$0xFFFFFD80] =	vst v24  }
0xdf: {  	v24 =	vld.idx.msk [tilespmem:v25+s31+$0x0], $0xffff;
	v25 =	vadd.s32 s9, v10  }
0xe0: {  	v25 =	vand.u32 $0xFF8, v25  }
0xe1: {  	v25 =	vor.u32 v11, v25;
	_ =	sdelay $0x3  }
0xe2: {  	[tilespmem:s8+$0xFFFFFE00] =	vst v24  }
0xe3: {  	v24 =	vld.idx.msk [tilespmem:v25+s31+$0x0], $0xffff;
	v25 =	vadd.s32 s9, v12  }
0xe4: {  	v25 =	vand.u32 $0xFF8, v25  }
0xe5: {  	v25 =	vor.u32 v13, v25;
	_ =	sdelay $0x3  }
0xe6: {  	[tilespmem:s8+$0xFFFFFE80] =	vst v24  }
0xe7: {  	v24 =	vld.idx.msk [tilespmem:v25+s31+$0x0], $0xffff;
	v25 =	vadd.s32 s9, v14  }
0xe8: {  	v25 =	vand.u32 $0xFF8, v25  }
0xe9: {  	v25 =	vor.u32 v15, v25;
	_ =	sdelay $0x3  }
0xea: {  	[tilespmem:s8+$0xFFFFFF00] =	vst v24  }
0xeb: {  	v24 =	vld.idx.msk [tilespmem:v25+s31+$0x0], $0xffff;
	v25 =	vadd.s32 s9, v16  }
0xec: {  	v25 =	vand.u32 $0xFF8, v25  }
0xed: {  	v25 =	vor.u32 v1, v25;
	_ =	sdelay $0x3  }
0xee: {  	[tilespmem:s8+$0xFFFFFF80] =	vst v24  }
0xef: {  	v24 =	vld.idx.msk [tilespmem:v25+s31+$0x0], $0xffff;
	v25 =	vadd.s32 s9, v17  }
0xf0: {  	v25 =	vand.u32 $0xFF8, v25  }
0xf1: {  	v25 =	vor.u32 v3, v25;
	_ =	sdelay $0x3  }
0xf2: {  	[tilespmem:s8+$0x0] =	vst v24  }
0xf3: {  	v24 =	vld.idx.msk [tilespmem:v25+s31+$0x0], $0xffff;
	v25 =	vadd.s32 s9, v18  }
0xf4: {  	v25 =	vand.u32 $0xFF8, v25  }
0xf5: {  	v25 =	vor.u32 v5, v25;
	_ =	sdelay $0x3  }
0xf6: {  	[tilespmem:s8+$0x80] =	vst v24  }
0xf7: {  	v24 =	vld.idx.msk [tilespmem:v25+s31+$0x0], $0xffff;
	v25 =	vadd.s32 s9, v19  }
0xf8: {  	v25 =	vand.u32 $0xFF8, v25  }
0xf9: {  	v25 =	vor.u32 v7, v25;
	_ =	sdelay $0x3  }
0xfa: {  	[tilespmem:s8+$0x100] =	vst v24  }
0xfb: {  	v24 =	vld.idx.msk [tilespmem:v25+s31+$0x0], $0xffff;
	v25 =	vadd.s32 s9, v20  }
0xfc: {  	v25 =	vand.u32 $0xFF8, v25  }
0xfd: {  	v25 =	vor.u32 v9, v25;
	_ =	sdelay $0x3  }
0xfe: {  	[tilespmem:s8+$0x180] =	vst v24  }
0xff: {  	v24 =	vld.idx.msk [tilespmem:v25+s31+$0x0], $0xffff;
	v25 =	vadd.s32 s9, v21  }
0x100: {  	v25 =	vand.u32 $0xFF8, v25  }
0x101: {  	v25 =	vor.u32 v11, v25;
	_ =	sdelay $0x3  }
0x102: {  	[tilespmem:s8+$0x200] =	vst v24  }
0x103: {  	v24 =	vld.idx.msk [tilespmem:v25+s31+$0x0], $0xffff;
	v25 =	vadd.s32 s9, v22  }
0x104: {  	v25 =	vand.u32 $0xFF8, v25  }
0x105: {  	v25 =	vor.u32 v13, v25;
	_ =	sdelay $0x3  }
0x106: {  	[tilespmem:s8+$0x280] =	vst v24  }
0x107: {  	v24 =	vld.idx.msk [tilespmem:v25+s31+$0x0], $0xffff;
	v25 =	vadd.s32 s9, v23;
	s9 =	smov.u32 s13  }
0x108: {  	v25 =	vand.u32 $0xFF8, v25  }
0x109: {  	v26 =	vor.u32 v15, v25  }
.Ltmp4:
0x10a: {  	(pc) =	sbr.rel @p1 .LBB2_6-.Ltmp4, $3  }
0x10b: {  	_ =	sdelay $0x1  }
0x10c: {  	[tilespmem:s8+$0x300] =	vst v24  }
0x10d: {  	s13 =	sadd.s32 $0x110, s13;
	v25 =	vadd.s32 s9, v0;
	v24 =	vld.idx.msk [tilespmem:v26+s31+$0x0], $0xffff  }
0x10e: {  	v25 =	vand.u32 $0xFF8, v25  }
0x10f: {  	v25 =	vor.u32 v1, v25;
	_ =	sdelay $0x3  }
0x110: {  	[tilespmem:s8+$0x380] =	vst v24;
	v24 =	vadd.s32 s9, v2  }
0x111: {  	v24 =	vand.u32 $0xFF8, v24;
	v25 =	vld.idx.msk [tilespmem:v25+s31+$0x0], $0xffff  }
0x112: {  	v24 =	vor.u32 v3, v24;
	_ =	sdelay $0x2  }
0x113: {  	s5 =	sadd.s32 $0x10, s8  }
0x114: {  	[tilespmem:s5+$0xFFFFFC00] =	vst v25;
	v25 =	vadd.s32 s9, v4  }
0x115: {  	v24 =	vld.idx.msk [tilespmem:v24+s31+$0x0], $0xffff;
	v25 =	vand.u32 $0xFF8, v25  }
0x116: {  	v25 =	vor.u32 v5, v25;
	_ =	sdelay $0x3  }
0x117: {  	[tilespmem:s5+$0xFFFFFC80] =	vst v24;
	v24 =	vadd.s32 s9, v6  }
0x118: {  	v25 =	vld.idx.msk [tilespmem:v25+s31+$0x0], $0xffff;
	v24 =	vand.u32 $0xFF8, v24  }
0x119: {  	v24 =	vor.u32 v7, v24;
	_ =	sdelay $0x3  }
0x11a: {  	[tilespmem:s5+$0xFFFFFD00] =	vst v25;
	v25 =	vadd.s32 s9, v8  }
0x11b: {  	v24 =	vld.idx.msk [tilespmem:v24+s31+$0x0], $0xffff;
	v25 =	vand.u32 $0xFF8, v25  }
0x11c: {  	v25 =	vor.u32 v9, v25;
	_ =	sdelay $0x3  }
0x11d: {  	[tilespmem:s5+$0xFFFFFD80] =	vst v24;
	v24 =	vadd.s32 s9, v10  }
0x11e: {  	v25 =	vld.idx.msk [tilespmem:v25+s31+$0x0], $0xffff;
	v24 =	vand.u32 $0xFF8, v24  }
0x11f: {  	v24 =	vor.u32 v11, v24;
	_ =	sdelay $0x3  }
0x120: {  	[tilespmem:s5+$0xFFFFFE00] =	vst v25;
	v25 =	vadd.s32 s9, v12  }
0x121: {  	v24 =	vld.idx.msk [tilespmem:v24+s31+$0x0], $0xffff;
	v25 =	vand.u32 $0xFF8, v25  }
0x122: {  	v25 =	vor.u32 v13, v25;
	_ =	sdelay $0x3  }
0x123: {  	[tilespmem:s5+$0xFFFFFE80] =	vst v24;
	v24 =	vadd.s32 s9, v14  }
0x124: {  	v25 =	vld.idx.msk [tilespmem:v25+s31+$0x0], $0xffff;
	v24 =	vand.u32 $0xFF8, v24  }
0x125: {  	v24 =	vor.u32 v15, v24;
	_ =	sdelay $0x3  }
0x126: {  	[tilespmem:s5+$0xFFFFFF00] =	vst v25;
	v25 =	vadd.s32 s9, v16  }
0x127: {  	v24 =	vld.idx.msk [tilespmem:v24+s31+$0x0], $0xffff;
	v25 =	vand.u32 $0xFF8, v25  }
0x128: {  	v25 =	vor.u32 v1, v25;
	_ =	sdelay $0x3  }
0x129: {  	[tilespmem:s5+$0xFFFFFF80] =	vst v24;
	v24 =	vadd.s32 s9, v17  }
0x12a: {  	v25 =	vld.idx.msk [tilespmem:v25+s31+$0x0], $0xffff;
	v24 =	vand.u32 $0xFF8, v24  }
0x12b: {  	v24 =	vor.u32 v3, v24;
	_ =	sdelay $0x3  }
0x12c: {  	[tilespmem:s5+$0x0] =	vst v25;
	v25 =	vadd.s32 s9, v18  }
0x12d: {  	v24 =	vld.idx.msk [tilespmem:v24+s31+$0x0], $0xffff;
	v25 =	vand.u32 $0xFF8, v25  }
0x12e: {  	v25 =	vor.u32 v5, v25;
	_ =	sdelay $0x3  }
0x12f: {  	[tilespmem:s5+$0x80] =	vst v24;
	v24 =	vadd.s32 s9, v19  }
0x130: {  	v25 =	vld.idx.msk [tilespmem:v25+s31+$0x0], $0xffff;
	v24 =	vand.u32 $0xFF8, v24  }
0x131: {  	v24 =	vor.u32 v7, v24;
	_ =	sdelay $0x3  }
0x132: {  	[tilespmem:s5+$0x100] =	vst v25;
	v25 =	vadd.s32 s9, v20  }
0x133: {  	v24 =	vld.idx.msk [tilespmem:v24+s31+$0x0], $0xffff;
	v25 =	vand.u32 $0xFF8, v25  }
0x134: {  	v25 =	vor.u32 v9, v25;
	_ =	sdelay $0x3  }
0x135: {  	[tilespmem:s5+$0x180] =	vst v24;
	v24 =	vadd.s32 s9, v21  }
0x136: {  	v25 =	vld.idx.msk [tilespmem:v25+s31+$0x0], $0xffff;
	v24 =	vand.u32 $0xFF8, v24  }
0x137: {  	v24 =	vor.u32 v11, v24;
	_ =	sdelay $0x3  }
0x138: {  	[tilespmem:s5+$0x200] =	vst v25;
	v25 =	vadd.s32 s9, v22  }
0x139: {  	v24 =	vld.idx.msk [tilespmem:v24+s31+$0x0], $0xffff;
	v25 =	vand.u32 $0xFF8, v25  }
0x13a: {  	v25 =	vor.u32 v13, v25;
	_ =	sdelay $0x3  }
0x13b: {  	[tilespmem:s5+$0x280] =	vst v24;
	v24 =	vadd.s32 s9, v23  }
0x13c: {  	v25 =	vld.idx.msk [tilespmem:v25+s31+$0x0], $0xffff;
	v24 =	vand.u32 $0xFF8, v24  }
0x13d: {  	v24 =	vor.u32 v15, v24;
	_ =	sdelay $0x3  }
0x13e: {  	[tilespmem:s5+$0x300] =	vst v25  }
0x13f: {  	v24 =	vld.idx.msk [tilespmem:v24+s31+$0x0], $0xffff;
	_ =	sdelay $0x4  }
0x140: {  	s15 =	rddreg [dreg:$0x4];
	[tilespmem:s5+$0x380] =	vst v24  }
0x141: {  	[hbm4b:s15+s3] =	stream.linear.scatter [tilespmem:s1], [sflag:$0x3], $0x400, $0x38;
	[tilespmem:$0x9000] =	vst v63  }
0x142: {  	s16 =	rddreg [dreg:$0x6]  }
0x143: {  	[hbm4b:s16+s3] =	stream.linear.scatter [tilespmem:s0], [sflag:$0x3], $0x400, $0x38;
	[tilespmem:$0x9000] =	vst v63  }
0x144: {  	s20 =	simm.s32 $0x200  }
0x145: {  	[tilespmem:s23], [sflag:$0x1] =	stream.indirect.gather [hbm4b:s4+s22], $0x10, s20, s22, $0xb8;
	[tilespmem:$0x9000] =	vst v63  }
0x146: {  	s21 =	simm.s32 $0x280  }
0x147: {  	[tilespmem:s24], [sflag:$0x1] =	stream.indirect.gather [hbm4b:s4+s22], $0x10, s21, s22, $0xb8;
	[tilespmem:$0x9000] =	vst v63  }
0x148: {  	_ =	swait.ge [sflag:s25], $0x800  }
0x149: {  	[sflag:s25] =	ssyncset.done $0x0  }
0x14a: {  	[sflag:s25] =	ssyncadd.s32 $0xFFFFF800  }
0x14b: {  	_ =	swait.ge [sflag:s25], $0x800  }
0x14c: {  	[sflag:s25] =	ssyncset.done $0x0  }
0x14d: {  	s9 =	simm.s32 $0x5740;
	[sflag:s25] =	ssyncadd.s32 $0xFFFFF800  }
0x14e: {  	s13 =	simm.s32 $0x6740;
	v24 =	vld [tilespmem:s9+$0xFFFFFFC0]  }
0x14f: {  	v25 =	vld [tilespmem:s13+$0xFFFFFFC0];
	_ =	sdelay $0x4  }
0x150: {  	v24 =	vadd.f32 v25, v24  }
0x151: {  	s14 =	simm.s32 $0x87C4  }
0x152: {  	[tilespmem:s14+$0xFFFFFFBC] =	vst v24  }
0x153: {  	v24 =	vld [tilespmem:s13+$0xFFFFFFD0]  }
0x154: {  	v25 =	vld [tilespmem:s9+$0xFFFFFFD0];
	_ =	sdelay $0x4  }
0x155: {  	v24 =	vadd.f32 v24, v25;
	_ =	sdelay $0x1  }
0x156: {  	[tilespmem:s14+$0xFFFFFFCD] =	vst v24  }
0x157: {  	v24 =	vld [tilespmem:s9+$0xFFFFFFE0]  }
0x158: {  	v25 =	vld [tilespmem:s13+$0xFFFFFFE0];
	_ =	sdelay $0x4  }
0x159: {  	v24 =	vadd.f32 v25, v24;
	_ =	sdelay $0x1  }
0x15a: {  	[tilespmem:s14+$0xFFFFFFDE] =	vst v24  }
0x15b: {  	v24 =	vld [tilespmem:s9+$0xFFFFFFF0]  }
0x15c: {  	v25 =	vld [tilespmem:s13+$0xFFFFFFF0];
	_ =	sdelay $0x4  }
0x15d: {  	v24 =	vadd.f32 v25, v24;
	_ =	sdelay $0x1  }
0x15e: {  	[tilespmem:s14+$0xFFFFFFEF] =	vst v24  }
0x15f: {  	v24 =	vld [tilespmem:s9+$0x0]  }
0x160: {  	v25 =	vld [tilespmem:s13+$0x0];
	_ =	sdelay $0x4  }
0x161: {  	v24 =	vadd.f32 v25, v24;
	_ =	sdelay $0x1  }
0x162: {  	[tilespmem:s14+$0x0] =	vst v24  }
0x163: {  	v24 =	vld [tilespmem:s9+$0x10]  }
0x164: {  	v25 =	vld [tilespmem:s13+$0x10];
	_ =	sdelay $0x4  }
0x165: {  	v24 =	vadd.f32 v25, v24;
	_ =	sdelay $0x1  }
0x166: {  	[tilespmem:s14+$0x11] =	vst v24  }
0x167: {  	v24 =	vld [tilespmem:s9+$0x20]  }
0x168: {  	v25 =	vld [tilespmem:s13+$0x20];
	_ =	sdelay $0x4  }
0x169: {  	v24 =	vadd.f32 v25, v24;
	_ =	sdelay $0x1  }
0x16a: {  	[tilespmem:s14+$0x22] =	vst v24  }
0x16b: {  	s5 =	simm.s32 $0x0;
	s15 =	simm.s32 $0x87C4;
	s16 =	simm.s32 $0x67C0;
	v24 =	vld [tilespmem:s9+$0x30]  }
.LBB2_8:
0x16c: {  	s5 =	sadd.s32 $0x8, s5;
	v25 =	vld [tilespmem:s13+$0x30];
	s14 =	sadd.s32 $0x88, s14;
	s9 =	sadd.s32 $0x80, s9  }
0x16d: {  	s13 =	smov.u32 s16;
	p1 =	slt.u32 s5, $0x78;
	_ =	sdelay $0x3  }
0x16e: {  	v24 =	vadd.f32 v25, v24;
	_ =	sdelay $0x1  }
0x16f: {  	[tilespmem:s15+$0x33] =	vst v24;
	s15 =	smov.u32 s14  }
0x170: {  	v24 =	vld [tilespmem:s9+$0xFFFFFFC0]  }
0x171: {  	v25 =	vld [tilespmem:s16+$0xFFFFFFC0];
	_ =	sdelay $0x4  }
0x172: {  	v24 =	vadd.f32 v25, v24;
	_ =	sdelay $0x1  }
0x173: {  	[tilespmem:s14+$0xFFFFFFBC] =	vst v24  }
0x174: {  	v24 =	vld [tilespmem:s16+$0xFFFFFFD0]  }
0x175: {  	v25 =	vld [tilespmem:s9+$0xFFFFFFD0];
	_ =	sdelay $0x4  }
0x176: {  	v24 =	vadd.f32 v24, v25;
	_ =	sdelay $0x1  }
0x177: {  	[tilespmem:s14+$0xFFFFFFCD] =	vst v24  }
0x178: {  	v24 =	vld [tilespmem:s9+$0xFFFFFFE0]  }
0x179: {  	v25 =	vld [tilespmem:s16+$0xFFFFFFE0];
	_ =	sdelay $0x4  }
0x17a: {  	v24 =	vadd.f32 v25, v24;
	_ =	sdelay $0x1  }
0x17b: {  	[tilespmem:s14+$0xFFFFFFDE] =	vst v24  }
0x17c: {  	v24 =	vld [tilespmem:s9+$0xFFFFFFF0]  }
0x17d: {  	v25 =	vld [tilespmem:s16+$0xFFFFFFF0];
	_ =	sdelay $0x4  }
0x17e: {  	v24 =	vadd.f32 v25, v24;
	_ =	sdelay $0x1  }
0x17f: {  	[tilespmem:s14+$0xFFFFFFEF] =	vst v24  }
0x180: {  	v24 =	vld [tilespmem:s9+$0x0]  }
0x181: {  	v25 =	vld [tilespmem:s16+$0x0];
	_ =	sdelay $0x4  }
0x182: {  	v24 =	vadd.f32 v25, v24;
	_ =	sdelay $0x1  }
0x183: {  	[tilespmem:s14+$0x0] =	vst v24  }
0x184: {  	v24 =	vld [tilespmem:s9+$0x10]  }
0x185: {  	v25 =	vld [tilespmem:s16+$0x10];
	_ =	sdelay $0x4  }
0x186: {  	v24 =	vadd.f32 v25, v24;
	_ =	sdelay $0x1  }
0x187: {  	[tilespmem:s14+$0x11] =	vst v24  }
0x188: {  	v24 =	vld [tilespmem:s9+$0x20]  }
0x189: {  	v25 =	vld [tilespmem:s16+$0x20];
	_ =	sdelay $0x3  }
.Ltmp5:
0x18a: {  	(pc) =	sbr.rel @p1 .LBB2_8-.Ltmp5, $3  }
0x18b: {  	v24 =	vadd.f32 v25, v24;
	_ =	sdelay $0x1  }
0x18c: {  	[tilespmem:s14+$0x22] =	vst v24  }
0x18d: {  	s7 =	simm.s32 $0x0;
	s8 =	simm.s32 $0x7B00;
	s16 =	sadd.s32 $0x80, s16;
	v24 =	vld [tilespmem:s9+$0x30]  }
0x18e: {  	v25 =	vld [tilespmem:s13+$0x30]  }
0x18f: {  	v26 =	vadd.s32 s7, v0  }
0x190: {  	v26 =	vand.u32 $0xFF8, v26  }
0x191: {  	v26 =	vor.u32 v1, v26;
	_ =	sdelay $0x1  }
0x192: {  	v24 =	vadd.f32 v25, v24;
	_ =	sdelay $0x1  }
0x193: {  	[tilespmem:s15+$0x33] =	vst v24;
	v24 =	vadd.s32 s7, v2  }
0x194: {  	v25 =	vld.idx.msk [tilespmem:v26+s28+$0x0], $0xffff;
	v24 =	vand.u32 $0xFF8, v24  }
0x195: {  	v24 =	vor.u32 v3, v24;
	_ =	sdelay $0x3  }
0x196: {  	[tilespmem:s8+$0xFFFFFC00] =	vst v25;
	v25 =	vadd.s32 s7, v4  }
0x197: {  	v24 =	vld.idx.msk [tilespmem:v24+s28+$0x0], $0xffff;
	v25 =	vand.u32 $0xFF8, v25  }
0x198: {  	v25 =	vor.u32 v5, v25;
	_ =	sdelay $0x3  }
0x199: {  	[tilespmem:s8+$0xFFFFFC80] =	vst v24;
	v24 =	vadd.s32 s7, v6  }
0x19a: {  	v25 =	vld.idx.msk [tilespmem:v25+s28+$0x0], $0xffff;
	v24 =	vand.u32 $0xFF8, v24  }
0x19b: {  	v24 =	vor.u32 v7, v24;
	_ =	sdelay $0x3  }
0x19c: {  	[tilespmem:s8+$0xFFFFFD00] =	vst v25;
	v25 =	vadd.s32 s7, v8  }
0x19d: {  	v24 =	vld.idx.msk [tilespmem:v24+s28+$0x0], $0xffff;
	v25 =	vand.u32 $0xFF8, v25  }
0x19e: {  	v25 =	vor.u32 v9, v25;
	_ =	sdelay $0x3  }
0x19f: {  	[tilespmem:s8+$0xFFFFFD80] =	vst v24;
	v24 =	vadd.s32 s7, v10  }
0x1a0: {  	v25 =	vld.idx.msk [tilespmem:v25+s28+$0x0], $0xffff;
	v24 =	vand.u32 $0xFF8, v24  }
0x1a1: {  	v24 =	vor.u32 v11, v24;
	_ =	sdelay $0x3  }
0x1a2: {  	[tilespmem:s8+$0xFFFFFE00] =	vst v25;
	v25 =	vadd.s32 s7, v12  }
0x1a3: {  	v24 =	vld.idx.msk [tilespmem:v24+s28+$0x0], $0xffff;
	v25 =	vand.u32 $0xFF8, v25  }
0x1a4: {  	v25 =	vor.u32 v13, v25;
	_ =	sdelay $0x3  }
0x1a5: {  	[tilespmem:s8+$0xFFFFFE80] =	vst v24;
	v24 =	vadd.s32 s7, v14  }
0x1a6: {  	v25 =	vld.idx.msk [tilespmem:v25+s28+$0x0], $0xffff;
	v24 =	vand.u32 $0xFF8, v24  }
0x1a7: {  	v24 =	vor.u32 v15, v24;
	_ =	sdelay $0x3  }
0x1a8: {  	[tilespmem:s8+$0xFFFFFF00] =	vst v25;
	v25 =	vadd.s32 s7, v16  }
0x1a9: {  	v24 =	vld.idx.msk [tilespmem:v24+s28+$0x0], $0xffff;
	v25 =	vand.u32 $0xFF8, v25  }
0x1aa: {  	v25 =	vor.u32 v1, v25;
	_ =	sdelay $0x3  }
0x1ab: {  	[tilespmem:s8+$0xFFFFFF80] =	vst v24;
	v24 =	vadd.s32 s7, v17  }
0x1ac: {  	v25 =	vld.idx.msk [tilespmem:v25+s28+$0x0], $0xffff;
	v24 =	vand.u32 $0xFF8, v24  }
0x1ad: {  	v24 =	vor.u32 v3, v24;
	_ =	sdelay $0x3  }
0x1ae: {  	[tilespmem:s8+$0x0] =	vst v25;
	v25 =	vadd.s32 s7, v18  }
0x1af: {  	v24 =	vld.idx.msk [tilespmem:v24+s28+$0x0], $0xffff;
	v25 =	vand.u32 $0xFF8, v25  }
0x1b0: {  	v25 =	vor.u32 v5, v25;
	_ =	sdelay $0x3  }
0x1b1: {  	[tilespmem:s8+$0x80] =	vst v24;
	v24 =	vadd.s32 s7, v19  }
0x1b2: {  	v25 =	vld.idx.msk [tilespmem:v25+s28+$0x0], $0xffff;
	v24 =	vand.u32 $0xFF8, v24  }
0x1b3: {  	v24 =	vor.u32 v7, v24;
	_ =	sdelay $0x3  }
0x1b4: {  	[tilespmem:s8+$0x100] =	vst v25;
	v25 =	vadd.s32 s7, v20  }
0x1b5: {  	v24 =	vld.idx.msk [tilespmem:v24+s28+$0x0], $0xffff;
	v25 =	vand.u32 $0xFF8, v25  }
0x1b6: {  	v25 =	vor.u32 v9, v25;
	_ =	sdelay $0x3  }
0x1b7: {  	[tilespmem:s8+$0x180] =	vst v24;
	v24 =	vadd.s32 s7, v21  }
0x1b8: {  	v25 =	vld.idx.msk [tilespmem:v25+s28+$0x0], $0xffff;
	v24 =	vand.u32 $0xFF8, v24  }
0x1b9: {  	v24 =	vor.u32 v11, v24;
	_ =	sdelay $0x3  }
0x1ba: {  	[tilespmem:s8+$0x200] =	vst v25;
	v25 =	vadd.s32 s7, v22  }
0x1bb: {  	v24 =	vld.idx.msk [tilespmem:v24+s28+$0x0], $0xffff;
	v25 =	vand.u32 $0xFF8, v25  }
0x1bc: {  	v25 =	vor.u32 v13, v25;
	_ =	sdelay $0x3  }
0x1bd: {  	[tilespmem:s8+$0x280] =	vst v24;
	v24 =	vadd.s32 s7, v23  }
0x1be: {  	v25 =	vld.idx.msk [tilespmem:v25+s28+$0x0], $0xffff;
	v24 =	vand.u32 $0xFF8, v24  }
0x1bf: {  	v24 =	vor.u32 v15, v24;
	_ =	sdelay $0x3  }
0x1c0: {  	s9 =	simm.s32 $0x110;
	[tilespmem:s8+$0x300] =	vst v25  }
0x1c1: {  	s13 =	simm.s32 $0x220;
	v25 =	vadd.s32 s9, v0;
	v24 =	vld.idx.msk [tilespmem:v24+s28+$0x0], $0xffff  }
.LBB2_10:
0x1c2: {  	p1 =	sne.s32 s13, $0x770;
	v25 =	vand.u32 $0xFF8, v25  }
0x1c3: {  	v25 =	vor.u32 v1, v25;
	_ =	sdelay $0x3  }
0x1c4: {  	[tilespmem:s8+$0x380] =	vst v24  }
0x1c5: {  	v24 =	vld.idx.msk [tilespmem:v25+s28+$0x0], $0xffff;
	v25 =	vadd.s32 s9, v2  }
0x1c6: {  	v25 =	vand.u32 $0xFF8, v25  }
0x1c7: {  	v25 =	vor.u32 v3, v25;
	_ =	sdelay $0x2  }
0x1c8: {  	s8 =	sadd.s32 $0x10, s8  }
0x1c9: {  	[tilespmem:s8+$0xFFFFFC00] =	vst v24  }
0x1ca: {  	v24 =	vld.idx.msk [tilespmem:v25+s28+$0x0], $0xffff;
	v25 =	vadd.s32 s9, v4  }
0x1cb: {  	v25 =	vand.u32 $0xFF8, v25  }
0x1cc: {  	v25 =	vor.u32 v5, v25;
	_ =	sdelay $0x3  }
0x1cd: {  	[tilespmem:s8+$0xFFFFFC80] =	vst v24  }
0x1ce: {  	v24 =	vld.idx.msk [tilespmem:v25+s28+$0x0], $0xffff;
	v25 =	vadd.s32 s9, v6  }
0x1cf: {  	v25 =	vand.u32 $0xFF8, v25  }
0x1d0: {  	v25 =	vor.u32 v7, v25;
	_ =	sdelay $0x3  }
0x1d1: {  	[tilespmem:s8+$0xFFFFFD00] =	vst v24  }
0x1d2: {  	v24 =	vld.idx.msk [tilespmem:v25+s28+$0x0], $0xffff;
	v25 =	vadd.s32 s9, v8  }
0x1d3: {  	v25 =	vand.u32 $0xFF8, v25  }
0x1d4: {  	v25 =	vor.u32 v9, v25;
	_ =	sdelay $0x3  }
0x1d5: {  	[tilespmem:s8+$0xFFFFFD80] =	vst v24  }
0x1d6: {  	v24 =	vld.idx.msk [tilespmem:v25+s28+$0x0], $0xffff;
	v25 =	vadd.s32 s9, v10  }
0x1d7: {  	v25 =	vand.u32 $0xFF8, v25  }
0x1d8: {  	v25 =	vor.u32 v11, v25;
	_ =	sdelay $0x3  }
0x1d9: {  	[tilespmem:s8+$0xFFFFFE00] =	vst v24  }
0x1da: {  	v24 =	vld.idx.msk [tilespmem:v25+s28+$0x0], $0xffff;
	v25 =	vadd.s32 s9, v12  }
0x1db: {  	v25 =	vand.u32 $0xFF8, v25  }
0x1dc: {  	v25 =	vor.u32 v13, v25;
	_ =	sdelay $0x3  }
0x1dd: {  	[tilespmem:s8+$0xFFFFFE80] =	vst v24  }
0x1de: {  	v24 =	vld.idx.msk [tilespmem:v25+s28+$0x0], $0xffff;
	v25 =	vadd.s32 s9, v14  }
0x1df: {  	v25 =	vand.u32 $0xFF8, v25  }
0x1e0: {  	v25 =	vor.u32 v15, v25;
	_ =	sdelay $0x3  }
0x1e1: {  	[tilespmem:s8+$0xFFFFFF00] =	vst v24  }
0x1e2: {  	v24 =	vld.idx.msk [tilespmem:v25+s28+$0x0], $0xffff;
	v25 =	vadd.s32 s9, v16  }
0x1e3: {  	v25 =	vand.u32 $0xFF8, v25  }
0x1e4: {  	v25 =	vor.u32 v1, v25;
	_ =	sdelay $0x3  }
0x1e5: {  	[tilespmem:s8+$0xFFFFFF80] =	vst v24  }
0x1e6: {  	v24 =	vld.idx.msk [tilespmem:v25+s28+$0x0], $0xffff;
	v25 =	vadd.s32 s9, v17  }
0x1e7: {  	v25 =	vand.u32 $0xFF8, v25  }
0x1e8: {  	v25 =	vor.u32 v3, v25;
	_ =	sdelay $0x3  }
0x1e9: {  	[tilespmem:s8+$0x0] =	vst v24  }
0x1ea: {  	v24 =	vld.idx.msk [tilespmem:v25+s28+$0x0], $0xffff;
	v25 =	vadd.s32 s9, v18  }
0x1eb: {  	v25 =	vand.u32 $0xFF8, v25  }
0x1ec: {  	v25 =	vor.u32 v5, v25;
	_ =	sdelay $0x3  }
0x1ed: {  	[tilespmem:s8+$0x80] =	vst v24  }
0x1ee: {  	v24 =	vld.idx.msk [tilespmem:v25+s28+$0x0], $0xffff;
	v25 =	vadd.s32 s9, v19  }
0x1ef: {  	v25 =	vand.u32 $0xFF8, v25  }
0x1f0: {  	v25 =	vor.u32 v7, v25;
	_ =	sdelay $0x3  }
0x1f1: {  	[tilespmem:s8+$0x100] =	vst v24  }
0x1f2: {  	v24 =	vld.idx.msk [tilespmem:v25+s28+$0x0], $0xffff;
	v25 =	vadd.s32 s9, v20  }
0x1f3: {  	v25 =	vand.u32 $0xFF8, v25  }
0x1f4: {  	v25 =	vor.u32 v9, v25;
	_ =	sdelay $0x3  }
0x1f5: {  	[tilespmem:s8+$0x180] =	vst v24  }
0x1f6: {  	v24 =	vld.idx.msk [tilespmem:v25+s28+$0x0], $0xffff;
	v25 =	vadd.s32 s9, v21  }
0x1f7: {  	v25 =	vand.u32 $0xFF8, v25  }
0x1f8: {  	v25 =	vor.u32 v11, v25;
	_ =	sdelay $0x3  }
0x1f9: {  	[tilespmem:s8+$0x200] =	vst v24  }
0x1fa: {  	v24 =	vld.idx.msk [tilespmem:v25+s28+$0x0], $0xffff;
	v25 =	vadd.s32 s9, v22  }
0x1fb: {  	v25 =	vand.u32 $0xFF8, v25  }
0x1fc: {  	v25 =	vor.u32 v13, v25;
	_ =	sdelay $0x3  }
0x1fd: {  	[tilespmem:s8+$0x280] =	vst v24  }
0x1fe: {  	v24 =	vld.idx.msk [tilespmem:v25+s28+$0x0], $0xffff;
	v25 =	vadd.s32 s9, v23;
	s9 =	smov.u32 s13  }
0x1ff: {  	v25 =	vand.u32 $0xFF8, v25  }
0x200: {  	v26 =	vor.u32 v15, v25  }
.Ltmp6:
0x201: {  	(pc) =	sbr.rel @p1 .LBB2_10-.Ltmp6, $3  }
0x202: {  	_ =	sdelay $0x1  }
0x203: {  	[tilespmem:s8+$0x300] =	vst v24  }
0x204: {  	s13 =	sadd.s32 $0x110, s13;
	v25 =	vadd.s32 s9, v0;
	v24 =	vld.idx.msk [tilespmem:v26+s28+$0x0], $0xffff  }
0x205: {  	v25 =	vand.u32 $0xFF8, v25  }
0x206: {  	v25 =	vor.u32 v1, v25;
	_ =	sdelay $0x3  }
0x207: {  	v49 =	vadd.s32 s9, v2;
	[tilespmem:s8+$0x380] =	vst v24  }
0x208: {  	v24 =	vand.u32 $0xFF8, v49;
	v25 =	vld.idx.msk [tilespmem:v25+s28+$0x0], $0xffff  }
0x209: {  	v24 =	vor.u32 v3, v24;
	_ =	sdelay $0x2  }
0x20a: {  	s5 =	sadd.s32 $0x10, s8  }
0x20b: {  	v50 =	vadd.s32 s9, v4;
	[tilespmem:s5+$0xFFFFFC00] =	vst v25  }
0x20c: {  	v25 =	vand.u32 $0xFF8, v50;
	v24 =	vld.idx.msk [tilespmem:v24+s28+$0x0], $0xffff  }
0x20d: {  	v25 =	vor.u32 v5, v25;
	_ =	sdelay $0x3  }
0x20e: {  	v51 =	vadd.s32 s9, v6;
	[tilespmem:s5+$0xFFFFFC80] =	vst v24  }
0x20f: {  	v24 =	vand.u32 $0xFF8, v51;
	v25 =	vld.idx.msk [tilespmem:v25+s28+$0x0], $0xffff  }
0x210: {  	v24 =	vor.u32 v7, v24;
	_ =	sdelay $0x3  }
0x211: {  	v52 =	vadd.s32 s9, v8;
	[tilespmem:s5+$0xFFFFFD00] =	vst v25  }
0x212: {  	v25 =	vand.u32 $0xFF8, v52;
	v24 =	vld.idx.msk [tilespmem:v24+s28+$0x0], $0xffff  }
0x213: {  	v25 =	vor.u32 v9, v25;
	_ =	sdelay $0x3  }
0x214: {  	v53 =	vadd.s32 s9, v10;
	[tilespmem:s5+$0xFFFFFD80] =	vst v24  }
0x215: {  	v24 =	vand.u32 $0xFF8, v53;
	v25 =	vld.idx.msk [tilespmem:v25+s28+$0x0], $0xffff  }
0x216: {  	v24 =	vor.u32 v11, v24;
	_ =	sdelay $0x3  }
0x217: {  	v54 =	vadd.s32 s9, v12;
	[tilespmem:s5+$0xFFFFFE00] =	vst v25  }
0x218: {  	v25 =	vand.u32 $0xFF8, v54;
	v24 =	vld.idx.msk [tilespmem:v24+s28+$0x0], $0xffff  }
0x219: {  	v25 =	vor.u32 v13, v25;
	_ =	sdelay $0x3  }
0x21a: {  	v55 =	vadd.s32 s9, v14;
	[tilespmem:s5+$0xFFFFFE80] =	vst v24  }
0x21b: {  	v24 =	vand.u32 $0xFF8, v55;
	v25 =	vld.idx.msk [tilespmem:v25+s28+$0x0], $0xffff  }
0x21c: {  	v24 =	vor.u32 v15, v24;
	_ =	sdelay $0x3  }
0x21d: {  	v56 =	vadd.s32 s9, v16;
	[tilespmem:s5+$0xFFFFFF00] =	vst v25  }
0x21e: {  	v25 =	vand.u32 $0xFF8, v56;
	v24 =	vld.idx.msk [tilespmem:v24+s28+$0x0], $0xffff  }
0x21f: {  	v25 =	vor.u32 v1, v25;
	_ =	sdelay $0x3  }
0x220: {  	v57 =	vadd.s32 s9, v17;
	[tilespmem:s5+$0xFFFFFF80] =	vst v24  }
0x221: {  	v24 =	vand.u32 $0xFF8, v57;
	v25 =	vld.idx.msk [tilespmem:v25+s28+$0x0], $0xffff  }
0x222: {  	v24 =	vor.u32 v3, v24;
	_ =	sdelay $0x3  }
0x223: {  	v58 =	vadd.s32 s9, v18;
	[tilespmem:s5+$0x0] =	vst v25  }
0x224: {  	v25 =	vand.u32 $0xFF8, v58;
	v24 =	vld.idx.msk [tilespmem:v24+s28+$0x0], $0xffff  }
0x225: {  	v25 =	vor.u32 v5, v25;
	_ =	sdelay $0x3  }
0x226: {  	v59 =	vadd.s32 s9, v19;
	[tilespmem:s5+$0x80] =	vst v24  }
0x227: {  	v24 =	vand.u32 $0xFF8, v59;
	v25 =	vld.idx.msk [tilespmem:v25+s28+$0x0], $0xffff  }
0x228: {  	v24 =	vor.u32 v7, v24;
	_ =	sdelay $0x3  }
0x229: {  	v60 =	vadd.s32 s9, v20;
	[tilespmem:s5+$0x100] =	vst v25  }
0x22a: {  	v25 =	vand.u32 $0xFF8, v60;
	v24 =	vld.idx.msk [tilespmem:v24+s28+$0x0], $0xffff  }
0x22b: {  	v25 =	vor.u32 v9, v25;
	_ =	sdelay $0x3  }
0x22c: {  	v61 =	vadd.s32 s9, v21;
	[tilespmem:s5+$0x180] =	vst v24  }
0x22d: {  	v24 =	vand.u32 $0xFF8, v61;
	v25 =	vld.idx.msk [tilespmem:v25+s28+$0x0], $0xffff  }
0x22e: {  	v24 =	vor.u32 v11, v24;
	_ =	sdelay $0x3  }
0x22f: {  	v62 =	vadd.s32 s9, v22;
	[tilespmem:s5+$0x200] =	vst v25  }
0x230: {  	v25 =	vand.u32 $0xFF8, v62;
	v24 =	vld.idx.msk [tilespmem:v24+s28+$0x0], $0xffff  }
0x231: {  	v25 =	vor.u32 v13, v25;
	_ =	sdelay $0x3  }
0x232: {  	v63 =	vadd.s32 s9, v23;
	[tilespmem:s5+$0x280] =	vst v24  }
0x233: {  	v24 =	vand.u32 $0xFF8, v63;
	v25 =	vld.idx.msk [tilespmem:v25+s28+$0x0], $0xffff  }
0x234: {  	v24 =	vor.u32 v15, v24;
	_ =	sdelay $0x3  }
0x235: {  	[tilespmem:s5+$0x300] =	vst v25  }
0x236: {  	v24 =	vld.idx.msk [tilespmem:v24+s28+$0x0], $0xffff;
	_ =	sdelay $0x4  }
0x237: {  	s15 =	rddreg [dreg:$0x7];
	s8 =	simm.s32 $0x0;
	[tilespmem:s5+$0x380] =	vst v24  }
0x238: {  	[hbm4b:s15+s8] =	stream.linear.scatter [tilespmem:s17], [sflag:$0x4], $0x400, $0x38;
	[tilespmem:$0x9000] =	vst v63  }
0x239: {  	s16 =	rddreg [dreg:$0x8]  }
0x23a: {  	[hbm4b:s16+s8] =	stream.linear.scatter [tilespmem:s18], [sflag:$0x4], $0x400, $0x38;
	[tilespmem:$0x9000] =	vst v63  }
0x23b: {  	s20 =	simm.s32 $0x5700;
	s7 =	simm.s32 $0x300  }
0x23c: {  	[tilespmem:s20], [sflag:$0x2] =	stream.indirect.gather [hbm4b:s4+s22], $0x10, s7, s22, $0xb8;
	[tilespmem:$0x9000] =	vst v63  }
0x23d: {  	s21 =	simm.s32 $0x380  }
0x23e: {  	[tilespmem:s29], [sflag:$0x2] =	stream.indirect.gather [hbm4b:s4+s22], $0x10, s21, s22, $0xb8;
	[tilespmem:$0x9000] =	vst v63  }
.LBB2_12:
0x23f: {  	_ =	swait.ge [sflag:s30], $0x800  }
0x240: {  	[sflag:s30] =	ssyncset.done $0x0  }
0x241: {  	[sflag:s30] =	ssyncadd.s32 $0xFFFFF800  }
0x242: {  	_ =	swait.ge [sflag:s30], $0x800  }
0x243: {  	[sflag:s30] =	ssyncset.done $0x0  }
0x244: {  	[sflag:s30] =	ssyncadd.s32 $0xFFFFF800  }
0x245: {  	_ =	swait.ge [sflag:s19], $0x800  }
0x246: {  	[sflag:s19] =	ssyncset.done $0x0  }
0x247: {  	s13 =	simm.s32 $0x4F40;
	[sflag:s19] =	ssyncadd.s32 $0xFFFFF800  }
0x248: {  	s14 =	simm.s32 $0x5F40;
	v24 =	vld [tilespmem:s13+$0xFFFFFFC0]  }
0x249: {  	v25 =	vld [tilespmem:s14+$0xFFFFFFC0];
	_ =	sdelay $0x4  }
0x24a: {  	v24 =	vadd.f32 v25, v24  }
0x24b: {  	s15 =	simm.s32 $0x7F44  }
0x24c: {  	[tilespmem:s15+$0xFFFFFFBC] =	vst v24  }
0x24d: {  	v24 =	vld [tilespmem:s14+$0xFFFFFFD0]  }
0x24e: {  	v25 =	vld [tilespmem:s13+$0xFFFFFFD0];
	_ =	sdelay $0x4  }
0x24f: {  	v24 =	vadd.f32 v24, v25;
	_ =	sdelay $0x1  }
0x250: {  	[tilespmem:s15+$0xFFFFFFCD] =	vst v24  }
0x251: {  	v24 =	vld [tilespmem:s13+$0xFFFFFFE0]  }
0x252: {  	v25 =	vld [tilespmem:s14+$0xFFFFFFE0];
	_ =	sdelay $0x4  }
0x253: {  	v24 =	vadd.f32 v25, v24;
	_ =	sdelay $0x1  }
0x254: {  	[tilespmem:s15+$0xFFFFFFDE] =	vst v24  }
0x255: {  	v24 =	vld [tilespmem:s13+$0xFFFFFFF0]  }
0x256: {  	v25 =	vld [tilespmem:s14+$0xFFFFFFF0];
	_ =	sdelay $0x4  }
0x257: {  	v24 =	vadd.f32 v25, v24;
	_ =	sdelay $0x1  }
0x258: {  	[tilespmem:s15+$0xFFFFFFEF] =	vst v24  }
0x259: {  	v24 =	vld [tilespmem:s13+$0x0]  }
0x25a: {  	v25 =	vld [tilespmem:s14+$0x0];
	_ =	sdelay $0x4  }
0x25b: {  	v24 =	vadd.f32 v25, v24;
	_ =	sdelay $0x1  }
0x25c: {  	[tilespmem:s15+$0x0] =	vst v24  }
0x25d: {  	v24 =	vld [tilespmem:s13+$0x10]  }
0x25e: {  	v25 =	vld [tilespmem:s14+$0x10];
	_ =	sdelay $0x4  }
0x25f: {  	v24 =	vadd.f32 v25, v24;
	_ =	sdelay $0x1  }
0x260: {  	[tilespmem:s15+$0x11] =	vst v24  }
0x261: {  	v24 =	vld [tilespmem:s13+$0x20]  }
0x262: {  	v25 =	vld [tilespmem:s14+$0x20];
	_ =	sdelay $0x4  }
0x263: {  	v24 =	vadd.f32 v25, v24;
	_ =	sdelay $0x1  }
0x264: {  	[tilespmem:s15+$0x22] =	vst v24  }
0x265: {  	s5 =	simm.s32 $0x0;
	s20 =	simm.s32 $0x5FC0;
	s16 =	simm.s32 $0x7F44;
	v24 =	vld [tilespmem:s13+$0x30]  }
.LBB2_13:
0x266: {  	s5 =	sadd.s32 $0x8, s5;
	v25 =	vld [tilespmem:s14+$0x30];
	s15 =	sadd.s32 $0x88, s15;
	s13 =	sadd.s32 $0x80, s13  }
0x267: {  	s14 =	smov.u32 s20;
	p1 =	slt.u32 s5, $0x78;
	_ =	sdelay $0x3  }
0x268: {  	v24 =	vadd.f32 v25, v24;
	_ =	sdelay $0x1  }
0x269: {  	[tilespmem:s16+$0x33] =	vst v24;
	s16 =	smov.u32 s15  }
0x26a: {  	v24 =	vld [tilespmem:s13+$0xFFFFFFC0]  }
0x26b: {  	v25 =	vld [tilespmem:s20+$0xFFFFFFC0];
	_ =	sdelay $0x4  }
0x26c: {  	v24 =	vadd.f32 v25, v24;
	_ =	sdelay $0x1  }
0x26d: {  	[tilespmem:s15+$0xFFFFFFBC] =	vst v24  }
0x26e: {  	v24 =	vld [tilespmem:s20+$0xFFFFFFD0]  }
0x26f: {  	v25 =	vld [tilespmem:s13+$0xFFFFFFD0];
	_ =	sdelay $0x4  }
0x270: {  	v24 =	vadd.f32 v24, v25;
	_ =	sdelay $0x1  }
0x271: {  	[tilespmem:s15+$0xFFFFFFCD] =	vst v24  }
0x272: {  	v24 =	vld [tilespmem:s13+$0xFFFFFFE0]  }
0x273: {  	v25 =	vld [tilespmem:s20+$0xFFFFFFE0];
	_ =	sdelay $0x4  }
0x274: {  	v24 =	vadd.f32 v25, v24;
	_ =	sdelay $0x1  }
0x275: {  	[tilespmem:s15+$0xFFFFFFDE] =	vst v24  }
0x276: {  	v24 =	vld [tilespmem:s13+$0xFFFFFFF0]  }
0x277: {  	v25 =	vld [tilespmem:s20+$0xFFFFFFF0];
	_ =	sdelay $0x4  }
0x278: {  	v24 =	vadd.f32 v25, v24;
	_ =	sdelay $0x1  }
0x279: {  	[tilespmem:s15+$0xFFFFFFEF] =	vst v24  }
0x27a: {  	v24 =	vld [tilespmem:s13+$0x0]  }
0x27b: {  	v25 =	vld [tilespmem:s20+$0x0];
	_ =	sdelay $0x4  }
0x27c: {  	v24 =	vadd.f32 v25, v24;
	_ =	sdelay $0x1  }
0x27d: {  	[tilespmem:s15+$0x0] =	vst v24  }
0x27e: {  	v24 =	vld [tilespmem:s13+$0x10]  }
0x27f: {  	v25 =	vld [tilespmem:s20+$0x10];
	_ =	sdelay $0x4  }
0x280: {  	v24 =	vadd.f32 v25, v24;
	_ =	sdelay $0x1  }
0x281: {  	[tilespmem:s15+$0x11] =	vst v24  }
0x282: {  	v24 =	vld [tilespmem:s13+$0x20]  }
0x283: {  	v25 =	vld [tilespmem:s20+$0x20];
	_ =	sdelay $0x3  }
.Ltmp7:
0x284: {  	(pc) =	sbr.rel @p1 .LBB2_13-.Ltmp7, $3  }
0x285: {  	v24 =	vadd.f32 v25, v24;
	_ =	sdelay $0x1  }
0x286: {  	[tilespmem:s15+$0x22] =	vst v24  }
0x287: {  	s7 =	simm.s32 $0x0;
	s9 =	simm.s32 $0x7300;
	s20 =	sadd.s32 $0x80, s20;
	v24 =	vld [tilespmem:s13+$0x30]  }
0x288: {  	v25 =	vld [tilespmem:s14+$0x30]  }
0x289: {  	v26 =	vadd.s32 s7, v0  }
0x28a: {  	v26 =	vand.u32 $0xFF8, v26  }
0x28b: {  	v26 =	vor.u32 v1, v26;
	_ =	sdelay $0x1  }
0x28c: {  	v24 =	vadd.f32 v25, v24;
	_ =	sdelay $0x1  }
0x28d: {  	[tilespmem:s16+$0x33] =	vst v24;
	v24 =	vadd.s32 s7, v2  }
0x28e: {  	v25 =	vld.idx.msk [tilespmem:v26+s31+$0x0], $0xffff;
	v24 =	vand.u32 $0xFF8, v24  }
0x28f: {  	v24 =	vor.u32 v3, v24;
	_ =	sdelay $0x3  }
0x290: {  	[tilespmem:s9+$0xFFFFFC00] =	vst v25;
	v25 =	vadd.s32 s7, v4  }
0x291: {  	v24 =	vld.idx.msk [tilespmem:v24+s31+$0x0], $0xffff;
	v25 =	vand.u32 $0xFF8, v25  }
0x292: {  	v25 =	vor.u32 v5, v25;
	_ =	sdelay $0x3  }
0x293: {  	[tilespmem:s9+$0xFFFFFC80] =	vst v24;
	v24 =	vadd.s32 s7, v6  }
0x294: {  	v25 =	vld.idx.msk [tilespmem:v25+s31+$0x0], $0xffff;
	v24 =	vand.u32 $0xFF8, v24  }
0x295: {  	v24 =	vor.u32 v7, v24;
	_ =	sdelay $0x3  }
0x296: {  	[tilespmem:s9+$0xFFFFFD00] =	vst v25;
	v25 =	vadd.s32 s7, v8  }
0x297: {  	v24 =	vld.idx.msk [tilespmem:v24+s31+$0x0], $0xffff;
	v25 =	vand.u32 $0xFF8, v25  }
0x298: {  	v25 =	vor.u32 v9, v25;
	_ =	sdelay $0x3  }
0x299: {  	[tilespmem:s9+$0xFFFFFD80] =	vst v24;
	v24 =	vadd.s32 s7, v10  }
0x29a: {  	v25 =	vld.idx.msk [tilespmem:v25+s31+$0x0], $0xffff;
	v24 =	vand.u32 $0xFF8, v24  }
0x29b: {  	v24 =	vor.u32 v11, v24;
	_ =	sdelay $0x3  }
0x29c: {  	[tilespmem:s9+$0xFFFFFE00] =	vst v25;
	v25 =	vadd.s32 s7, v12  }
0x29d: {  	v24 =	vld.idx.msk [tilespmem:v24+s31+$0x0], $0xffff;
	v25 =	vand.u32 $0xFF8, v25  }
0x29e: {  	v25 =	vor.u32 v13, v25;
	_ =	sdelay $0x3  }
0x29f: {  	[tilespmem:s9+$0xFFFFFE80] =	vst v24;
	v24 =	vadd.s32 s7, v14  }
0x2a0: {  	v25 =	vld.idx.msk [tilespmem:v25+s31+$0x0], $0xffff;
	v24 =	vand.u32 $0xFF8, v24  }
0x2a1: {  	v24 =	vor.u32 v15, v24;
	_ =	sdelay $0x3  }
0x2a2: {  	[tilespmem:s9+$0xFFFFFF00] =	vst v25;
	v25 =	vadd.s32 s7, v16  }
0x2a3: {  	v24 =	vld.idx.msk [tilespmem:v24+s31+$0x0], $0xffff;
	v25 =	vand.u32 $0xFF8, v25  }
0x2a4: {  	v25 =	vor.u32 v1, v25;
	_ =	sdelay $0x3  }
0x2a5: {  	[tilespmem:s9+$0xFFFFFF80] =	vst v24;
	v24 =	vadd.s32 s7, v17  }
0x2a6: {  	v25 =	vld.idx.msk [tilespmem:v25+s31+$0x0], $0xffff;
	v24 =	vand.u32 $0xFF8, v24  }
0x2a7: {  	v24 =	vor.u32 v3, v24;
	_ =	sdelay $0x3  }
0x2a8: {  	[tilespmem:s9+$0x0] =	vst v25;
	v25 =	vadd.s32 s7, v18  }
0x2a9: {  	v24 =	vld.idx.msk [tilespmem:v24+s31+$0x0], $0xffff;
	v25 =	vand.u32 $0xFF8, v25  }
0x2aa: {  	v25 =	vor.u32 v5, v25;
	_ =	sdelay $0x3  }
0x2ab: {  	[tilespmem:s9+$0x80] =	vst v24;
	v24 =	vadd.s32 s7, v19  }
0x2ac: {  	v25 =	vld.idx.msk [tilespmem:v25+s31+$0x0], $0xffff;
	v24 =	vand.u32 $0xFF8, v24  }
0x2ad: {  	v24 =	vor.u32 v7, v24;
	_ =	sdelay $0x3  }
0x2ae: {  	[tilespmem:s9+$0x100] =	vst v25;
	v25 =	vadd.s32 s7, v20  }
0x2af: {  	v24 =	vld.idx.msk [tilespmem:v24+s31+$0x0], $0xffff;
	v25 =	vand.u32 $0xFF8, v25  }
0x2b0: {  	v25 =	vor.u32 v9, v25;
	_ =	sdelay $0x3  }
0x2b1: {  	[tilespmem:s9+$0x180] =	vst v24;
	v24 =	vadd.s32 s7, v21  }
0x2b2: {  	v25 =	vld.idx.msk [tilespmem:v25+s31+$0x0], $0xffff;
	v24 =	vand.u32 $0xFF8, v24  }
0x2b3: {  	v24 =	vor.u32 v11, v24;
	_ =	sdelay $0x3  }
0x2b4: {  	[tilespmem:s9+$0x200] =	vst v25;
	v25 =	vadd.s32 s7, v22  }
0x2b5: {  	v24 =	vld.idx.msk [tilespmem:v24+s31+$0x0], $0xffff;
	v25 =	vand.u32 $0xFF8, v25  }
0x2b6: {  	v25 =	vor.u32 v13, v25;
	_ =	sdelay $0x3  }
0x2b7: {  	[tilespmem:s9+$0x280] =	vst v24;
	v24 =	vadd.s32 s7, v23  }
0x2b8: {  	v25 =	vld.idx.msk [tilespmem:v25+s31+$0x0], $0xffff;
	v24 =	vand.u32 $0xFF8, v24  }
0x2b9: {  	v24 =	vor.u32 v15, v24;
	_ =	sdelay $0x3  }
0x2ba: {  	s13 =	simm.s32 $0x110;
	[tilespmem:s9+$0x300] =	vst v25  }
0x2bb: {  	s14 =	simm.s32 $0x220;
	v25 =	vadd.s32 s13, v0;
	v24 =	vld.idx.msk [tilespmem:v24+s31+$0x0], $0xffff  }
.LBB2_15:
0x2bc: {  	p1 =	sne.s32 s14, $0x770;
	v25 =	vand.u32 $0xFF8, v25  }
0x2bd: {  	v25 =	vor.u32 v1, v25;
	_ =	sdelay $0x3  }
0x2be: {  	[tilespmem:s9+$0x380] =	vst v24  }
0x2bf: {  	v24 =	vld.idx.msk [tilespmem:v25+s31+$0x0], $0xffff;
	v25 =	vadd.s32 s13, v2  }
0x2c0: {  	v25 =	vand.u32 $0xFF8, v25  }
0x2c1: {  	v25 =	vor.u32 v3, v25;
	_ =	sdelay $0x2  }
0x2c2: {  	s9 =	sadd.s32 $0x10, s9  }
0x2c3: {  	[tilespmem:s9+$0xFFFFFC00] =	vst v24  }
0x2c4: {  	v24 =	vld.idx.msk [tilespmem:v25+s31+$0x0], $0xffff;
	v25 =	vadd.s32 s13, v4  }
0x2c5: {  	v25 =	vand.u32 $0xFF8, v25  }
0x2c6: {  	v25 =	vor.u32 v5, v25;
	_ =	sdelay $0x3  }
0x2c7: {  	[tilespmem:s9+$0xFFFFFC80] =	vst v24  }
0x2c8: {  	v24 =	vld.idx.msk [tilespmem:v25+s31+$0x0], $0xffff;
	v25 =	vadd.s32 s13, v6  }
0x2c9: {  	v25 =	vand.u32 $0xFF8, v25  }
0x2ca: {  	v25 =	vor.u32 v7, v25;
	_ =	sdelay $0x3  }
0x2cb: {  	[tilespmem:s9+$0xFFFFFD00] =	vst v24  }
0x2cc: {  	v24 =	vld.idx.msk [tilespmem:v25+s31+$0x0], $0xffff;
	v25 =	vadd.s32 s13, v8  }
0x2cd: {  	v25 =	vand.u32 $0xFF8, v25  }
0x2ce: {  	v25 =	vor.u32 v9, v25;
	_ =	sdelay $0x3  }
0x2cf: {  	[tilespmem:s9+$0xFFFFFD80] =	vst v24  }
0x2d0: {  	v24 =	vld.idx.msk [tilespmem:v25+s31+$0x0], $0xffff;
	v25 =	vadd.s32 s13, v10  }
0x2d1: {  	v25 =	vand.u32 $0xFF8, v25  }
0x2d2: {  	v25 =	vor.u32 v11, v25;
	_ =	sdelay $0x3  }
0x2d3: {  	[tilespmem:s9+$0xFFFFFE00] =	vst v24  }
0x2d4: {  	v24 =	vld.idx.msk [tilespmem:v25+s31+$0x0], $0xffff;
	v25 =	vadd.s32 s13, v12  }
0x2d5: {  	v25 =	vand.u32 $0xFF8, v25  }
0x2d6: {  	v25 =	vor.u32 v13, v25;
	_ =	sdelay $0x3  }
0x2d7: {  	[tilespmem:s9+$0xFFFFFE80] =	vst v24  }
0x2d8: {  	v24 =	vld.idx.msk [tilespmem:v25+s31+$0x0], $0xffff;
	v25 =	vadd.s32 s13, v14  }
0x2d9: {  	v25 =	vand.u32 $0xFF8, v25  }
0x2da: {  	v25 =	vor.u32 v15, v25;
	_ =	sdelay $0x3  }
0x2db: {  	[tilespmem:s9+$0xFFFFFF00] =	vst v24  }
0x2dc: {  	v24 =	vld.idx.msk [tilespmem:v25+s31+$0x0], $0xffff;
	v25 =	vadd.s32 s13, v16  }
0x2dd: {  	v25 =	vand.u32 $0xFF8, v25  }
0x2de: {  	v25 =	vor.u32 v1, v25;
	_ =	sdelay $0x3  }
0x2df: {  	[tilespmem:s9+$0xFFFFFF80] =	vst v24  }
0x2e0: {  	v24 =	vld.idx.msk [tilespmem:v25+s31+$0x0], $0xffff;
	v25 =	vadd.s32 s13, v17  }
0x2e1: {  	v25 =	vand.u32 $0xFF8, v25  }
0x2e2: {  	v25 =	vor.u32 v3, v25;
	_ =	sdelay $0x3  }
0x2e3: {  	[tilespmem:s9+$0x0] =	vst v24  }
0x2e4: {  	v24 =	vld.idx.msk [tilespmem:v25+s31+$0x0], $0xffff;
	v25 =	vadd.s32 s13, v18  }
0x2e5: {  	v25 =	vand.u32 $0xFF8, v25  }
0x2e6: {  	v25 =	vor.u32 v5, v25;
	_ =	sdelay $0x3  }
0x2e7: {  	[tilespmem:s9+$0x80] =	vst v24  }
0x2e8: {  	v24 =	vld.idx.msk [tilespmem:v25+s31+$0x0], $0xffff;
	v25 =	vadd.s32 s13, v19  }
0x2e9: {  	v25 =	vand.u32 $0xFF8, v25  }
0x2ea: {  	v25 =	vor.u32 v7, v25;
	_ =	sdelay $0x3  }
0x2eb: {  	[tilespmem:s9+$0x100] =	vst v24  }
0x2ec: {  	v24 =	vld.idx.msk [tilespmem:v25+s31+$0x0], $0xffff;
	v25 =	vadd.s32 s13, v20  }
0x2ed: {  	v25 =	vand.u32 $0xFF8, v25  }
0x2ee: {  	v25 =	vor.u32 v9, v25;
	_ =	sdelay $0x3  }
0x2ef: {  	[tilespmem:s9+$0x180] =	vst v24  }
0x2f0: {  	v24 =	vld.idx.msk [tilespmem:v25+s31+$0x0], $0xffff;
	v25 =	vadd.s32 s13, v21  }
0x2f1: {  	v25 =	vand.u32 $0xFF8, v25  }
0x2f2: {  	v25 =	vor.u32 v11, v25;
	_ =	sdelay $0x3  }
0x2f3: {  	[tilespmem:s9+$0x200] =	vst v24  }
0x2f4: {  	v24 =	vld.idx.msk [tilespmem:v25+s31+$0x0], $0xffff;
	v25 =	vadd.s32 s13, v22  }
0x2f5: {  	v25 =	vand.u32 $0xFF8, v25  }
0x2f6: {  	v25 =	vor.u32 v13, v25;
	_ =	sdelay $0x3  }
0x2f7: {  	[tilespmem:s9+$0x280] =	vst v24  }
0x2f8: {  	v24 =	vld.idx.msk [tilespmem:v25+s31+$0x0], $0xffff;
	v25 =	vadd.s32 s13, v23;
	s13 =	smov.u32 s14  }
0x2f9: {  	v25 =	vand.u32 $0xFF8, v25  }
0x2fa: {  	v26 =	vor.u32 v15, v25  }
.Ltmp8:
0x2fb: {  	(pc) =	sbr.rel @p1 .LBB2_15-.Ltmp8, $3  }
0x2fc: {  	_ =	sdelay $0x1  }
0x2fd: {  	[tilespmem:s9+$0x300] =	vst v24  }
0x2fe: {  	s14 =	sadd.s32 $0x110, s14;
	v25 =	vadd.s32 s13, v0;
	v24 =	vld.idx.msk [tilespmem:v26+s31+$0x0], $0xffff  }
0x2ff: {  	v25 =	vand.u32 $0xFF8, v25  }
0x300: {  	v25 =	vor.u32 v1, v25;
	_ =	sdelay $0x3  }
0x301: {  	[tilespmem:s9+$0x380] =	vst v24;
	v24 =	vadd.s32 s13, v2  }
0x302: {  	v24 =	vand.u32 $0xFF8, v24;
	v25 =	vld.idx.msk [tilespmem:v25+s31+$0x0], $0xffff  }
0x303: {  	v24 =	vor.u32 v3, v24;
	_ =	sdelay $0x2  }
0x304: {  	s5 =	sadd.s32 $0x10, s9  }
0x305: {  	[tilespmem:s5+$0xFFFFFC00] =	vst v25;
	v25 =	vadd.s32 s13, v4  }
0x306: {  	v24 =	vld.idx.msk [tilespmem:v24+s31+$0x0], $0xffff;
	v25 =	vand.u32 $0xFF8, v25  }
0x307: {  	v25 =	vor.u32 v5, v25;
	_ =	sdelay $0x3  }
0x308: {  	[tilespmem:s5+$0xFFFFFC80] =	vst v24;
	v24 =	vadd.s32 s13, v6  }
0x309: {  	v25 =	vld.idx.msk [tilespmem:v25+s31+$0x0], $0xffff;
	v24 =	vand.u32 $0xFF8, v24  }
0x30a: {  	v24 =	vor.u32 v7, v24;
	_ =	sdelay $0x3  }
0x30b: {  	[tilespmem:s5+$0xFFFFFD00] =	vst v25;
	v25 =	vadd.s32 s13, v8  }
0x30c: {  	v24 =	vld.idx.msk [tilespmem:v24+s31+$0x0], $0xffff;
	v25 =	vand.u32 $0xFF8, v25  }
0x30d: {  	v25 =	vor.u32 v9, v25;
	_ =	sdelay $0x3  }
0x30e: {  	[tilespmem:s5+$0xFFFFFD80] =	vst v24;
	v24 =	vadd.s32 s13, v10  }
0x30f: {  	v25 =	vld.idx.msk [tilespmem:v25+s31+$0x0], $0xffff;
	v24 =	vand.u32 $0xFF8, v24  }
0x310: {  	v24 =	vor.u32 v11, v24;
	_ =	sdelay $0x3  }
0x311: {  	[tilespmem:s5+$0xFFFFFE00] =	vst v25;
	v25 =	vadd.s32 s13, v12  }
0x312: {  	v24 =	vld.idx.msk [tilespmem:v24+s31+$0x0], $0xffff;
	v25 =	vand.u32 $0xFF8, v25  }
0x313: {  	v25 =	vor.u32 v13, v25;
	_ =	sdelay $0x3  }
0x314: {  	[tilespmem:s5+$0xFFFFFE80] =	vst v24;
	v24 =	vadd.s32 s13, v14  }
0x315: {  	v25 =	vld.idx.msk [tilespmem:v25+s31+$0x0], $0xffff;
	v24 =	vand.u32 $0xFF8, v24  }
0x316: {  	v24 =	vor.u32 v15, v24;
	_ =	sdelay $0x3  }
0x317: {  	[tilespmem:s5+$0xFFFFFF00] =	vst v25;
	v25 =	vadd.s32 s13, v16  }
0x318: {  	v24 =	vld.idx.msk [tilespmem:v24+s31+$0x0], $0xffff;
	v25 =	vand.u32 $0xFF8, v25  }
0x319: {  	v25 =	vor.u32 v1, v25;
	_ =	sdelay $0x3  }
0x31a: {  	[tilespmem:s5+$0xFFFFFF80] =	vst v24;
	v24 =	vadd.s32 s13, v17  }
0x31b: {  	v25 =	vld.idx.msk [tilespmem:v25+s31+$0x0], $0xffff;
	v24 =	vand.u32 $0xFF8, v24  }
0x31c: {  	v24 =	vor.u32 v3, v24;
	_ =	sdelay $0x3  }
0x31d: {  	[tilespmem:s5+$0x0] =	vst v25;
	v25 =	vadd.s32 s13, v18  }
0x31e: {  	v24 =	vld.idx.msk [tilespmem:v24+s31+$0x0], $0xffff;
	v25 =	vand.u32 $0xFF8, v25  }
0x31f: {  	v25 =	vor.u32 v5, v25;
	_ =	sdelay $0x3  }
0x320: {  	[tilespmem:s5+$0x80] =	vst v24;
	v24 =	vadd.s32 s13, v19  }
0x321: {  	v25 =	vld.idx.msk [tilespmem:v25+s31+$0x0], $0xffff;
	v24 =	vand.u32 $0xFF8, v24  }
0x322: {  	v24 =	vor.u32 v7, v24;
	_ =	sdelay $0x3  }
0x323: {  	[tilespmem:s5+$0x100] =	vst v25;
	v25 =	vadd.s32 s13, v20  }
0x324: {  	v24 =	vld.idx.msk [tilespmem:v24+s31+$0x0], $0xffff;
	v25 =	vand.u32 $0xFF8, v25  }
0x325: {  	v25 =	vor.u32 v9, v25;
	_ =	sdelay $0x3  }
0x326: {  	[tilespmem:s5+$0x180] =	vst v24;
	v24 =	vadd.s32 s13, v21  }
0x327: {  	v25 =	vld.idx.msk [tilespmem:v25+s31+$0x0], $0xffff;
	v24 =	vand.u32 $0xFF8, v24  }
0x328: {  	v24 =	vor.u32 v11, v24;
	_ =	sdelay $0x3  }
0x329: {  	[tilespmem:s5+$0x200] =	vst v25;
	v25 =	vadd.s32 s13, v22  }
0x32a: {  	v24 =	vld.idx.msk [tilespmem:v24+s31+$0x0], $0xffff;
	v25 =	vand.u32 $0xFF8, v25  }
0x32b: {  	v25 =	vor.u32 v13, v25;
	_ =	sdelay $0x3  }
0x32c: {  	[tilespmem:s5+$0x280] =	vst v24;
	v24 =	vadd.s32 s13, v23  }
0x32d: {  	v25 =	vld.idx.msk [tilespmem:v25+s31+$0x0], $0xffff;
	v24 =	vand.u32 $0xFF8, v24  }
0x32e: {  	v24 =	vor.u32 v15, v24;
	_ =	sdelay $0x3  }
0x32f: {  	[tilespmem:s5+$0x300] =	vst v25  }
0x330: {  	v24 =	vld.idx.msk [tilespmem:v24+s31+$0x0], $0xffff;
	_ =	sdelay $0x1  }
0x331: {  	s9 =	sshll.u32 s8, $0x1  }
0x332: {  	s7 =	sadd.s32 s9, s10  }
0x333: {  	s7 =	sshll.u32 s7, $0x7  }
0x334: {  	s20 =	sshll.u32 s8, $0x9;
	s15 =	sadd.s32 s2, s7;
	[tilespmem:s5+$0x380] =	vst v24  }
0x335: {  	[hbm4b:s15+s3] =	stream.linear.scatter [tilespmem:s1], [sflag:$0x3], $0x400, $0x38;
	[tilespmem:$0x9000] =	vst v63  }
0x336: {  	s16 =	sadd.s32 s7, s11;
	s13 =	sand.u32 $0x3FFFFE00, s20  }
0x337: {  	[hbm4b:s16+s3] =	stream.linear.scatter [tilespmem:s0], [sflag:$0x3], $0x400, $0x38;
	[tilespmem:$0x9000] =	vst v63  }
0x338: {  	s5 =	sadd.s32 $0x400, s13  }
0x339: {  	[tilespmem:s23], [sflag:$0x1] =	stream.indirect.gather [hbm4b:s4+s22], $0x10, s5, s22, $0xb8;
	[tilespmem:$0x9000] =	vst v63  }
0x33a: {  	s21 =	sadd.s32 $0x480, s13  }
0x33b: {  	[tilespmem:s24], [sflag:$0x1] =	stream.indirect.gather [hbm4b:s4+s22], $0x10, s21, s22, $0xb8;
	[tilespmem:$0x9000] =	vst v63  }
0x33c: {  	_ =	swait.ge [sflag:s25], $0x800  }
0x33d: {  	[sflag:s25] =	ssyncset.done $0x0  }
0x33e: {  	[sflag:s25] =	ssyncadd.s32 $0xFFFFF800  }
0x33f: {  	_ =	swait.ge [sflag:s25], $0x800  }
0x340: {  	[sflag:s25] =	ssyncset.done $0x0  }
0x341: {  	[sflag:s25] =	ssyncadd.s32 $0xFFFFF800  }
0x342: {  	_ =	swait.ge [sflag:s6], $0x800  }
0x343: {  	[sflag:s6] =	ssyncset.done $0x0  }
0x344: {  	s15 =	simm.s32 $0x5740;
	[sflag:s6] =	ssyncadd.s32 $0xFFFFF800  }
0x345: {  	s16 =	simm.s32 $0x6740;
	v24 =	vld [tilespmem:s15+$0xFFFFFFC0]  }
0x346: {  	v25 =	vld [tilespmem:s16+$0xFFFFFFC0];
	_ =	sdelay $0x4  }
0x347: {  	v24 =	vadd.f32 v25, v24  }
0x348: {  	s20 =	simm.s32 $0x87C4  }
0x349: {  	[tilespmem:s20+$0xFFFFFFBC] =	vst v24  }
0x34a: {  	v24 =	vld [tilespmem:s16+$0xFFFFFFD0]  }
0x34b: {  	v25 =	vld [tilespmem:s15+$0xFFFFFFD0];
	_ =	sdelay $0x4  }
0x34c: {  	v24 =	vadd.f32 v24, v25;
	_ =	sdelay $0x1  }
0x34d: {  	[tilespmem:s20+$0xFFFFFFCD] =	vst v24  }
0x34e: {  	v24 =	vld [tilespmem:s15+$0xFFFFFFE0]  }
0x34f: {  	v25 =	vld [tilespmem:s16+$0xFFFFFFE0];
	_ =	sdelay $0x4  }
0x350: {  	v24 =	vadd.f32 v25, v24;
	_ =	sdelay $0x1  }
0x351: {  	[tilespmem:s20+$0xFFFFFFDE] =	vst v24  }
0x352: {  	v24 =	vld [tilespmem:s15+$0xFFFFFFF0]  }
0x353: {  	v25 =	vld [tilespmem:s16+$0xFFFFFFF0];
	_ =	sdelay $0x4  }
0x354: {  	v24 =	vadd.f32 v25, v24;
	_ =	sdelay $0x1  }
0x355: {  	[tilespmem:s20+$0xFFFFFFEF] =	vst v24  }
0x356: {  	v24 =	vld [tilespmem:s15+$0x0]  }
0x357: {  	v25 =	vld [tilespmem:s16+$0x0];
	_ =	sdelay $0x4  }
0x358: {  	v24 =	vadd.f32 v25, v24;
	_ =	sdelay $0x1  }
0x359: {  	[tilespmem:s20+$0x0] =	vst v24  }
0x35a: {  	v24 =	vld [tilespmem:s15+$0x10]  }
0x35b: {  	v25 =	vld [tilespmem:s16+$0x10];
	_ =	sdelay $0x4  }
0x35c: {  	v24 =	vadd.f32 v25, v24;
	_ =	sdelay $0x1  }
0x35d: {  	[tilespmem:s20+$0x11] =	vst v24  }
0x35e: {  	v24 =	vld [tilespmem:s15+$0x20]  }
0x35f: {  	v25 =	vld [tilespmem:s16+$0x20];
	_ =	sdelay $0x4  }
0x360: {  	v24 =	vadd.f32 v25, v24;
	_ =	sdelay $0x1  }
0x361: {  	[tilespmem:s20+$0x22] =	vst v24  }
0x362: {  	s7 =	simm.s32 $0x67C0;
	s5 =	simm.s32 $0x87C4;
	s21 =	simm.s32 $0x0;
	v24 =	vld [tilespmem:s15+$0x30]  }
.LBB2_17:
0x363: {  	s21 =	sadd.s32 $0x8, s21;
	v25 =	vld [tilespmem:s16+$0x30];
	s20 =	sadd.s32 $0x88, s20;
	s15 =	sadd.s32 $0x80, s15  }
0x364: {  	s16 =	smov.u32 s7;
	p1 =	slt.u32 s21, $0x78;
	_ =	sdelay $0x3  }
0x365: {  	v24 =	vadd.f32 v25, v24;
	_ =	sdelay $0x1  }
0x366: {  	[tilespmem:s5+$0x33] =	vst v24;
	s5 =	smov.u32 s20  }
0x367: {  	v24 =	vld [tilespmem:s15+$0xFFFFFFC0]  }
0x368: {  	v25 =	vld [tilespmem:s7+$0xFFFFFFC0];
	_ =	sdelay $0x4  }
0x369: {  	v24 =	vadd.f32 v25, v24;
	_ =	sdelay $0x1  }
0x36a: {  	[tilespmem:s20+$0xFFFFFFBC] =	vst v24  }
0x36b: {  	v24 =	vld [tilespmem:s7+$0xFFFFFFD0]  }
0x36c: {  	v25 =	vld [tilespmem:s15+$0xFFFFFFD0];
	_ =	sdelay $0x4  }
0x36d: {  	v24 =	vadd.f32 v24, v25;
	_ =	sdelay $0x1  }
0x36e: {  	[tilespmem:s20+$0xFFFFFFCD] =	vst v24  }
0x36f: {  	v24 =	vld [tilespmem:s15+$0xFFFFFFE0]  }
0x370: {  	v25 =	vld [tilespmem:s7+$0xFFFFFFE0];
	_ =	sdelay $0x4  }
0x371: {  	v24 =	vadd.f32 v25, v24;
	_ =	sdelay $0x1  }
0x372: {  	[tilespmem:s20+$0xFFFFFFDE] =	vst v24  }
0x373: {  	v24 =	vld [tilespmem:s15+$0xFFFFFFF0]  }
0x374: {  	v25 =	vld [tilespmem:s7+$0xFFFFFFF0];
	_ =	sdelay $0x4  }
0x375: {  	v24 =	vadd.f32 v25, v24;
	_ =	sdelay $0x1  }
0x376: {  	[tilespmem:s20+$0xFFFFFFEF] =	vst v24  }
0x377: {  	v24 =	vld [tilespmem:s15+$0x0]  }
0x378: {  	v25 =	vld [tilespmem:s7+$0x0];
	_ =	sdelay $0x4  }
0x379: {  	v24 =	vadd.f32 v25, v24;
	_ =	sdelay $0x1  }
0x37a: {  	[tilespmem:s20+$0x0] =	vst v24  }
0x37b: {  	v24 =	vld [tilespmem:s15+$0x10]  }
0x37c: {  	v25 =	vld [tilespmem:s7+$0x10];
	_ =	sdelay $0x4  }
0x37d: {  	v24 =	vadd.f32 v25, v24;
	_ =	sdelay $0x1  }
0x37e: {  	[tilespmem:s20+$0x11] =	vst v24  }
0x37f: {  	v24 =	vld [tilespmem:s15+$0x20]  }
0x380: {  	v25 =	vld [tilespmem:s7+$0x20];
	_ =	sdelay $0x3  }
.Ltmp9:
0x381: {  	(pc) =	sbr.rel @p1 .LBB2_17-.Ltmp9, $3  }
0x382: {  	v24 =	vadd.f32 v25, v24;
	_ =	sdelay $0x1  }
0x383: {  	[tilespmem:s20+$0x22] =	vst v24  }
0x384: {  	s14 =	simm.s32 $0x7B00;
	s7 =	sadd.s32 $0x80, s7;
	v24 =	vld [tilespmem:s15+$0x30]  }
0x385: {  	v25 =	vld [tilespmem:s16+$0x30]  }
0x386: {  	v26 =	vadd.s32 s26, v0  }
0x387: {  	v26 =	vand.u32 $0xFF8, v26  }
0x388: {  	v26 =	vor.u32 v1, v26;
	_ =	sdelay $0x1  }
0x389: {  	v24 =	vadd.f32 v25, v24;
	_ =	sdelay $0x1  }
0x38a: {  	[tilespmem:s5+$0x33] =	vst v24;
	v24 =	vadd.s32 s26, v2  }
0x38b: {  	v25 =	vld.idx.msk [tilespmem:v26+s28+$0x0], $0xffff;
	v24 =	vand.u32 $0xFF8, v24  }
0x38c: {  	v24 =	vor.u32 v3, v24;
	_ =	sdelay $0x3  }
0x38d: {  	[tilespmem:s14+$0xFFFFFC00] =	vst v25;
	v25 =	vadd.s32 s26, v4  }
0x38e: {  	v24 =	vld.idx.msk [tilespmem:v24+s28+$0x0], $0xffff;
	v25 =	vand.u32 $0xFF8, v25  }
0x38f: {  	v25 =	vor.u32 v5, v25;
	_ =	sdelay $0x3  }
0x390: {  	[tilespmem:s14+$0xFFFFFC80] =	vst v24;
	v24 =	vadd.s32 s26, v6  }
0x391: {  	v25 =	vld.idx.msk [tilespmem:v25+s28+$0x0], $0xffff;
	v24 =	vand.u32 $0xFF8, v24  }
0x392: {  	v24 =	vor.u32 v7, v24;
	_ =	sdelay $0x3  }
0x393: {  	[tilespmem:s14+$0xFFFFFD00] =	vst v25;
	v25 =	vadd.s32 s26, v8  }
0x394: {  	v24 =	vld.idx.msk [tilespmem:v24+s28+$0x0], $0xffff;
	v25 =	vand.u32 $0xFF8, v25  }
0x395: {  	v25 =	vor.u32 v9, v25;
	_ =	sdelay $0x3  }
0x396: {  	[tilespmem:s14+$0xFFFFFD80] =	vst v24;
	v24 =	vadd.s32 s26, v10  }
0x397: {  	v25 =	vld.idx.msk [tilespmem:v25+s28+$0x0], $0xffff;
	v24 =	vand.u32 $0xFF8, v24  }
0x398: {  	v24 =	vor.u32 v11, v24;
	_ =	sdelay $0x3  }
0x399: {  	[tilespmem:s14+$0xFFFFFE00] =	vst v25;
	v25 =	vadd.s32 s26, v12  }
0x39a: {  	v24 =	vld.idx.msk [tilespmem:v24+s28+$0x0], $0xffff;
	v25 =	vand.u32 $0xFF8, v25  }
0x39b: {  	v25 =	vor.u32 v13, v25;
	_ =	sdelay $0x3  }
0x39c: {  	[tilespmem:s14+$0xFFFFFE80] =	vst v24;
	v24 =	vadd.s32 s26, v14  }
0x39d: {  	v25 =	vld.idx.msk [tilespmem:v25+s28+$0x0], $0xffff;
	v24 =	vand.u32 $0xFF8, v24  }
0x39e: {  	v24 =	vor.u32 v15, v24;
	_ =	sdelay $0x3  }
0x39f: {  	[tilespmem:s14+$0xFFFFFF00] =	vst v25;
	v25 =	vadd.s32 s26, v16  }
0x3a0: {  	v24 =	vld.idx.msk [tilespmem:v24+s28+$0x0], $0xffff;
	v25 =	vand.u32 $0xFF8, v25  }
0x3a1: {  	v25 =	vor.u32 v1, v25;
	_ =	sdelay $0x3  }
0x3a2: {  	[tilespmem:s14+$0xFFFFFF80] =	vst v24;
	v24 =	vadd.s32 s26, v17  }
0x3a3: {  	v25 =	vld.idx.msk [tilespmem:v25+s28+$0x0], $0xffff;
	v24 =	vand.u32 $0xFF8, v24  }
0x3a4: {  	v24 =	vor.u32 v3, v24;
	_ =	sdelay $0x3  }
0x3a5: {  	[tilespmem:s14+$0x0] =	vst v25;
	v25 =	vadd.s32 s26, v18  }
0x3a6: {  	v24 =	vld.idx.msk [tilespmem:v24+s28+$0x0], $0xffff;
	v25 =	vand.u32 $0xFF8, v25  }
0x3a7: {  	v25 =	vor.u32 v5, v25;
	_ =	sdelay $0x3  }
0x3a8: {  	[tilespmem:s14+$0x80] =	vst v24;
	v24 =	vadd.s32 s26, v19  }
0x3a9: {  	v25 =	vld.idx.msk [tilespmem:v25+s28+$0x0], $0xffff;
	v24 =	vand.u32 $0xFF8, v24  }
0x3aa: {  	v24 =	vor.u32 v7, v24;
	_ =	sdelay $0x3  }
0x3ab: {  	[tilespmem:s14+$0x100] =	vst v25;
	v25 =	vadd.s32 s26, v20  }
0x3ac: {  	v24 =	vld.idx.msk [tilespmem:v24+s28+$0x0], $0xffff;
	v25 =	vand.u32 $0xFF8, v25  }
0x3ad: {  	v25 =	vor.u32 v9, v25;
	_ =	sdelay $0x3  }
0x3ae: {  	[tilespmem:s14+$0x180] =	vst v24;
	v24 =	vadd.s32 s26, v21  }
0x3af: {  	v25 =	vld.idx.msk [tilespmem:v25+s28+$0x0], $0xffff;
	v24 =	vand.u32 $0xFF8, v24  }
0x3b0: {  	v24 =	vor.u32 v11, v24;
	_ =	sdelay $0x3  }
0x3b1: {  	[tilespmem:s14+$0x200] =	vst v25;
	v25 =	vadd.s32 s26, v22  }
0x3b2: {  	v24 =	vld.idx.msk [tilespmem:v24+s28+$0x0], $0xffff;
	v25 =	vand.u32 $0xFF8, v25  }
0x3b3: {  	v25 =	vor.u32 v13, v25;
	_ =	sdelay $0x3  }
0x3b4: {  	[tilespmem:s14+$0x280] =	vst v24;
	v24 =	vadd.s32 s26, v23  }
0x3b5: {  	v25 =	vld.idx.msk [tilespmem:v25+s28+$0x0], $0xffff;
	v24 =	vand.u32 $0xFF8, v24  }
0x3b6: {  	v24 =	vor.u32 v15, v24;
	_ =	sdelay $0x3  }
0x3b7: {  	s15 =	simm.s32 $0x110;
	[tilespmem:s14+$0x300] =	vst v25  }
0x3b8: {  	s16 =	simm.s32 $0x220;
	v25 =	vadd.s32 s15, v0;
	v24 =	vld.idx.msk [tilespmem:v24+s28+$0x0], $0xffff  }
.LBB2_19:
0x3b9: {  	p1 =	sne.s32 s16, $0x770;
	v25 =	vand.u32 $0xFF8, v25  }
0x3ba: {  	v25 =	vor.u32 v1, v25;
	_ =	sdelay $0x3  }
0x3bb: {  	[tilespmem:s14+$0x380] =	vst v24  }
0x3bc: {  	v24 =	vld.idx.msk [tilespmem:v25+s28+$0x0], $0xffff;
	v25 =	vadd.s32 s15, v2  }
0x3bd: {  	v25 =	vand.u32 $0xFF8, v25  }
0x3be: {  	v25 =	vor.u32 v3, v25;
	_ =	sdelay $0x2  }
0x3bf: {  	s14 =	sadd.s32 $0x10, s14  }
0x3c0: {  	[tilespmem:s14+$0xFFFFFC00] =	vst v24  }
0x3c1: {  	v24 =	vld.idx.msk [tilespmem:v25+s28+$0x0], $0xffff;
	v25 =	vadd.s32 s15, v4  }
0x3c2: {  	v25 =	vand.u32 $0xFF8, v25  }
0x3c3: {  	v25 =	vor.u32 v5, v25;
	_ =	sdelay $0x3  }
0x3c4: {  	[tilespmem:s14+$0xFFFFFC80] =	vst v24  }
0x3c5: {  	v24 =	vld.idx.msk [tilespmem:v25+s28+$0x0], $0xffff;
	v25 =	vadd.s32 s15, v6  }
0x3c6: {  	v25 =	vand.u32 $0xFF8, v25  }
0x3c7: {  	v25 =	vor.u32 v7, v25;
	_ =	sdelay $0x3  }
0x3c8: {  	[tilespmem:s14+$0xFFFFFD00] =	vst v24  }
0x3c9: {  	v24 =	vld.idx.msk [tilespmem:v25+s28+$0x0], $0xffff;
	v25 =	vadd.s32 s15, v8  }
0x3ca: {  	v25 =	vand.u32 $0xFF8, v25  }
0x3cb: {  	v25 =	vor.u32 v9, v25;
	_ =	sdelay $0x3  }
0x3cc: {  	[tilespmem:s14+$0xFFFFFD80] =	vst v24  }
0x3cd: {  	v24 =	vld.idx.msk [tilespmem:v25+s28+$0x0], $0xffff;
	v25 =	vadd.s32 s15, v10  }
0x3ce: {  	v25 =	vand.u32 $0xFF8, v25  }
0x3cf: {  	v25 =	vor.u32 v11, v25;
	_ =	sdelay $0x3  }
0x3d0: {  	[tilespmem:s14+$0xFFFFFE00] =	vst v24  }
0x3d1: {  	v24 =	vld.idx.msk [tilespmem:v25+s28+$0x0], $0xffff;
	v25 =	vadd.s32 s15, v12  }
0x3d2: {  	v25 =	vand.u32 $0xFF8, v25  }
0x3d3: {  	v25 =	vor.u32 v13, v25;
	_ =	sdelay $0x3  }
0x3d4: {  	[tilespmem:s14+$0xFFFFFE80] =	vst v24  }
0x3d5: {  	v24 =	vld.idx.msk [tilespmem:v25+s28+$0x0], $0xffff;
	v25 =	vadd.s32 s15, v14  }
0x3d6: {  	v25 =	vand.u32 $0xFF8, v25  }
0x3d7: {  	v25 =	vor.u32 v15, v25;
	_ =	sdelay $0x3  }
0x3d8: {  	[tilespmem:s14+$0xFFFFFF00] =	vst v24  }
0x3d9: {  	v24 =	vld.idx.msk [tilespmem:v25+s28+$0x0], $0xffff;
	v25 =	vadd.s32 s15, v16  }
0x3da: {  	v25 =	vand.u32 $0xFF8, v25  }
0x3db: {  	v25 =	vor.u32 v1, v25;
	_ =	sdelay $0x3  }
0x3dc: {  	[tilespmem:s14+$0xFFFFFF80] =	vst v24  }
0x3dd: {  	v24 =	vld.idx.msk [tilespmem:v25+s28+$0x0], $0xffff;
	v25 =	vadd.s32 s15, v17  }
0x3de: {  	v25 =	vand.u32 $0xFF8, v25  }
0x3df: {  	v25 =	vor.u32 v3, v25;
	_ =	sdelay $0x3  }
0x3e0: {  	[tilespmem:s14+$0x0] =	vst v24  }
0x3e1: {  	v24 =	vld.idx.msk [tilespmem:v25+s28+$0x0], $0xffff;
	v25 =	vadd.s32 s15, v18  }
0x3e2: {  	v25 =	vand.u32 $0xFF8, v25  }
0x3e3: {  	v25 =	vor.u32 v5, v25;
	_ =	sdelay $0x3  }
0x3e4: {  	[tilespmem:s14+$0x80] =	vst v24  }
0x3e5: {  	v24 =	vld.idx.msk [tilespmem:v25+s28+$0x0], $0xffff;
	v25 =	vadd.s32 s15, v19  }
0x3e6: {  	v25 =	vand.u32 $0xFF8, v25  }
0x3e7: {  	v25 =	vor.u32 v7, v25;
	_ =	sdelay $0x3  }
0x3e8: {  	[tilespmem:s14+$0x100] =	vst v24  }
0x3e9: {  	v24 =	vld.idx.msk [tilespmem:v25+s28+$0x0], $0xffff;
	v25 =	vadd.s32 s15, v20  }
0x3ea: {  	v25 =	vand.u32 $0xFF8, v25  }
0x3eb: {  	v25 =	vor.u32 v9, v25;
	_ =	sdelay $0x3  }
0x3ec: {  	[tilespmem:s14+$0x180] =	vst v24  }
0x3ed: {  	v24 =	vld.idx.msk [tilespmem:v25+s28+$0x0], $0xffff;
	v25 =	vadd.s32 s15, v21  }
0x3ee: {  	v25 =	vand.u32 $0xFF8, v25  }
0x3ef: {  	v25 =	vor.u32 v11, v25;
	_ =	sdelay $0x3  }
0x3f0: {  	[tilespmem:s14+$0x200] =	vst v24  }
0x3f1: {  	v24 =	vld.idx.msk [tilespmem:v25+s28+$0x0], $0xffff;
	v25 =	vadd.s32 s15, v22  }
0x3f2: {  	v25 =	vand.u32 $0xFF8, v25  }
0x3f3: {  	v25 =	vor.u32 v13, v25;
	_ =	sdelay $0x3  }
0x3f4: {  	[tilespmem:s14+$0x280] =	vst v24  }
0x3f5: {  	v24 =	vld.idx.msk [tilespmem:v25+s28+$0x0], $0xffff;
	v25 =	vadd.s32 s15, v23;
	s15 =	smov.u32 s16  }
0x3f6: {  	v25 =	vand.u32 $0xFF8, v25  }
0x3f7: {  	v26 =	vor.u32 v15, v25  }
.Ltmp10:
0x3f8: {  	(pc) =	sbr.rel @p1 .LBB2_19-.Ltmp10, $3  }
0x3f9: {  	_ =	sdelay $0x1  }
0x3fa: {  	[tilespmem:s14+$0x300] =	vst v24  }
0x3fb: {  	s16 =	sadd.s32 $0x110, s16;
	v25 =	vadd.s32 s15, v0;
	v24 =	vld.idx.msk [tilespmem:v26+s28+$0x0], $0xffff  }
0x3fc: {  	v25 =	vand.u32 $0xFF8, v25  }
0x3fd: {  	v25 =	vor.u32 v1, v25;
	_ =	sdelay $0x3  }
0x3fe: {  	v49 =	vadd.s32 s15, v2;
	[tilespmem:s14+$0x380] =	vst v24  }
0x3ff: {  	v24 =	vand.u32 $0xFF8, v49;
	v25 =	vld.idx.msk [tilespmem:v25+s28+$0x0], $0xffff  }
0x400: {  	v24 =	vor.u32 v3, v24;
	_ =	sdelay $0x2  }
0x401: {  	s5 =	sadd.s32 $0x10, s14  }
0x402: {  	v50 =	vadd.s32 s15, v4;
	[tilespmem:s5+$0xFFFFFC00] =	vst v25  }
0x403: {  	v25 =	vand.u32 $0xFF8, v50;
	v24 =	vld.idx.msk [tilespmem:v24+s28+$0x0], $0xffff  }
0x404: {  	v25 =	vor.u32 v5, v25;
	_ =	sdelay $0x3  }
0x405: {  	v51 =	vadd.s32 s15, v6;
	[tilespmem:s5+$0xFFFFFC80] =	vst v24  }
0x406: {  	v24 =	vand.u32 $0xFF8, v51;
	v25 =	vld.idx.msk [tilespmem:v25+s28+$0x0], $0xffff  }
0x407: {  	v24 =	vor.u32 v7, v24;
	_ =	sdelay $0x3  }
0x408: {  	v52 =	vadd.s32 s15, v8;
	[tilespmem:s5+$0xFFFFFD00] =	vst v25  }
0x409: {  	v25 =	vand.u32 $0xFF8, v52;
	v24 =	vld.idx.msk [tilespmem:v24+s28+$0x0], $0xffff  }
0x40a: {  	v25 =	vor.u32 v9, v25;
	_ =	sdelay $0x3  }
0x40b: {  	v53 =	vadd.s32 s15, v10;
	[tilespmem:s5+$0xFFFFFD80] =	vst v24  }
0x40c: {  	v24 =	vand.u32 $0xFF8, v53;
	v25 =	vld.idx.msk [tilespmem:v25+s28+$0x0], $0xffff  }
0x40d: {  	v24 =	vor.u32 v11, v24;
	_ =	sdelay $0x3  }
0x40e: {  	v54 =	vadd.s32 s15, v12;
	[tilespmem:s5+$0xFFFFFE00] =	vst v25  }
0x40f: {  	v25 =	vand.u32 $0xFF8, v54;
	v24 =	vld.idx.msk [tilespmem:v24+s28+$0x0], $0xffff  }
0x410: {  	v25 =	vor.u32 v13, v25;
	_ =	sdelay $0x3  }
0x411: {  	v55 =	vadd.s32 s15, v14;
	[tilespmem:s5+$0xFFFFFE80] =	vst v24  }
0x412: {  	v24 =	vand.u32 $0xFF8, v55;
	v25 =	vld.idx.msk [tilespmem:v25+s28+$0x0], $0xffff  }
0x413: {  	v24 =	vor.u32 v15, v24;
	_ =	sdelay $0x3  }
0x414: {  	v56 =	vadd.s32 s15, v16;
	[tilespmem:s5+$0xFFFFFF00] =	vst v25  }
0x415: {  	v25 =	vand.u32 $0xFF8, v56;
	v24 =	vld.idx.msk [tilespmem:v24+s28+$0x0], $0xffff  }
0x416: {  	v25 =	vor.u32 v1, v25;
	_ =	sdelay $0x3  }
0x417: {  	v57 =	vadd.s32 s15, v17;
	[tilespmem:s5+$0xFFFFFF80] =	vst v24  }
0x418: {  	v24 =	vand.u32 $0xFF8, v57;
	v25 =	vld.idx.msk [tilespmem:v25+s28+$0x0], $0xffff  }
0x419: {  	v24 =	vor.u32 v3, v24;
	_ =	sdelay $0x3  }
0x41a: {  	v58 =	vadd.s32 s15, v18;
	[tilespmem:s5+$0x0] =	vst v25  }
0x41b: {  	v25 =	vand.u32 $0xFF8, v58;
	v24 =	vld.idx.msk [tilespmem:v24+s28+$0x0], $0xffff  }
0x41c: {  	v25 =	vor.u32 v5, v25;
	_ =	sdelay $0x3  }
0x41d: {  	v59 =	vadd.s32 s15, v19;
	[tilespmem:s5+$0x80] =	vst v24  }
0x41e: {  	v24 =	vand.u32 $0xFF8, v59;
	v25 =	vld.idx.msk [tilespmem:v25+s28+$0x0], $0xffff  }
0x41f: {  	v24 =	vor.u32 v7, v24;
	_ =	sdelay $0x3  }
0x420: {  	v60 =	vadd.s32 s15, v20;
	[tilespmem:s5+$0x100] =	vst v25  }
0x421: {  	v25 =	vand.u32 $0xFF8, v60;
	v24 =	vld.idx.msk [tilespmem:v24+s28+$0x0], $0xffff  }
0x422: {  	v25 =	vor.u32 v9, v25;
	_ =	sdelay $0x3  }
0x423: {  	v61 =	vadd.s32 s15, v21;
	[tilespmem:s5+$0x180] =	vst v24  }
0x424: {  	v24 =	vand.u32 $0xFF8, v61;
	v25 =	vld.idx.msk [tilespmem:v25+s28+$0x0], $0xffff  }
0x425: {  	v24 =	vor.u32 v11, v24;
	_ =	sdelay $0x3  }
0x426: {  	v62 =	vadd.s32 s15, v22;
	[tilespmem:s5+$0x200] =	vst v25  }
0x427: {  	v25 =	vand.u32 $0xFF8, v62;
	v24 =	vld.idx.msk [tilespmem:v24+s28+$0x0], $0xffff  }
0x428: {  	v25 =	vor.u32 v13, v25;
	_ =	sdelay $0x3  }
0x429: {  	v63 =	vadd.s32 s15, v23;
	[tilespmem:s5+$0x280] =	vst v24  }
0x42a: {  	v24 =	vand.u32 $0xFF8, v63;
	v25 =	vld.idx.msk [tilespmem:v25+s28+$0x0], $0xffff  }
0x42b: {  	v24 =	vor.u32 v15, v24;
	_ =	sdelay $0x3  }
0x42c: {  	[tilespmem:s5+$0x300] =	vst v25  }
0x42d: {  	v24 =	vld.idx.msk [tilespmem:v24+s28+$0x0], $0xffff;
	_ =	sdelay $0x2  }
0x42e: {  	s7 =	sadd.s32 s9, s12  }
0x42f: {  	s7 =	sshll.u32 s7, $0x7  }
0x430: {  	s8 =	sadd.s32 $0x1, s8;
	s14 =	sadd.s32 s2, s7;
	[tilespmem:s5+$0x380] =	vst v24  }
0x431: {  	[hbm4b:s14+s3] =	stream.linear.scatter [tilespmem:s17], [sflag:$0x4], $0x400, $0x38;
	[tilespmem:$0x9000] =	vst v63  }
0x432: {  	p1 =	sne.s32 s8, $0x25;
	s15 =	sadd.s32 s7, s11  }
0x433: {  	[hbm4b:s15+s3] =	stream.linear.scatter [tilespmem:s18], [sflag:$0x4], $0x400, $0x38;
	[tilespmem:$0x9000] =	vst v63  }
.Ltmp11:
0x434: {  	_ = 	snop;
	(pc) =	sbr.rel @p1 .LBB2_12-.Ltmp11, $4  }
0x435: {  	s16 =	sadd.s32 $0x500, s13;
	s20 =	simm.s32 $0x5700  }
0x436: {  	[tilespmem:s20], [sflag:$0x2] =	stream.indirect.gather [hbm4b:s4+s22], $0x10, s16, s22, $0xb8;
	[tilespmem:$0x9000] =	vst v63  }
0x437: {  	s21 =	sadd.s32 $0x580, s13  }
0x438: {  	[tilespmem:s29], [sflag:$0x2] =	stream.indirect.gather [hbm4b:s4+s22], $0x10, s21, s22, $0xb8;
	[tilespmem:$0x9000] =	vst v63  }
0x439: {  	_ =	swait.ge [sflag:s30], $0x800  }
0x43a: {  	[sflag:s30] =	ssyncset.done $0x0  }
0x43b: {  	[sflag:s30] =	ssyncadd.s32 $0xFFFFF800  }
0x43c: {  	_ =	swait.ge [sflag:s30], $0x800  }
0x43d: {  	[sflag:s30] =	ssyncset.done $0x0  }
0x43e: {  	[sflag:s30] =	ssyncadd.s32 $0xFFFFF800  }
0x43f: {  	_ =	swait.ge [sflag:s19], $0x800  }
0x440: {  	[sflag:s19] =	ssyncset.done $0x0  }
0x441: {  	s9 =	simm.s32 $0x4F40;
	[sflag:s19] =	ssyncadd.s32 $0xFFFFF800  }
0x442: {  	s13 =	simm.s32 $0x5F40;
	v24 =	vld [tilespmem:s9+$0xFFFFFFC0]  }
0x443: {  	v25 =	vld [tilespmem:s13+$0xFFFFFFC0];
	_ =	sdelay $0x4  }
0x444: {  	v24 =	vadd.f32 v25, v24  }
0x445: {  	s14 =	simm.s32 $0x7F44  }
0x446: {  	[tilespmem:s14+$0xFFFFFFBC] =	vst v24  }
0x447: {  	v24 =	vld [tilespmem:s13+$0xFFFFFFD0]  }
0x448: {  	v25 =	vld [tilespmem:s9+$0xFFFFFFD0];
	_ =	sdelay $0x4  }
0x449: {  	v24 =	vadd.f32 v24, v25;
	_ =	sdelay $0x1  }
0x44a: {  	[tilespmem:s14+$0xFFFFFFCD] =	vst v24  }
0x44b: {  	v24 =	vld [tilespmem:s9+$0xFFFFFFE0]  }
0x44c: {  	v25 =	vld [tilespmem:s13+$0xFFFFFFE0];
	_ =	sdelay $0x4  }
0x44d: {  	v24 =	vadd.f32 v25, v24;
	_ =	sdelay $0x1  }
0x44e: {  	[tilespmem:s14+$0xFFFFFFDE] =	vst v24  }
0x44f: {  	v24 =	vld [tilespmem:s9+$0xFFFFFFF0]  }
0x450: {  	v25 =	vld [tilespmem:s13+$0xFFFFFFF0];
	_ =	sdelay $0x4  }
0x451: {  	v24 =	vadd.f32 v25, v24;
	_ =	sdelay $0x1  }
0x452: {  	[tilespmem:s14+$0xFFFFFFEF] =	vst v24  }
0x453: {  	v24 =	vld [tilespmem:s9+$0x0]  }
0x454: {  	v25 =	vld [tilespmem:s13+$0x0];
	_ =	sdelay $0x4  }
0x455: {  	v24 =	vadd.f32 v25, v24;
	_ =	sdelay $0x1  }
0x456: {  	[tilespmem:s14+$0x0] =	vst v24  }
0x457: {  	v24 =	vld [tilespmem:s9+$0x10]  }
0x458: {  	v25 =	vld [tilespmem:s13+$0x10];
	_ =	sdelay $0x4  }
0x459: {  	v24 =	vadd.f32 v25, v24;
	_ =	sdelay $0x1  }
0x45a: {  	[tilespmem:s14+$0x11] =	vst v24  }
0x45b: {  	v24 =	vld [tilespmem:s9+$0x20]  }
0x45c: {  	v25 =	vld [tilespmem:s13+$0x20];
	_ =	sdelay $0x4  }
0x45d: {  	v24 =	vadd.f32 v25, v24;
	_ =	sdelay $0x1  }
0x45e: {  	[tilespmem:s14+$0x22] =	vst v24  }
0x45f: {  	s15 =	simm.s32 $0x0;
	s7 =	simm.s32 $0x5FC0;
	s5 =	simm.s32 $0x7F44;
	v24 =	vld [tilespmem:s9+$0x30]  }
.LBB2_22:
0x460: {  	s15 =	sadd.s32 $0x8, s15;
	v25 =	vld [tilespmem:s13+$0x30];
	s14 =	sadd.s32 $0x88, s14;
	s9 =	sadd.s32 $0x80, s9  }
0x461: {  	s13 =	smov.u32 s7;
	p1 =	slt.u32 s15, $0x78;
	_ =	sdelay $0x3  }
0x462: {  	v24 =	vadd.f32 v25, v24;
	_ =	sdelay $0x1  }
0x463: {  	[tilespmem:s5+$0x33] =	vst v24;
	s5 =	smov.u32 s14  }
0x464: {  	v24 =	vld [tilespmem:s9+$0xFFFFFFC0]  }
0x465: {  	v25 =	vld [tilespmem:s7+$0xFFFFFFC0];
	_ =	sdelay $0x4  }
0x466: {  	v24 =	vadd.f32 v25, v24;
	_ =	sdelay $0x1  }
0x467: {  	[tilespmem:s14+$0xFFFFFFBC] =	vst v24  }
0x468: {  	v24 =	vld [tilespmem:s7+$0xFFFFFFD0]  }
0x469: {  	v25 =	vld [tilespmem:s9+$0xFFFFFFD0];
	_ =	sdelay $0x4  }
0x46a: {  	v24 =	vadd.f32 v24, v25;
	_ =	sdelay $0x1  }
0x46b: {  	[tilespmem:s14+$0xFFFFFFCD] =	vst v24  }
0x46c: {  	v24 =	vld [tilespmem:s9+$0xFFFFFFE0]  }
0x46d: {  	v25 =	vld [tilespmem:s7+$0xFFFFFFE0];
	_ =	sdelay $0x4  }
0x46e: {  	v24 =	vadd.f32 v25, v24;
	_ =	sdelay $0x1  }
0x46f: {  	[tilespmem:s14+$0xFFFFFFDE] =	vst v24  }
0x470: {  	v24 =	vld [tilespmem:s9+$0xFFFFFFF0]  }
0x471: {  	v25 =	vld [tilespmem:s7+$0xFFFFFFF0];
	_ =	sdelay $0x4  }
0x472: {  	v24 =	vadd.f32 v25, v24;
	_ =	sdelay $0x1  }
0x473: {  	[tilespmem:s14+$0xFFFFFFEF] =	vst v24  }
0x474: {  	v24 =	vld [tilespmem:s9+$0x0]  }
0x475: {  	v25 =	vld [tilespmem:s7+$0x0];
	_ =	sdelay $0x4  }
0x476: {  	v24 =	vadd.f32 v25, v24;
	_ =	sdelay $0x1  }
0x477: {  	[tilespmem:s14+$0x0] =	vst v24  }
0x478: {  	v24 =	vld [tilespmem:s9+$0x10]  }
0x479: {  	v25 =	vld [tilespmem:s7+$0x10];
	_ =	sdelay $0x4  }
0x47a: {  	v24 =	vadd.f32 v25, v24;
	_ =	sdelay $0x1  }
0x47b: {  	[tilespmem:s14+$0x11] =	vst v24  }
0x47c: {  	v24 =	vld [tilespmem:s9+$0x20]  }
0x47d: {  	v25 =	vld [tilespmem:s7+$0x20];
	_ =	sdelay $0x3  }
.Ltmp12:
0x47e: {  	(pc) =	sbr.rel @p1 .LBB2_22-.Ltmp12, $3  }
0x47f: {  	v24 =	vadd.f32 v25, v24;
	_ =	sdelay $0x1  }
0x480: {  	[tilespmem:s14+$0x22] =	vst v24  }
0x481: {  	s16 =	simm.s32 $0x0;
	s8 =	simm.s32 $0x7300;
	s7 =	sadd.s32 $0x80, s7;
	v24 =	vld [tilespmem:s9+$0x30]  }
0x482: {  	v25 =	vld [tilespmem:s13+$0x30]  }
0x483: {  	v26 =	vadd.s32 s16, v0  }
0x484: {  	v26 =	vand.u32 $0xFF8, v26  }
0x485: {  	v26 =	vor.u32 v1, v26;
	_ =	sdelay $0x1  }
0x486: {  	v24 =	vadd.f32 v25, v24;
	_ =	sdelay $0x1  }
0x487: {  	[tilespmem:s5+$0x33] =	vst v24;
	v24 =	vadd.s32 s16, v2  }
0x488: {  	v25 =	vld.idx.msk [tilespmem:v26+s31+$0x0], $0xffff;
	v24 =	vand.u32 $0xFF8, v24  }
0x489: {  	v24 =	vor.u32 v3, v24;
	_ =	sdelay $0x3  }
0x48a: {  	[tilespmem:s8+$0xFFFFFC00] =	vst v25;
	v25 =	vadd.s32 s16, v4  }
0x48b: {  	v24 =	vld.idx.msk [tilespmem:v24+s31+$0x0], $0xffff;
	v25 =	vand.u32 $0xFF8, v25  }
0x48c: {  	v25 =	vor.u32 v5, v25;
	_ =	sdelay $0x3  }
0x48d: {  	[tilespmem:s8+$0xFFFFFC80] =	vst v24;
	v24 =	vadd.s32 s16, v6  }
0x48e: {  	v25 =	vld.idx.msk [tilespmem:v25+s31+$0x0], $0xffff;
	v24 =	vand.u32 $0xFF8, v24  }
0x48f: {  	v24 =	vor.u32 v7, v24;
	_ =	sdelay $0x3  }
0x490: {  	[tilespmem:s8+$0xFFFFFD00] =	vst v25;
	v25 =	vadd.s32 s16, v8  }
0x491: {  	v24 =	vld.idx.msk [tilespmem:v24+s31+$0x0], $0xffff;
	v25 =	vand.u32 $0xFF8, v25  }
0x492: {  	v25 =	vor.u32 v9, v25;
	_ =	sdelay $0x3  }
0x493: {  	[tilespmem:s8+$0xFFFFFD80] =	vst v24;
	v24 =	vadd.s32 s16, v10  }
0x494: {  	v25 =	vld.idx.msk [tilespmem:v25+s31+$0x0], $0xffff;
	v24 =	vand.u32 $0xFF8, v24  }
0x495: {  	v24 =	vor.u32 v11, v24;
	_ =	sdelay $0x3  }
0x496: {  	[tilespmem:s8+$0xFFFFFE00] =	vst v25;
	v25 =	vadd.s32 s16, v12  }
0x497: {  	v24 =	vld.idx.msk [tilespmem:v24+s31+$0x0], $0xffff;
	v25 =	vand.u32 $0xFF8, v25  }
0x498: {  	v25 =	vor.u32 v13, v25;
	_ =	sdelay $0x3  }
0x499: {  	[tilespmem:s8+$0xFFFFFE80] =	vst v24;
	v24 =	vadd.s32 s16, v14  }
0x49a: {  	v25 =	vld.idx.msk [tilespmem:v25+s31+$0x0], $0xffff;
	v24 =	vand.u32 $0xFF8, v24  }
0x49b: {  	v24 =	vor.u32 v15, v24;
	_ =	sdelay $0x3  }
0x49c: {  	[tilespmem:s8+$0xFFFFFF00] =	vst v25;
	v25 =	vadd.s32 s16, v16  }
0x49d: {  	v24 =	vld.idx.msk [tilespmem:v24+s31+$0x0], $0xffff;
	v25 =	vand.u32 $0xFF8, v25  }
0x49e: {  	v25 =	vor.u32 v1, v25;
	_ =	sdelay $0x3  }
0x49f: {  	[tilespmem:s8+$0xFFFFFF80] =	vst v24;
	v24 =	vadd.s32 s16, v17  }
0x4a0: {  	v25 =	vld.idx.msk [tilespmem:v25+s31+$0x0], $0xffff;
	v24 =	vand.u32 $0xFF8, v24  }
0x4a1: {  	v24 =	vor.u32 v3, v24;
	_ =	sdelay $0x3  }
0x4a2: {  	[tilespmem:s8+$0x0] =	vst v25;
	v25 =	vadd.s32 s16, v18  }
0x4a3: {  	v24 =	vld.idx.msk [tilespmem:v24+s31+$0x0], $0xffff;
	v25 =	vand.u32 $0xFF8, v25  }
0x4a4: {  	v25 =	vor.u32 v5, v25;
	_ =	sdelay $0x3  }
0x4a5: {  	[tilespmem:s8+$0x80] =	vst v24;
	v24 =	vadd.s32 s16, v19  }
0x4a6: {  	v25 =	vld.idx.msk [tilespmem:v25+s31+$0x0], $0xffff;
	v24 =	vand.u32 $0xFF8, v24  }
0x4a7: {  	v24 =	vor.u32 v7, v24;
	_ =	sdelay $0x3  }
0x4a8: {  	[tilespmem:s8+$0x100] =	vst v25;
	v25 =	vadd.s32 s16, v20  }
0x4a9: {  	v24 =	vld.idx.msk [tilespmem:v24+s31+$0x0], $0xffff;
	v25 =	vand.u32 $0xFF8, v25  }
0x4aa: {  	v25 =	vor.u32 v9, v25;
	_ =	sdelay $0x3  }
0x4ab: {  	[tilespmem:s8+$0x180] =	vst v24;
	v24 =	vadd.s32 s16, v21  }
0x4ac: {  	v25 =	vld.idx.msk [tilespmem:v25+s31+$0x0], $0xffff;
	v24 =	vand.u32 $0xFF8, v24  }
0x4ad: {  	v24 =	vor.u32 v11, v24;
	_ =	sdelay $0x3  }
0x4ae: {  	[tilespmem:s8+$0x200] =	vst v25;
	v25 =	vadd.s32 s16, v22  }
0x4af: {  	v24 =	vld.idx.msk [tilespmem:v24+s31+$0x0], $0xffff;
	v25 =	vand.u32 $0xFF8, v25  }
0x4b0: {  	v25 =	vor.u32 v13, v25;
	_ =	sdelay $0x3  }
0x4b1: {  	[tilespmem:s8+$0x280] =	vst v24;
	v24 =	vadd.s32 s16, v23  }
0x4b2: {  	v25 =	vld.idx.msk [tilespmem:v25+s31+$0x0], $0xffff;
	v24 =	vand.u32 $0xFF8, v24  }
0x4b3: {  	v24 =	vor.u32 v15, v24;
	_ =	sdelay $0x3  }
0x4b4: {  	s9 =	simm.s32 $0x110;
	[tilespmem:s8+$0x300] =	vst v25  }
0x4b5: {  	s13 =	simm.s32 $0x220;
	v25 =	vadd.s32 s9, v0;
	v24 =	vld.idx.msk [tilespmem:v24+s31+$0x0], $0xffff  }
.LBB2_24:
0x4b6: {  	p1 =	sne.s32 s13, $0x770;
	v25 =	vand.u32 $0xFF8, v25  }
0x4b7: {  	v25 =	vor.u32 v1, v25;
	_ =	sdelay $0x3  }
0x4b8: {  	[tilespmem:s8+$0x380] =	vst v24  }
0x4b9: {  	v24 =	vld.idx.msk [tilespmem:v25+s31+$0x0], $0xffff;
	v25 =	vadd.s32 s9, v2  }
0x4ba: {  	v25 =	vand.u32 $0xFF8, v25  }
0x4bb: {  	v25 =	vor.u32 v3, v25;
	_ =	sdelay $0x2  }
0x4bc: {  	s8 =	sadd.s32 $0x10, s8  }
0x4bd: {  	[tilespmem:s8+$0xFFFFFC00] =	vst v24  }
0x4be: {  	v24 =	vld.idx.msk [tilespmem:v25+s31+$0x0], $0xffff;
	v25 =	vadd.s32 s9, v4  }
0x4bf: {  	v25 =	vand.u32 $0xFF8, v25  }
0x4c0: {  	v25 =	vor.u32 v5, v25;
	_ =	sdelay $0x3  }
0x4c1: {  	[tilespmem:s8+$0xFFFFFC80] =	vst v24  }
0x4c2: {  	v24 =	vld.idx.msk [tilespmem:v25+s31+$0x0], $0xffff;
	v25 =	vadd.s32 s9, v6  }
0x4c3: {  	v25 =	vand.u32 $0xFF8, v25  }
0x4c4: {  	v25 =	vor.u32 v7, v25;
	_ =	sdelay $0x3  }
0x4c5: {  	[tilespmem:s8+$0xFFFFFD00] =	vst v24  }
0x4c6: {  	v24 =	vld.idx.msk [tilespmem:v25+s31+$0x0], $0xffff;
	v25 =	vadd.s32 s9, v8  }
0x4c7: {  	v25 =	vand.u32 $0xFF8, v25  }
0x4c8: {  	v25 =	vor.u32 v9, v25;
	_ =	sdelay $0x3  }
0x4c9: {  	[tilespmem:s8+$0xFFFFFD80] =	vst v24  }
0x4ca: {  	v24 =	vld.idx.msk [tilespmem:v25+s31+$0x0], $0xffff;
	v25 =	vadd.s32 s9, v10  }
0x4cb: {  	v25 =	vand.u32 $0xFF8, v25  }
0x4cc: {  	v25 =	vor.u32 v11, v25;
	_ =	sdelay $0x3  }
0x4cd: {  	[tilespmem:s8+$0xFFFFFE00] =	vst v24  }
0x4ce: {  	v24 =	vld.idx.msk [tilespmem:v25+s31+$0x0], $0xffff;
	v25 =	vadd.s32 s9, v12  }
0x4cf: {  	v25 =	vand.u32 $0xFF8, v25  }
0x4d0: {  	v25 =	vor.u32 v13, v25;
	_ =	sdelay $0x3  }
0x4d1: {  	[tilespmem:s8+$0xFFFFFE80] =	vst v24  }
0x4d2: {  	v24 =	vld.idx.msk [tilespmem:v25+s31+$0x0], $0xffff;
	v25 =	vadd.s32 s9, v14  }
0x4d3: {  	v25 =	vand.u32 $0xFF8, v25  }
0x4d4: {  	v25 =	vor.u32 v15, v25;
	_ =	sdelay $0x3  }
0x4d5: {  	[tilespmem:s8+$0xFFFFFF00] =	vst v24  }
0x4d6: {  	v24 =	vld.idx.msk [tilespmem:v25+s31+$0x0], $0xffff;
	v25 =	vadd.s32 s9, v16  }
0x4d7: {  	v25 =	vand.u32 $0xFF8, v25  }
0x4d8: {  	v25 =	vor.u32 v1, v25;
	_ =	sdelay $0x3  }
0x4d9: {  	[tilespmem:s8+$0xFFFFFF80] =	vst v24  }
0x4da: {  	v24 =	vld.idx.msk [tilespmem:v25+s31+$0x0], $0xffff;
	v25 =	vadd.s32 s9, v17  }
0x4db: {  	v25 =	vand.u32 $0xFF8, v25  }
0x4dc: {  	v25 =	vor.u32 v3, v25;
	_ =	sdelay $0x3  }
0x4dd: {  	[tilespmem:s8+$0x0] =	vst v24  }
0x4de: {  	v24 =	vld.idx.msk [tilespmem:v25+s31+$0x0], $0xffff;
	v25 =	vadd.s32 s9, v18  }
0x4df: {  	v25 =	vand.u32 $0xFF8, v25  }
0x4e0: {  	v25 =	vor.u32 v5, v25;
	_ =	sdelay $0x3  }
0x4e1: {  	[tilespmem:s8+$0x80] =	vst v24  }
0x4e2: {  	v24 =	vld.idx.msk [tilespmem:v25+s31+$0x0], $0xffff;
	v25 =	vadd.s32 s9, v19  }
0x4e3: {  	v25 =	vand.u32 $0xFF8, v25  }
0x4e4: {  	v25 =	vor.u32 v7, v25;
	_ =	sdelay $0x3  }
0x4e5: {  	[tilespmem:s8+$0x100] =	vst v24  }
0x4e6: {  	v24 =	vld.idx.msk [tilespmem:v25+s31+$0x0], $0xffff;
	v25 =	vadd.s32 s9, v20  }
0x4e7: {  	v25 =	vand.u32 $0xFF8, v25  }
0x4e8: {  	v25 =	vor.u32 v9, v25;
	_ =	sdelay $0x3  }
0x4e9: {  	[tilespmem:s8+$0x180] =	vst v24  }
0x4ea: {  	v24 =	vld.idx.msk [tilespmem:v25+s31+$0x0], $0xffff;
	v25 =	vadd.s32 s9, v21  }
0x4eb: {  	v25 =	vand.u32 $0xFF8, v25  }
0x4ec: {  	v25 =	vor.u32 v11, v25;
	_ =	sdelay $0x3  }
0x4ed: {  	[tilespmem:s8+$0x200] =	vst v24  }
0x4ee: {  	v24 =	vld.idx.msk [tilespmem:v25+s31+$0x0], $0xffff;
	v25 =	vadd.s32 s9, v22  }
0x4ef: {  	v25 =	vand.u32 $0xFF8, v25  }
0x4f0: {  	v25 =	vor.u32 v13, v25;
	_ =	sdelay $0x3  }
0x4f1: {  	[tilespmem:s8+$0x280] =	vst v24  }
0x4f2: {  	v24 =	vld.idx.msk [tilespmem:v25+s31+$0x0], $0xffff;
	v25 =	vadd.s32 s9, v23;
	s9 =	smov.u32 s13  }
0x4f3: {  	v25 =	vand.u32 $0xFF8, v25  }
0x4f4: {  	v26 =	vor.u32 v15, v25  }
.Ltmp13:
0x4f5: {  	(pc) =	sbr.rel @p1 .LBB2_24-.Ltmp13, $3  }
0x4f6: {  	_ =	sdelay $0x1  }
0x4f7: {  	[tilespmem:s8+$0x300] =	vst v24  }
0x4f8: {  	s13 =	sadd.s32 $0x110, s13;
	v25 =	vadd.s32 s9, v0;
	v24 =	vld.idx.msk [tilespmem:v26+s31+$0x0], $0xffff  }
0x4f9: {  	v25 =	vand.u32 $0xFF8, v25  }
0x4fa: {  	v25 =	vor.u32 v1, v25;
	_ =	sdelay $0x3  }
0x4fb: {  	[tilespmem:s8+$0x380] =	vst v24;
	v24 =	vadd.s32 s9, v2  }
0x4fc: {  	v24 =	vand.u32 $0xFF8, v24;
	v25 =	vld.idx.msk [tilespmem:v25+s31+$0x0], $0xffff  }
0x4fd: {  	v24 =	vor.u32 v3, v24;
	_ =	sdelay $0x2  }
0x4fe: {  	s5 =	sadd.s32 $0x10, s8  }
0x4ff: {  	[tilespmem:s5+$0xFFFFFC00] =	vst v25;
	v25 =	vadd.s32 s9, v4  }
0x500: {  	v24 =	vld.idx.msk [tilespmem:v24+s31+$0x0], $0xffff;
	v25 =	vand.u32 $0xFF8, v25  }
0x501: {  	v25 =	vor.u32 v5, v25;
	_ =	sdelay $0x3  }
0x502: {  	[tilespmem:s5+$0xFFFFFC80] =	vst v24;
	v24 =	vadd.s32 s9, v6  }
0x503: {  	v25 =	vld.idx.msk [tilespmem:v25+s31+$0x0], $0xffff;
	v24 =	vand.u32 $0xFF8, v24  }
0x504: {  	v24 =	vor.u32 v7, v24;
	_ =	sdelay $0x3  }
0x505: {  	[tilespmem:s5+$0xFFFFFD00] =	vst v25;
	v25 =	vadd.s32 s9, v8  }
0x506: {  	v24 =	vld.idx.msk [tilespmem:v24+s31+$0x0], $0xffff;
	v25 =	vand.u32 $0xFF8, v25  }
0x507: {  	v25 =	vor.u32 v9, v25;
	_ =	sdelay $0x3  }
0x508: {  	[tilespmem:s5+$0xFFFFFD80] =	vst v24;
	v24 =	vadd.s32 s9, v10  }
0x509: {  	v25 =	vld.idx.msk [tilespmem:v25+s31+$0x0], $0xffff;
	v24 =	vand.u32 $0xFF8, v24  }
0x50a: {  	v24 =	vor.u32 v11, v24;
	_ =	sdelay $0x3  }
0x50b: {  	[tilespmem:s5+$0xFFFFFE00] =	vst v25;
	v25 =	vadd.s32 s9, v12  }
0x50c: {  	v24 =	vld.idx.msk [tilespmem:v24+s31+$0x0], $0xffff;
	v25 =	vand.u32 $0xFF8, v25  }
0x50d: {  	v25 =	vor.u32 v13, v25;
	_ =	sdelay $0x3  }
0x50e: {  	[tilespmem:s5+$0xFFFFFE80] =	vst v24;
	v24 =	vadd.s32 s9, v14  }
0x50f: {  	v25 =	vld.idx.msk [tilespmem:v25+s31+$0x0], $0xffff;
	v24 =	vand.u32 $0xFF8, v24  }
0x510: {  	v24 =	vor.u32 v15, v24;
	_ =	sdelay $0x3  }
0x511: {  	[tilespmem:s5+$0xFFFFFF00] =	vst v25;
	v25 =	vadd.s32 s9, v16  }
0x512: {  	v24 =	vld.idx.msk [tilespmem:v24+s31+$0x0], $0xffff;
	v25 =	vand.u32 $0xFF8, v25  }
0x513: {  	v25 =	vor.u32 v1, v25;
	_ =	sdelay $0x3  }
0x514: {  	[tilespmem:s5+$0xFFFFFF80] =	vst v24;
	v24 =	vadd.s32 s9, v17  }
0x515: {  	v25 =	vld.idx.msk [tilespmem:v25+s31+$0x0], $0xffff;
	v24 =	vand.u32 $0xFF8, v24  }
0x516: {  	v24 =	vor.u32 v3, v24;
	_ =	sdelay $0x3  }
0x517: {  	[tilespmem:s5+$0x0] =	vst v25;
	v25 =	vadd.s32 s9, v18  }
0x518: {  	v24 =	vld.idx.msk [tilespmem:v24+s31+$0x0], $0xffff;
	v25 =	vand.u32 $0xFF8, v25  }
0x519: {  	v25 =	vor.u32 v5, v25;
	_ =	sdelay $0x3  }
0x51a: {  	[tilespmem:s5+$0x80] =	vst v24;
	v24 =	vadd.s32 s9, v19  }
0x51b: {  	v25 =	vld.idx.msk [tilespmem:v25+s31+$0x0], $0xffff;
	v24 =	vand.u32 $0xFF8, v24  }
0x51c: {  	v24 =	vor.u32 v7, v24;
	_ =	sdelay $0x3  }
0x51d: {  	[tilespmem:s5+$0x100] =	vst v25;
	v25 =	vadd.s32 s9, v20  }
0x51e: {  	v24 =	vld.idx.msk [tilespmem:v24+s31+$0x0], $0xffff;
	v25 =	vand.u32 $0xFF8, v25  }
0x51f: {  	v25 =	vor.u32 v9, v25;
	_ =	sdelay $0x3  }
0x520: {  	[tilespmem:s5+$0x180] =	vst v24;
	v24 =	vadd.s32 s9, v21  }
0x521: {  	v25 =	vld.idx.msk [tilespmem:v25+s31+$0x0], $0xffff;
	v24 =	vand.u32 $0xFF8, v24  }
0x522: {  	v24 =	vor.u32 v11, v24;
	_ =	sdelay $0x3  }
0x523: {  	[tilespmem:s5+$0x200] =	vst v25;
	v25 =	vadd.s32 s9, v22  }
0x524: {  	v24 =	vld.idx.msk [tilespmem:v24+s31+$0x0], $0xffff;
	v25 =	vand.u32 $0xFF8, v25  }
0x525: {  	v25 =	vor.u32 v13, v25;
	_ =	sdelay $0x3  }
0x526: {  	[tilespmem:s5+$0x280] =	vst v24;
	v24 =	vadd.s32 s9, v23  }
0x527: {  	v25 =	vld.idx.msk [tilespmem:v25+s31+$0x0], $0xffff;
	v24 =	vand.u32 $0xFF8, v24  }
0x528: {  	v24 =	vor.u32 v15, v24;
	_ =	sdelay $0x3  }
0x529: {  	[tilespmem:s5+$0x300] =	vst v25  }
0x52a: {  	v24 =	vld.idx.msk [tilespmem:v24+s31+$0x0], $0xffff;
	_ =	sdelay $0x4  }
0x52b: {  	s20 =	rddreg [dreg:$0x9];
	[tilespmem:s5+$0x380] =	vst v24  }
0x52c: {  	[hbm4b:s20+s3] =	stream.linear.scatter [tilespmem:s1], [sflag:$0x3], $0x400, $0x38;
	[tilespmem:$0x9000] =	vst v63  }
0x52d: {  	s21 =	rddreg [dreg:$0xa]  }
0x52e: {  	[hbm4b:s21+s3] =	stream.linear.scatter [tilespmem:s0], [sflag:$0x3], $0x400, $0x38;
	[tilespmem:$0x9000] =	vst v63  }
0x52f: {  	_ =	swait.ge [sflag:s25], $0x800  }
0x530: {  	[sflag:s25] =	ssyncset.done $0x0  }
0x531: {  	[sflag:s25] =	ssyncadd.s32 $0xFFFFF800  }
0x532: {  	_ =	swait.ge [sflag:s25], $0x800  }
0x533: {  	[sflag:s25] =	ssyncset.done $0x0  }
0x534: {  	[sflag:s25] =	ssyncadd.s32 $0xFFFFF800  }
0x535: {  	_ =	swait.ge [sflag:s6], $0x800  }
0x536: {  	[sflag:s6] =	ssyncset.done $0x0  }
0x537: {  	s9 =	simm.s32 $0x5740;
	[sflag:s6] =	ssyncadd.s32 $0xFFFFF800  }
0x538: {  	s13 =	simm.s32 $0x6740;
	v24 =	vld [tilespmem:s9+$0xFFFFFFC0]  }
0x539: {  	v25 =	vld [tilespmem:s13+$0xFFFFFFC0];
	_ =	sdelay $0x4  }
0x53a: {  	v24 =	vadd.f32 v25, v24  }
0x53b: {  	s14 =	simm.s32 $0x87C4  }
0x53c: {  	[tilespmem:s14+$0xFFFFFFBC] =	vst v24  }
0x53d: {  	v24 =	vld [tilespmem:s13+$0xFFFFFFD0]  }
0x53e: {  	v25 =	vld [tilespmem:s9+$0xFFFFFFD0];
	_ =	sdelay $0x4  }
0x53f: {  	v24 =	vadd.f32 v24, v25;
	_ =	sdelay $0x1  }
0x540: {  	[tilespmem:s14+$0xFFFFFFCD] =	vst v24  }
0x541: {  	v24 =	vld [tilespmem:s9+$0xFFFFFFE0]  }
0x542: {  	v25 =	vld [tilespmem:s13+$0xFFFFFFE0];
	_ =	sdelay $0x4  }
0x543: {  	v24 =	vadd.f32 v25, v24;
	_ =	sdelay $0x1  }
0x544: {  	[tilespmem:s14+$0xFFFFFFDE] =	vst v24  }
0x545: {  	v24 =	vld [tilespmem:s9+$0xFFFFFFF0]  }
0x546: {  	v25 =	vld [tilespmem:s13+$0xFFFFFFF0];
	_ =	sdelay $0x4  }
0x547: {  	v24 =	vadd.f32 v25, v24;
	_ =	sdelay $0x1  }
0x548: {  	[tilespmem:s14+$0xFFFFFFEF] =	vst v24  }
0x549: {  	v24 =	vld [tilespmem:s9+$0x0]  }
0x54a: {  	v25 =	vld [tilespmem:s13+$0x0];
	_ =	sdelay $0x4  }
0x54b: {  	v24 =	vadd.f32 v25, v24;
	_ =	sdelay $0x1  }
0x54c: {  	[tilespmem:s14+$0x0] =	vst v24  }
0x54d: {  	v24 =	vld [tilespmem:s9+$0x10]  }
0x54e: {  	v25 =	vld [tilespmem:s13+$0x10];
	_ =	sdelay $0x4  }
0x54f: {  	v24 =	vadd.f32 v25, v24;
	_ =	sdelay $0x1  }
0x550: {  	[tilespmem:s14+$0x11] =	vst v24  }
0x551: {  	v24 =	vld [tilespmem:s9+$0x20]  }
0x552: {  	v25 =	vld [tilespmem:s13+$0x20];
	_ =	sdelay $0x4  }
0x553: {  	v24 =	vadd.f32 v25, v24;
	_ =	sdelay $0x1  }
0x554: {  	[tilespmem:s14+$0x22] =	vst v24  }
0x555: {  	s15 =	simm.s32 $0x0;
	s7 =	simm.s32 $0x67C0;
	s5 =	simm.s32 $0x87C4;
	v24 =	vld [tilespmem:s9+$0x30]  }
.LBB2_26:
0x556: {  	s15 =	sadd.s32 $0x8, s15;
	v25 =	vld [tilespmem:s13+$0x30];
	s14 =	sadd.s32 $0x88, s14;
	s9 =	sadd.s32 $0x80, s9  }
0x557: {  	s13 =	smov.u32 s7;
	p1 =	slt.u32 s15, $0x78;
	_ =	sdelay $0x3  }
0x558: {  	v24 =	vadd.f32 v25, v24;
	_ =	sdelay $0x1  }
0x559: {  	[tilespmem:s5+$0x33] =	vst v24;
	s5 =	smov.u32 s14  }
0x55a: {  	v24 =	vld [tilespmem:s9+$0xFFFFFFC0]  }
0x55b: {  	v25 =	vld [tilespmem:s7+$0xFFFFFFC0];
	_ =	sdelay $0x4  }
0x55c: {  	v24 =	vadd.f32 v25, v24;
	_ =	sdelay $0x1  }
0x55d: {  	[tilespmem:s14+$0xFFFFFFBC] =	vst v24  }
0x55e: {  	v24 =	vld [tilespmem:s7+$0xFFFFFFD0]  }
0x55f: {  	v25 =	vld [tilespmem:s9+$0xFFFFFFD0];
	_ =	sdelay $0x4  }
0x560: {  	v24 =	vadd.f32 v24, v25;
	_ =	sdelay $0x1  }
0x561: {  	[tilespmem:s14+$0xFFFFFFCD] =	vst v24  }
0x562: {  	v24 =	vld [tilespmem:s9+$0xFFFFFFE0]  }
0x563: {  	v25 =	vld [tilespmem:s7+$0xFFFFFFE0];
	_ =	sdelay $0x4  }
0x564: {  	v24 =	vadd.f32 v25, v24;
	_ =	sdelay $0x1  }
0x565: {  	[tilespmem:s14+$0xFFFFFFDE] =	vst v24  }
0x566: {  	v24 =	vld [tilespmem:s9+$0xFFFFFFF0]  }
0x567: {  	v25 =	vld [tilespmem:s7+$0xFFFFFFF0];
	_ =	sdelay $0x4  }
0x568: {  	v24 =	vadd.f32 v25, v24;
	_ =	sdelay $0x1  }
0x569: {  	[tilespmem:s14+$0xFFFFFFEF] =	vst v24  }
0x56a: {  	v24 =	vld [tilespmem:s9+$0x0]  }
0x56b: {  	v25 =	vld [tilespmem:s7+$0x0];
	_ =	sdelay $0x4  }
0x56c: {  	v24 =	vadd.f32 v25, v24;
	_ =	sdelay $0x1  }
0x56d: {  	[tilespmem:s14+$0x0] =	vst v24  }
0x56e: {  	v24 =	vld [tilespmem:s9+$0x10]  }
0x56f: {  	v25 =	vld [tilespmem:s7+$0x10];
	_ =	sdelay $0x4  }
0x570: {  	v24 =	vadd.f32 v25, v24;
	_ =	sdelay $0x1  }
0x571: {  	[tilespmem:s14+$0x11] =	vst v24  }
0x572: {  	v24 =	vld [tilespmem:s9+$0x20]  }
0x573: {  	v25 =	vld [tilespmem:s7+$0x20];
	_ =	sdelay $0x3  }
.Ltmp14:
0x574: {  	(pc) =	sbr.rel @p1 .LBB2_26-.Ltmp14, $3  }
0x575: {  	v24 =	vadd.f32 v25, v24;
	_ =	sdelay $0x1  }
0x576: {  	[tilespmem:s14+$0x22] =	vst v24  }
0x577: {  	s16 =	simm.s32 $0x0;
	s8 =	simm.s32 $0x7B00;
	s7 =	sadd.s32 $0x80, s7;
	v24 =	vld [tilespmem:s9+$0x30]  }
0x578: {  	v25 =	vld [tilespmem:s13+$0x30]  }
0x579: {  	v26 =	vadd.s32 s16, v0  }
0x57a: {  	v26 =	vand.u32 $0xFF8, v26  }
0x57b: {  	v26 =	vor.u32 v1, v26;
	_ =	sdelay $0x1  }
0x57c: {  	v24 =	vadd.f32 v25, v24;
	_ =	sdelay $0x1  }
0x57d: {  	[tilespmem:s5+$0x33] =	vst v24;
	v24 =	vadd.s32 s16, v2  }
0x57e: {  	v25 =	vld.idx.msk [tilespmem:v26+s28+$0x0], $0xffff;
	v24 =	vand.u32 $0xFF8, v24  }
0x57f: {  	v24 =	vor.u32 v3, v24;
	_ =	sdelay $0x3  }
0x580: {  	[tilespmem:s8+$0xFFFFFC00] =	vst v25;
	v25 =	vadd.s32 s16, v4  }
0x581: {  	v24 =	vld.idx.msk [tilespmem:v24+s28+$0x0], $0xffff;
	v25 =	vand.u32 $0xFF8, v25  }
0x582: {  	v25 =	vor.u32 v5, v25;
	_ =	sdelay $0x3  }
0x583: {  	[tilespmem:s8+$0xFFFFFC80] =	vst v24;
	v24 =	vadd.s32 s16, v6  }
0x584: {  	v25 =	vld.idx.msk [tilespmem:v25+s28+$0x0], $0xffff;
	v24 =	vand.u32 $0xFF8, v24  }
0x585: {  	v24 =	vor.u32 v7, v24;
	_ =	sdelay $0x3  }
0x586: {  	[tilespmem:s8+$0xFFFFFD00] =	vst v25;
	v25 =	vadd.s32 s16, v8  }
0x587: {  	v24 =	vld.idx.msk [tilespmem:v24+s28+$0x0], $0xffff;
	v25 =	vand.u32 $0xFF8, v25  }
0x588: {  	v25 =	vor.u32 v9, v25;
	_ =	sdelay $0x3  }
0x589: {  	[tilespmem:s8+$0xFFFFFD80] =	vst v24;
	v24 =	vadd.s32 s16, v10  }
0x58a: {  	v25 =	vld.idx.msk [tilespmem:v25+s28+$0x0], $0xffff;
	v24 =	vand.u32 $0xFF8, v24  }
0x58b: {  	v24 =	vor.u32 v11, v24;
	_ =	sdelay $0x3  }
0x58c: {  	[tilespmem:s8+$0xFFFFFE00] =	vst v25;
	v25 =	vadd.s32 s16, v12  }
0x58d: {  	v24 =	vld.idx.msk [tilespmem:v24+s28+$0x0], $0xffff;
	v25 =	vand.u32 $0xFF8, v25  }
0x58e: {  	v25 =	vor.u32 v13, v25;
	_ =	sdelay $0x3  }
0x58f: {  	[tilespmem:s8+$0xFFFFFE80] =	vst v24;
	v24 =	vadd.s32 s16, v14  }
0x590: {  	v25 =	vld.idx.msk [tilespmem:v25+s28+$0x0], $0xffff;
	v24 =	vand.u32 $0xFF8, v24  }
0x591: {  	v24 =	vor.u32 v15, v24;
	_ =	sdelay $0x3  }
0x592: {  	[tilespmem:s8+$0xFFFFFF00] =	vst v25;
	v25 =	vadd.s32 s16, v16  }
0x593: {  	v24 =	vld.idx.msk [tilespmem:v24+s28+$0x0], $0xffff;
	v25 =	vand.u32 $0xFF8, v25  }
0x594: {  	v25 =	vor.u32 v1, v25;
	_ =	sdelay $0x3  }
0x595: {  	[tilespmem:s8+$0xFFFFFF80] =	vst v24;
	v24 =	vadd.s32 s16, v17  }
0x596: {  	v25 =	vld.idx.msk [tilespmem:v25+s28+$0x0], $0xffff;
	v24 =	vand.u32 $0xFF8, v24  }
0x597: {  	v24 =	vor.u32 v3, v24;
	_ =	sdelay $0x3  }
0x598: {  	[tilespmem:s8+$0x0] =	vst v25;
	v25 =	vadd.s32 s16, v18  }
0x599: {  	v24 =	vld.idx.msk [tilespmem:v24+s28+$0x0], $0xffff;
	v25 =	vand.u32 $0xFF8, v25  }
0x59a: {  	v25 =	vor.u32 v5, v25;
	_ =	sdelay $0x3  }
0x59b: {  	[tilespmem:s8+$0x80] =	vst v24;
	v24 =	vadd.s32 s16, v19  }
0x59c: {  	v25 =	vld.idx.msk [tilespmem:v25+s28+$0x0], $0xffff;
	v24 =	vand.u32 $0xFF8, v24  }
0x59d: {  	v24 =	vor.u32 v7, v24;
	_ =	sdelay $0x3  }
0x59e: {  	[tilespmem:s8+$0x100] =	vst v25;
	v25 =	vadd.s32 s16, v20  }
0x59f: {  	v24 =	vld.idx.msk [tilespmem:v24+s28+$0x0], $0xffff;
	v25 =	vand.u32 $0xFF8, v25  }
0x5a0: {  	v25 =	vor.u32 v9, v25;
	_ =	sdelay $0x3  }
0x5a1: {  	[tilespmem:s8+$0x180] =	vst v24;
	v24 =	vadd.s32 s16, v21  }
0x5a2: {  	v25 =	vld.idx.msk [tilespmem:v25+s28+$0x0], $0xffff;
	v24 =	vand.u32 $0xFF8, v24  }
0x5a3: {  	v24 =	vor.u32 v11, v24;
	_ =	sdelay $0x3  }
0x5a4: {  	[tilespmem:s8+$0x200] =	vst v25;
	v25 =	vadd.s32 s16, v22  }
0x5a5: {  	v24 =	vld.idx.msk [tilespmem:v24+s28+$0x0], $0xffff;
	v25 =	vand.u32 $0xFF8, v25  }
0x5a6: {  	v25 =	vor.u32 v13, v25;
	_ =	sdelay $0x3  }
0x5a7: {  	[tilespmem:s8+$0x280] =	vst v24;
	v24 =	vadd.s32 s16, v23  }
0x5a8: {  	v25 =	vld.idx.msk [tilespmem:v25+s28+$0x0], $0xffff;
	v24 =	vand.u32 $0xFF8, v24  }
0x5a9: {  	v24 =	vor.u32 v15, v24;
	_ =	sdelay $0x3  }
0x5aa: {  	s9 =	simm.s32 $0x110;
	[tilespmem:s8+$0x300] =	vst v25  }
0x5ab: {  	s13 =	simm.s32 $0x220;
	v25 =	vadd.s32 s9, v0;
	v24 =	vld.idx.msk [tilespmem:v24+s28+$0x0], $0xffff  }
.LBB2_28:
0x5ac: {  	p1 =	sne.s32 s13, $0x770;
	v25 =	vand.u32 $0xFF8, v25  }
0x5ad: {  	v25 =	vor.u32 v1, v25;
	_ =	sdelay $0x3  }
0x5ae: {  	[tilespmem:s8+$0x380] =	vst v24  }
0x5af: {  	v24 =	vld.idx.msk [tilespmem:v25+s28+$0x0], $0xffff;
	v25 =	vadd.s32 s9, v2  }
0x5b0: {  	v25 =	vand.u32 $0xFF8, v25  }
0x5b1: {  	v25 =	vor.u32 v3, v25;
	_ =	sdelay $0x2  }
0x5b2: {  	s8 =	sadd.s32 $0x10, s8  }
0x5b3: {  	[tilespmem:s8+$0xFFFFFC00] =	vst v24  }
0x5b4: {  	v24 =	vld.idx.msk [tilespmem:v25+s28+$0x0], $0xffff;
	v25 =	vadd.s32 s9, v4  }
0x5b5: {  	v25 =	vand.u32 $0xFF8, v25  }
0x5b6: {  	v25 =	vor.u32 v5, v25;
	_ =	sdelay $0x3  }
0x5b7: {  	[tilespmem:s8+$0xFFFFFC80] =	vst v24  }
0x5b8: {  	v24 =	vld.idx.msk [tilespmem:v25+s28+$0x0], $0xffff;
	v25 =	vadd.s32 s9, v6  }
0x5b9: {  	v25 =	vand.u32 $0xFF8, v25  }
0x5ba: {  	v25 =	vor.u32 v7, v25;
	_ =	sdelay $0x3  }
0x5bb: {  	[tilespmem:s8+$0xFFFFFD00] =	vst v24  }
0x5bc: {  	v24 =	vld.idx.msk [tilespmem:v25+s28+$0x0], $0xffff;
	v25 =	vadd.s32 s9, v8  }
0x5bd: {  	v25 =	vand.u32 $0xFF8, v25  }
0x5be: {  	v25 =	vor.u32 v9, v25;
	_ =	sdelay $0x3  }
0x5bf: {  	[tilespmem:s8+$0xFFFFFD80] =	vst v24  }
0x5c0: {  	v24 =	vld.idx.msk [tilespmem:v25+s28+$0x0], $0xffff;
	v25 =	vadd.s32 s9, v10  }
0x5c1: {  	v25 =	vand.u32 $0xFF8, v25  }
0x5c2: {  	v25 =	vor.u32 v11, v25;
	_ =	sdelay $0x3  }
0x5c3: {  	[tilespmem:s8+$0xFFFFFE00] =	vst v24  }
0x5c4: {  	v24 =	vld.idx.msk [tilespmem:v25+s28+$0x0], $0xffff;
	v25 =	vadd.s32 s9, v12  }
0x5c5: {  	v25 =	vand.u32 $0xFF8, v25  }
0x5c6: {  	v25 =	vor.u32 v13, v25;
	_ =	sdelay $0x3  }
0x5c7: {  	[tilespmem:s8+$0xFFFFFE80] =	vst v24  }
0x5c8: {  	v24 =	vld.idx.msk [tilespmem:v25+s28+$0x0], $0xffff;
	v25 =	vadd.s32 s9, v14  }
0x5c9: {  	v25 =	vand.u32 $0xFF8, v25  }
0x5ca: {  	v25 =	vor.u32 v15, v25;
	_ =	sdelay $0x3  }
0x5cb: {  	[tilespmem:s8+$0xFFFFFF00] =	vst v24  }
0x5cc: {  	v24 =	vld.idx.msk [tilespmem:v25+s28+$0x0], $0xffff;
	v25 =	vadd.s32 s9, v16  }
0x5cd: {  	v25 =	vand.u32 $0xFF8, v25  }
0x5ce: {  	v25 =	vor.u32 v1, v25;
	_ =	sdelay $0x3  }
0x5cf: {  	[tilespmem:s8+$0xFFFFFF80] =	vst v24  }
0x5d0: {  	v24 =	vld.idx.msk [tilespmem:v25+s28+$0x0], $0xffff;
	v25 =	vadd.s32 s9, v17  }
0x5d1: {  	v25 =	vand.u32 $0xFF8, v25  }
0x5d2: {  	v25 =	vor.u32 v3, v25;
	_ =	sdelay $0x3  }
0x5d3: {  	[tilespmem:s8+$0x0] =	vst v24  }
0x5d4: {  	v24 =	vld.idx.msk [tilespmem:v25+s28+$0x0], $0xffff;
	v25 =	vadd.s32 s9, v18  }
0x5d5: {  	v25 =	vand.u32 $0xFF8, v25  }
0x5d6: {  	v25 =	vor.u32 v5, v25;
	_ =	sdelay $0x3  }
0x5d7: {  	[tilespmem:s8+$0x80] =	vst v24  }
0x5d8: {  	v24 =	vld.idx.msk [tilespmem:v25+s28+$0x0], $0xffff;
	v25 =	vadd.s32 s9, v19  }
0x5d9: {  	v25 =	vand.u32 $0xFF8, v25  }
0x5da: {  	v25 =	vor.u32 v7, v25;
	_ =	sdelay $0x3  }
0x5db: {  	[tilespmem:s8+$0x100] =	vst v24  }
0x5dc: {  	v24 =	vld.idx.msk [tilespmem:v25+s28+$0x0], $0xffff;
	v25 =	vadd.s32 s9, v20  }
0x5dd: {  	v25 =	vand.u32 $0xFF8, v25  }
0x5de: {  	v25 =	vor.u32 v9, v25;
	_ =	sdelay $0x3  }
0x5df: {  	[tilespmem:s8+$0x180] =	vst v24  }
0x5e0: {  	v24 =	vld.idx.msk [tilespmem:v25+s28+$0x0], $0xffff;
	v25 =	vadd.s32 s9, v21  }
0x5e1: {  	v25 =	vand.u32 $0xFF8, v25  }
0x5e2: {  	v25 =	vor.u32 v11, v25;
	_ =	sdelay $0x3  }
0x5e3: {  	[tilespmem:s8+$0x200] =	vst v24  }
0x5e4: {  	v24 =	vld.idx.msk [tilespmem:v25+s28+$0x0], $0xffff;
	v25 =	vadd.s32 s9, v22  }
0x5e5: {  	v25 =	vand.u32 $0xFF8, v25  }
0x5e6: {  	v25 =	vor.u32 v13, v25;
	_ =	sdelay $0x3  }
0x5e7: {  	[tilespmem:s8+$0x280] =	vst v24  }
0x5e8: {  	v24 =	vld.idx.msk [tilespmem:v25+s28+$0x0], $0xffff;
	v25 =	vadd.s32 s9, v23;
	s9 =	smov.u32 s13  }
0x5e9: {  	v25 =	vand.u32 $0xFF8, v25  }
0x5ea: {  	v26 =	vor.u32 v15, v25  }
.Ltmp15:
0x5eb: {  	(pc) =	sbr.rel @p1 .LBB2_28-.Ltmp15, $3  }
0x5ec: {  	_ =	sdelay $0x1  }
0x5ed: {  	[tilespmem:s8+$0x300] =	vst v24  }
0x5ee: {  	s13 =	sadd.s32 $0x110, s13;
	v25 =	vadd.s32 s9, v0;
	v24 =	vld.idx.msk [tilespmem:v26+s28+$0x0], $0xffff  }
0x5ef: {  	v25 =	vand.u32 $0xFF8, v25  }
0x5f0: {  	v25 =	vor.u32 v1, v25;
	_ =	sdelay $0x3  }
0x5f1: {  	v49 =	vadd.s32 s9, v2;
	[tilespmem:s8+$0x380] =	vst v24  }
0x5f2: {  	v24 =	vand.u32 $0xFF8, v49;
	v25 =	vld.idx.msk [tilespmem:v25+s28+$0x0], $0xffff  }
0x5f3: {  	v24 =	vor.u32 v3, v24;
	_ =	sdelay $0x2  }
0x5f4: {  	s5 =	sadd.s32 $0x10, s8  }
0x5f5: {  	v50 =	vadd.s32 s9, v4;
	[tilespmem:s5+$0xFFFFFC00] =	vst v25  }
0x5f6: {  	v25 =	vand.u32 $0xFF8, v50;
	v24 =	vld.idx.msk [tilespmem:v24+s28+$0x0], $0xffff  }
0x5f7: {  	v25 =	vor.u32 v5, v25;
	_ =	sdelay $0x3  }
0x5f8: {  	v51 =	vadd.s32 s9, v6;
	[tilespmem:s5+$0xFFFFFC80] =	vst v24  }
0x5f9: {  	v24 =	vand.u32 $0xFF8, v51;
	v25 =	vld.idx.msk [tilespmem:v25+s28+$0x0], $0xffff  }
0x5fa: {  	v24 =	vor.u32 v7, v24;
	_ =	sdelay $0x3  }
0x5fb: {  	v52 =	vadd.s32 s9, v8;
	[tilespmem:s5+$0xFFFFFD00] =	vst v25  }
0x5fc: {  	v25 =	vand.u32 $0xFF8, v52;
	v24 =	vld.idx.msk [tilespmem:v24+s28+$0x0], $0xffff  }
0x5fd: {  	v25 =	vor.u32 v9, v25;
	_ =	sdelay $0x3  }
0x5fe: {  	v53 =	vadd.s32 s9, v10;
	[tilespmem:s5+$0xFFFFFD80] =	vst v24  }
0x5ff: {  	v24 =	vand.u32 $0xFF8, v53;
	v25 =	vld.idx.msk [tilespmem:v25+s28+$0x0], $0xffff  }
0x600: {  	v24 =	vor.u32 v11, v24;
	_ =	sdelay $0x3  }
0x601: {  	v54 =	vadd.s32 s9, v12;
	[tilespmem:s5+$0xFFFFFE00] =	vst v25  }
0x602: {  	v25 =	vand.u32 $0xFF8, v54;
	v24 =	vld.idx.msk [tilespmem:v24+s28+$0x0], $0xffff  }
0x603: {  	v25 =	vor.u32 v13, v25;
	_ =	sdelay $0x3  }
0x604: {  	v55 =	vadd.s32 s9, v14;
	[tilespmem:s5+$0xFFFFFE80] =	vst v24  }
0x605: {  	v24 =	vand.u32 $0xFF8, v55;
	v25 =	vld.idx.msk [tilespmem:v25+s28+$0x0], $0xffff  }
0x606: {  	v24 =	vor.u32 v15, v24;
	_ =	sdelay $0x3  }
0x607: {  	v56 =	vadd.s32 s9, v16;
	[tilespmem:s5+$0xFFFFFF00] =	vst v25  }
0x608: {  	v25 =	vand.u32 $0xFF8, v56;
	v24 =	vld.idx.msk [tilespmem:v24+s28+$0x0], $0xffff  }
0x609: {  	v25 =	vor.u32 v1, v25;
	_ =	sdelay $0x3  }
0x60a: {  	v57 =	vadd.s32 s9, v17;
	[tilespmem:s5+$0xFFFFFF80] =	vst v24  }
0x60b: {  	v24 =	vand.u32 $0xFF8, v57;
	v25 =	vld.idx.msk [tilespmem:v25+s28+$0x0], $0xffff  }
0x60c: {  	v24 =	vor.u32 v3, v24;
	_ =	sdelay $0x3  }
0x60d: {  	v58 =	vadd.s32 s9, v18;
	[tilespmem:s5+$0x0] =	vst v25  }
0x60e: {  	v25 =	vand.u32 $0xFF8, v58;
	v24 =	vld.idx.msk [tilespmem:v24+s28+$0x0], $0xffff  }
0x60f: {  	v25 =	vor.u32 v5, v25;
	_ =	sdelay $0x3  }
0x610: {  	v59 =	vadd.s32 s9, v19;
	[tilespmem:s5+$0x80] =	vst v24  }
0x611: {  	v24 =	vand.u32 $0xFF8, v59;
	v25 =	vld.idx.msk [tilespmem:v25+s28+$0x0], $0xffff  }
0x612: {  	v24 =	vor.u32 v7, v24;
	_ =	sdelay $0x3  }
0x613: {  	v60 =	vadd.s32 s9, v20;
	[tilespmem:s5+$0x100] =	vst v25  }
0x614: {  	v25 =	vand.u32 $0xFF8, v60;
	v24 =	vld.idx.msk [tilespmem:v24+s28+$0x0], $0xffff  }
0x615: {  	v25 =	vor.u32 v9, v25;
	_ =	sdelay $0x3  }
0x616: {  	v61 =	vadd.s32 s9, v21;
	[tilespmem:s5+$0x180] =	vst v24  }
0x617: {  	v24 =	vand.u32 $0xFF8, v61;
	v25 =	vld.idx.msk [tilespmem:v25+s28+$0x0], $0xffff  }
0x618: {  	v24 =	vor.u32 v11, v24;
	_ =	sdelay $0x3  }
0x619: {  	v62 =	vadd.s32 s9, v22;
	[tilespmem:s5+$0x200] =	vst v25  }
0x61a: {  	v25 =	vand.u32 $0xFF8, v62;
	v24 =	vld.idx.msk [tilespmem:v24+s28+$0x0], $0xffff  }
0x61b: {  	v25 =	vor.u32 v13, v25;
	_ =	sdelay $0x3  }
0x61c: {  	v63 =	vadd.s32 s9, v23;
	[tilespmem:s5+$0x280] =	vst v24  }
0x61d: {  	v24 =	vand.u32 $0xFF8, v63;
	v25 =	vld.idx.msk [tilespmem:v25+s28+$0x0], $0xffff  }
0x61e: {  	v24 =	vor.u32 v15, v24;
	_ =	sdelay $0x3  }
0x61f: {  	[tilespmem:s5+$0x300] =	vst v25  }
0x620: {  	v24 =	vld.idx.msk [tilespmem:v24+s28+$0x0], $0xffff;
	_ =	sdelay $0x4  }
0x621: {  	s20 =	rddreg [dreg:$0xb];
	[tilespmem:s5+$0x380] =	vst v24  }
0x622: {  	[hbm4b:s20+s3] =	stream.linear.scatter [tilespmem:s17], [sflag:$0x4], $0x400, $0x38;
	[tilespmem:$0x9000] =	vst v63  }
0x623: {  	s21 =	rddreg [dreg:$0xc]  }
0x624: {  	[hbm4b:s21+s3] =	stream.linear.scatter [tilespmem:s18], [sflag:$0x4], $0x400, $0x38;
	[tilespmem:$0x9000] =	vst v63  }
0x625: {  	_ =	swait.ge [sflag:s19], $0x800  }
.Ltmp16:
0x626: {  	[sflag:s19] =	ssyncset.done $0x0;
	(pc) =	sbr.rel @p0 .LBB2_35-.Ltmp16, $4  }
0x627: {  	[sflag:s19] =	ssyncadd.s32 $0xFFFFF800  }
0x628: {  	_ =	swait.ge [sflag:s6], $0x800  }
0x629: {  	[sflag:s6] =	ssyncset.done $0x0  }
0x62a: {  	s7 =	rddreg [dreg:$0x11];
	[sflag:s6] =	ssyncadd.s32 $0xFFFFF800  }
0x62b: {  	s5 =	rddreg [dreg:$0xd];
	s7 =	simm.s32 $0x4E00;
	s20 =	simm.s32 $0x5  }
0x62c: {  	[tilespmem:s7], [sflag:$0x5] =	stream.linear.gather [hbm4b:s5+s3], $0x100, $0x38;
	[tilespmem:$0x9000] =	vst v63  }
0x62d: {  	_ =	swait.ge [sflag:s20], $0x100  }
0x62e: {  	[sflag:s20] =	ssyncset.done $0x0  }
0x62f: {  	[sflag:s20] =	ssyncadd.s32 $0xFFFFFF00  }
0x630: {  	v24 =	vld [tilespmem:$0x4E00]  }
0x631: {  	v25 =	vld [tilespmem:$0x4E10]  }
0x632: {  	v26 =	vld [tilespmem:$0x4E20]  }
0x633: {  	v27 =	vld [tilespmem:$0x4E30]  }
0x634: {  	v28 =	vld [tilespmem:$0x4E40]  }
0x635: {  	v29 =	vld [tilespmem:$0x4E50]  }
0x636: {  	v30 =	vld [tilespmem:$0x4E60];
	v24 =	vshll.u32 v24, $0x3  }
0x637: {  	[tilespmem:$0x4E00] =	vst v24;
	v24 =	vshll.u32 v25, $0x3;
	v25 =	vld [tilespmem:$0x4E70]  }
0x638: {  	[tilespmem:$0x4E10] =	vst v24;
	v24 =	vshll.u32 v26, $0x3;
	v26 =	vld [tilespmem:$0x4E80]  }
0x639: {  	[tilespmem:$0x4E20] =	vst v24;
	v24 =	vshll.u32 v27, $0x3;
	v27 =	vld [tilespmem:$0x4E90]  }
0x63a: {  	v60 =	vld [tilespmem:$0x4EA0];
	[tilespmem:$0x4E30] =	vst v24;
	v24 =	vshll.u32 v28, $0x3  }
0x63b: {  	v61 =	vld [tilespmem:$0x4EB0];
	[tilespmem:$0x4E40] =	vst v24;
	v24 =	vshll.u32 v29, $0x3  }
0x63c: {  	v62 =	vld [tilespmem:$0x4EC0];
	[tilespmem:$0x4E50] =	vst v24;
	v24 =	vshll.u32 v30, $0x3  }
0x63d: {  	[tilespmem:$0x4E60] =	vst v24;
	v24 =	vshll.u32 v25, $0x3;
	v25 =	vshll.u32 v26, $0x3;
	v26 =	vld [tilespmem:$0x4ED0]  }
0x63e: {  	[tilespmem:$0x4E70] =	vst v24;
	v24 =	vor.u32 $0x1, v25;
	v25 =	vshll.u32 v27, $0x3;
	v27 =	vld [tilespmem:$0x4EE0]  }
0x63f: {  	v63 =	vld [tilespmem:$0x4EF0];
	[tilespmem:$0x4E80] =	vst v24;
	v24 =	vor.u32 $0x1, v25;
	v25 =	vshll.u32 v60, $0x3  }
0x640: {  	[tilespmem:$0x4E90] =	vst v24;
	v24 =	vor.u32 $0x1, v25;
	v25 =	vshll.u32 v61, $0x3  }
0x641: {  	[tilespmem:$0x4EA0] =	vst v24;
	v24 =	vor.u32 $0x1, v25;
	v25 =	vshll.u32 v62, $0x3  }
0x642: {  	[tilespmem:$0x4EB0] =	vst v24;
	v24 =	vor.u32 $0x1, v25;
	v25 =	vshll.u32 v26, $0x3  }
0x643: {  	[tilespmem:$0x4EC0] =	vst v24;
	v24 =	vor.u32 $0x1, v25;
	v25 =	vshll.u32 v27, $0x3  }
0x644: {  	[tilespmem:$0x4ED0] =	vst v24;
	v24 =	vor.u32 $0x1, v25;
	v25 =	vshll.u32 v63, $0x3  }
0x645: {  	[tilespmem:$0x4EE0] =	vst v24;
	v24 =	vor.u32 $0x1, v25  }
0x646: {  	[tilespmem:$0x4EF0] =	vst v24  }
0x647: {  	[tilespmem:s23], [sflag:$0x1] =	stream.indirect.gather [hbm4b:s4+s22], $0x10, s7, s22, $0xb8;
	[tilespmem:$0x9000] =	vst v63  }
0x648: {  	s21 =	simm.s32 $0x4E80  }
0x649: {  	[tilespmem:s24], [sflag:$0x1] =	stream.indirect.gather [hbm4b:s4+s22], $0x10, s21, s22, $0xb8;
	[tilespmem:$0x9000] =	vst v63  }
0x64a: {  	_ =	swait.ge [sflag:s30], $0x800  }
0x64b: {  	[sflag:s30] =	ssyncset.done $0x0  }
0x64c: {  	[sflag:s30] =	ssyncadd.s32 $0xFFFFF800  }
0x64d: {  	_ =	swait.ge [sflag:s30], $0x800  }
0x64e: {  	[sflag:s30] =	ssyncset.done $0x0  }
0x64f: {  	s9 =	simm.s32 $0x4F40;
	[sflag:s30] =	ssyncadd.s32 $0xFFFFF800  }
0x650: {  	s13 =	simm.s32 $0x5F40;
	v24 =	vld [tilespmem:s9+$0xFFFFFFC0]  }
0x651: {  	v25 =	vld [tilespmem:s13+$0xFFFFFFC0];
	_ =	sdelay $0x4  }
0x652: {  	v24 =	vadd.f32 v25, v24  }
0x653: {  	s14 =	simm.s32 $0x7F44  }
0x654: {  	[tilespmem:s14+$0xFFFFFFBC] =	vst v24  }
0x655: {  	v24 =	vld [tilespmem:s13+$0xFFFFFFD0]  }
0x656: {  	v25 =	vld [tilespmem:s9+$0xFFFFFFD0];
	_ =	sdelay $0x4  }
0x657: {  	v24 =	vadd.f32 v24, v25;
	_ =	sdelay $0x1  }
0x658: {  	[tilespmem:s14+$0xFFFFFFCD] =	vst v24  }
0x659: {  	v24 =	vld [tilespmem:s9+$0xFFFFFFE0]  }
0x65a: {  	v25 =	vld [tilespmem:s13+$0xFFFFFFE0];
	_ =	sdelay $0x4  }
0x65b: {  	v24 =	vadd.f32 v25, v24;
	_ =	sdelay $0x1  }
0x65c: {  	[tilespmem:s14+$0xFFFFFFDE] =	vst v24  }
0x65d: {  	v24 =	vld [tilespmem:s9+$0xFFFFFFF0]  }
0x65e: {  	v25 =	vld [tilespmem:s13+$0xFFFFFFF0];
	_ =	sdelay $0x4  }
0x65f: {  	v24 =	vadd.f32 v25, v24;
	_ =	sdelay $0x1  }
0x660: {  	[tilespmem:s14+$0xFFFFFFEF] =	vst v24  }
0x661: {  	v24 =	vld [tilespmem:s9+$0x0]  }
0x662: {  	v25 =	vld [tilespmem:s13+$0x0];
	_ =	sdelay $0x4  }
0x663: {  	v24 =	vadd.f32 v25, v24;
	_ =	sdelay $0x1  }
0x664: {  	[tilespmem:s14+$0x0] =	vst v24  }
0x665: {  	v24 =	vld [tilespmem:s9+$0x10]  }
0x666: {  	v25 =	vld [tilespmem:s13+$0x10];
	_ =	sdelay $0x4  }
0x667: {  	v24 =	vadd.f32 v25, v24;
	_ =	sdelay $0x1  }
0x668: {  	[tilespmem:s14+$0x11] =	vst v24  }
0x669: {  	v24 =	vld [tilespmem:s9+$0x20]  }
0x66a: {  	v25 =	vld [tilespmem:s13+$0x20];
	_ =	sdelay $0x4  }
0x66b: {  	v24 =	vadd.f32 v25, v24;
	_ =	sdelay $0x1  }
0x66c: {  	[tilespmem:s14+$0x22] =	vst v24  }
0x66d: {  	s15 =	simm.s32 $0x0;
	s5 =	simm.s32 $0x7F44;
	s7 =	simm.s32 $0x5FC0;
	v24 =	vld [tilespmem:s9+$0x30]  }
.LBB2_31:
0x66e: {  	s15 =	sadd.s32 $0x8, s15;
	v25 =	vld [tilespmem:s13+$0x30];
	s14 =	sadd.s32 $0x88, s14;
	s9 =	sadd.s32 $0x80, s9  }
0x66f: {  	s13 =	smov.u32 s7;
	p1 =	slt.u32 s15, $0x78;
	_ =	sdelay $0x3  }
0x670: {  	v24 =	vadd.f32 v25, v24;
	_ =	sdelay $0x1  }
0x671: {  	[tilespmem:s5+$0x33] =	vst v24;
	s5 =	smov.u32 s14  }
0x672: {  	v24 =	vld [tilespmem:s9+$0xFFFFFFC0]  }
0x673: {  	v25 =	vld [tilespmem:s7+$0xFFFFFFC0];
	_ =	sdelay $0x4  }
0x674: {  	v24 =	vadd.f32 v25, v24;
	_ =	sdelay $0x1  }
0x675: {  	[tilespmem:s14+$0xFFFFFFBC] =	vst v24  }
0x676: {  	v24 =	vld [tilespmem:s7+$0xFFFFFFD0]  }
0x677: {  	v25 =	vld [tilespmem:s9+$0xFFFFFFD0];
	_ =	sdelay $0x4  }
0x678: {  	v24 =	vadd.f32 v24, v25;
	_ =	sdelay $0x1  }
0x679: {  	[tilespmem:s14+$0xFFFFFFCD] =	vst v24  }
0x67a: {  	v24 =	vld [tilespmem:s9+$0xFFFFFFE0]  }
0x67b: {  	v25 =	vld [tilespmem:s7+$0xFFFFFFE0];
	_ =	sdelay $0x4  }
0x67c: {  	v24 =	vadd.f32 v25, v24;
	_ =	sdelay $0x1  }
0x67d: {  	[tilespmem:s14+$0xFFFFFFDE] =	vst v24  }
0x67e: {  	v24 =	vld [tilespmem:s9+$0xFFFFFFF0]  }
0x67f: {  	v25 =	vld [tilespmem:s7+$0xFFFFFFF0];
	_ =	sdelay $0x4  }
0x680: {  	v24 =	vadd.f32 v25, v24;
	_ =	sdelay $0x1  }
0x681: {  	[tilespmem:s14+$0xFFFFFFEF] =	vst v24  }
0x682: {  	v24 =	vld [tilespmem:s9+$0x0]  }
0x683: {  	v25 =	vld [tilespmem:s7+$0x0];
	_ =	sdelay $0x4  }
0x684: {  	v24 =	vadd.f32 v25, v24;
	_ =	sdelay $0x1  }
0x685: {  	[tilespmem:s14+$0x0] =	vst v24  }
0x686: {  	v24 =	vld [tilespmem:s9+$0x10]  }
0x687: {  	v25 =	vld [tilespmem:s7+$0x10];
	_ =	sdelay $0x4  }
0x688: {  	v24 =	vadd.f32 v25, v24;
	_ =	sdelay $0x1  }
0x689: {  	[tilespmem:s14+$0x11] =	vst v24  }
0x68a: {  	v24 =	vld [tilespmem:s9+$0x20]  }
0x68b: {  	v25 =	vld [tilespmem:s7+$0x20];
	_ =	sdelay $0x3  }
.Ltmp17:
0x68c: {  	(pc) =	sbr.rel @p1 .LBB2_31-.Ltmp17, $3  }
0x68d: {  	v24 =	vadd.f32 v25, v24;
	_ =	sdelay $0x1  }
0x68e: {  	[tilespmem:s14+$0x22] =	vst v24  }
0x68f: {  	s16 =	simm.s32 $0x0;
	s8 =	simm.s32 $0x7300;
	s7 =	sadd.s32 $0x80, s7;
	v24 =	vld [tilespmem:s9+$0x30]  }
0x690: {  	v25 =	vld [tilespmem:s13+$0x30]  }
0x691: {  	v26 =	vadd.s32 s16, v0  }
0x692: {  	v26 =	vand.u32 $0xFF8, v26  }
0x693: {  	v26 =	vor.u32 v1, v26;
	_ =	sdelay $0x1  }
0x694: {  	v24 =	vadd.f32 v25, v24;
	_ =	sdelay $0x1  }
0x695: {  	[tilespmem:s5+$0x33] =	vst v24;
	v24 =	vadd.s32 s16, v2  }
0x696: {  	v25 =	vld.idx.msk [tilespmem:v26+s31+$0x0], $0xffff;
	v24 =	vand.u32 $0xFF8, v24  }
0x697: {  	v24 =	vor.u32 v3, v24;
	_ =	sdelay $0x3  }
0x698: {  	[tilespmem:s8+$0xFFFFFC00] =	vst v25;
	v25 =	vadd.s32 s16, v4  }
0x699: {  	v24 =	vld.idx.msk [tilespmem:v24+s31+$0x0], $0xffff;
	v25 =	vand.u32 $0xFF8, v25  }
0x69a: {  	v25 =	vor.u32 v5, v25;
	_ =	sdelay $0x3  }
0x69b: {  	[tilespmem:s8+$0xFFFFFC80] =	vst v24;
	v24 =	vadd.s32 s16, v6  }
0x69c: {  	v25 =	vld.idx.msk [tilespmem:v25+s31+$0x0], $0xffff;
	v24 =	vand.u32 $0xFF8, v24  }
0x69d: {  	v24 =	vor.u32 v7, v24;
	_ =	sdelay $0x3  }
0x69e: {  	[tilespmem:s8+$0xFFFFFD00] =	vst v25;
	v25 =	vadd.s32 s16, v8  }
0x69f: {  	v24 =	vld.idx.msk [tilespmem:v24+s31+$0x0], $0xffff;
	v25 =	vand.u32 $0xFF8, v25  }
0x6a0: {  	v25 =	vor.u32 v9, v25;
	_ =	sdelay $0x3  }
0x6a1: {  	[tilespmem:s8+$0xFFFFFD80] =	vst v24;
	v24 =	vadd.s32 s16, v10  }
0x6a2: {  	v25 =	vld.idx.msk [tilespmem:v25+s31+$0x0], $0xffff;
	v24 =	vand.u32 $0xFF8, v24  }
0x6a3: {  	v24 =	vor.u32 v11, v24;
	_ =	sdelay $0x3  }
0x6a4: {  	[tilespmem:s8+$0xFFFFFE00] =	vst v25;
	v25 =	vadd.s32 s16, v12  }
0x6a5: {  	v24 =	vld.idx.msk [tilespmem:v24+s31+$0x0], $0xffff;
	v25 =	vand.u32 $0xFF8, v25  }
0x6a6: {  	v25 =	vor.u32 v13, v25;
	_ =	sdelay $0x3  }
0x6a7: {  	[tilespmem:s8+$0xFFFFFE80] =	vst v24;
	v24 =	vadd.s32 s16, v14  }
0x6a8: {  	v25 =	vld.idx.msk [tilespmem:v25+s31+$0x0], $0xffff;
	v24 =	vand.u32 $0xFF8, v24  }
0x6a9: {  	v24 =	vor.u32 v15, v24;
	_ =	sdelay $0x3  }
0x6aa: {  	[tilespmem:s8+$0xFFFFFF00] =	vst v25;
	v25 =	vadd.s32 s16, v16  }
0x6ab: {  	v24 =	vld.idx.msk [tilespmem:v24+s31+$0x0], $0xffff;
	v25 =	vand.u32 $0xFF8, v25  }
0x6ac: {  	v25 =	vor.u32 v1, v25;
	_ =	sdelay $0x3  }
0x6ad: {  	[tilespmem:s8+$0xFFFFFF80] =	vst v24;
	v24 =	vadd.s32 s16, v17  }
0x6ae: {  	v25 =	vld.idx.msk [tilespmem:v25+s31+$0x0], $0xffff;
	v24 =	vand.u32 $0xFF8, v24  }
0x6af: {  	v24 =	vor.u32 v3, v24;
	_ =	sdelay $0x3  }
0x6b0: {  	[tilespmem:s8+$0x0] =	vst v25;
	v25 =	vadd.s32 s16, v18  }
0x6b1: {  	v24 =	vld.idx.msk [tilespmem:v24+s31+$0x0], $0xffff;
	v25 =	vand.u32 $0xFF8, v25  }
0x6b2: {  	v25 =	vor.u32 v5, v25;
	_ =	sdelay $0x3  }
0x6b3: {  	[tilespmem:s8+$0x80] =	vst v24;
	v24 =	vadd.s32 s16, v19  }
0x6b4: {  	v25 =	vld.idx.msk [tilespmem:v25+s31+$0x0], $0xffff;
	v24 =	vand.u32 $0xFF8, v24  }
0x6b5: {  	v24 =	vor.u32 v7, v24;
	_ =	sdelay $0x3  }
0x6b6: {  	[tilespmem:s8+$0x100] =	vst v25;
	v25 =	vadd.s32 s16, v20  }
0x6b7: {  	v24 =	vld.idx.msk [tilespmem:v24+s31+$0x0], $0xffff;
	v25 =	vand.u32 $0xFF8, v25  }
0x6b8: {  	v25 =	vor.u32 v9, v25;
	_ =	sdelay $0x3  }
0x6b9: {  	[tilespmem:s8+$0x180] =	vst v24;
	v24 =	vadd.s32 s16, v21  }
0x6ba: {  	v25 =	vld.idx.msk [tilespmem:v25+s31+$0x0], $0xffff;
	v24 =	vand.u32 $0xFF8, v24  }
0x6bb: {  	v24 =	vor.u32 v11, v24;
	_ =	sdelay $0x3  }
0x6bc: {  	[tilespmem:s8+$0x200] =	vst v25;
	v25 =	vadd.s32 s16, v22  }
0x6bd: {  	v24 =	vld.idx.msk [tilespmem:v24+s31+$0x0], $0xffff;
	v25 =	vand.u32 $0xFF8, v25  }
0x6be: {  	v25 =	vor.u32 v13, v25;
	_ =	sdelay $0x3  }
0x6bf: {  	[tilespmem:s8+$0x280] =	vst v24;
	v24 =	vadd.s32 s16, v23  }
0x6c0: {  	v25 =	vld.idx.msk [tilespmem:v25+s31+$0x0], $0xffff;
	v24 =	vand.u32 $0xFF8, v24  }
0x6c1: {  	v24 =	vor.u32 v15, v24;
	_ =	sdelay $0x3  }
0x6c2: {  	s9 =	simm.s32 $0x110;
	[tilespmem:s8+$0x300] =	vst v25  }
0x6c3: {  	s13 =	simm.s32 $0x220;
	v25 =	vadd.s32 s9, v0;
	v24 =	vld.idx.msk [tilespmem:v24+s31+$0x0], $0xffff  }
.LBB2_33:
0x6c4: {  	p1 =	sne.s32 s13, $0x770;
	v25 =	vand.u32 $0xFF8, v25  }
0x6c5: {  	v25 =	vor.u32 v1, v25;
	_ =	sdelay $0x3  }
0x6c6: {  	[tilespmem:s8+$0x380] =	vst v24  }
0x6c7: {  	v24 =	vld.idx.msk [tilespmem:v25+s31+$0x0], $0xffff;
	v25 =	vadd.s32 s9, v2  }
0x6c8: {  	v25 =	vand.u32 $0xFF8, v25  }
0x6c9: {  	v25 =	vor.u32 v3, v25;
	_ =	sdelay $0x2  }
0x6ca: {  	s8 =	sadd.s32 $0x10, s8  }
0x6cb: {  	[tilespmem:s8+$0xFFFFFC00] =	vst v24  }
0x6cc: {  	v24 =	vld.idx.msk [tilespmem:v25+s31+$0x0], $0xffff;
	v25 =	vadd.s32 s9, v4  }
0x6cd: {  	v25 =	vand.u32 $0xFF8, v25  }
0x6ce: {  	v25 =	vor.u32 v5, v25;
	_ =	sdelay $0x3  }
0x6cf: {  	[tilespmem:s8+$0xFFFFFC80] =	vst v24  }
0x6d0: {  	v24 =	vld.idx.msk [tilespmem:v25+s31+$0x0], $0xffff;
	v25 =	vadd.s32 s9, v6  }
0x6d1: {  	v25 =	vand.u32 $0xFF8, v25  }
0x6d2: {  	v25 =	vor.u32 v7, v25;
	_ =	sdelay $0x3  }
0x6d3: {  	[tilespmem:s8+$0xFFFFFD00] =	vst v24  }
0x6d4: {  	v24 =	vld.idx.msk [tilespmem:v25+s31+$0x0], $0xffff;
	v25 =	vadd.s32 s9, v8  }
0x6d5: {  	v25 =	vand.u32 $0xFF8, v25  }
0x6d6: {  	v25 =	vor.u32 v9, v25;
	_ =	sdelay $0x3  }
0x6d7: {  	[tilespmem:s8+$0xFFFFFD80] =	vst v24  }
0x6d8: {  	v24 =	vld.idx.msk [tilespmem:v25+s31+$0x0], $0xffff;
	v25 =	vadd.s32 s9, v10  }
0x6d9: {  	v25 =	vand.u32 $0xFF8, v25  }
0x6da: {  	v25 =	vor.u32 v11, v25;
	_ =	sdelay $0x3  }
0x6db: {  	[tilespmem:s8+$0xFFFFFE00] =	vst v24  }
0x6dc: {  	v24 =	vld.idx.msk [tilespmem:v25+s31+$0x0], $0xffff;
	v25 =	vadd.s32 s9, v12  }
0x6dd: {  	v25 =	vand.u32 $0xFF8, v25  }
0x6de: {  	v25 =	vor.u32 v13, v25;
	_ =	sdelay $0x3  }
0x6df: {  	[tilespmem:s8+$0xFFFFFE80] =	vst v24  }
0x6e0: {  	v24 =	vld.idx.msk [tilespmem:v25+s31+$0x0], $0xffff;
	v25 =	vadd.s32 s9, v14  }
0x6e1: {  	v25 =	vand.u32 $0xFF8, v25  }
0x6e2: {  	v25 =	vor.u32 v15, v25;
	_ =	sdelay $0x3  }
0x6e3: {  	[tilespmem:s8+$0xFFFFFF00] =	vst v24  }
0x6e4: {  	v24 =	vld.idx.msk [tilespmem:v25+s31+$0x0], $0xffff;
	v25 =	vadd.s32 s9, v16  }
0x6e5: {  	v25 =	vand.u32 $0xFF8, v25  }
0x6e6: {  	v25 =	vor.u32 v1, v25;
	_ =	sdelay $0x3  }
0x6e7: {  	[tilespmem:s8+$0xFFFFFF80] =	vst v24  }
0x6e8: {  	v24 =	vld.idx.msk [tilespmem:v25+s31+$0x0], $0xffff;
	v25 =	vadd.s32 s9, v17  }
0x6e9: {  	v25 =	vand.u32 $0xFF8, v25  }
0x6ea: {  	v25 =	vor.u32 v3, v25;
	_ =	sdelay $0x3  }
0x6eb: {  	[tilespmem:s8+$0x0] =	vst v24  }
0x6ec: {  	v24 =	vld.idx.msk [tilespmem:v25+s31+$0x0], $0xffff;
	v25 =	vadd.s32 s9, v18  }
0x6ed: {  	v25 =	vand.u32 $0xFF8, v25  }
0x6ee: {  	v25 =	vor.u32 v5, v25;
	_ =	sdelay $0x3  }
0x6ef: {  	[tilespmem:s8+$0x80] =	vst v24  }
0x6f0: {  	v24 =	vld.idx.msk [tilespmem:v25+s31+$0x0], $0xffff;
	v25 =	vadd.s32 s9, v19  }
0x6f1: {  	v25 =	vand.u32 $0xFF8, v25  }
0x6f2: {  	v25 =	vor.u32 v7, v25;
	_ =	sdelay $0x3  }
0x6f3: {  	[tilespmem:s8+$0x100] =	vst v24  }
0x6f4: {  	v24 =	vld.idx.msk [tilespmem:v25+s31+$0x0], $0xffff;
	v25 =	vadd.s32 s9, v20  }
0x6f5: {  	v25 =	vand.u32 $0xFF8, v25  }
0x6f6: {  	v25 =	vor.u32 v9, v25;
	_ =	sdelay $0x3  }
0x6f7: {  	[tilespmem:s8+$0x180] =	vst v24  }
0x6f8: {  	v24 =	vld.idx.msk [tilespmem:v25+s31+$0x0], $0xffff;
	v25 =	vadd.s32 s9, v21  }
0x6f9: {  	v25 =	vand.u32 $0xFF8, v25  }
0x6fa: {  	v25 =	vor.u32 v11, v25;
	_ =	sdelay $0x3  }
0x6fb: {  	[tilespmem:s8+$0x200] =	vst v24  }
0x6fc: {  	v24 =	vld.idx.msk [tilespmem:v25+s31+$0x0], $0xffff;
	v25 =	vadd.s32 s9, v22  }
0x6fd: {  	v25 =	vand.u32 $0xFF8, v25  }
0x6fe: {  	v25 =	vor.u32 v13, v25;
	_ =	sdelay $0x3  }
0x6ff: {  	[tilespmem:s8+$0x280] =	vst v24  }
0x700: {  	v24 =	vld.idx.msk [tilespmem:v25+s31+$0x0], $0xffff;
	v25 =	vadd.s32 s9, v23;
	s9 =	smov.u32 s13  }
0x701: {  	v25 =	vand.u32 $0xFF8, v25  }
0x702: {  	v26 =	vor.u32 v15, v25  }
.Ltmp18:
0x703: {  	(pc) =	sbr.rel @p1 .LBB2_33-.Ltmp18, $3  }
0x704: {  	_ =	sdelay $0x1  }
0x705: {  	[tilespmem:s8+$0x300] =	vst v24  }
0x706: {  	s13 =	sadd.s32 $0x110, s13;
	v25 =	vadd.s32 s9, v0;
	v24 =	vld.idx.msk [tilespmem:v26+s31+$0x0], $0xffff  }
0x707: {  	v25 =	vand.u32 $0xFF8, v25  }
0x708: {  	v25 =	vor.u32 v1, v25;
	_ =	sdelay $0x3  }
0x709: {  	v49 =	vadd.s32 s9, v2;
	[tilespmem:s8+$0x380] =	vst v24  }
0x70a: {  	v24 =	vand.u32 $0xFF8, v49;
	v25 =	vld.idx.msk [tilespmem:v25+s31+$0x0], $0xffff  }
0x70b: {  	v24 =	vor.u32 v3, v24;
	_ =	sdelay $0x2  }
0x70c: {  	s5 =	sadd.s32 $0x10, s8  }
0x70d: {  	v50 =	vadd.s32 s9, v4;
	[tilespmem:s5+$0xFFFFFC00] =	vst v25  }
0x70e: {  	v25 =	vand.u32 $0xFF8, v50;
	v24 =	vld.idx.msk [tilespmem:v24+s31+$0x0], $0xffff  }
0x70f: {  	v25 =	vor.u32 v5, v25;
	_ =	sdelay $0x3  }
0x710: {  	v51 =	vadd.s32 s9, v6;
	[tilespmem:s5+$0xFFFFFC80] =	vst v24  }
0x711: {  	v24 =	vand.u32 $0xFF8, v51;
	v25 =	vld.idx.msk [tilespmem:v25+s31+$0x0], $0xffff  }
0x712: {  	v24 =	vor.u32 v7, v24;
	_ =	sdelay $0x3  }
0x713: {  	v52 =	vadd.s32 s9, v8;
	[tilespmem:s5+$0xFFFFFD00] =	vst v25  }
0x714: {  	v25 =	vand.u32 $0xFF8, v52;
	v24 =	vld.idx.msk [tilespmem:v24+s31+$0x0], $0xffff  }
0x715: {  	v25 =	vor.u32 v9, v25;
	_ =	sdelay $0x3  }
0x716: {  	v53 =	vadd.s32 s9, v10;
	[tilespmem:s5+$0xFFFFFD80] =	vst v24  }
0x717: {  	v24 =	vand.u32 $0xFF8, v53;
	v25 =	vld.idx.msk [tilespmem:v25+s31+$0x0], $0xffff  }
0x718: {  	v24 =	vor.u32 v11, v24;
	_ =	sdelay $0x3  }
0x719: {  	v54 =	vadd.s32 s9, v12;
	[tilespmem:s5+$0xFFFFFE00] =	vst v25  }
0x71a: {  	v25 =	vand.u32 $0xFF8, v54;
	v24 =	vld.idx.msk [tilespmem:v24+s31+$0x0], $0xffff  }
0x71b: {  	v25 =	vor.u32 v13, v25;
	_ =	sdelay $0x3  }
0x71c: {  	v55 =	vadd.s32 s9, v14;
	[tilespmem:s5+$0xFFFFFE80] =	vst v24  }
0x71d: {  	v24 =	vand.u32 $0xFF8, v55;
	v25 =	vld.idx.msk [tilespmem:v25+s31+$0x0], $0xffff  }
0x71e: {  	v24 =	vor.u32 v15, v24;
	_ =	sdelay $0x3  }
0x71f: {  	v56 =	vadd.s32 s9, v16;
	[tilespmem:s5+$0xFFFFFF00] =	vst v25  }
0x720: {  	v25 =	vand.u32 $0xFF8, v56;
	v24 =	vld.idx.msk [tilespmem:v24+s31+$0x0], $0xffff  }
0x721: {  	v25 =	vor.u32 v1, v25;
	_ =	sdelay $0x3  }
0x722: {  	v57 =	vadd.s32 s9, v17;
	[tilespmem:s5+$0xFFFFFF80] =	vst v24  }
0x723: {  	v24 =	vand.u32 $0xFF8, v57;
	v25 =	vld.idx.msk [tilespmem:v25+s31+$0x0], $0xffff  }
0x724: {  	v24 =	vor.u32 v3, v24;
	_ =	sdelay $0x3  }
0x725: {  	v58 =	vadd.s32 s9, v18;
	[tilespmem:s5+$0x0] =	vst v25  }
0x726: {  	v25 =	vand.u32 $0xFF8, v58;
	v24 =	vld.idx.msk [tilespmem:v24+s31+$0x0], $0xffff  }
0x727: {  	v25 =	vor.u32 v5, v25;
	_ =	sdelay $0x3  }
0x728: {  	v59 =	vadd.s32 s9, v19;
	[tilespmem:s5+$0x80] =	vst v24  }
0x729: {  	v24 =	vand.u32 $0xFF8, v59;
	v25 =	vld.idx.msk [tilespmem:v25+s31+$0x0], $0xffff  }
0x72a: {  	v24 =	vor.u32 v7, v24;
	_ =	sdelay $0x3  }
0x72b: {  	v60 =	vadd.s32 s9, v20;
	[tilespmem:s5+$0x100] =	vst v25  }
0x72c: {  	v25 =	vand.u32 $0xFF8, v60;
	v24 =	vld.idx.msk [tilespmem:v24+s31+$0x0], $0xffff  }
0x72d: {  	v25 =	vor.u32 v9, v25;
	_ =	sdelay $0x3  }
0x72e: {  	v61 =	vadd.s32 s9, v21;
	[tilespmem:s5+$0x180] =	vst v24  }
0x72f: {  	v24 =	vand.u32 $0xFF8, v61;
	v25 =	vld.idx.msk [tilespmem:v25+s31+$0x0], $0xffff  }
0x730: {  	v24 =	vor.u32 v11, v24;
	_ =	sdelay $0x3  }
0x731: {  	v62 =	vadd.s32 s9, v22;
	[tilespmem:s5+$0x200] =	vst v25  }
0x732: {  	v25 =	vand.u32 $0xFF8, v62;
	v24 =	vld.idx.msk [tilespmem:v24+s31+$0x0], $0xffff  }
0x733: {  	v25 =	vor.u32 v13, v25;
	_ =	sdelay $0x3  }
0x734: {  	v63 =	vadd.s32 s9, v23;
	[tilespmem:s5+$0x280] =	vst v24  }
0x735: {  	v24 =	vand.u32 $0xFF8, v63;
	v25 =	vld.idx.msk [tilespmem:v25+s31+$0x0], $0xffff  }
0x736: {  	v24 =	vor.u32 v15, v24;
	_ =	sdelay $0x3  }
0x737: {  	[tilespmem:s5+$0x300] =	vst v25  }
0x738: {  	v24 =	vld.idx.msk [tilespmem:v24+s31+$0x0], $0xffff;
	_ =	sdelay $0x4  }
0x739: {  	s20 =	rddreg [dreg:$0xe];
	[tilespmem:s5+$0x380] =	vst v24  }
0x73a: {  	[hbm4b:s20+s3] =	stream.linear.scatter [tilespmem:s1], [sflag:$0x3], $0x400, $0x38;
	[tilespmem:$0x9000] =	vst v63  }
.Ltmp19:
0x73b: {  	s21 =	rddreg [dreg:$0xf];
	(pc) =	sbr.rel .LBB2_35-.Ltmp19, $4  }
0x73c: {  	[hbm4b:s21+s3] =	stream.linear.scatter [tilespmem:s0], [sflag:$0x3], $0x400, $0x38;
	[tilespmem:$0x9000] =	vst v63  }
0x73d: {  	_ =	swait.ge [sflag:s19], $0x800  }
0x73e: {  	[sflag:s19] =	ssyncset.done $0x0  }
0x73f: {  	s7 =	rddreg [dreg:$0x11];
	[sflag:s19] =	ssyncadd.s32 $0xFFFFF800  }
.LBB2_36:
0x740: {  	_ =	sfence.sel $0x180000  }
0x741: {  	[bflag:$0x0] =	sbarrier.arrive $0xFFFF  }
0x742: {  	_ =	strace $0x90000047  }
0x743: {  	s0 =	stileid.u32;
	[bflag:$0x2] =	sbarrier.arrive $0xFFFF  }
0x744: {  	p0 =	sne.s32 s0, $0x0;
	s0 =	rddreg [dreg:$0x3]  }
0x745: {  	s0 =	sadd.s32 @!p0 $0x100000, s0  }
0x746: {  	[sflag:s0] =	ssyncadd.tile.s32 @!p0 $0x1;
	_ =	shalt  }
.Lfunc_end2:
_tile_overlayer_lowered:
.L_overlay_start_2:
0x747: {  	(tag) =	ssettag $0x2  }
0x748: {  	s0 =	rddreg [dreg:$0x0];
	s2 =	stileid.u32  }
0x749: {  	s1 =	rddreg [dreg:$0x1];
	p0 =	sne.s32 s2, $0x0  }
0x74a: {  	s3 =	rddreg [dreg:$0x2];
	[bflag:$0x3] =	sbarrier.arrive $0xFFFF;
	s2 =	simm.s32 @!p0 $0x1C05  }
0x74b: {  	[timem:s3], [sflag:s2] =	dma.local @!p0 [hbm:s0], s1  }
0x74c: {  	s0 =	simm.s32 @!p0 $0x5  }
0x74d: {  	_ =	swait.ge @!p0 [sflag:s0], s1  }
0x74e: {  	s1 =	ssub.s32 @!p0 $0x0, s1;
	[sflag:s0] =	ssyncset.done @!p0 $0x0  }
0x74f: {  	[sflag:s0] =	ssyncadd.s32 @!p0 s1  }
0x750: {  	[bflag:$0x3] =	sbarrier.arrive $0xFFFF  }
0x751: {  	_ =	shalt  }

</sc_bundles>
